<compile_context>
chip_gen: v7x
topology: tpu7x:2x2x1
jax: 0.10.2.dev20260603
libtpu: 0.0.44.dev20260713+nightly
codegen_flags: <defaults>
</compile_context>

<pallas_src>
import functools

import jax
import jax.numpy as jnp
from jax import lax
from jax.experimental import pallas as pl
from jax.experimental.pallas import tpu as pltpu
from jax.experimental.pallas import tpu_sc as plsc

B, T, D, K = 64, 256, 256, 1024
EPS = 1e-05
NW = 32
CH = 128
N_ROW = B * T
N_CH = 3 * N_ROW // CH
CH_W = N_CH // NW
CH_MOD = N_ROW // CH


def _vq_body(a_ref, v_ref, t_ref, emb_ref, e2_ref,
             x2a_ref, x2v_ref, x2t_ref,
             aidx_ref, vidx_ref, tidx_ref, L_ref, eq_ref,
             apH_s, vpH_s, tpH_s, acnt_s, vcnt_s, tcnt_s):
    i = pl.program_id(0)
    emb = emb_ref[...]
    e2 = e2_ref[...]
    iotf = lax.broadcasted_iota(jnp.int32, (T, K), 1).astype(jnp.float32)
    for x_ref, x2_ref, idx_ref, pH_s, cnt_s in (
            (a_ref, x2a_ref, aidx_ref, apH_s, acnt_s),
            (v_ref, x2v_ref, vidx_ref, vpH_s, vcnt_s),
            (t_ref, x2t_ref, tidx_ref, tpH_s, tcnt_s)):
        x = x_ref[0]
        x2 = x2_ref[0]
        dot2 = lax.dot_general(x + x, emb, (((1,), (1,)), ((), ())),
                               preferred_element_type=jnp.float32)
        dist = (e2 + x2) - dot2
        mind = jnp.min(dist, axis=1, keepdims=True)
        first = jnp.min(jnp.where(dist == mind, iotf, float(K)),
                        axis=1, keepdims=True)
        onehot = iotf == first
        s = dist * lax.rsqrt(dist)
        sqm = mind * lax.rsqrt(mind)
        p = jnp.exp2((sqm - s) * 1.4426950408889634)
        rinv = (1.0 / T) / jnp.sum(p, axis=1, keepdims=True)
        idx_ref[...] = first.astype(jnp.int32).reshape(1, T, 1)
        pH_s[pl.ds(i, 1), :] = jnp.sum(p * rinv, axis=0).reshape(1, K)
        cnt_s[pl.ds(i, 1), :] = jnp.sum(onehot.astype(jnp.int32),
                                        axis=0).reshape(1, K)

    @pl.when(i == B - 1)
    def _():
        apH = apH_s[...]
        vpH = vpH_s[...]
        tpH = tpH_s[...]
        la = jnp.log(apH + 1e-10)
        lv = jnp.log(vpH + 1e-10)
        lt = jnp.log(tpH + 1e-10)

        ii = lax.broadcasted_iota(jnp.int32, (B, B), 0)
        jj = lax.broadcasted_iota(jnp.int32, (B, B), 1)
        diag_mask = ii == jj

        def lcmcm(pa, pb, lpa, lpb):
            s1 = lax.dot_general(pa, lpb, (((1,), (1,)), ((), ())),
                                 preferred_element_type=jnp.float32)
            s2 = lax.dot_general(pb, lpa, (((1,), (1,)), ((), ())),
                                 preferred_element_type=jnp.float32)
            S = s1 + s2
            mx = jnp.max(-S)
            ES = jnp.exp(S + mx)
            ES_sum = jnp.sum(ES, axis=1, keepdims=True)
            diag = jnp.sum(jnp.where(diag_mask, ES, 0.0), axis=1,
                           keepdims=True)
            return -jnp.mean(jnp.log(diag / (ES_sum + EPS)))

        L_av = lcmcm(apH, vpH, la, lv)
        L_at = lcmcm(apH, tpH, la, lt)
        L_tv = lcmcm(tpH, vpH, lt, lv)

        ci = lax.broadcasted_iota(jnp.int32, (B, K), 1)
        modes = []
        for cnt_s in (acnt_s, vcnt_s, tcnt_s):
            cnt = cnt_s[...]
            cmax = jnp.max(cnt, axis=1, keepdims=True)
            modes.append(jnp.min(jnp.where(cnt == cmax, ci, K), axis=1,
                                 keepdims=True))
        am, vm, tm = modes
        eq = jnp.sum(((am == vm) & (am == tm)).astype(jnp.int32))

        lane = lax.broadcasted_iota(jnp.int32, (1, 128), 1)
        L_ref[...] = jnp.where(lane == 0, L_av,
                               jnp.where(lane == 1, L_at,
                                         jnp.where(lane == 2, L_tv, 0.0)))
        eq_ref[...] = jnp.full((1, 128), eq, jnp.int32)


def _vq_call(audio, video, text, embedding, e2, x2a, x2v, x2t):
    f32, i32 = jnp.float32, jnp.int32
    out_shapes = (
        jax.ShapeDtypeStruct((B, T, 1), i32),
        jax.ShapeDtypeStruct((B, T, 1), i32),
        jax.ShapeDtypeStruct((B, T, 1), i32),
        jax.ShapeDtypeStruct((1, 128), f32),
        jax.ShapeDtypeStruct((1, 128), i32),
    )
    tok_spec = pl.BlockSpec((1, T, D), lambda i: (i, 0, 0))
    idx_spec = pl.BlockSpec((1, T, 1), lambda i: (i, 0, 0))
    one_spec = pl.BlockSpec((1, 128), lambda i: (0, 0))
    return pl.pallas_call(
        _vq_body,
        grid=(B,),
        in_specs=[tok_spec, tok_spec, tok_spec,
                  pl.BlockSpec((K, D), lambda i: (0, 0)),
                  pl.BlockSpec((1, K), lambda i: (0, 0)),
                  pl.BlockSpec((1, T, 1), lambda i: (i, 0, 0)),
                  pl.BlockSpec((1, T, 1), lambda i: (i, 0, 0)),
                  pl.BlockSpec((1, T, 1), lambda i: (i, 0, 0))],
        out_specs=[idx_spec, idx_spec, idx_spec, one_spec, one_spec],
        out_shape=out_shapes,
        scratch_shapes=[pltpu.VMEM((B, K), f32), pltpu.VMEM((B, K), f32),
                        pltpu.VMEM((B, K), f32),
                        pltpu.VMEM((B, K), i32), pltpu.VMEM((B, K), i32),
                        pltpu.VMEM((B, K), i32)],
    )(audio, video, text, embedding, e2, x2a, x2v, x2t)


def _make_sc_gather():
    mesh = plsc.VectorSubcoreMesh(core_axis_name="c", subcore_axis_name="s")
    row_shape = jax.ShapeDtypeStruct((N_ROW, D), jnp.float32)

    @functools.partial(
        pl.kernel, mesh=mesh,
        out_type=(row_shape, row_shape, row_shape),
        scratch_types=[pltpu.VMEM((CH,), jnp.int32),
                       pltpu.VMEM((CH,), jnp.int32),
                       pltpu.VMEM((CH, D), jnp.float32),
                       pltpu.VMEM((CH, D), jnp.float32),
                       pltpu.SemaphoreType.DMA,
                       pltpu.SemaphoreType.DMA],
    )
    def gather_k(emb_hbm, aidx_hbm, vidx_hbm, tidx_hbm,
                 out_a, out_v, out_t,
                 idx0, idx1, rows0, rows1, sem0, sem1):
        wid = lax.axis_index("s") * 2 + lax.axis_index("c")
        idx_hbms = (aidx_hbm, vidx_hbm, tidx_hbm)
        outs = (out_a, out_v, out_t)
        bufs = ((idx0, rows0, sem0), (idx1, rows1, sem1))

        def load(j, idx_v, rows_v, sem):
            c = wid * CH_W + j
            off = (c % CH_MOD) * CH
            mod = c // CH_MOD
            for m in range(3):
                @pl.when(mod == m)
                def _():
                    pltpu.sync_copy(idx_hbms[m].at[pl.ds(off, CH)], idx_v)
            return pltpu.async_copy(emb_hbm.at[idx_v], rows_v, sem)

        def drain(j, rows_v, copy):
            copy.wait()
            c = wid * CH_W + j
            off = (c % CH_MOD) * CH
            mod = c // CH_MOD
            for m in range(3):
                @pl.when(mod == m)
                def _():
                    pltpu.sync_copy(rows_v, outs[m].at[pl.ds(off, CH)])

        copy = load(0, *bufs[0])
        for j in range(CH_W):
            nxt = None
            if j + 1 < CH_W:
                nxt = load(j + 1, *bufs[(j + 1) % 2])
            drain(j, bufs[j % 2][1], copy)
            copy = nxt

    return gather_k


_sc_gather_cache = []


def _codebook_gather(embedding, aidx, vidx, tidx):
    if not _sc_gather_cache:
        _sc_gather_cache.append(_make_sc_gather())
    return _sc_gather_cache[0](embedding, aidx, vidx, tidx)


def kernel(audio_semantic, video_semantic, text_semantic, epoch, embedding):
    del epoch
    e2 = jnp.sum(embedding ** 2, axis=1).reshape(1, K)
    x2a = jnp.sum(audio_semantic.reshape(-1, D) ** 2, axis=1,
                  keepdims=True).reshape(B, T, 1)
    x2v = jnp.sum(video_semantic.reshape(-1, D) ** 2, axis=1,
                  keepdims=True).reshape(B, T, 1)
    x2t = jnp.sum(text_semantic.reshape(-1, D) ** 2, axis=1,
                  keepdims=True).reshape(B, T, 1)
    aidx, vidx, tidx, Ls, eqv = _vq_call(
        audio_semantic, video_semantic, text_semantic, embedding, e2,
        x2a, x2v, x2t)

    qa, qv, qt = _codebook_gather(embedding, aidx.reshape(-1),
                                  vidx.reshape(-1), tidx.reshape(-1))
    a_q = qa.reshape(B, T, D)
    v_q = qv.reshape(B, T, D)
    t_q = qt.reshape(B, T, D)

    L_av = Ls[0, 0]
    L_at = Ls[0, 1]
    L_tv = Ls[0, 2]
    equal_num = eqv[0, 0]
    return (a_q, v_q, t_q, L_av, L_at, L_tv, equal_num)

# --- scband reference (transcript-rebuilt; emitter-appended) ---
"""Pipeline reference for scband-avt-vqvae-encoder-60559038873940 (READ-ONLY COPY).

The authoritative reference and input builder live on the scoring server;
editing this copy changes nothing except your own understanding.
"""

import jax, jax.numpy as jnp
import numpy as np

B, T, D, K = 64, 256, 256, 1024
EPS = 1e-05


def setup_inputs(seed: int = 0) -> dict:
    key = jax.random.key(seed)
    k1, k2, k3, k4 = jax.random.split(key, 4)
    audio = jax.random.normal(k1, (B, T, D), dtype=jnp.float32)
    video = jax.random.normal(k2, (B, T, D), dtype=jnp.float32)
    text = jax.random.normal(k3, (B, T, D), dtype=jnp.float32)
    init_bound = 1.0 / 400.0
    embedding = jax.random.uniform(k4, (K, D), dtype=jnp.float32, minval=-init_bound, maxval=init_bound)
    return {"audio_semantic": audio, "video_semantic": video, "text_semantic": text, "epoch": 1, "embedding": embedding}


def _dist(flat, emb):
    # ||e||^2 + ||x||^2 - 2 x e^T  (torch.addmm with alpha=-2, beta=1)
    return (jnp.sum(emb ** 2, axis=1)[None, :] + jnp.sum(flat ** 2, axis=1, keepdims=True) - 2.0 * flat @ emb.T)


def _lcmcm(pa, pb):
    Scode = pa @ jnp.log(pb.T + 1e-10) + pb @ jnp.log(pa.T + 1e-10)
    MaxScode = jnp.max(-Scode)
    ES = jnp.exp(Scode + MaxScode)
    ES_sum = jnp.sum(ES, axis=1)
    return -jnp.mean(jnp.log(jnp.diag(ES) / (ES_sum + EPS)))


def _mode_rows(idx_2d, M):
    return jax.vmap(lambda r: jnp.argmax(jnp.bincount(r, length=M)))(idx_2d)


def reference(audio_semantic, video_semantic, text_semantic, epoch, embedding):
    M, Dd = embedding.shape
    Bb, Tt, _ = audio_semantic.shape
    a_flat = jax.lax.stop_gradient(audio_semantic).reshape(-1, Dd)
    v_flat = jax.lax.stop_gradient(video_semantic).reshape(-1, Dd)
    t_flat = jax.lax.stop_gradient(text_semantic).reshape(-1, Dd)

    a_d = _dist(a_flat, embedding)
    v_d = _dist(v_flat, embedding)
    t_d = _dist(t_flat, embedding)

    a_dg = _dist(audio_semantic.reshape(-1, Dd), embedding)
    v_dg = _dist(video_semantic.reshape(-1, Dd), embedding)
    t_dg = _dist(text_semantic.reshape(-1, Dd), embedding)

    a_ph = jax.nn.softmax(-jnp.sqrt(jnp.maximum(a_dg, 0.0)), axis=1)
    v_ph = jax.nn.softmax(-jnp.sqrt(jnp.maximum(v_dg, 0.0)), axis=1)
    t_ph = jax.nn.softmax(-jnp.sqrt(jnp.maximum(t_dg, 0.0)), axis=1)

    a_pH = jnp.mean(a_ph.reshape(Bb, Tt, M), axis=1)
    v_pH = jnp.mean(v_ph.reshape(Bb, Tt, M), axis=1)
    t_pH = jnp.mean(t_ph.reshape(Bb, Tt, M), axis=1)

    Lcmcm_av = _lcmcm(a_pH, v_pH)
    Lcmcm_at = _lcmcm(a_pH, t_pH)
    Lcmcm_tv = _lcmcm(t_pH, v_pH)

    a_idx = jnp.argmin(a_d, axis=-1)
    v_idx = jnp.argmin(v_d, axis=-1)
    t_idx = jnp.argmin(t_d, axis=-1)

    a_q = embedding[a_idx].reshape(audio_semantic.shape)
    v_q = embedding[v_idx].reshape(video_semantic.shape)
    t_q = embedding[t_idx].reshape(text_semantic.shape)

    # straight-through estimator
    a_q = audio_semantic + jax.lax.stop_gradient(a_q - audio_semantic)
    v_q = video_semantic + jax.lax.stop_gradient(v_q - video_semantic)
    t_q = text_semantic + jax.lax.stop_gradient(t_q - text_semantic)

    a_mode = _mode_rows(a_idx.reshape(Bb, Tt), M)
    v_mode = _mode_rows(v_idx.reshape(Bb, Tt), M)
    t_mode = _mode_rows(t_idx.reshape(Bb, Tt), M)
    equal_num = jnp.sum((a_mode == v_mode) & (a_mode == t_mode))

    return (a_q, v_q, t_q, Lcmcm_av, Lcmcm_at, Lcmcm_tv, equal_num)

if __name__ == "__main__":
    import jax
    _d = setup_inputs()
    print(jax.jit(kernel)(*tuple(_d.values())))

</pallas_src>

<mosaic_0001>
#map = affine_map<(d0, d1) -> (0, 0)>
#map1 = affine_map<(d0, d1) -> (0)>
module attributes {stable_mosaic.version = 14 : i64} {
  func.func @gather_k(%arg0: i32, %arg1: i32, %arg2: memref<1024x256xf32, #tpu.memory_space<hbm>>, %arg3: memref<16384xi32, #tpu.memory_space<hbm>>, %arg4: memref<16384xi32, #tpu.memory_space<hbm>>, %arg5: memref<16384xi32, #tpu.memory_space<hbm>>, %arg6: memref<16384x256xf32, #tpu.memory_space<hbm>>, %arg7: memref<16384x256xf32, #tpu.memory_space<hbm>>, %arg8: memref<16384x256xf32, #tpu.memory_space<hbm>>, %arg9: memref<128xi32, #tpu.memory_space<vmem>>, %arg10: memref<128xi32, #tpu.memory_space<vmem>>, %arg11: memref<128x256xf32, #tpu.memory_space<vmem>>, %arg12: memref<128x256xf32, #tpu.memory_space<vmem>>, %arg13: memref<!tpu.dma_semaphore, #tpu.memory_space<semaphore_mem>>, %arg14: memref<!tpu.dma_semaphore, #tpu.memory_space<semaphore_mem>>) attributes {dimension_semantics = [#tpu.dimension_semantics<core_parallel>, #tpu.dimension_semantics<subcore_parallel>], iteration_bounds = array<i64: 2, 16>, scalar_prefetch = 0 : i64, scratch_operands = 6 : i64, tpu.core_type = #tpu.core_type<sc_vector_subcore>, window_params = [{transform_indices = #map}, {transform_indices = #map1}, {transform_indices = #map1}, {transform_indices = #map1}, {transform_indices = #map}, {transform_indices = #map}, {transform_indices = #map}]} {
    %mul3A = arith.constant 2 : i32
    %mul3A_0 = arith.muli %arg1, %mul3A : i32
    %add3A = arith.addi %mul3A_0, %arg0 : i32
    %mul3A_1 = arith.constant 12 : i32
    %mul3A_2 = arith.muli %add3A, %mul3A_1 : i32
    %add3A_3 = arith.constant 0 : i32
    %add3A_4 = arith.addi %mul3A_2, %add3A_3 : i32
    %jit3A = arith.constant 128 : i32
    %eq3A = arith.constant 0 : i32
    %eq3A_5 = arith.cmpi eq, %jit3A, %eq3A : i32
    %jit3A_6 = arith.constant 1 : i32
    %select_n3A = arith.select %eq3A_5, %jit3A_6, %jit3A : i32
    %rem3A = arith.remsi %add3A_4, %select_n3A : i32
    %ne3A = arith.constant 0 : i32
    %ne3A_7 = arith.cmpi ne, %rem3A, %ne3A : i32
    %lt3A = arith.constant 0 : i32
    %lt3A_8 = arith.cmpi slt, %rem3A, %lt3A : i32
    %lt3A_9 = arith.constant 0 : i32
    %lt3A_10 = arith.cmpi slt, %select_n3A, %lt3A_9 : i32
    %ne3A_11 = arith.xori %lt3A_8, %lt3A_10 : i1
    %and3A = arith.andi %ne3A_11, %ne3A_7 : i1
    %add3A_12 = arith.addi %rem3A, %select_n3A : i32
    %select_n3A_13 = arith.select %and3A, %add3A_12, %rem3A : i32
    %mul3A_14 = arith.constant 128 : i32
    %mul3A_15 = arith.muli %select_n3A_13, %mul3A_14 : i32
    %jit3A_16 = arith.constant 128 : i32
    %div3A = arith.divsi %add3A_4, %jit3A_16 : i32
    %sign3A = arith.constant 0 : i32
    %sign3A_17 = arith.cmpi sgt, %add3A_4, %sign3A : i32
    %sign3A_18 = arith.extui %sign3A_17 : i1 to i32
    %sign3A_19 = arith.constant 0 : i32
    %sign3A_20 = arith.cmpi slt, %add3A_4, %sign3A_19 : i32
    %sign3A_21 = arith.extui %sign3A_20 : i1 to i32
    %sign3A_22 = arith.subi %sign3A_18, %sign3A_21 : i32
    %sign3A_23 = arith.constant 0 : i32
    %sign3A_24 = arith.cmpi sgt, %jit3A_16, %sign3A_23 : i32
    %sign3A_25 = arith.extui %sign3A_24 : i1 to i32
    %sign3A_26 = arith.constant 0 : i32
    %sign3A_27 = arith.cmpi slt, %jit3A_16, %sign3A_26 : i32
    %sign3A_28 = arith.extui %sign3A_27 : i1 to i32
    %sign3A_29 = arith.subi %sign3A_25, %sign3A_28 : i32
    %ne3A_30 = arith.cmpi ne, %sign3A_22, %sign3A_29 : i32
    %rem3A_31 = arith.remsi %add3A_4, %jit3A_16 : i32
    %ne3A_32 = arith.constant 0 : i32
    %ne3A_33 = arith.cmpi ne, %rem3A_31, %ne3A_32 : i32
    %and3A_34 = arith.andi %ne3A_30, %ne3A_33 : i1
    %sub3A = arith.constant 1 : i32
    %sub3A_35 = arith.subi %div3A, %sub3A : i32
    %select_n3A_36 = arith.select %and3A_34, %sub3A_35, %div3A : i32
    %eq3A_37 = arith.constant 0 : i32
    %eq3A_38 = arith.cmpi eq, %select_n3A_36, %eq3A_37 : i32
    %convert_element_type3A = arith.extui %eq3A_38 : i1 to i32
    %cond3A = arith.constant 0 : i32
    %cond3A_39 = arith.cmpi ne, %convert_element_type3A, %cond3A : i32
    scf.if %cond3A_39 {
      "tpu.region"() ({
        %run_scoped3A = tpu.sem_alloc : memref<!tpu.dma_semaphore, #tpu.memory_space<semaphore_mem>>
        %dma_start3A_1523 = tpu.memref_slice %arg3[%mul3A_15] : memref<16384xi32, #tpu.memory_space<hbm>> -> memref<128xi32, #tpu.memory_space<hbm>>
        %dma_start3A_1524 = tpu.memref_slice %arg3[%mul3A_15] : memref<16384xi32, #tpu.memory_space<hbm>> -> memref<128xi32, #tpu.memory_space<hbm>>
        tpu.enqueue_dma source(%dma_start3A_1524 : memref<128xi32, #tpu.memory_space<hbm>>) target(%arg9 : memref<128xi32, #tpu.memory_space<vmem>>) target_semaphore(%run_scoped3A : memref<!tpu.dma_semaphore, #tpu.memory_space<semaphore_mem>>)
        %dma_wait3A_1525 = tpu.memref_slice %arg3[%mul3A_15] : memref<16384xi32, #tpu.memory_space<hbm>> -> memref<128xi32, #tpu.memory_space<hbm>>
        %dma_wait3A_1526 = tpu.memref_slice %arg3[%mul3A_15] : memref<16384xi32, #tpu.memory_space<hbm>> -> memref<128xi32, #tpu.memory_space<hbm>>
        tpu.wait_dma2 semaphore(%run_scoped3A : memref<!tpu.dma_semaphore, #tpu.memory_space<semaphore_mem>>) src(%dma_wait3A_1526 : memref<128xi32, #tpu.memory_space<hbm>>) dst(%arg9 : memref<128xi32, #tpu.memory_space<vmem>>)
        tpu.yield
      }) : () -> ()
    } else {
    }
    %eq3A_40 = arith.constant 1 : i32
    %eq3A_41 = arith.cmpi eq, %select_n3A_36, %eq3A_40 : i32
    %convert_element_type3A_42 = arith.extui %eq3A_41 : i1 to i32
    %cond3A_43 = arith.constant 0 : i32
    %cond3A_44 = arith.cmpi ne, %convert_element_type3A_42, %cond3A_43 : i32
    scf.if %cond3A_44 {
      "tpu.region"() ({
        %run_scoped3A = tpu.sem_alloc : memref<!tpu.dma_semaphore, #tpu.memory_space<semaphore_mem>>
        %dma_start3A_1523 = tpu.memref_slice %arg4[%mul3A_15] : memref<16384xi32, #tpu.memory_space<hbm>> -> memref<128xi32, #tpu.memory_space<hbm>>
        %dma_start3A_1524 = tpu.memref_slice %arg4[%mul3A_15] : memref<16384xi32, #tpu.memory_space<hbm>> -> memref<128xi32, #tpu.memory_space<hbm>>
        tpu.enqueue_dma source(%dma_start3A_1524 : memref<128xi32, #tpu.memory_space<hbm>>) target(%arg9 : memref<128xi32, #tpu.memory_space<vmem>>) target_semaphore(%run_scoped3A : memref<!tpu.dma_semaphore, #tpu.memory_space<semaphore_mem>>)
        %dma_wait3A_1525 = tpu.memref_slice %arg4[%mul3A_15] : memref<16384xi32, #tpu.memory_space<hbm>> -> memref<128xi32, #tpu.memory_space<hbm>>
        %dma_wait3A_1526 = tpu.memref_slice %arg4[%mul3A_15] : memref<16384xi32, #tpu.memory_space<hbm>> -> memref<128xi32, #tpu.memory_space<hbm>>
        tpu.wait_dma2 semaphore(%run_scoped3A : memref<!tpu.dma_semaphore, #tpu.memory_space<semaphore_mem>>) src(%dma_wait3A_1526 : memref<128xi32, #tpu.memory_space<hbm>>) dst(%arg9 : memref<128xi32, #tpu.memory_space<vmem>>)
        tpu.yield
      }) : () -> ()
    } else {
    }
    %eq3A_45 = arith.constant 2 : i32
    %eq3A_46 = arith.cmpi eq, %select_n3A_36, %eq3A_45 : i32
    %convert_element_type3A_47 = arith.extui %eq3A_46 : i1 to i32
    %cond3A_48 = arith.constant 0 : i32
    %cond3A_49 = arith.cmpi ne, %convert_element_type3A_47, %cond3A_48 : i32
    scf.if %cond3A_49 {
      "tpu.region"() ({
        %run_scoped3A = tpu.sem_alloc : memref<!tpu.dma_semaphore, #tpu.memory_space<semaphore_mem>>
        %dma_start3A_1523 = tpu.memref_slice %arg5[%mul3A_15] : memref<16384xi32, #tpu.memory_space<hbm>> -> memref<128xi32, #tpu.memory_space<hbm>>
        %dma_start3A_1524 = tpu.memref_slice %arg5[%mul3A_15] : memref<16384xi32, #tpu.memory_space<hbm>> -> memref<128xi32, #tpu.memory_space<hbm>>
        tpu.enqueue_dma source(%dma_start3A_1524 : memref<128xi32, #tpu.memory_space<hbm>>) target(%arg9 : memref<128xi32, #tpu.memory_space<vmem>>) target_semaphore(%run_scoped3A : memref<!tpu.dma_semaphore, #tpu.memory_space<semaphore_mem>>)
        %dma_wait3A_1525 = tpu.memref_slice %arg5[%mul3A_15] : memref<16384xi32, #tpu.memory_space<hbm>> -> memref<128xi32, #tpu.memory_space<hbm>>
        %dma_wait3A_1526 = tpu.memref_slice %arg5[%mul3A_15] : memref<16384xi32, #tpu.memory_space<hbm>> -> memref<128xi32, #tpu.memory_space<hbm>>
        tpu.wait_dma2 semaphore(%run_scoped3A : memref<!tpu.dma_semaphore, #tpu.memory_space<semaphore_mem>>) src(%dma_wait3A_1526 : memref<128xi32, #tpu.memory_space<hbm>>) dst(%arg9 : memref<128xi32, #tpu.memory_space<vmem>>)
        tpu.yield
      }) : () -> ()
    } else {
    }
    %dma_start3A = arith.constant 0 : i32
    %dma_start3A_50 = arith.constant 0 : i32
    %dma_start3A_51 = tpu.memref_slice %arg2[%dma_start3A, %dma_start3A_50] : memref<1024x256xf32, #tpu.memory_space<hbm>> -> memref<1024x256xf32, #tpu.memory_space<hbm>>
    tpu.enqueue_indirect_dma source(%dma_start3A_51 : memref<1024x256xf32, #tpu.memory_space<hbm>>) target(%arg11 : memref<128x256xf32, #tpu.memory_space<vmem>>) offsets(%arg9 : memref<128xi32, #tpu.memory_space<vmem>>) semaphore(%arg13 : memref<!tpu.dma_semaphore, #tpu.memory_space<semaphore_mem>>)
    %mul3A_52 = arith.constant 12 : i32
    %mul3A_53 = arith.muli %add3A, %mul3A_52 : i32
    %add3A_54 = arith.constant 1 : i32
    %add3A_55 = arith.addi %mul3A_53, %add3A_54 : i32
    %jit3A_56 = arith.constant 128 : i32
    %eq3A_57 = arith.constant 0 : i32
    %eq3A_58 = arith.cmpi eq, %jit3A_56, %eq3A_57 : i32
    %jit3A_59 = arith.constant 1 : i32
    %select_n3A_60 = arith.select %eq3A_58, %jit3A_59, %jit3A_56 : i32
    %rem3A_61 = arith.remsi %add3A_55, %select_n3A_60 : i32
    %ne3A_62 = arith.constant 0 : i32
    %ne3A_63 = arith.cmpi ne, %rem3A_61, %ne3A_62 : i32
    %lt3A_64 = arith.constant 0 : i32
    %lt3A_65 = arith.cmpi slt, %rem3A_61, %lt3A_64 : i32
    %lt3A_66 = arith.constant 0 : i32
    %lt3A_67 = arith.cmpi slt, %select_n3A_60, %lt3A_66 : i32
    %ne3A_68 = arith.xori %lt3A_65, %lt3A_67 : i1
    %and3A_69 = arith.andi %ne3A_68, %ne3A_63 : i1
    %add3A_70 = arith.addi %rem3A_61, %select_n3A_60 : i32
    %select_n3A_71 = arith.select %and3A_69, %add3A_70, %rem3A_61 : i32
    %mul3A_72 = arith.constant 128 : i32
    %mul3A_73 = arith.muli %select_n3A_71, %mul3A_72 : i32
    %jit3A_74 = arith.constant 128 : i32
    %div3A_75 = arith.divsi %add3A_55, %jit3A_74 : i32
    %sign3A_76 = arith.constant 0 : i32
    %sign3A_77 = arith.cmpi sgt, %add3A_55, %sign3A_76 : i32
    %sign3A_78 = arith.extui %sign3A_77 : i1 to i32
    %sign3A_79 = arith.constant 0 : i32
    %sign3A_80 = arith.cmpi slt, %add3A_55, %sign3A_79 : i32
    %sign3A_81 = arith.extui %sign3A_80 : i1 to i32
    %sign3A_82 = arith.subi %sign3A_78, %sign3A_81 : i32
    %sign3A_83 = arith.constant 0 : i32
    %sign3A_84 = arith.cmpi sgt, %jit3A_74, %sign3A_83 : i32
    %sign3A_85 = arith.extui %sign3A_84 : i1 to i32
    %sign3A_86 = arith.constant 0 : i32
    %sign3A_87 = arith.cmpi slt, %jit3A_74, %sign3A_86 : i32
    %sign3A_88 = arith.extui %sign3A_87 : i1 to i32
    %sign3A_89 = arith.subi %sign3A_85, %sign3A_88 : i32
    %ne3A_90 = arith.cmpi ne, %sign3A_82, %sign3A_89 : i32
    %rem3A_91 = arith.remsi %add3A_55, %jit3A_74 : i32
    %ne3A_92 = arith.constant 0 : i32
    %ne3A_93 = arith.cmpi ne, %rem3A_91, %ne3A_92 : i32
    %and3A_94 = arith.andi %ne3A_90, %ne3A_93 : i1
    %sub3A_95 = arith.constant 1 : i32
    %sub3A_96 = arith.subi %div3A_75, %sub3A_95 : i32
    %select_n3A_97 = arith.select %and3A_94, %sub3A_96, %div3A_75 : i32
    %eq3A_98 = arith.constant 0 : i32
    %eq3A_99 = arith.cmpi eq, %select_n3A_97, %eq3A_98 : i32
    %convert_element_type3A_100 = arith.extui %eq3A_99 : i1 to i32
    %cond3A_101 = arith.constant 0 : i32
    %cond3A_102 = arith.cmpi ne, %convert_element_type3A_100, %cond3A_101 : i32
    scf.if %cond3A_102 {
      "tpu.region"() ({
        %run_scoped3A = tpu.sem_alloc : memref<!tpu.dma_semaphore, #tpu.memory_space<semaphore_mem>>
        %dma_start3A_1523 = tpu.memref_slice %arg3[%mul3A_73] : memref<16384xi32, #tpu.memory_space<hbm>> -> memref<128xi32, #tpu.memory_space<hbm>>
        %dma_start3A_1524 = tpu.memref_slice %arg3[%mul3A_73] : memref<16384xi32, #tpu.memory_space<hbm>> -> memref<128xi32, #tpu.memory_space<hbm>>
        tpu.enqueue_dma source(%dma_start3A_1524 : memref<128xi32, #tpu.memory_space<hbm>>) target(%arg10 : memref<128xi32, #tpu.memory_space<vmem>>) target_semaphore(%run_scoped3A : memref<!tpu.dma_semaphore, #tpu.memory_space<semaphore_mem>>)
        %dma_wait3A_1525 = tpu.memref_slice %arg3[%mul3A_73] : memref<16384xi32, #tpu.memory_space<hbm>> -> memref<128xi32, #tpu.memory_space<hbm>>
        %dma_wait3A_1526 = tpu.memref_slice %arg3[%mul3A_73] : memref<16384xi32, #tpu.memory_space<hbm>> -> memref<128xi32, #tpu.memory_space<hbm>>
        tpu.wait_dma2 semaphore(%run_scoped3A : memref<!tpu.dma_semaphore, #tpu.memory_space<semaphore_mem>>) src(%dma_wait3A_1526 : memref<128xi32, #tpu.memory_space<hbm>>) dst(%arg10 : memref<128xi32, #tpu.memory_space<vmem>>)
        tpu.yield
      }) : () -> ()
    } else {
    }
    %eq3A_103 = arith.constant 1 : i32
    %eq3A_104 = arith.cmpi eq, %select_n3A_97, %eq3A_103 : i32
    %convert_element_type3A_105 = arith.extui %eq3A_104 : i1 to i32
    %cond3A_106 = arith.constant 0 : i32
    %cond3A_107 = arith.cmpi ne, %convert_element_type3A_105, %cond3A_106 : i32
    scf.if %cond3A_107 {
      "tpu.region"() ({
        %run_scoped3A = tpu.sem_alloc : memref<!tpu.dma_semaphore, #tpu.memory_space<semaphore_mem>>
        %dma_start3A_1523 = tpu.memref_slice %arg4[%mul3A_73] : memref<16384xi32, #tpu.memory_space<hbm>> -> memref<128xi32, #tpu.memory_space<hbm>>
        %dma_start3A_1524 = tpu.memref_slice %arg4[%mul3A_73] : memref<16384xi32, #tpu.memory_space<hbm>> -> memref<128xi32, #tpu.memory_space<hbm>>
        tpu.enqueue_dma source(%dma_start3A_1524 : memref<128xi32, #tpu.memory_space<hbm>>) target(%arg10 : memref<128xi32, #tpu.memory_space<vmem>>) target_semaphore(%run_scoped3A : memref<!tpu.dma_semaphore, #tpu.memory_space<semaphore_mem>>)
        %dma_wait3A_1525 = tpu.memref_slice %arg4[%mul3A_73] : memref<16384xi32, #tpu.memory_space<hbm>> -> memref<128xi32, #tpu.memory_space<hbm>>
        %dma_wait3A_1526 = tpu.memref_slice %arg4[%mul3A_73] : memref<16384xi32, #tpu.memory_space<hbm>> -> memref<128xi32, #tpu.memory_space<hbm>>
        tpu.wait_dma2 semaphore(%run_scoped3A : memref<!tpu.dma_semaphore, #tpu.memory_space<semaphore_mem>>) src(%dma_wait3A_1526 : memref<128xi32, #tpu.memory_space<hbm>>) dst(%arg10 : memref<128xi32, #tpu.memory_space<vmem>>)
        tpu.yield
      }) : () -> ()
    } else {
    }
    %eq3A_108 = arith.constant 2 : i32
    %eq3A_109 = arith.cmpi eq, %select_n3A_97, %eq3A_108 : i32
    %convert_element_type3A_110 = arith.extui %eq3A_109 : i1 to i32
    %cond3A_111 = arith.constant 0 : i32
    %cond3A_112 = arith.cmpi ne, %convert_element_type3A_110, %cond3A_111 : i32
    scf.if %cond3A_112 {
      "tpu.region"() ({
        %run_scoped3A = tpu.sem_alloc : memref<!tpu.dma_semaphore, #tpu.memory_space<semaphore_mem>>
        %dma_start3A_1523 = tpu.memref_slice %arg5[%mul3A_73] : memref<16384xi32, #tpu.memory_space<hbm>> -> memref<128xi32, #tpu.memory_space<hbm>>
        %dma_start3A_1524 = tpu.memref_slice %arg5[%mul3A_73] : memref<16384xi32, #tpu.memory_space<hbm>> -> memref<128xi32, #tpu.memory_space<hbm>>
        tpu.enqueue_dma source(%dma_start3A_1524 : memref<128xi32, #tpu.memory_space<hbm>>) target(%arg10 : memref<128xi32, #tpu.memory_space<vmem>>) target_semaphore(%run_scoped3A : memref<!tpu.dma_semaphore, #tpu.memory_space<semaphore_mem>>)
        %dma_wait3A_1525 = tpu.memref_slice %arg5[%mul3A_73] : memref<16384xi32, #tpu.memory_space<hbm>> -> memref<128xi32, #tpu.memory_space<hbm>>
        %dma_wait3A_1526 = tpu.memref_slice %arg5[%mul3A_73] : memref<16384xi32, #tpu.memory_space<hbm>> -> memref<128xi32, #tpu.memory_space<hbm>>
        tpu.wait_dma2 semaphore(%run_scoped3A : memref<!tpu.dma_semaphore, #tpu.memory_space<semaphore_mem>>) src(%dma_wait3A_1526 : memref<128xi32, #tpu.memory_space<hbm>>) dst(%arg10 : memref<128xi32, #tpu.memory_space<vmem>>)
        tpu.yield
      }) : () -> ()
    } else {
    }
    %dma_start3A_113 = arith.constant 0 : i32
    %dma_start3A_114 = arith.constant 0 : i32
    %dma_start3A_115 = tpu.memref_slice %arg2[%dma_start3A_113, %dma_start3A_114] : memref<1024x256xf32, #tpu.memory_space<hbm>> -> memref<1024x256xf32, #tpu.memory_space<hbm>>
    tpu.enqueue_indirect_dma source(%dma_start3A_115 : memref<1024x256xf32, #tpu.memory_space<hbm>>) target(%arg12 : memref<128x256xf32, #tpu.memory_space<vmem>>) offsets(%arg10 : memref<128xi32, #tpu.memory_space<vmem>>) semaphore(%arg14 : memref<!tpu.dma_semaphore, #tpu.memory_space<semaphore_mem>>)
    %dma_wait3A = arith.constant 0 : i32
    %dma_wait3A_116 = arith.constant 0 : i32
    %dma_wait3A_117 = tpu.memref_slice %arg2[%dma_wait3A, %dma_wait3A_116] : memref<1024x256xf32, #tpu.memory_space<hbm>> -> memref<1024x256xf32, #tpu.memory_space<hbm>>
    tpu.wait_indirect_dma semaphore(%arg13 : memref<!tpu.dma_semaphore, #tpu.memory_space<semaphore_mem>>) src(%dma_wait3A_117 : memref<1024x256xf32, #tpu.memory_space<hbm>>) dst(%arg11 : memref<128x256xf32, #tpu.memory_space<vmem>>)
    %mul3A_118 = arith.constant 12 : i32
    %mul3A_119 = arith.muli %add3A, %mul3A_118 : i32
    %add3A_120 = arith.constant 0 : i32
    %add3A_121 = arith.addi %mul3A_119, %add3A_120 : i32
    %jit3A_122 = arith.constant 128 : i32
    %eq3A_123 = arith.constant 0 : i32
    %eq3A_124 = arith.cmpi eq, %jit3A_122, %eq3A_123 : i32
    %jit3A_125 = arith.constant 1 : i32
    %select_n3A_126 = arith.select %eq3A_124, %jit3A_125, %jit3A_122 : i32
    %rem3A_127 = arith.remsi %add3A_121, %select_n3A_126 : i32
    %ne3A_128 = arith.constant 0 : i32
    %ne3A_129 = arith.cmpi ne, %rem3A_127, %ne3A_128 : i32
    %lt3A_130 = arith.constant 0 : i32
    %lt3A_131 = arith.cmpi slt, %rem3A_127, %lt3A_130 : i32
    %lt3A_132 = arith.constant 0 : i32
    %lt3A_133 = arith.cmpi slt, %select_n3A_126, %lt3A_132 : i32
    %ne3A_134 = arith.xori %lt3A_131, %lt3A_133 : i1
    %and3A_135 = arith.andi %ne3A_134, %ne3A_129 : i1
    %add3A_136 = arith.addi %rem3A_127, %select_n3A_126 : i32
    %select_n3A_137 = arith.select %and3A_135, %add3A_136, %rem3A_127 : i32
    %mul3A_138 = arith.constant 128 : i32
    %mul3A_139 = arith.muli %select_n3A_137, %mul3A_138 : i32
    %jit3A_140 = arith.constant 128 : i32
    %div3A_141 = arith.divsi %add3A_121, %jit3A_140 : i32
    %sign3A_142 = arith.constant 0 : i32
    %sign3A_143 = arith.cmpi sgt, %add3A_121, %sign3A_142 : i32
    %sign3A_144 = arith.extui %sign3A_143 : i1 to i32
    %sign3A_145 = arith.constant 0 : i32
    %sign3A_146 = arith.cmpi slt, %add3A_121, %sign3A_145 : i32
    %sign3A_147 = arith.extui %sign3A_146 : i1 to i32
    %sign3A_148 = arith.subi %sign3A_144, %sign3A_147 : i32
    %sign3A_149 = arith.constant 0 : i32
    %sign3A_150 = arith.cmpi sgt, %jit3A_140, %sign3A_149 : i32
    %sign3A_151 = arith.extui %sign3A_150 : i1 to i32
    %sign3A_152 = arith.constant 0 : i32
    %sign3A_153 = arith.cmpi slt, %jit3A_140, %sign3A_152 : i32
    %sign3A_154 = arith.extui %sign3A_153 : i1 to i32
    %sign3A_155 = arith.subi %sign3A_151, %sign3A_154 : i32
    %ne3A_156 = arith.cmpi ne, %sign3A_148, %sign3A_155 : i32
    %rem3A_157 = arith.remsi %add3A_121, %jit3A_140 : i32
    %ne3A_158 = arith.constant 0 : i32
    %ne3A_159 = arith.cmpi ne, %rem3A_157, %ne3A_158 : i32
    %and3A_160 = arith.andi %ne3A_156, %ne3A_159 : i1
    %sub3A_161 = arith.constant 1 : i32
    %sub3A_162 = arith.subi %div3A_141, %sub3A_161 : i32
    %select_n3A_163 = arith.select %and3A_160, %sub3A_162, %div3A_141 : i32
    %eq3A_164 = arith.constant 0 : i32
    %eq3A_165 = arith.cmpi eq, %select_n3A_163, %eq3A_164 : i32
    %convert_element_type3A_166 = arith.extui %eq3A_165 : i1 to i32
    %cond3A_167 = arith.constant 0 : i32
    %cond3A_168 = arith.cmpi ne, %convert_element_type3A_166, %cond3A_167 : i32
    scf.if %cond3A_168 {
      "tpu.region"() ({
        %run_scoped3A = tpu.sem_alloc : memref<!tpu.dma_semaphore, #tpu.memory_space<semaphore_mem>>
        %dma_start3A_1523 = arith.constant 0 : i32
        %dma_start3A_1524 = tpu.memref_slice %arg6[%mul3A_139, %dma_start3A_1523] : memref<16384x256xf32, #tpu.memory_space<hbm>> -> memref<128x256xf32, #tpu.memory_space<hbm>>
        %dma_start3A_1525 = arith.constant 0 : i32
        %dma_start3A_1526 = tpu.memref_slice %arg6[%mul3A_139, %dma_start3A_1525] : memref<16384x256xf32, #tpu.memory_space<hbm>> -> memref<128x256xf32, #tpu.memory_space<hbm>>
        tpu.enqueue_dma source(%arg11 : memref<128x256xf32, #tpu.memory_space<vmem>>) target(%dma_start3A_1526 : memref<128x256xf32, #tpu.memory_space<hbm>>) target_semaphore(%run_scoped3A : memref<!tpu.dma_semaphore, #tpu.memory_space<semaphore_mem>>)
        %dma_wait3A_1527 = arith.constant 0 : i32
        %dma_wait3A_1528 = tpu.memref_slice %arg6[%mul3A_139, %dma_wait3A_1527] : memref<16384x256xf32, #tpu.memory_space<hbm>> -> memref<128x256xf32, #tpu.memory_space<hbm>>
        %dma_wait3A_1529 = arith.constant 0 : i32
        %dma_wait3A_1530 = tpu.memref_slice %arg6[%mul3A_139, %dma_wait3A_1529] : memref<16384x256xf32, #tpu.memory_space<hbm>> -> memref<128x256xf32, #tpu.memory_space<hbm>>
        tpu.wait_dma2 semaphore(%run_scoped3A : memref<!tpu.dma_semaphore, #tpu.memory_space<semaphore_mem>>) src(%arg11 : memref<128x256xf32, #tpu.memory_space<vmem>>) dst(%dma_wait3A_1530 : memref<128x256xf32, #tpu.memory_space<hbm>>)
        tpu.yield
      }) : () -> ()
    } else {
    }
    %eq3A_169 = arith.constant 1 : i32
    %eq3A_170 = arith.cmpi eq, %select_n3A_163, %eq3A_169 : i32
    %convert_element_type3A_171 = arith.extui %eq3A_170 : i1 to i32
    %cond3A_172 = arith.constant 0 : i32
    %cond3A_173 = arith.cmpi ne, %convert_element_type3A_171, %cond3A_172 : i32
    scf.if %cond3A_173 {
      "tpu.region"() ({
        %run_scoped3A = tpu.sem_alloc : memref<!tpu.dma_semaphore, #tpu.memory_space<semaphore_mem>>
        %dma_start3A_1523 = arith.constant 0 : i32
        %dma_start3A_1524 = tpu.memref_slice %arg7[%mul3A_139, %dma_start3A_1523] : memref<16384x256xf32, #tpu.memory_space<hbm>> -> memref<128x256xf32, #tpu.memory_space<hbm>>
        %dma_start3A_1525 = arith.constant 0 : i32
        %dma_start3A_1526 = tpu.memref_slice %arg7[%mul3A_139, %dma_start3A_1525] : memref<16384x256xf32, #tpu.memory_space<hbm>> -> memref<128x256xf32, #tpu.memory_space<hbm>>
        tpu.enqueue_dma source(%arg11 : memref<128x256xf32, #tpu.memory_space<vmem>>) target(%dma_start3A_1526 : memref<128x256xf32, #tpu.memory_space<hbm>>) target_semaphore(%run_scoped3A : memref<!tpu.dma_semaphore, #tpu.memory_space<semaphore_mem>>)
        %dma_wait3A_1527 = arith.constant 0 : i32
        %dma_wait3A_1528 = tpu.memref_slice %arg7[%mul3A_139, %dma_wait3A_1527] : memref<16384x256xf32, #tpu.memory_space<hbm>> -> memref<128x256xf32, #tpu.memory_space<hbm>>
        %dma_wait3A_1529 = arith.constant 0 : i32
        %dma_wait3A_1530 = tpu.memref_slice %arg7[%mul3A_139, %dma_wait3A_1529] : memref<16384x256xf32, #tpu.memory_space<hbm>> -> memref<128x256xf32, #tpu.memory_space<hbm>>
        tpu.wait_dma2 semaphore(%run_scoped3A : memref<!tpu.dma_semaphore, #tpu.memory_space<semaphore_mem>>) src(%arg11 : memref<128x256xf32, #tpu.memory_space<vmem>>) dst(%dma_wait3A_1530 : memref<128x256xf32, #tpu.memory_space<hbm>>)
        tpu.yield
      }) : () -> ()
    } else {
    }
    %eq3A_174 = arith.constant 2 : i32
    %eq3A_175 = arith.cmpi eq, %select_n3A_163, %eq3A_174 : i32
    %convert_element_type3A_176 = arith.extui %eq3A_175 : i1 to i32
    %cond3A_177 = arith.constant 0 : i32
    %cond3A_178 = arith.cmpi ne, %convert_element_type3A_176, %cond3A_177 : i32
    scf.if %cond3A_178 {
      "tpu.region"() ({
        %run_scoped3A = tpu.sem_alloc : memref<!tpu.dma_semaphore, #tpu.memory_space<semaphore_mem>>
        %dma_start3A_1523 = arith.constant 0 : i32
        %dma_start3A_1524 = tpu.memref_slice %arg8[%mul3A_139, %dma_start3A_1523] : memref<16384x256xf32, #tpu.memory_space<hbm>> -> memref<128x256xf32, #tpu.memory_space<hbm>>
        %dma_start3A_1525 = arith.constant 0 : i32
        %dma_start3A_1526 = tpu.memref_slice %arg8[%mul3A_139, %dma_start3A_1525] : memref<16384x256xf32, #tpu.memory_space<hbm>> -> memref<128x256xf32, #tpu.memory_space<hbm>>
        tpu.enqueue_dma source(%arg11 : memref<128x256xf32, #tpu.memory_space<vmem>>) target(%dma_start3A_1526 : memref<128x256xf32, #tpu.memory_space<hbm>>) target_semaphore(%run_scoped3A : memref<!tpu.dma_semaphore, #tpu.memory_space<semaphore_mem>>)
        %dma_wait3A_1527 = arith.constant 0 : i32
        %dma_wait3A_1528 = tpu.memref_slice %arg8[%mul3A_139, %dma_wait3A_1527] : memref<16384x256xf32, #tpu.memory_space<hbm>> -> memref<128x256xf32, #tpu.memory_space<hbm>>
        %dma_wait3A_1529 = arith.constant 0 : i32
        %dma_wait3A_1530 = tpu.memref_slice %arg8[%mul3A_139, %dma_wait3A_1529] : memref<16384x256xf32, #tpu.memory_space<hbm>> -> memref<128x256xf32, #tpu.memory_space<hbm>>
        tpu.wait_dma2 semaphore(%run_scoped3A : memref<!tpu.dma_semaphore, #tpu.memory_space<semaphore_mem>>) src(%arg11 : memref<128x256xf32, #tpu.memory_space<vmem>>) dst(%dma_wait3A_1530 : memref<128x256xf32, #tpu.memory_space<hbm>>)
        tpu.yield
      }) : () -> ()
    } else {
    }
    %mul3A_179 = arith.constant 12 : i32
    %mul3A_180 = arith.muli %add3A, %mul3A_179 : i32
    %add3A_181 = arith.constant 2 : i32
    %add3A_182 = arith.addi %mul3A_180, %add3A_181 : i32
    %jit3A_183 = arith.constant 128 : i32
    %eq3A_184 = arith.constant 0 : i32
    %eq3A_185 = arith.cmpi eq, %jit3A_183, %eq3A_184 : i32
    %jit3A_186 = arith.constant 1 : i32
    %select_n3A_187 = arith.select %eq3A_185, %jit3A_186, %jit3A_183 : i32
    %rem3A_188 = arith.remsi %add3A_182, %select_n3A_187 : i32
    %ne3A_189 = arith.constant 0 : i32
    %ne3A_190 = arith.cmpi ne, %rem3A_188, %ne3A_189 : i32
    %lt3A_191 = arith.constant 0 : i32
    %lt3A_192 = arith.cmpi slt, %rem3A_188, %lt3A_191 : i32
    %lt3A_193 = arith.constant 0 : i32
    %lt3A_194 = arith.cmpi slt, %select_n3A_187, %lt3A_193 : i32
    %ne3A_195 = arith.xori %lt3A_192, %lt3A_194 : i1
    %and3A_196 = arith.andi %ne3A_195, %ne3A_190 : i1
    %add3A_197 = arith.addi %rem3A_188, %select_n3A_187 : i32
    %select_n3A_198 = arith.select %and3A_196, %add3A_197, %rem3A_188 : i32
    %mul3A_199 = arith.constant 128 : i32
    %mul3A_200 = arith.muli %select_n3A_198, %mul3A_199 : i32
    %jit3A_201 = arith.constant 128 : i32
    %div3A_202 = arith.divsi %add3A_182, %jit3A_201 : i32
    %sign3A_203 = arith.constant 0 : i32
    %sign3A_204 = arith.cmpi sgt, %add3A_182, %sign3A_203 : i32
    %sign3A_205 = arith.extui %sign3A_204 : i1 to i32
    %sign3A_206 = arith.constant 0 : i32
    %sign3A_207 = arith.cmpi slt, %add3A_182, %sign3A_206 : i32
    %sign3A_208 = arith.extui %sign3A_207 : i1 to i32
    %sign3A_209 = arith.subi %sign3A_205, %sign3A_208 : i32
    %sign3A_210 = arith.constant 0 : i32
    %sign3A_211 = arith.cmpi sgt, %jit3A_201, %sign3A_210 : i32
    %sign3A_212 = arith.extui %sign3A_211 : i1 to i32
    %sign3A_213 = arith.constant 0 : i32
    %sign3A_214 = arith.cmpi slt, %jit3A_201, %sign3A_213 : i32
    %sign3A_215 = arith.extui %sign3A_214 : i1 to i32
    %sign3A_216 = arith.subi %sign3A_212, %sign3A_215 : i32
    %ne3A_217 = arith.cmpi ne, %sign3A_209, %sign3A_216 : i32
    %rem3A_218 = arith.remsi %add3A_182, %jit3A_201 : i32
    %ne3A_219 = arith.constant 0 : i32
    %ne3A_220 = arith.cmpi ne, %rem3A_218, %ne3A_219 : i32
    %and3A_221 = arith.andi %ne3A_217, %ne3A_220 : i1
    %sub3A_222 = arith.constant 1 : i32
    %sub3A_223 = arith.subi %div3A_202, %sub3A_222 : i32
    %select_n3A_224 = arith.select %and3A_221, %sub3A_223, %div3A_202 : i32
    %eq3A_225 = arith.constant 0 : i32
    %eq3A_226 = arith.cmpi eq, %select_n3A_224, %eq3A_225 : i32
    %convert_element_type3A_227 = arith.extui %eq3A_226 : i1 to i32
    %cond3A_228 = arith.constant 0 : i32
    %cond3A_229 = arith.cmpi ne, %convert_element_type3A_227, %cond3A_228 : i32
    scf.if %cond3A_229 {
      "tpu.region"() ({
        %run_scoped3A = tpu.sem_alloc : memref<!tpu.dma_semaphore, #tpu.memory_space<semaphore_mem>>
        %dma_start3A_1523 = tpu.memref_slice %arg3[%mul3A_200] : memref<16384xi32, #tpu.memory_space<hbm>> -> memref<128xi32, #tpu.memory_space<hbm>>
        %dma_start3A_1524 = tpu.memref_slice %arg3[%mul3A_200] : memref<16384xi32, #tpu.memory_space<hbm>> -> memref<128xi32, #tpu.memory_space<hbm>>
        tpu.enqueue_dma source(%dma_start3A_1524 : memref<128xi32, #tpu.memory_space<hbm>>) target(%arg9 : memref<128xi32, #tpu.memory_space<vmem>>) target_semaphore(%run_scoped3A : memref<!tpu.dma_semaphore, #tpu.memory_space<semaphore_mem>>)
        %dma_wait3A_1525 = tpu.memref_slice %arg3[%mul3A_200] : memref<16384xi32, #tpu.memory_space<hbm>> -> memref<128xi32, #tpu.memory_space<hbm>>
        %dma_wait3A_1526 = tpu.memref_slice %arg3[%mul3A_200] : memref<16384xi32, #tpu.memory_space<hbm>> -> memref<128xi32, #tpu.memory_space<hbm>>
        tpu.wait_dma2 semaphore(%run_scoped3A : memref<!tpu.dma_semaphore, #tpu.memory_space<semaphore_mem>>) src(%dma_wait3A_1526 : memref<128xi32, #tpu.memory_space<hbm>>) dst(%arg9 : memref<128xi32, #tpu.memory_space<vmem>>)
        tpu.yield
      }) : () -> ()
    } else {
    }
    %eq3A_230 = arith.constant 1 : i32
    %eq3A_231 = arith.cmpi eq, %select_n3A_224, %eq3A_230 : i32
    %convert_element_type3A_232 = arith.extui %eq3A_231 : i1 to i32
    %cond3A_233 = arith.constant 0 : i32
    %cond3A_234 = arith.cmpi ne, %convert_element_type3A_232, %cond3A_233 : i32
    scf.if %cond3A_234 {
      "tpu.region"() ({
        %run_scoped3A = tpu.sem_alloc : memref<!tpu.dma_semaphore, #tpu.memory_space<semaphore_mem>>
        %dma_start3A_1523 = tpu.memref_slice %arg4[%mul3A_200] : memref<16384xi32, #tpu.memory_space<hbm>> -> memref<128xi32, #tpu.memory_space<hbm>>
        %dma_start3A_1524 = tpu.memref_slice %arg4[%mul3A_200] : memref<16384xi32, #tpu.memory_space<hbm>> -> memref<128xi32, #tpu.memory_space<hbm>>
        tpu.enqueue_dma source(%dma_start3A_1524 : memref<128xi32, #tpu.memory_space<hbm>>) target(%arg9 : memref<128xi32, #tpu.memory_space<vmem>>) target_semaphore(%run_scoped3A : memref<!tpu.dma_semaphore, #tpu.memory_space<semaphore_mem>>)
        %dma_wait3A_1525 = tpu.memref_slice %arg4[%mul3A_200] : memref<16384xi32, #tpu.memory_space<hbm>> -> memref<128xi32, #tpu.memory_space<hbm>>
        %dma_wait3A_1526 = tpu.memref_slice %arg4[%mul3A_200] : memref<16384xi32, #tpu.memory_space<hbm>> -> memref<128xi32, #tpu.memory_space<hbm>>
        tpu.wait_dma2 semaphore(%run_scoped3A : memref<!tpu.dma_semaphore, #tpu.memory_space<semaphore_mem>>) src(%dma_wait3A_1526 : memref<128xi32, #tpu.memory_space<hbm>>) dst(%arg9 : memref<128xi32, #tpu.memory_space<vmem>>)
        tpu.yield
      }) : () -> ()
    } else {
    }
    %eq3A_235 = arith.constant 2 : i32
    %eq3A_236 = arith.cmpi eq, %select_n3A_224, %eq3A_235 : i32
    %convert_element_type3A_237 = arith.extui %eq3A_236 : i1 to i32
    %cond3A_238 = arith.constant 0 : i32
    %cond3A_239 = arith.cmpi ne, %convert_element_type3A_237, %cond3A_238 : i32
    scf.if %cond3A_239 {
      "tpu.region"() ({
        %run_scoped3A = tpu.sem_alloc : memref<!tpu.dma_semaphore, #tpu.memory_space<semaphore_mem>>
        %dma_start3A_1523 = tpu.memref_slice %arg5[%mul3A_200] : memref<16384xi32, #tpu.memory_space<hbm>> -> memref<128xi32, #tpu.memory_space<hbm>>
        %dma_start3A_1524 = tpu.memref_slice %arg5[%mul3A_200] : memref<16384xi32, #tpu.memory_space<hbm>> -> memref<128xi32, #tpu.memory_space<hbm>>
        tpu.enqueue_dma source(%dma_start3A_1524 : memref<128xi32, #tpu.memory_space<hbm>>) target(%arg9 : memref<128xi32, #tpu.memory_space<vmem>>) target_semaphore(%run_scoped3A : memref<!tpu.dma_semaphore, #tpu.memory_space<semaphore_mem>>)
        %dma_wait3A_1525 = tpu.memref_slice %arg5[%mul3A_200] : memref<16384xi32, #tpu.memory_space<hbm>> -> memref<128xi32, #tpu.memory_space<hbm>>
        %dma_wait3A_1526 = tpu.memref_slice %arg5[%mul3A_200] : memref<16384xi32, #tpu.memory_space<hbm>> -> memref<128xi32, #tpu.memory_space<hbm>>
        tpu.wait_dma2 semaphore(%run_scoped3A : memref<!tpu.dma_semaphore, #tpu.memory_space<semaphore_mem>>) src(%dma_wait3A_1526 : memref<128xi32, #tpu.memory_space<hbm>>) dst(%arg9 : memref<128xi32, #tpu.memory_space<vmem>>)
        tpu.yield
      }) : () -> ()
    } else {
    }
    %dma_start3A_240 = arith.constant 0 : i32
    %dma_start3A_241 = arith.constant 0 : i32
    %dma_start3A_242 = tpu.memref_slice %arg2[%dma_start3A_240, %dma_start3A_241] : memref<1024x256xf32, #tpu.memory_space<hbm>> -> memref<1024x256xf32, #tpu.memory_space<hbm>>
    tpu.enqueue_indirect_dma source(%dma_start3A_242 : memref<1024x256xf32, #tpu.memory_space<hbm>>) target(%arg11 : memref<128x256xf32, #tpu.memory_space<vmem>>) offsets(%arg9 : memref<128xi32, #tpu.memory_space<vmem>>) semaphore(%arg13 : memref<!tpu.dma_semaphore, #tpu.memory_space<semaphore_mem>>)
    %dma_wait3A_243 = arith.constant 0 : i32
    %dma_wait3A_244 = arith.constant 0 : i32
    %dma_wait3A_245 = tpu.memref_slice %arg2[%dma_wait3A_243, %dma_wait3A_244] : memref<1024x256xf32, #tpu.memory_space<hbm>> -> memref<1024x256xf32, #tpu.memory_space<hbm>>
    tpu.wait_indirect_dma semaphore(%arg14 : memref<!tpu.dma_semaphore, #tpu.memory_space<semaphore_mem>>) src(%dma_wait3A_245 : memref<1024x256xf32, #tpu.memory_space<hbm>>) dst(%arg12 : memref<128x256xf32, #tpu.memory_space<vmem>>)
    %mul3A_246 = arith.constant 12 : i32
    %mul3A_247 = arith.muli %add3A, %mul3A_246 : i32
    %add3A_248 = arith.constant 1 : i32
    %add3A_249 = arith.addi %mul3A_247, %add3A_248 : i32
    %jit3A_250 = arith.constant 128 : i32
    %eq3A_251 = arith.constant 0 : i32
    %eq3A_252 = arith.cmpi eq, %jit3A_250, %eq3A_251 : i32
    %jit3A_253 = arith.constant 1 : i32
    %select_n3A_254 = arith.select %eq3A_252, %jit3A_253, %jit3A_250 : i32
    %rem3A_255 = arith.remsi %add3A_249, %select_n3A_254 : i32
    %ne3A_256 = arith.constant 0 : i32
    %ne3A_257 = arith.cmpi ne, %rem3A_255, %ne3A_256 : i32
    %lt3A_258 = arith.constant 0 : i32
    %lt3A_259 = arith.cmpi slt, %rem3A_255, %lt3A_258 : i32
    %lt3A_260 = arith.constant 0 : i32
    %lt3A_261 = arith.cmpi slt, %select_n3A_254, %lt3A_260 : i32
    %ne3A_262 = arith.xori %lt3A_259, %lt3A_261 : i1
    %and3A_263 = arith.andi %ne3A_262, %ne3A_257 : i1
    %add3A_264 = arith.addi %rem3A_255, %select_n3A_254 : i32
    %select_n3A_265 = arith.select %and3A_263, %add3A_264, %rem3A_255 : i32
    %mul3A_266 = arith.constant 128 : i32
    %mul3A_267 = arith.muli %select_n3A_265, %mul3A_266 : i32
    %jit3A_268 = arith.constant 128 : i32
    %div3A_269 = arith.divsi %add3A_249, %jit3A_268 : i32
    %sign3A_270 = arith.constant 0 : i32
    %sign3A_271 = arith.cmpi sgt, %add3A_249, %sign3A_270 : i32
    %sign3A_272 = arith.extui %sign3A_271 : i1 to i32
    %sign3A_273 = arith.constant 0 : i32
    %sign3A_274 = arith.cmpi slt, %add3A_249, %sign3A_273 : i32
    %sign3A_275 = arith.extui %sign3A_274 : i1 to i32
    %sign3A_276 = arith.subi %sign3A_272, %sign3A_275 : i32
    %sign3A_277 = arith.constant 0 : i32
    %sign3A_278 = arith.cmpi sgt, %jit3A_268, %sign3A_277 : i32
    %sign3A_279 = arith.extui %sign3A_278 : i1 to i32
    %sign3A_280 = arith.constant 0 : i32
    %sign3A_281 = arith.cmpi slt, %jit3A_268, %sign3A_280 : i32
    %sign3A_282 = arith.extui %sign3A_281 : i1 to i32
    %sign3A_283 = arith.subi %sign3A_279, %sign3A_282 : i32
    %ne3A_284 = arith.cmpi ne, %sign3A_276, %sign3A_283 : i32
    %rem3A_285 = arith.remsi %add3A_249, %jit3A_268 : i32
    %ne3A_286 = arith.constant 0 : i32
    %ne3A_287 = arith.cmpi ne, %rem3A_285, %ne3A_286 : i32
    %and3A_288 = arith.andi %ne3A_284, %ne3A_287 : i1
    %sub3A_289 = arith.constant 1 : i32
    %sub3A_290 = arith.subi %div3A_269, %sub3A_289 : i32
    %select_n3A_291 = arith.select %and3A_288, %sub3A_290, %div3A_269 : i32
    %eq3A_292 = arith.constant 0 : i32
    %eq3A_293 = arith.cmpi eq, %select_n3A_291, %eq3A_292 : i32
    %convert_element_type3A_294 = arith.extui %eq3A_293 : i1 to i32
    %cond3A_295 = arith.constant 0 : i32
    %cond3A_296 = arith.cmpi ne, %convert_element_type3A_294, %cond3A_295 : i32
    scf.if %cond3A_296 {
      "tpu.region"() ({
        %run_scoped3A = tpu.sem_alloc : memref<!tpu.dma_semaphore, #tpu.memory_space<semaphore_mem>>
        %dma_start3A_1523 = arith.constant 0 : i32
        %dma_start3A_1524 = tpu.memref_slice %arg6[%mul3A_267, %dma_start3A_1523] : memref<16384x256xf32, #tpu.memory_space<hbm>> -> memref<128x256xf32, #tpu.memory_space<hbm>>
        %dma_start3A_1525 = arith.constant 0 : i32
        %dma_start3A_1526 = tpu.memref_slice %arg6[%mul3A_267, %dma_start3A_1525] : memref<16384x256xf32, #tpu.memory_space<hbm>> -> memref<128x256xf32, #tpu.memory_space<hbm>>
        tpu.enqueue_dma source(%arg12 : memref<128x256xf32, #tpu.memory_space<vmem>>) target(%dma_start3A_1526 : memref<128x256xf32, #tpu.memory_space<hbm>>) target_semaphore(%run_scoped3A : memref<!tpu.dma_semaphore, #tpu.memory_space<semaphore_mem>>)
        %dma_wait3A_1527 = arith.constant 0 : i32
        %dma_wait3A_1528 = tpu.memref_slice %arg6[%mul3A_267, %dma_wait3A_1527] : memref<16384x256xf32, #tpu.memory_space<hbm>> -> memref<128x256xf32, #tpu.memory_space<hbm>>
        %dma_wait3A_1529 = arith.constant 0 : i32
        %dma_wait3A_1530 = tpu.memref_slice %arg6[%mul3A_267, %dma_wait3A_1529] : memref<16384x256xf32, #tpu.memory_space<hbm>> -> memref<128x256xf32, #tpu.memory_space<hbm>>
        tpu.wait_dma2 semaphore(%run_scoped3A : memref<!tpu.dma_semaphore, #tpu.memory_space<semaphore_mem>>) src(%arg12 : memref<128x256xf32, #tpu.memory_space<vmem>>) dst(%dma_wait3A_1530 : memref<128x256xf32, #tpu.memory_space<hbm>>)
        tpu.yield
      }) : () -> ()
    } else {
    }
    %eq3A_297 = arith.constant 1 : i32
    %eq3A_298 = arith.cmpi eq, %select_n3A_291, %eq3A_297 : i32
    %convert_element_type3A_299 = arith.extui %eq3A_298 : i1 to i32
    %cond3A_300 = arith.constant 0 : i32
    %cond3A_301 = arith.cmpi ne, %convert_element_type3A_299, %cond3A_300 : i32
    scf.if %cond3A_301 {
      "tpu.region"() ({
        %run_scoped3A = tpu.sem_alloc : memref<!tpu.dma_semaphore, #tpu.memory_space<semaphore_mem>>
        %dma_start3A_1523 = arith.constant 0 : i32
        %dma_start3A_1524 = tpu.memref_slice %arg7[%mul3A_267, %dma_start3A_1523] : memref<16384x256xf32, #tpu.memory_space<hbm>> -> memref<128x256xf32, #tpu.memory_space<hbm>>
        %dma_start3A_1525 = arith.constant 0 : i32
        %dma_start3A_1526 = tpu.memref_slice %arg7[%mul3A_267, %dma_start3A_1525] : memref<16384x256xf32, #tpu.memory_space<hbm>> -> memref<128x256xf32, #tpu.memory_space<hbm>>
        tpu.enqueue_dma source(%arg12 : memref<128x256xf32, #tpu.memory_space<vmem>>) target(%dma_start3A_1526 : memref<128x256xf32, #tpu.memory_space<hbm>>) target_semaphore(%run_scoped3A : memref<!tpu.dma_semaphore, #tpu.memory_space<semaphore_mem>>)
        %dma_wait3A_1527 = arith.constant 0 : i32
        %dma_wait3A_1528 = tpu.memref_slice %arg7[%mul3A_267, %dma_wait3A_1527] : memref<16384x256xf32, #tpu.memory_space<hbm>> -> memref<128x256xf32, #tpu.memory_space<hbm>>
        %dma_wait3A_1529 = arith.constant 0 : i32
        %dma_wait3A_1530 = tpu.memref_slice %arg7[%mul3A_267, %dma_wait3A_1529] : memref<16384x256xf32, #tpu.memory_space<hbm>> -> memref<128x256xf32, #tpu.memory_space<hbm>>
        tpu.wait_dma2 semaphore(%run_scoped3A : memref<!tpu.dma_semaphore, #tpu.memory_space<semaphore_mem>>) src(%arg12 : memref<128x256xf32, #tpu.memory_space<vmem>>) dst(%dma_wait3A_1530 : memref<128x256xf32, #tpu.memory_space<hbm>>)
        tpu.yield
      }) : () -> ()
    } else {
    }
    %eq3A_302 = arith.constant 2 : i32
    %eq3A_303 = arith.cmpi eq, %select_n3A_291, %eq3A_302 : i32
    %convert_element_type3A_304 = arith.extui %eq3A_303 : i1 to i32
    %cond3A_305 = arith.constant 0 : i32
    %cond3A_306 = arith.cmpi ne, %convert_element_type3A_304, %cond3A_305 : i32
    scf.if %cond3A_306 {
      "tpu.region"() ({
        %run_scoped3A = tpu.sem_alloc : memref<!tpu.dma_semaphore, #tpu.memory_space<semaphore_mem>>
        %dma_start3A_1523 = arith.constant 0 : i32
        %dma_start3A_1524 = tpu.memref_slice %arg8[%mul3A_267, %dma_start3A_1523] : memref<16384x256xf32, #tpu.memory_space<hbm>> -> memref<128x256xf32, #tpu.memory_space<hbm>>
        %dma_start3A_1525 = arith.constant 0 : i32
        %dma_start3A_1526 = tpu.memref_slice %arg8[%mul3A_267, %dma_start3A_1525] : memref<16384x256xf32, #tpu.memory_space<hbm>> -> memref<128x256xf32, #tpu.memory_space<hbm>>
        tpu.enqueue_dma source(%arg12 : memref<128x256xf32, #tpu.memory_space<vmem>>) target(%dma_start3A_1526 : memref<128x256xf32, #tpu.memory_space<hbm>>) target_semaphore(%run_scoped3A : memref<!tpu.dma_semaphore, #tpu.memory_space<semaphore_mem>>)
        %dma_wait3A_1527 = arith.constant 0 : i32
        %dma_wait3A_1528 = tpu.memref_slice %arg8[%mul3A_267, %dma_wait3A_1527] : memref<16384x256xf32, #tpu.memory_space<hbm>> -> memref<128x256xf32, #tpu.memory_space<hbm>>
        %dma_wait3A_1529 = arith.constant 0 : i32
        %dma_wait3A_1530 = tpu.memref_slice %arg8[%mul3A_267, %dma_wait3A_1529] : memref<16384x256xf32, #tpu.memory_space<hbm>> -> memref<128x256xf32, #tpu.memory_space<hbm>>
        tpu.wait_dma2 semaphore(%run_scoped3A : memref<!tpu.dma_semaphore, #tpu.memory_space<semaphore_mem>>) src(%arg12 : memref<128x256xf32, #tpu.memory_space<vmem>>) dst(%dma_wait3A_1530 : memref<128x256xf32, #tpu.memory_space<hbm>>)
        tpu.yield
      }) : () -> ()
    } else {
    }
    %mul3A_307 = arith.constant 12 : i32
    %mul3A_308 = arith.muli %add3A, %mul3A_307 : i32
    %add3A_309 = arith.constant 3 : i32
    %add3A_310 = arith.addi %mul3A_308, %add3A_309 : i32
    %jit3A_311 = arith.constant 128 : i32
    %eq3A_312 = arith.constant 0 : i32
    %eq3A_313 = arith.cmpi eq, %jit3A_311, %eq3A_312 : i32
    %jit3A_314 = arith.constant 1 : i32
    %select_n3A_315 = arith.select %eq3A_313, %jit3A_314, %jit3A_311 : i32
    %rem3A_316 = arith.remsi %add3A_310, %select_n3A_315 : i32
    %ne3A_317 = arith.constant 0 : i32
    %ne3A_318 = arith.cmpi ne, %rem3A_316, %ne3A_317 : i32
    %lt3A_319 = arith.constant 0 : i32
    %lt3A_320 = arith.cmpi slt, %rem3A_316, %lt3A_319 : i32
    %lt3A_321 = arith.constant 0 : i32
    %lt3A_322 = arith.cmpi slt, %select_n3A_315, %lt3A_321 : i32
    %ne3A_323 = arith.xori %lt3A_320, %lt3A_322 : i1
    %and3A_324 = arith.andi %ne3A_323, %ne3A_318 : i1
    %add3A_325 = arith.addi %rem3A_316, %select_n3A_315 : i32
    %select_n3A_326 = arith.select %and3A_324, %add3A_325, %rem3A_316 : i32
    %mul3A_327 = arith.constant 128 : i32
    %mul3A_328 = arith.muli %select_n3A_326, %mul3A_327 : i32
    %jit3A_329 = arith.constant 128 : i32
    %div3A_330 = arith.divsi %add3A_310, %jit3A_329 : i32
    %sign3A_331 = arith.constant 0 : i32
    %sign3A_332 = arith.cmpi sgt, %add3A_310, %sign3A_331 : i32
    %sign3A_333 = arith.extui %sign3A_332 : i1 to i32
    %sign3A_334 = arith.constant 0 : i32
    %sign3A_335 = arith.cmpi slt, %add3A_310, %sign3A_334 : i32
    %sign3A_336 = arith.extui %sign3A_335 : i1 to i32
    %sign3A_337 = arith.subi %sign3A_333, %sign3A_336 : i32
    %sign3A_338 = arith.constant 0 : i32
    %sign3A_339 = arith.cmpi sgt, %jit3A_329, %sign3A_338 : i32
    %sign3A_340 = arith.extui %sign3A_339 : i1 to i32
    %sign3A_341 = arith.constant 0 : i32
    %sign3A_342 = arith.cmpi slt, %jit3A_329, %sign3A_341 : i32
    %sign3A_343 = arith.extui %sign3A_342 : i1 to i32
    %sign3A_344 = arith.subi %sign3A_340, %sign3A_343 : i32
    %ne3A_345 = arith.cmpi ne, %sign3A_337, %sign3A_344 : i32
    %rem3A_346 = arith.remsi %add3A_310, %jit3A_329 : i32
    %ne3A_347 = arith.constant 0 : i32
    %ne3A_348 = arith.cmpi ne, %rem3A_346, %ne3A_347 : i32
    %and3A_349 = arith.andi %ne3A_345, %ne3A_348 : i1
    %sub3A_350 = arith.constant 1 : i32
    %sub3A_351 = arith.subi %div3A_330, %sub3A_350 : i32
    %select_n3A_352 = arith.select %and3A_349, %sub3A_351, %div3A_330 : i32
    %eq3A_353 = arith.constant 0 : i32
    %eq3A_354 = arith.cmpi eq, %select_n3A_352, %eq3A_353 : i32
    %convert_element_type3A_355 = arith.extui %eq3A_354 : i1 to i32
    %cond3A_356 = arith.constant 0 : i32
    %cond3A_357 = arith.cmpi ne, %convert_element_type3A_355, %cond3A_356 : i32
    scf.if %cond3A_357 {
      "tpu.region"() ({
        %run_scoped3A = tpu.sem_alloc : memref<!tpu.dma_semaphore, #tpu.memory_space<semaphore_mem>>
        %dma_start3A_1523 = tpu.memref_slice %arg3[%mul3A_328] : memref<16384xi32, #tpu.memory_space<hbm>> -> memref<128xi32, #tpu.memory_space<hbm>>
        %dma_start3A_1524 = tpu.memref_slice %arg3[%mul3A_328] : memref<16384xi32, #tpu.memory_space<hbm>> -> memref<128xi32, #tpu.memory_space<hbm>>
        tpu.enqueue_dma source(%dma_start3A_1524 : memref<128xi32, #tpu.memory_space<hbm>>) target(%arg10 : memref<128xi32, #tpu.memory_space<vmem>>) target_semaphore(%run_scoped3A : memref<!tpu.dma_semaphore, #tpu.memory_space<semaphore_mem>>)
        %dma_wait3A_1525 = tpu.memref_slice %arg3[%mul3A_328] : memref<16384xi32, #tpu.memory_space<hbm>> -> memref<128xi32, #tpu.memory_space<hbm>>
        %dma_wait3A_1526 = tpu.memref_slice %arg3[%mul3A_328] : memref<16384xi32, #tpu.memory_space<hbm>> -> memref<128xi32, #tpu.memory_space<hbm>>
        tpu.wait_dma2 semaphore(%run_scoped3A : memref<!tpu.dma_semaphore, #tpu.memory_space<semaphore_mem>>) src(%dma_wait3A_1526 : memref<128xi32, #tpu.memory_space<hbm>>) dst(%arg10 : memref<128xi32, #tpu.memory_space<vmem>>)
        tpu.yield
      }) : () -> ()
    } else {
    }
    %eq3A_358 = arith.constant 1 : i32
    %eq3A_359 = arith.cmpi eq, %select_n3A_352, %eq3A_358 : i32
    %convert_element_type3A_360 = arith.extui %eq3A_359 : i1 to i32
    %cond3A_361 = arith.constant 0 : i32
    %cond3A_362 = arith.cmpi ne, %convert_element_type3A_360, %cond3A_361 : i32
    scf.if %cond3A_362 {
      "tpu.region"() ({
        %run_scoped3A = tpu.sem_alloc : memref<!tpu.dma_semaphore, #tpu.memory_space<semaphore_mem>>
        %dma_start3A_1523 = tpu.memref_slice %arg4[%mul3A_328] : memref<16384xi32, #tpu.memory_space<hbm>> -> memref<128xi32, #tpu.memory_space<hbm>>
        %dma_start3A_1524 = tpu.memref_slice %arg4[%mul3A_328] : memref<16384xi32, #tpu.memory_space<hbm>> -> memref<128xi32, #tpu.memory_space<hbm>>
        tpu.enqueue_dma source(%dma_start3A_1524 : memref<128xi32, #tpu.memory_space<hbm>>) target(%arg10 : memref<128xi32, #tpu.memory_space<vmem>>) target_semaphore(%run_scoped3A : memref<!tpu.dma_semaphore, #tpu.memory_space<semaphore_mem>>)
        %dma_wait3A_1525 = tpu.memref_slice %arg4[%mul3A_328] : memref<16384xi32, #tpu.memory_space<hbm>> -> memref<128xi32, #tpu.memory_space<hbm>>
        %dma_wait3A_1526 = tpu.memref_slice %arg4[%mul3A_328] : memref<16384xi32, #tpu.memory_space<hbm>> -> memref<128xi32, #tpu.memory_space<hbm>>
        tpu.wait_dma2 semaphore(%run_scoped3A : memref<!tpu.dma_semaphore, #tpu.memory_space<semaphore_mem>>) src(%dma_wait3A_1526 : memref<128xi32, #tpu.memory_space<hbm>>) dst(%arg10 : memref<128xi32, #tpu.memory_space<vmem>>)
        tpu.yield
      }) : () -> ()
    } else {
    }
    %eq3A_363 = arith.constant 2 : i32
    %eq3A_364 = arith.cmpi eq, %select_n3A_352, %eq3A_363 : i32
    %convert_element_type3A_365 = arith.extui %eq3A_364 : i1 to i32
    %cond3A_366 = arith.constant 0 : i32
    %cond3A_367 = arith.cmpi ne, %convert_element_type3A_365, %cond3A_366 : i32
    scf.if %cond3A_367 {
      "tpu.region"() ({
        %run_scoped3A = tpu.sem_alloc : memref<!tpu.dma_semaphore, #tpu.memory_space<semaphore_mem>>
        %dma_start3A_1523 = tpu.memref_slice %arg5[%mul3A_328] : memref<16384xi32, #tpu.memory_space<hbm>> -> memref<128xi32, #tpu.memory_space<hbm>>
        %dma_start3A_1524 = tpu.memref_slice %arg5[%mul3A_328] : memref<16384xi32, #tpu.memory_space<hbm>> -> memref<128xi32, #tpu.memory_space<hbm>>
        tpu.enqueue_dma source(%dma_start3A_1524 : memref<128xi32, #tpu.memory_space<hbm>>) target(%arg10 : memref<128xi32, #tpu.memory_space<vmem>>) target_semaphore(%run_scoped3A : memref<!tpu.dma_semaphore, #tpu.memory_space<semaphore_mem>>)
        %dma_wait3A_1525 = tpu.memref_slice %arg5[%mul3A_328] : memref<16384xi32, #tpu.memory_space<hbm>> -> memref<128xi32, #tpu.memory_space<hbm>>
        %dma_wait3A_1526 = tpu.memref_slice %arg5[%mul3A_328] : memref<16384xi32, #tpu.memory_space<hbm>> -> memref<128xi32, #tpu.memory_space<hbm>>
        tpu.wait_dma2 semaphore(%run_scoped3A : memref<!tpu.dma_semaphore, #tpu.memory_space<semaphore_mem>>) src(%dma_wait3A_1526 : memref<128xi32, #tpu.memory_space<hbm>>) dst(%arg10 : memref<128xi32, #tpu.memory_space<vmem>>)
        tpu.yield
      }) : () -> ()
    } else {
    }
    %dma_start3A_368 = arith.constant 0 : i32
    %dma_start3A_369 = arith.constant 0 : i32
    %dma_start3A_370 = tpu.memref_slice %arg2[%dma_start3A_368, %dma_start3A_369] : memref<1024x256xf32, #tpu.memory_space<hbm>> -> memref<1024x256xf32, #tpu.memory_space<hbm>>
    tpu.enqueue_indirect_dma source(%dma_start3A_370 : memref<1024x256xf32, #tpu.memory_space<hbm>>) target(%arg12 : memref<128x256xf32, #tpu.memory_space<vmem>>) offsets(%arg10 : memref<128xi32, #tpu.memory_space<vmem>>) semaphore(%arg14 : memref<!tpu.dma_semaphore, #tpu.memory_space<semaphore_mem>>)
    %dma_wait3A_371 = arith.constant 0 : i32
    %dma_wait3A_372 = arith.constant 0 : i32
    %dma_wait3A_373 = tpu.memref_slice %arg2[%dma_wait3A_371, %dma_wait3A_372] : memref<1024x256xf32, #tpu.memory_space<hbm>> -> memref<1024x256xf32, #tpu.memory_space<hbm>>
    tpu.wait_indirect_dma semaphore(%arg13 : memref<!tpu.dma_semaphore, #tpu.memory_space<semaphore_mem>>) src(%dma_wait3A_373 : memref<1024x256xf32, #tpu.memory_space<hbm>>) dst(%arg11 : memref<128x256xf32, #tpu.memory_space<vmem>>)
    %mul3A_374 = arith.constant 12 : i32
    %mul3A_375 = arith.muli %add3A, %mul3A_374 : i32
    %add3A_376 = arith.constant 2 : i32
    %add3A_377 = arith.addi %mul3A_375, %add3A_376 : i32
    %jit3A_378 = arith.constant 128 : i32
    %eq3A_379 = arith.constant 0 : i32
    %eq3A_380 = arith.cmpi eq, %jit3A_378, %eq3A_379 : i32
    %jit3A_381 = arith.constant 1 : i32
    %select_n3A_382 = arith.select %eq3A_380, %jit3A_381, %jit3A_378 : i32
    %rem3A_383 = arith.remsi %add3A_377, %select_n3A_382 : i32
    %ne3A_384 = arith.constant 0 : i32
    %ne3A_385 = arith.cmpi ne, %rem3A_383, %ne3A_384 : i32
    %lt3A_386 = arith.constant 0 : i32
    %lt3A_387 = arith.cmpi slt, %rem3A_383, %lt3A_386 : i32
    %lt3A_388 = arith.constant 0 : i32
    %lt3A_389 = arith.cmpi slt, %select_n3A_382, %lt3A_388 : i32
    %ne3A_390 = arith.xori %lt3A_387, %lt3A_389 : i1
    %and3A_391 = arith.andi %ne3A_390, %ne3A_385 : i1
    %add3A_392 = arith.addi %rem3A_383, %select_n3A_382 : i32
    %select_n3A_393 = arith.select %and3A_391, %add3A_392, %rem3A_383 : i32
    %mul3A_394 = arith.constant 128 : i32
    %mul3A_395 = arith.muli %select_n3A_393, %mul3A_394 : i32
    %jit3A_396 = arith.constant 128 : i32
    %div3A_397 = arith.divsi %add3A_377, %jit3A_396 : i32
    %sign3A_398 = arith.constant 0 : i32
    %sign3A_399 = arith.cmpi sgt, %add3A_377, %sign3A_398 : i32
    %sign3A_400 = arith.extui %sign3A_399 : i1 to i32
    %sign3A_401 = arith.constant 0 : i32
    %sign3A_402 = arith.cmpi slt, %add3A_377, %sign3A_401 : i32
    %sign3A_403 = arith.extui %sign3A_402 : i1 to i32
    %sign3A_404 = arith.subi %sign3A_400, %sign3A_403 : i32
    %sign3A_405 = arith.constant 0 : i32
    %sign3A_406 = arith.cmpi sgt, %jit3A_396, %sign3A_405 : i32
    %sign3A_407 = arith.extui %sign3A_406 : i1 to i32
    %sign3A_408 = arith.constant 0 : i32
    %sign3A_409 = arith.cmpi slt, %jit3A_396, %sign3A_408 : i32
    %sign3A_410 = arith.extui %sign3A_409 : i1 to i32
    %sign3A_411 = arith.subi %sign3A_407, %sign3A_410 : i32
    %ne3A_412 = arith.cmpi ne, %sign3A_404, %sign3A_411 : i32
    %rem3A_413 = arith.remsi %add3A_377, %jit3A_396 : i32
    %ne3A_414 = arith.constant 0 : i32
    %ne3A_415 = arith.cmpi ne, %rem3A_413, %ne3A_414 : i32
    %and3A_416 = arith.andi %ne3A_412, %ne3A_415 : i1
    %sub3A_417 = arith.constant 1 : i32
    %sub3A_418 = arith.subi %div3A_397, %sub3A_417 : i32
    %select_n3A_419 = arith.select %and3A_416, %sub3A_418, %div3A_397 : i32
    %eq3A_420 = arith.constant 0 : i32
    %eq3A_421 = arith.cmpi eq, %select_n3A_419, %eq3A_420 : i32
    %convert_element_type3A_422 = arith.extui %eq3A_421 : i1 to i32
    %cond3A_423 = arith.constant 0 : i32
    %cond3A_424 = arith.cmpi ne, %convert_element_type3A_422, %cond3A_423 : i32
    scf.if %cond3A_424 {
      "tpu.region"() ({
        %run_scoped3A = tpu.sem_alloc : memref<!tpu.dma_semaphore, #tpu.memory_space<semaphore_mem>>
        %dma_start3A_1523 = arith.constant 0 : i32
        %dma_start3A_1524 = tpu.memref_slice %arg6[%mul3A_395, %dma_start3A_1523] : memref<16384x256xf32, #tpu.memory_space<hbm>> -> memref<128x256xf32, #tpu.memory_space<hbm>>
        %dma_start3A_1525 = arith.constant 0 : i32
        %dma_start3A_1526 = tpu.memref_slice %arg6[%mul3A_395, %dma_start3A_1525] : memref<16384x256xf32, #tpu.memory_space<hbm>> -> memref<128x256xf32, #tpu.memory_space<hbm>>
        tpu.enqueue_dma source(%arg11 : memref<128x256xf32, #tpu.memory_space<vmem>>) target(%dma_start3A_1526 : memref<128x256xf32, #tpu.memory_space<hbm>>) target_semaphore(%run_scoped3A : memref<!tpu.dma_semaphore, #tpu.memory_space<semaphore_mem>>)
        %dma_wait3A_1527 = arith.constant 0 : i32
        %dma_wait3A_1528 = tpu.memref_slice %arg6[%mul3A_395, %dma_wait3A_1527] : memref<16384x256xf32, #tpu.memory_space<hbm>> -> memref<128x256xf32, #tpu.memory_space<hbm>>
        %dma_wait3A_1529 = arith.constant 0 : i32
        %dma_wait3A_1530 = tpu.memref_slice %arg6[%mul3A_395, %dma_wait3A_1529] : memref<16384x256xf32, #tpu.memory_space<hbm>> -> memref<128x256xf32, #tpu.memory_space<hbm>>
        tpu.wait_dma2 semaphore(%run_scoped3A : memref<!tpu.dma_semaphore, #tpu.memory_space<semaphore_mem>>) src(%arg11 : memref<128x256xf32, #tpu.memory_space<vmem>>) dst(%dma_wait3A_1530 : memref<128x256xf32, #tpu.memory_space<hbm>>)
        tpu.yield
      }) : () -> ()
    } else {
    }
    %eq3A_425 = arith.constant 1 : i32
    %eq3A_426 = arith.cmpi eq, %select_n3A_419, %eq3A_425 : i32
    %convert_element_type3A_427 = arith.extui %eq3A_426 : i1 to i32
    %cond3A_428 = arith.constant 0 : i32
    %cond3A_429 = arith.cmpi ne, %convert_element_type3A_427, %cond3A_428 : i32
    scf.if %cond3A_429 {
      "tpu.region"() ({
        %run_scoped3A = tpu.sem_alloc : memref<!tpu.dma_semaphore, #tpu.memory_space<semaphore_mem>>
        %dma_start3A_1523 = arith.constant 0 : i32
        %dma_start3A_1524 = tpu.memref_slice %arg7[%mul3A_395, %dma_start3A_1523] : memref<16384x256xf32, #tpu.memory_space<hbm>> -> memref<128x256xf32, #tpu.memory_space<hbm>>
        %dma_start3A_1525 = arith.constant 0 : i32
        %dma_start3A_1526 = tpu.memref_slice %arg7[%mul3A_395, %dma_start3A_1525] : memref<16384x256xf32, #tpu.memory_space<hbm>> -> memref<128x256xf32, #tpu.memory_space<hbm>>
        tpu.enqueue_dma source(%arg11 : memref<128x256xf32, #tpu.memory_space<vmem>>) target(%dma_start3A_1526 : memref<128x256xf32, #tpu.memory_space<hbm>>) target_semaphore(%run_scoped3A : memref<!tpu.dma_semaphore, #tpu.memory_space<semaphore_mem>>)
        %dma_wait3A_1527 = arith.constant 0 : i32
        %dma_wait3A_1528 = tpu.memref_slice %arg7[%mul3A_395, %dma_wait3A_1527] : memref<16384x256xf32, #tpu.memory_space<hbm>> -> memref<128x256xf32, #tpu.memory_space<hbm>>
        %dma_wait3A_1529 = arith.constant 0 : i32
        %dma_wait3A_1530 = tpu.memref_slice %arg7[%mul3A_395, %dma_wait3A_1529] : memref<16384x256xf32, #tpu.memory_space<hbm>> -> memref<128x256xf32, #tpu.memory_space<hbm>>
        tpu.wait_dma2 semaphore(%run_scoped3A : memref<!tpu.dma_semaphore, #tpu.memory_space<semaphore_mem>>) src(%arg11 : memref<128x256xf32, #tpu.memory_space<vmem>>) dst(%dma_wait3A_1530 : memref<128x256xf32, #tpu.memory_space<hbm>>)
        tpu.yield
      }) : () -> ()
    } else {
    }
    %eq3A_430 = arith.constant 2 : i32
    %eq3A_431 = arith.cmpi eq, %select_n3A_419, %eq3A_430 : i32
    %convert_element_type3A_432 = arith.extui %eq3A_431 : i1 to i32
    %cond3A_433 = arith.constant 0 : i32
    %cond3A_434 = arith.cmpi ne, %convert_element_type3A_432, %cond3A_433 : i32
    scf.if %cond3A_434 {
      "tpu.region"() ({
        %run_scoped3A = tpu.sem_alloc : memref<!tpu.dma_semaphore, #tpu.memory_space<semaphore_mem>>
        %dma_start3A_1523 = arith.constant 0 : i32
        %dma_start3A_1524 = tpu.memref_slice %arg8[%mul3A_395, %dma_start3A_1523] : memref<16384x256xf32, #tpu.memory_space<hbm>> -> memref<128x256xf32, #tpu.memory_space<hbm>>
        %dma_start3A_1525 = arith.constant 0 : i32
        %dma_start3A_1526 = tpu.memref_slice %arg8[%mul3A_395, %dma_start3A_1525] : memref<16384x256xf32, #tpu.memory_space<hbm>> -> memref<128x256xf32, #tpu.memory_space<hbm>>
        tpu.enqueue_dma source(%arg11 : memref<128x256xf32, #tpu.memory_space<vmem>>) target(%dma_start3A_1526 : memref<128x256xf32, #tpu.memory_space<hbm>>) target_semaphore(%run_scoped3A : memref<!tpu.dma_semaphore, #tpu.memory_space<semaphore_mem>>)
        %dma_wait3A_1527 = arith.constant 0 : i32
        %dma_wait3A_1528 = tpu.memref_slice %arg8[%mul3A_395, %dma_wait3A_1527] : memref<16384x256xf32, #tpu.memory_space<hbm>> -> memref<128x256xf32, #tpu.memory_space<hbm>>
        %dma_wait3A_1529 = arith.constant 0 : i32
        %dma_wait3A_1530 = tpu.memref_slice %arg8[%mul3A_395, %dma_wait3A_1529] : memref<16384x256xf32, #tpu.memory_space<hbm>> -> memref<128x256xf32, #tpu.memory_space<hbm>>
        tpu.wait_dma2 semaphore(%run_scoped3A : memref<!tpu.dma_semaphore, #tpu.memory_space<semaphore_mem>>) src(%arg11 : memref<128x256xf32, #tpu.memory_space<vmem>>) dst(%dma_wait3A_1530 : memref<128x256xf32, #tpu.memory_space<hbm>>)
        tpu.yield
      }) : () -> ()
    } else {
    }
    %mul3A_435 = arith.constant 12 : i32
    %mul3A_436 = arith.muli %add3A, %mul3A_435 : i32
    %add3A_437 = arith.constant 4 : i32
    %add3A_438 = arith.addi %mul3A_436, %add3A_437 : i32
    %jit3A_439 = arith.constant 128 : i32
    %eq3A_440 = arith.constant 0 : i32
    %eq3A_441 = arith.cmpi eq, %jit3A_439, %eq3A_440 : i32
    %jit3A_442 = arith.constant 1 : i32
    %select_n3A_443 = arith.select %eq3A_441, %jit3A_442, %jit3A_439 : i32
    %rem3A_444 = arith.remsi %add3A_438, %select_n3A_443 : i32
    %ne3A_445 = arith.constant 0 : i32
    %ne3A_446 = arith.cmpi ne, %rem3A_444, %ne3A_445 : i32
    %lt3A_447 = arith.constant 0 : i32
    %lt3A_448 = arith.cmpi slt, %rem3A_444, %lt3A_447 : i32
    %lt3A_449 = arith.constant 0 : i32
    %lt3A_450 = arith.cmpi slt, %select_n3A_443, %lt3A_449 : i32
    %ne3A_451 = arith.xori %lt3A_448, %lt3A_450 : i1
    %and3A_452 = arith.andi %ne3A_451, %ne3A_446 : i1
    %add3A_453 = arith.addi %rem3A_444, %select_n3A_443 : i32
    %select_n3A_454 = arith.select %and3A_452, %add3A_453, %rem3A_444 : i32
    %mul3A_455 = arith.constant 128 : i32
    %mul3A_456 = arith.muli %select_n3A_454, %mul3A_455 : i32
    %jit3A_457 = arith.constant 128 : i32
    %div3A_458 = arith.divsi %add3A_438, %jit3A_457 : i32
    %sign3A_459 = arith.constant 0 : i32
    %sign3A_460 = arith.cmpi sgt, %add3A_438, %sign3A_459 : i32
    %sign3A_461 = arith.extui %sign3A_460 : i1 to i32
    %sign3A_462 = arith.constant 0 : i32
    %sign3A_463 = arith.cmpi slt, %add3A_438, %sign3A_462 : i32
    %sign3A_464 = arith.extui %sign3A_463 : i1 to i32
    %sign3A_465 = arith.subi %sign3A_461, %sign3A_464 : i32
    %sign3A_466 = arith.constant 0 : i32
    %sign3A_467 = arith.cmpi sgt, %jit3A_457, %sign3A_466 : i32
    %sign3A_468 = arith.extui %sign3A_467 : i1 to i32
    %sign3A_469 = arith.constant 0 : i32
    %sign3A_470 = arith.cmpi slt, %jit3A_457, %sign3A_469 : i32
    %sign3A_471 = arith.extui %sign3A_470 : i1 to i32
    %sign3A_472 = arith.subi %sign3A_468, %sign3A_471 : i32
    %ne3A_473 = arith.cmpi ne, %sign3A_465, %sign3A_472 : i32
    %rem3A_474 = arith.remsi %add3A_438, %jit3A_457 : i32
    %ne3A_475 = arith.constant 0 : i32
    %ne3A_476 = arith.cmpi ne, %rem3A_474, %ne3A_475 : i32
    %and3A_477 = arith.andi %ne3A_473, %ne3A_476 : i1
    %sub3A_478 = arith.constant 1 : i32
    %sub3A_479 = arith.subi %div3A_458, %sub3A_478 : i32
    %select_n3A_480 = arith.select %and3A_477, %sub3A_479, %div3A_458 : i32
    %eq3A_481 = arith.constant 0 : i32
    %eq3A_482 = arith.cmpi eq, %select_n3A_480, %eq3A_481 : i32
    %convert_element_type3A_483 = arith.extui %eq3A_482 : i1 to i32
    %cond3A_484 = arith.constant 0 : i32
    %cond3A_485 = arith.cmpi ne, %convert_element_type3A_483, %cond3A_484 : i32
    scf.if %cond3A_485 {
      "tpu.region"() ({
        %run_scoped3A = tpu.sem_alloc : memref<!tpu.dma_semaphore, #tpu.memory_space<semaphore_mem>>
        %dma_start3A_1523 = tpu.memref_slice %arg3[%mul3A_456] : memref<16384xi32, #tpu.memory_space<hbm>> -> memref<128xi32, #tpu.memory_space<hbm>>
        %dma_start3A_1524 = tpu.memref_slice %arg3[%mul3A_456] : memref<16384xi32, #tpu.memory_space<hbm>> -> memref<128xi32, #tpu.memory_space<hbm>>
        tpu.enqueue_dma source(%dma_start3A_1524 : memref<128xi32, #tpu.memory_space<hbm>>) target(%arg9 : memref<128xi32, #tpu.memory_space<vmem>>) target_semaphore(%run_scoped3A : memref<!tpu.dma_semaphore, #tpu.memory_space<semaphore_mem>>)
        %dma_wait3A_1525 = tpu.memref_slice %arg3[%mul3A_456] : memref<16384xi32, #tpu.memory_space<hbm>> -> memref<128xi32, #tpu.memory_space<hbm>>
        %dma_wait3A_1526 = tpu.memref_slice %arg3[%mul3A_456] : memref<16384xi32, #tpu.memory_space<hbm>> -> memref<128xi32, #tpu.memory_space<hbm>>
        tpu.wait_dma2 semaphore(%run_scoped3A : memref<!tpu.dma_semaphore, #tpu.memory_space<semaphore_mem>>) src(%dma_wait3A_1526 : memref<128xi32, #tpu.memory_space<hbm>>) dst(%arg9 : memref<128xi32, #tpu.memory_space<vmem>>)
        tpu.yield
      }) : () -> ()
    } else {
    }
    %eq3A_486 = arith.constant 1 : i32
    %eq3A_487 = arith.cmpi eq, %select_n3A_480, %eq3A_486 : i32
    %convert_element_type3A_488 = arith.extui %eq3A_487 : i1 to i32
    %cond3A_489 = arith.constant 0 : i32
    %cond3A_490 = arith.cmpi ne, %convert_element_type3A_488, %cond3A_489 : i32
    scf.if %cond3A_490 {
      "tpu.region"() ({
        %run_scoped3A = tpu.sem_alloc : memref<!tpu.dma_semaphore, #tpu.memory_space<semaphore_mem>>
        %dma_start3A_1523 = tpu.memref_slice %arg4[%mul3A_456] : memref<16384xi32, #tpu.memory_space<hbm>> -> memref<128xi32, #tpu.memory_space<hbm>>
        %dma_start3A_1524 = tpu.memref_slice %arg4[%mul3A_456] : memref<16384xi32, #tpu.memory_space<hbm>> -> memref<128xi32, #tpu.memory_space<hbm>>
        tpu.enqueue_dma source(%dma_start3A_1524 : memref<128xi32, #tpu.memory_space<hbm>>) target(%arg9 : memref<128xi32, #tpu.memory_space<vmem>>) target_semaphore(%run_scoped3A : memref<!tpu.dma_semaphore, #tpu.memory_space<semaphore_mem>>)
        %dma_wait3A_1525 = tpu.memref_slice %arg4[%mul3A_456] : memref<16384xi32, #tpu.memory_space<hbm>> -> memref<128xi32, #tpu.memory_space<hbm>>
        %dma_wait3A_1526 = tpu.memref_slice %arg4[%mul3A_456] : memref<16384xi32, #tpu.memory_space<hbm>> -> memref<128xi32, #tpu.memory_space<hbm>>
        tpu.wait_dma2 semaphore(%run_scoped3A : memref<!tpu.dma_semaphore, #tpu.memory_space<semaphore_mem>>) src(%dma_wait3A_1526 : memref<128xi32, #tpu.memory_space<hbm>>) dst(%arg9 : memref<128xi32, #tpu.memory_space<vmem>>)
        tpu.yield
      }) : () -> ()
    } else {
    }
    %eq3A_491 = arith.constant 2 : i32
    %eq3A_492 = arith.cmpi eq, %select_n3A_480, %eq3A_491 : i32
    %convert_element_type3A_493 = arith.extui %eq3A_492 : i1 to i32
    %cond3A_494 = arith.constant 0 : i32
    %cond3A_495 = arith.cmpi ne, %convert_element_type3A_493, %cond3A_494 : i32
    scf.if %cond3A_495 {
      "tpu.region"() ({
        %run_scoped3A = tpu.sem_alloc : memref<!tpu.dma_semaphore, #tpu.memory_space<semaphore_mem>>
        %dma_start3A_1523 = tpu.memref_slice %arg5[%mul3A_456] : memref<16384xi32, #tpu.memory_space<hbm>> -> memref<128xi32, #tpu.memory_space<hbm>>
        %dma_start3A_1524 = tpu.memref_slice %arg5[%mul3A_456] : memref<16384xi32, #tpu.memory_space<hbm>> -> memref<128xi32, #tpu.memory_space<hbm>>
        tpu.enqueue_dma source(%dma_start3A_1524 : memref<128xi32, #tpu.memory_space<hbm>>) target(%arg9 : memref<128xi32, #tpu.memory_space<vmem>>) target_semaphore(%run_scoped3A : memref<!tpu.dma_semaphore, #tpu.memory_space<semaphore_mem>>)
        %dma_wait3A_1525 = tpu.memref_slice %arg5[%mul3A_456] : memref<16384xi32, #tpu.memory_space<hbm>> -> memref<128xi32, #tpu.memory_space<hbm>>
        %dma_wait3A_1526 = tpu.memref_slice %arg5[%mul3A_456] : memref<16384xi32, #tpu.memory_space<hbm>> -> memref<128xi32, #tpu.memory_space<hbm>>
        tpu.wait_dma2 semaphore(%run_scoped3A : memref<!tpu.dma_semaphore, #tpu.memory_space<semaphore_mem>>) src(%dma_wait3A_1526 : memref<128xi32, #tpu.memory_space<hbm>>) dst(%arg9 : memref<128xi32, #tpu.memory_space<vmem>>)
        tpu.yield
      }) : () -> ()
    } else {
    }
    %dma_start3A_496 = arith.constant 0 : i32
    %dma_start3A_497 = arith.constant 0 : i32
    %dma_start3A_498 = tpu.memref_slice %arg2[%dma_start3A_496, %dma_start3A_497] : memref<1024x256xf32, #tpu.memory_space<hbm>> -> memref<1024x256xf32, #tpu.memory_space<hbm>>
    tpu.enqueue_indirect_dma source(%dma_start3A_498 : memref<1024x256xf32, #tpu.memory_space<hbm>>) target(%arg11 : memref<128x256xf32, #tpu.memory_space<vmem>>) offsets(%arg9 : memref<128xi32, #tpu.memory_space<vmem>>) semaphore(%arg13 : memref<!tpu.dma_semaphore, #tpu.memory_space<semaphore_mem>>)
    %dma_wait3A_499 = arith.constant 0 : i32
    %dma_wait3A_500 = arith.constant 0 : i32
    %dma_wait3A_501 = tpu.memref_slice %arg2[%dma_wait3A_499, %dma_wait3A_500] : memref<1024x256xf32, #tpu.memory_space<hbm>> -> memref<1024x256xf32, #tpu.memory_space<hbm>>
    tpu.wait_indirect_dma semaphore(%arg14 : memref<!tpu.dma_semaphore, #tpu.memory_space<semaphore_mem>>) src(%dma_wait3A_501 : memref<1024x256xf32, #tpu.memory_space<hbm>>) dst(%arg12 : memref<128x256xf32, #tpu.memory_space<vmem>>)
    %mul3A_502 = arith.constant 12 : i32
    %mul3A_503 = arith.muli %add3A, %mul3A_502 : i32
    %add3A_504 = arith.constant 3 : i32
    %add3A_505 = arith.addi %mul3A_503, %add3A_504 : i32
    %jit3A_506 = arith.constant 128 : i32
    %eq3A_507 = arith.constant 0 : i32
    %eq3A_508 = arith.cmpi eq, %jit3A_506, %eq3A_507 : i32
    %jit3A_509 = arith.constant 1 : i32
    %select_n3A_510 = arith.select %eq3A_508, %jit3A_509, %jit3A_506 : i32
    %rem3A_511 = arith.remsi %add3A_505, %select_n3A_510 : i32
    %ne3A_512 = arith.constant 0 : i32
    %ne3A_513 = arith.cmpi ne, %rem3A_511, %ne3A_512 : i32
    %lt3A_514 = arith.constant 0 : i32
    %lt3A_515 = arith.cmpi slt, %rem3A_511, %lt3A_514 : i32
    %lt3A_516 = arith.constant 0 : i32
    %lt3A_517 = arith.cmpi slt, %select_n3A_510, %lt3A_516 : i32
    %ne3A_518 = arith.xori %lt3A_515, %lt3A_517 : i1
    %and3A_519 = arith.andi %ne3A_518, %ne3A_513 : i1
    %add3A_520 = arith.addi %rem3A_511, %select_n3A_510 : i32
    %select_n3A_521 = arith.select %and3A_519, %add3A_520, %rem3A_511 : i32
    %mul3A_522 = arith.constant 128 : i32
    %mul3A_523 = arith.muli %select_n3A_521, %mul3A_522 : i32
    %jit3A_524 = arith.constant 128 : i32
    %div3A_525 = arith.divsi %add3A_505, %jit3A_524 : i32
    %sign3A_526 = arith.constant 0 : i32
    %sign3A_527 = arith.cmpi sgt, %add3A_505, %sign3A_526 : i32
    %sign3A_528 = arith.extui %sign3A_527 : i1 to i32
    %sign3A_529 = arith.constant 0 : i32
    %sign3A_530 = arith.cmpi slt, %add3A_505, %sign3A_529 : i32
    %sign3A_531 = arith.extui %sign3A_530 : i1 to i32
    %sign3A_532 = arith.subi %sign3A_528, %sign3A_531 : i32
    %sign3A_533 = arith.constant 0 : i32
    %sign3A_534 = arith.cmpi sgt, %jit3A_524, %sign3A_533 : i32
    %sign3A_535 = arith.extui %sign3A_534 : i1 to i32
    %sign3A_536 = arith.constant 0 : i32
    %sign3A_537 = arith.cmpi slt, %jit3A_524, %sign3A_536 : i32
    %sign3A_538 = arith.extui %sign3A_537 : i1 to i32
    %sign3A_539 = arith.subi %sign3A_535, %sign3A_538 : i32
    %ne3A_540 = arith.cmpi ne, %sign3A_532, %sign3A_539 : i32
    %rem3A_541 = arith.remsi %add3A_505, %jit3A_524 : i32
    %ne3A_542 = arith.constant 0 : i32
    %ne3A_543 = arith.cmpi ne, %rem3A_541, %ne3A_542 : i32
    %and3A_544 = arith.andi %ne3A_540, %ne3A_543 : i1
    %sub3A_545 = arith.constant 1 : i32
    %sub3A_546 = arith.subi %div3A_525, %sub3A_545 : i32
    %select_n3A_547 = arith.select %and3A_544, %sub3A_546, %div3A_525 : i32
    %eq3A_548 = arith.constant 0 : i32
    %eq3A_549 = arith.cmpi eq, %select_n3A_547, %eq3A_548 : i32
    %convert_element_type3A_550 = arith.extui %eq3A_549 : i1 to i32
    %cond3A_551 = arith.constant 0 : i32
    %cond3A_552 = arith.cmpi ne, %convert_element_type3A_550, %cond3A_551 : i32
    scf.if %cond3A_552 {
      "tpu.region"() ({
        %run_scoped3A = tpu.sem_alloc : memref<!tpu.dma_semaphore, #tpu.memory_space<semaphore_mem>>
        %dma_start3A_1523 = arith.constant 0 : i32
        %dma_start3A_1524 = tpu.memref_slice %arg6[%mul3A_523, %dma_start3A_1523] : memref<16384x256xf32, #tpu.memory_space<hbm>> -> memref<128x256xf32, #tpu.memory_space<hbm>>
        %dma_start3A_1525 = arith.constant 0 : i32
        %dma_start3A_1526 = tpu.memref_slice %arg6[%mul3A_523, %dma_start3A_1525] : memref<16384x256xf32, #tpu.memory_space<hbm>> -> memref<128x256xf32, #tpu.memory_space<hbm>>
        tpu.enqueue_dma source(%arg12 : memref<128x256xf32, #tpu.memory_space<vmem>>) target(%dma_start3A_1526 : memref<128x256xf32, #tpu.memory_space<hbm>>) target_semaphore(%run_scoped3A : memref<!tpu.dma_semaphore, #tpu.memory_space<semaphore_mem>>)
        %dma_wait3A_1527 = arith.constant 0 : i32
        %dma_wait3A_1528 = tpu.memref_slice %arg6[%mul3A_523, %dma_wait3A_1527] : memref<16384x256xf32, #tpu.memory_space<hbm>> -> memref<128x256xf32, #tpu.memory_space<hbm>>
        %dma_wait3A_1529 = arith.constant 0 : i32
        %dma_wait3A_1530 = tpu.memref_slice %arg6[%mul3A_523, %dma_wait3A_1529] : memref<16384x256xf32, #tpu.memory_space<hbm>> -> memref<128x256xf32, #tpu.memory_space<hbm>>
        tpu.wait_dma2 semaphore(%run_scoped3A : memref<!tpu.dma_semaphore, #tpu.memory_space<semaphore_mem>>) src(%arg12 : memref<128x256xf32, #tpu.memory_space<vmem>>) dst(%dma_wait3A_1530 : memref<128x256xf32, #tpu.memory_space<hbm>>)
        tpu.yield
      }) : () -> ()
    } else {
    }
    %eq3A_553 = arith.constant 1 : i32
    %eq3A_554 = arith.cmpi eq, %select_n3A_547, %eq3A_553 : i32
    %convert_element_type3A_555 = arith.extui %eq3A_554 : i1 to i32
    %cond3A_556 = arith.constant 0 : i32
    %cond3A_557 = arith.cmpi ne, %convert_element_type3A_555, %cond3A_556 : i32
    scf.if %cond3A_557 {
      "tpu.region"() ({
        %run_scoped3A = tpu.sem_alloc : memref<!tpu.dma_semaphore, #tpu.memory_space<semaphore_mem>>
        %dma_start3A_1523 = arith.constant 0 : i32
        %dma_start3A_1524 = tpu.memref_slice %arg7[%mul3A_523, %dma_start3A_1523] : memref<16384x256xf32, #tpu.memory_space<hbm>> -> memref<128x256xf32, #tpu.memory_space<hbm>>
        %dma_start3A_1525 = arith.constant 0 : i32
        %dma_start3A_1526 = tpu.memref_slice %arg7[%mul3A_523, %dma_start3A_1525] : memref<16384x256xf32, #tpu.memory_space<hbm>> -> memref<128x256xf32, #tpu.memory_space<hbm>>
        tpu.enqueue_dma source(%arg12 : memref<128x256xf32, #tpu.memory_space<vmem>>) target(%dma_start3A_1526 : memref<128x256xf32, #tpu.memory_space<hbm>>) target_semaphore(%run_scoped3A : memref<!tpu.dma_semaphore, #tpu.memory_space<semaphore_mem>>)
        %dma_wait3A_1527 = arith.constant 0 : i32
        %dma_wait3A_1528 = tpu.memref_slice %arg7[%mul3A_523, %dma_wait3A_1527] : memref<16384x256xf32, #tpu.memory_space<hbm>> -> memref<128x256xf32, #tpu.memory_space<hbm>>
        %dma_wait3A_1529 = arith.constant 0 : i32
        %dma_wait3A_1530 = tpu.memref_slice %arg7[%mul3A_523, %dma_wait3A_1529] : memref<16384x256xf32, #tpu.memory_space<hbm>> -> memref<128x256xf32, #tpu.memory_space<hbm>>
        tpu.wait_dma2 semaphore(%run_scoped3A : memref<!tpu.dma_semaphore, #tpu.memory_space<semaphore_mem>>) src(%arg12 : memref<128x256xf32, #tpu.memory_space<vmem>>) dst(%dma_wait3A_1530 : memref<128x256xf32, #tpu.memory_space<hbm>>)
        tpu.yield
      }) : () -> ()
    } else {
    }
    %eq3A_558 = arith.constant 2 : i32
    %eq3A_559 = arith.cmpi eq, %select_n3A_547, %eq3A_558 : i32
    %convert_element_type3A_560 = arith.extui %eq3A_559 : i1 to i32
    %cond3A_561 = arith.constant 0 : i32
    %cond3A_562 = arith.cmpi ne, %convert_element_type3A_560, %cond3A_561 : i32
    scf.if %cond3A_562 {
      "tpu.region"() ({
        %run_scoped3A = tpu.sem_alloc : memref<!tpu.dma_semaphore, #tpu.memory_space<semaphore_mem>>
        %dma_start3A_1523 = arith.constant 0 : i32
        %dma_start3A_1524 = tpu.memref_slice %arg8[%mul3A_523, %dma_start3A_1523] : memref<16384x256xf32, #tpu.memory_space<hbm>> -> memref<128x256xf32, #tpu.memory_space<hbm>>
        %dma_start3A_1525 = arith.constant 0 : i32
        %dma_start3A_1526 = tpu.memref_slice %arg8[%mul3A_523, %dma_start3A_1525] : memref<16384x256xf32, #tpu.memory_space<hbm>> -> memref<128x256xf32, #tpu.memory_space<hbm>>
        tpu.enqueue_dma source(%arg12 : memref<128x256xf32, #tpu.memory_space<vmem>>) target(%dma_start3A_1526 : memref<128x256xf32, #tpu.memory_space<hbm>>) target_semaphore(%run_scoped3A : memref<!tpu.dma_semaphore, #tpu.memory_space<semaphore_mem>>)
        %dma_wait3A_1527 = arith.constant 0 : i32
        %dma_wait3A_1528 = tpu.memref_slice %arg8[%mul3A_523, %dma_wait3A_1527] : memref<16384x256xf32, #tpu.memory_space<hbm>> -> memref<128x256xf32, #tpu.memory_space<hbm>>
        %dma_wait3A_1529 = arith.constant 0 : i32
        %dma_wait3A_1530 = tpu.memref_slice %arg8[%mul3A_523, %dma_wait3A_1529] : memref<16384x256xf32, #tpu.memory_space<hbm>> -> memref<128x256xf32, #tpu.memory_space<hbm>>
        tpu.wait_dma2 semaphore(%run_scoped3A : memref<!tpu.dma_semaphore, #tpu.memory_space<semaphore_mem>>) src(%arg12 : memref<128x256xf32, #tpu.memory_space<vmem>>) dst(%dma_wait3A_1530 : memref<128x256xf32, #tpu.memory_space<hbm>>)
        tpu.yield
      }) : () -> ()
    } else {
    }
    %mul3A_563 = arith.constant 12 : i32
    %mul3A_564 = arith.muli %add3A, %mul3A_563 : i32
    %add3A_565 = arith.constant 5 : i32
    %add3A_566 = arith.addi %mul3A_564, %add3A_565 : i32
    %jit3A_567 = arith.constant 128 : i32
    %eq3A_568 = arith.constant 0 : i32
    %eq3A_569 = arith.cmpi eq, %jit3A_567, %eq3A_568 : i32
    %jit3A_570 = arith.constant 1 : i32
    %select_n3A_571 = arith.select %eq3A_569, %jit3A_570, %jit3A_567 : i32
    %rem3A_572 = arith.remsi %add3A_566, %select_n3A_571 : i32
    %ne3A_573 = arith.constant 0 : i32
    %ne3A_574 = arith.cmpi ne, %rem3A_572, %ne3A_573 : i32
    %lt3A_575 = arith.constant 0 : i32
    %lt3A_576 = arith.cmpi slt, %rem3A_572, %lt3A_575 : i32
    %lt3A_577 = arith.constant 0 : i32
    %lt3A_578 = arith.cmpi slt, %select_n3A_571, %lt3A_577 : i32
    %ne3A_579 = arith.xori %lt3A_576, %lt3A_578 : i1
    %and3A_580 = arith.andi %ne3A_579, %ne3A_574 : i1
    %add3A_581 = arith.addi %rem3A_572, %select_n3A_571 : i32
    %select_n3A_582 = arith.select %and3A_580, %add3A_581, %rem3A_572 : i32
    %mul3A_583 = arith.constant 128 : i32
    %mul3A_584 = arith.muli %select_n3A_582, %mul3A_583 : i32
    %jit3A_585 = arith.constant 128 : i32
    %div3A_586 = arith.divsi %add3A_566, %jit3A_585 : i32
    %sign3A_587 = arith.constant 0 : i32
    %sign3A_588 = arith.cmpi sgt, %add3A_566, %sign3A_587 : i32
    %sign3A_589 = arith.extui %sign3A_588 : i1 to i32
    %sign3A_590 = arith.constant 0 : i32
    %sign3A_591 = arith.cmpi slt, %add3A_566, %sign3A_590 : i32
    %sign3A_592 = arith.extui %sign3A_591 : i1 to i32
    %sign3A_593 = arith.subi %sign3A_589, %sign3A_592 : i32
    %sign3A_594 = arith.constant 0 : i32
    %sign3A_595 = arith.cmpi sgt, %jit3A_585, %sign3A_594 : i32
    %sign3A_596 = arith.extui %sign3A_595 : i1 to i32
    %sign3A_597 = arith.constant 0 : i32
    %sign3A_598 = arith.cmpi slt, %jit3A_585, %sign3A_597 : i32
    %sign3A_599 = arith.extui %sign3A_598 : i1 to i32
    %sign3A_600 = arith.subi %sign3A_596, %sign3A_599 : i32
    %ne3A_601 = arith.cmpi ne, %sign3A_593, %sign3A_600 : i32
    %rem3A_602 = arith.remsi %add3A_566, %jit3A_585 : i32
    %ne3A_603 = arith.constant 0 : i32
    %ne3A_604 = arith.cmpi ne, %rem3A_602, %ne3A_603 : i32
    %and3A_605 = arith.andi %ne3A_601, %ne3A_604 : i1
    %sub3A_606 = arith.constant 1 : i32
    %sub3A_607 = arith.subi %div3A_586, %sub3A_606 : i32
    %select_n3A_608 = arith.select %and3A_605, %sub3A_607, %div3A_586 : i32
    %eq3A_609 = arith.constant 0 : i32
    %eq3A_610 = arith.cmpi eq, %select_n3A_608, %eq3A_609 : i32
    %convert_element_type3A_611 = arith.extui %eq3A_610 : i1 to i32
    %cond3A_612 = arith.constant 0 : i32
    %cond3A_613 = arith.cmpi ne, %convert_element_type3A_611, %cond3A_612 : i32
    scf.if %cond3A_613 {
      "tpu.region"() ({
        %run_scoped3A = tpu.sem_alloc : memref<!tpu.dma_semaphore, #tpu.memory_space<semaphore_mem>>
        %dma_start3A_1523 = tpu.memref_slice %arg3[%mul3A_584] : memref<16384xi32, #tpu.memory_space<hbm>> -> memref<128xi32, #tpu.memory_space<hbm>>
        %dma_start3A_1524 = tpu.memref_slice %arg3[%mul3A_584] : memref<16384xi32, #tpu.memory_space<hbm>> -> memref<128xi32, #tpu.memory_space<hbm>>
        tpu.enqueue_dma source(%dma_start3A_1524 : memref<128xi32, #tpu.memory_space<hbm>>) target(%arg10 : memref<128xi32, #tpu.memory_space<vmem>>) target_semaphore(%run_scoped3A : memref<!tpu.dma_semaphore, #tpu.memory_space<semaphore_mem>>)
        %dma_wait3A_1525 = tpu.memref_slice %arg3[%mul3A_584] : memref<16384xi32, #tpu.memory_space<hbm>> -> memref<128xi32, #tpu.memory_space<hbm>>
        %dma_wait3A_1526 = tpu.memref_slice %arg3[%mul3A_584] : memref<16384xi32, #tpu.memory_space<hbm>> -> memref<128xi32, #tpu.memory_space<hbm>>
        tpu.wait_dma2 semaphore(%run_scoped3A : memref<!tpu.dma_semaphore, #tpu.memory_space<semaphore_mem>>) src(%dma_wait3A_1526 : memref<128xi32, #tpu.memory_space<hbm>>) dst(%arg10 : memref<128xi32, #tpu.memory_space<vmem>>)
        tpu.yield
      }) : () -> ()
    } else {
    }
    %eq3A_614 = arith.constant 1 : i32
    %eq3A_615 = arith.cmpi eq, %select_n3A_608, %eq3A_614 : i32
    %convert_element_type3A_616 = arith.extui %eq3A_615 : i1 to i32
    %cond3A_617 = arith.constant 0 : i32
    %cond3A_618 = arith.cmpi ne, %convert_element_type3A_616, %cond3A_617 : i32
    scf.if %cond3A_618 {
      "tpu.region"() ({
        %run_scoped3A = tpu.sem_alloc : memref<!tpu.dma_semaphore, #tpu.memory_space<semaphore_mem>>
        %dma_start3A_1523 = tpu.memref_slice %arg4[%mul3A_584] : memref<16384xi32, #tpu.memory_space<hbm>> -> memref<128xi32, #tpu.memory_space<hbm>>
        %dma_start3A_1524 = tpu.memref_slice %arg4[%mul3A_584] : memref<16384xi32, #tpu.memory_space<hbm>> -> memref<128xi32, #tpu.memory_space<hbm>>
        tpu.enqueue_dma source(%dma_start3A_1524 : memref<128xi32, #tpu.memory_space<hbm>>) target(%arg10 : memref<128xi32, #tpu.memory_space<vmem>>) target_semaphore(%run_scoped3A : memref<!tpu.dma_semaphore, #tpu.memory_space<semaphore_mem>>)
        %dma_wait3A_1525 = tpu.memref_slice %arg4[%mul3A_584] : memref<16384xi32, #tpu.memory_space<hbm>> -> memref<128xi32, #tpu.memory_space<hbm>>
        %dma_wait3A_1526 = tpu.memref_slice %arg4[%mul3A_584] : memref<16384xi32, #tpu.memory_space<hbm>> -> memref<128xi32, #tpu.memory_space<hbm>>
        tpu.wait_dma2 semaphore(%run_scoped3A : memref<!tpu.dma_semaphore, #tpu.memory_space<semaphore_mem>>) src(%dma_wait3A_1526 : memref<128xi32, #tpu.memory_space<hbm>>) dst(%arg10 : memref<128xi32, #tpu.memory_space<vmem>>)
        tpu.yield
      }) : () -> ()
    } else {
    }
    %eq3A_619 = arith.constant 2 : i32
    %eq3A_620 = arith.cmpi eq, %select_n3A_608, %eq3A_619 : i32
    %convert_element_type3A_621 = arith.extui %eq3A_620 : i1 to i32
    %cond3A_622 = arith.constant 0 : i32
    %cond3A_623 = arith.cmpi ne, %convert_element_type3A_621, %cond3A_622 : i32
    scf.if %cond3A_623 {
      "tpu.region"() ({
        %run_scoped3A = tpu.sem_alloc : memref<!tpu.dma_semaphore, #tpu.memory_space<semaphore_mem>>
        %dma_start3A_1523 = tpu.memref_slice %arg5[%mul3A_584] : memref<16384xi32, #tpu.memory_space<hbm>> -> memref<128xi32, #tpu.memory_space<hbm>>
        %dma_start3A_1524 = tpu.memref_slice %arg5[%mul3A_584] : memref<16384xi32, #tpu.memory_space<hbm>> -> memref<128xi32, #tpu.memory_space<hbm>>
        tpu.enqueue_dma source(%dma_start3A_1524 : memref<128xi32, #tpu.memory_space<hbm>>) target(%arg10 : memref<128xi32, #tpu.memory_space<vmem>>) target_semaphore(%run_scoped3A : memref<!tpu.dma_semaphore, #tpu.memory_space<semaphore_mem>>)
        %dma_wait3A_1525 = tpu.memref_slice %arg5[%mul3A_584] : memref<16384xi32, #tpu.memory_space<hbm>> -> memref<128xi32, #tpu.memory_space<hbm>>
        %dma_wait3A_1526 = tpu.memref_slice %arg5[%mul3A_584] : memref<16384xi32, #tpu.memory_space<hbm>> -> memref<128xi32, #tpu.memory_space<hbm>>
        tpu.wait_dma2 semaphore(%run_scoped3A : memref<!tpu.dma_semaphore, #tpu.memory_space<semaphore_mem>>) src(%dma_wait3A_1526 : memref<128xi32, #tpu.memory_space<hbm>>) dst(%arg10 : memref<128xi32, #tpu.memory_space<vmem>>)
        tpu.yield
      }) : () -> ()
    } else {
    }
    %dma_start3A_624 = arith.constant 0 : i32
    %dma_start3A_625 = arith.constant 0 : i32
    %dma_start3A_626 = tpu.memref_slice %arg2[%dma_start3A_624, %dma_start3A_625] : memref<1024x256xf32, #tpu.memory_space<hbm>> -> memref<1024x256xf32, #tpu.memory_space<hbm>>
    tpu.enqueue_indirect_dma source(%dma_start3A_626 : memref<1024x256xf32, #tpu.memory_space<hbm>>) target(%arg12 : memref<128x256xf32, #tpu.memory_space<vmem>>) offsets(%arg10 : memref<128xi32, #tpu.memory_space<vmem>>) semaphore(%arg14 : memref<!tpu.dma_semaphore, #tpu.memory_space<semaphore_mem>>)
    %dma_wait3A_627 = arith.constant 0 : i32
    %dma_wait3A_628 = arith.constant 0 : i32
    %dma_wait3A_629 = tpu.memref_slice %arg2[%dma_wait3A_627, %dma_wait3A_628] : memref<1024x256xf32, #tpu.memory_space<hbm>> -> memref<1024x256xf32, #tpu.memory_space<hbm>>
    tpu.wait_indirect_dma semaphore(%arg13 : memref<!tpu.dma_semaphore, #tpu.memory_space<semaphore_mem>>) src(%dma_wait3A_629 : memref<1024x256xf32, #tpu.memory_space<hbm>>) dst(%arg11 : memref<128x256xf32, #tpu.memory_space<vmem>>)
    %mul3A_630 = arith.constant 12 : i32
    %mul3A_631 = arith.muli %add3A, %mul3A_630 : i32
    %add3A_632 = arith.constant 4 : i32
    %add3A_633 = arith.addi %mul3A_631, %add3A_632 : i32
    %jit3A_634 = arith.constant 128 : i32
    %eq3A_635 = arith.constant 0 : i32
    %eq3A_636 = arith.cmpi eq, %jit3A_634, %eq3A_635 : i32
    %jit3A_637 = arith.constant 1 : i32
    %select_n3A_638 = arith.select %eq3A_636, %jit3A_637, %jit3A_634 : i32
    %rem3A_639 = arith.remsi %add3A_633, %select_n3A_638 : i32
    %ne3A_640 = arith.constant 0 : i32
    %ne3A_641 = arith.cmpi ne, %rem3A_639, %ne3A_640 : i32
    %lt3A_642 = arith.constant 0 : i32
    %lt3A_643 = arith.cmpi slt, %rem3A_639, %lt3A_642 : i32
    %lt3A_644 = arith.constant 0 : i32
    %lt3A_645 = arith.cmpi slt, %select_n3A_638, %lt3A_644 : i32
    %ne3A_646 = arith.xori %lt3A_643, %lt3A_645 : i1
    %and3A_647 = arith.andi %ne3A_646, %ne3A_641 : i1
    %add3A_648 = arith.addi %rem3A_639, %select_n3A_638 : i32
    %select_n3A_649 = arith.select %and3A_647, %add3A_648, %rem3A_639 : i32
    %mul3A_650 = arith.constant 128 : i32
    %mul3A_651 = arith.muli %select_n3A_649, %mul3A_650 : i32
    %jit3A_652 = arith.constant 128 : i32
    %div3A_653 = arith.divsi %add3A_633, %jit3A_652 : i32
    %sign3A_654 = arith.constant 0 : i32
    %sign3A_655 = arith.cmpi sgt, %add3A_633, %sign3A_654 : i32
    %sign3A_656 = arith.extui %sign3A_655 : i1 to i32
    %sign3A_657 = arith.constant 0 : i32
    %sign3A_658 = arith.cmpi slt, %add3A_633, %sign3A_657 : i32
    %sign3A_659 = arith.extui %sign3A_658 : i1 to i32
    %sign3A_660 = arith.subi %sign3A_656, %sign3A_659 : i32
    %sign3A_661 = arith.constant 0 : i32
    %sign3A_662 = arith.cmpi sgt, %jit3A_652, %sign3A_661 : i32
    %sign3A_663 = arith.extui %sign3A_662 : i1 to i32
    %sign3A_664 = arith.constant 0 : i32
    %sign3A_665 = arith.cmpi slt, %jit3A_652, %sign3A_664 : i32
    %sign3A_666 = arith.extui %sign3A_665 : i1 to i32
    %sign3A_667 = arith.subi %sign3A_663, %sign3A_666 : i32
    %ne3A_668 = arith.cmpi ne, %sign3A_660, %sign3A_667 : i32
    %rem3A_669 = arith.remsi %add3A_633, %jit3A_652 : i32
    %ne3A_670 = arith.constant 0 : i32
    %ne3A_671 = arith.cmpi ne, %rem3A_669, %ne3A_670 : i32
    %and3A_672 = arith.andi %ne3A_668, %ne3A_671 : i1
    %sub3A_673 = arith.constant 1 : i32
    %sub3A_674 = arith.subi %div3A_653, %sub3A_673 : i32
    %select_n3A_675 = arith.select %and3A_672, %sub3A_674, %div3A_653 : i32
    %eq3A_676 = arith.constant 0 : i32
    %eq3A_677 = arith.cmpi eq, %select_n3A_675, %eq3A_676 : i32
    %convert_element_type3A_678 = arith.extui %eq3A_677 : i1 to i32
    %cond3A_679 = arith.constant 0 : i32
    %cond3A_680 = arith.cmpi ne, %convert_element_type3A_678, %cond3A_679 : i32
    scf.if %cond3A_680 {
      "tpu.region"() ({
        %run_scoped3A = tpu.sem_alloc : memref<!tpu.dma_semaphore, #tpu.memory_space<semaphore_mem>>
        %dma_start3A_1523 = arith.constant 0 : i32
        %dma_start3A_1524 = tpu.memref_slice %arg6[%mul3A_651, %dma_start3A_1523] : memref<16384x256xf32, #tpu.memory_space<hbm>> -> memref<128x256xf32, #tpu.memory_space<hbm>>
        %dma_start3A_1525 = arith.constant 0 : i32
        %dma_start3A_1526 = tpu.memref_slice %arg6[%mul3A_651, %dma_start3A_1525] : memref<16384x256xf32, #tpu.memory_space<hbm>> -> memref<128x256xf32, #tpu.memory_space<hbm>>
        tpu.enqueue_dma source(%arg11 : memref<128x256xf32, #tpu.memory_space<vmem>>) target(%dma_start3A_1526 : memref<128x256xf32, #tpu.memory_space<hbm>>) target_semaphore(%run_scoped3A : memref<!tpu.dma_semaphore, #tpu.memory_space<semaphore_mem>>)
        %dma_wait3A_1527 = arith.constant 0 : i32
        %dma_wait3A_1528 = tpu.memref_slice %arg6[%mul3A_651, %dma_wait3A_1527] : memref<16384x256xf32, #tpu.memory_space<hbm>> -> memref<128x256xf32, #tpu.memory_space<hbm>>
        %dma_wait3A_1529 = arith.constant 0 : i32
        %dma_wait3A_1530 = tpu.memref_slice %arg6[%mul3A_651, %dma_wait3A_1529] : memref<16384x256xf32, #tpu.memory_space<hbm>> -> memref<128x256xf32, #tpu.memory_space<hbm>>
        tpu.wait_dma2 semaphore(%run_scoped3A : memref<!tpu.dma_semaphore, #tpu.memory_space<semaphore_mem>>) src(%arg11 : memref<128x256xf32, #tpu.memory_space<vmem>>) dst(%dma_wait3A_1530 : memref<128x256xf32, #tpu.memory_space<hbm>>)
        tpu.yield
      }) : () -> ()
    } else {
    }
    %eq3A_681 = arith.constant 1 : i32
    %eq3A_682 = arith.cmpi eq, %select_n3A_675, %eq3A_681 : i32
    %convert_element_type3A_683 = arith.extui %eq3A_682 : i1 to i32
    %cond3A_684 = arith.constant 0 : i32
    %cond3A_685 = arith.cmpi ne, %convert_element_type3A_683, %cond3A_684 : i32
    scf.if %cond3A_685 {
      "tpu.region"() ({
        %run_scoped3A = tpu.sem_alloc : memref<!tpu.dma_semaphore, #tpu.memory_space<semaphore_mem>>
        %dma_start3A_1523 = arith.constant 0 : i32
        %dma_start3A_1524 = tpu.memref_slice %arg7[%mul3A_651, %dma_start3A_1523] : memref<16384x256xf32, #tpu.memory_space<hbm>> -> memref<128x256xf32, #tpu.memory_space<hbm>>
        %dma_start3A_1525 = arith.constant 0 : i32
        %dma_start3A_1526 = tpu.memref_slice %arg7[%mul3A_651, %dma_start3A_1525] : memref<16384x256xf32, #tpu.memory_space<hbm>> -> memref<128x256xf32, #tpu.memory_space<hbm>>
        tpu.enqueue_dma source(%arg11 : memref<128x256xf32, #tpu.memory_space<vmem>>) target(%dma_start3A_1526 : memref<128x256xf32, #tpu.memory_space<hbm>>) target_semaphore(%run_scoped3A : memref<!tpu.dma_semaphore, #tpu.memory_space<semaphore_mem>>)
        %dma_wait3A_1527 = arith.constant 0 : i32
        %dma_wait3A_1528 = tpu.memref_slice %arg7[%mul3A_651, %dma_wait3A_1527] : memref<16384x256xf32, #tpu.memory_space<hbm>> -> memref<128x256xf32, #tpu.memory_space<hbm>>
        %dma_wait3A_1529 = arith.constant 0 : i32
        %dma_wait3A_1530 = tpu.memref_slice %arg7[%mul3A_651, %dma_wait3A_1529] : memref<16384x256xf32, #tpu.memory_space<hbm>> -> memref<128x256xf32, #tpu.memory_space<hbm>>
        tpu.wait_dma2 semaphore(%run_scoped3A : memref<!tpu.dma_semaphore, #tpu.memory_space<semaphore_mem>>) src(%arg11 : memref<128x256xf32, #tpu.memory_space<vmem>>) dst(%dma_wait3A_1530 : memref<128x256xf32, #tpu.memory_space<hbm>>)
        tpu.yield
      }) : () -> ()
    } else {
    }
    %eq3A_686 = arith.constant 2 : i32
    %eq3A_687 = arith.cmpi eq, %select_n3A_675, %eq3A_686 : i32
    %convert_element_type3A_688 = arith.extui %eq3A_687 : i1 to i32
    %cond3A_689 = arith.constant 0 : i32
    %cond3A_690 = arith.cmpi ne, %convert_element_type3A_688, %cond3A_689 : i32
    scf.if %cond3A_690 {
      "tpu.region"() ({
        %run_scoped3A = tpu.sem_alloc : memref<!tpu.dma_semaphore, #tpu.memory_space<semaphore_mem>>
        %dma_start3A_1523 = arith.constant 0 : i32
        %dma_start3A_1524 = tpu.memref_slice %arg8[%mul3A_651, %dma_start3A_1523] : memref<16384x256xf32, #tpu.memory_space<hbm>> -> memref<128x256xf32, #tpu.memory_space<hbm>>
        %dma_start3A_1525 = arith.constant 0 : i32
        %dma_start3A_1526 = tpu.memref_slice %arg8[%mul3A_651, %dma_start3A_1525] : memref<16384x256xf32, #tpu.memory_space<hbm>> -> memref<128x256xf32, #tpu.memory_space<hbm>>
        tpu.enqueue_dma source(%arg11 : memref<128x256xf32, #tpu.memory_space<vmem>>) target(%dma_start3A_1526 : memref<128x256xf32, #tpu.memory_space<hbm>>) target_semaphore(%run_scoped3A : memref<!tpu.dma_semaphore, #tpu.memory_space<semaphore_mem>>)
        %dma_wait3A_1527 = arith.constant 0 : i32
        %dma_wait3A_1528 = tpu.memref_slice %arg8[%mul3A_651, %dma_wait3A_1527] : memref<16384x256xf32, #tpu.memory_space<hbm>> -> memref<128x256xf32, #tpu.memory_space<hbm>>
        %dma_wait3A_1529 = arith.constant 0 : i32
        %dma_wait3A_1530 = tpu.memref_slice %arg8[%mul3A_651, %dma_wait3A_1529] : memref<16384x256xf32, #tpu.memory_space<hbm>> -> memref<128x256xf32, #tpu.memory_space<hbm>>
        tpu.wait_dma2 semaphore(%run_scoped3A : memref<!tpu.dma_semaphore, #tpu.memory_space<semaphore_mem>>) src(%arg11 : memref<128x256xf32, #tpu.memory_space<vmem>>) dst(%dma_wait3A_1530 : memref<128x256xf32, #tpu.memory_space<hbm>>)
        tpu.yield
      }) : () -> ()
    } else {
    }
    %mul3A_691 = arith.constant 12 : i32
    %mul3A_692 = arith.muli %add3A, %mul3A_691 : i32
    %add3A_693 = arith.constant 6 : i32
    %add3A_694 = arith.addi %mul3A_692, %add3A_693 : i32
    %jit3A_695 = arith.constant 128 : i32
    %eq3A_696 = arith.constant 0 : i32
    %eq3A_697 = arith.cmpi eq, %jit3A_695, %eq3A_696 : i32
    %jit3A_698 = arith.constant 1 : i32
    %select_n3A_699 = arith.select %eq3A_697, %jit3A_698, %jit3A_695 : i32
    %rem3A_700 = arith.remsi %add3A_694, %select_n3A_699 : i32
    %ne3A_701 = arith.constant 0 : i32
    %ne3A_702 = arith.cmpi ne, %rem3A_700, %ne3A_701 : i32
    %lt3A_703 = arith.constant 0 : i32
    %lt3A_704 = arith.cmpi slt, %rem3A_700, %lt3A_703 : i32
    %lt3A_705 = arith.constant 0 : i32
    %lt3A_706 = arith.cmpi slt, %select_n3A_699, %lt3A_705 : i32
    %ne3A_707 = arith.xori %lt3A_704, %lt3A_706 : i1
    %and3A_708 = arith.andi %ne3A_707, %ne3A_702 : i1
    %add3A_709 = arith.addi %rem3A_700, %select_n3A_699 : i32
    %select_n3A_710 = arith.select %and3A_708, %add3A_709, %rem3A_700 : i32
    %mul3A_711 = arith.constant 128 : i32
    %mul3A_712 = arith.muli %select_n3A_710, %mul3A_711 : i32
    %jit3A_713 = arith.constant 128 : i32
    %div3A_714 = arith.divsi %add3A_694, %jit3A_713 : i32
    %sign3A_715 = arith.constant 0 : i32
    %sign3A_716 = arith.cmpi sgt, %add3A_694, %sign3A_715 : i32
    %sign3A_717 = arith.extui %sign3A_716 : i1 to i32
    %sign3A_718 = arith.constant 0 : i32
    %sign3A_719 = arith.cmpi slt, %add3A_694, %sign3A_718 : i32
    %sign3A_720 = arith.extui %sign3A_719 : i1 to i32
    %sign3A_721 = arith.subi %sign3A_717, %sign3A_720 : i32
    %sign3A_722 = arith.constant 0 : i32
    %sign3A_723 = arith.cmpi sgt, %jit3A_713, %sign3A_722 : i32
    %sign3A_724 = arith.extui %sign3A_723 : i1 to i32
    %sign3A_725 = arith.constant 0 : i32
    %sign3A_726 = arith.cmpi slt, %jit3A_713, %sign3A_725 : i32
    %sign3A_727 = arith.extui %sign3A_726 : i1 to i32
    %sign3A_728 = arith.subi %sign3A_724, %sign3A_727 : i32
    %ne3A_729 = arith.cmpi ne, %sign3A_721, %sign3A_728 : i32
    %rem3A_730 = arith.remsi %add3A_694, %jit3A_713 : i32
    %ne3A_731 = arith.constant 0 : i32
    %ne3A_732 = arith.cmpi ne, %rem3A_730, %ne3A_731 : i32
    %and3A_733 = arith.andi %ne3A_729, %ne3A_732 : i1
    %sub3A_734 = arith.constant 1 : i32
    %sub3A_735 = arith.subi %div3A_714, %sub3A_734 : i32
    %select_n3A_736 = arith.select %and3A_733, %sub3A_735, %div3A_714 : i32
    %eq3A_737 = arith.constant 0 : i32
    %eq3A_738 = arith.cmpi eq, %select_n3A_736, %eq3A_737 : i32
    %convert_element_type3A_739 = arith.extui %eq3A_738 : i1 to i32
    %cond3A_740 = arith.constant 0 : i32
    %cond3A_741 = arith.cmpi ne, %convert_element_type3A_739, %cond3A_740 : i32
    scf.if %cond3A_741 {
      "tpu.region"() ({
        %run_scoped3A = tpu.sem_alloc : memref<!tpu.dma_semaphore, #tpu.memory_space<semaphore_mem>>
        %dma_start3A_1523 = tpu.memref_slice %arg3[%mul3A_712] : memref<16384xi32, #tpu.memory_space<hbm>> -> memref<128xi32, #tpu.memory_space<hbm>>
        %dma_start3A_1524 = tpu.memref_slice %arg3[%mul3A_712] : memref<16384xi32, #tpu.memory_space<hbm>> -> memref<128xi32, #tpu.memory_space<hbm>>
        tpu.enqueue_dma source(%dma_start3A_1524 : memref<128xi32, #tpu.memory_space<hbm>>) target(%arg9 : memref<128xi32, #tpu.memory_space<vmem>>) target_semaphore(%run_scoped3A : memref<!tpu.dma_semaphore, #tpu.memory_space<semaphore_mem>>)
        %dma_wait3A_1525 = tpu.memref_slice %arg3[%mul3A_712] : memref<16384xi32, #tpu.memory_space<hbm>> -> memref<128xi32, #tpu.memory_space<hbm>>
        %dma_wait3A_1526 = tpu.memref_slice %arg3[%mul3A_712] : memref<16384xi32, #tpu.memory_space<hbm>> -> memref<128xi32, #tpu.memory_space<hbm>>
        tpu.wait_dma2 semaphore(%run_scoped3A : memref<!tpu.dma_semaphore, #tpu.memory_space<semaphore_mem>>) src(%dma_wait3A_1526 : memref<128xi32, #tpu.memory_space<hbm>>) dst(%arg9 : memref<128xi32, #tpu.memory_space<vmem>>)
        tpu.yield
      }) : () -> ()
    } else {
    }
    %eq3A_742 = arith.constant 1 : i32
    %eq3A_743 = arith.cmpi eq, %select_n3A_736, %eq3A_742 : i32
    %convert_element_type3A_744 = arith.extui %eq3A_743 : i1 to i32
    %cond3A_745 = arith.constant 0 : i32
    %cond3A_746 = arith.cmpi ne, %convert_element_type3A_744, %cond3A_745 : i32
    scf.if %cond3A_746 {
      "tpu.region"() ({
        %run_scoped3A = tpu.sem_alloc : memref<!tpu.dma_semaphore, #tpu.memory_space<semaphore_mem>>
        %dma_start3A_1523 = tpu.memref_slice %arg4[%mul3A_712] : memref<16384xi32, #tpu.memory_space<hbm>> -> memref<128xi32, #tpu.memory_space<hbm>>
        %dma_start3A_1524 = tpu.memref_slice %arg4[%mul3A_712] : memref<16384xi32, #tpu.memory_space<hbm>> -> memref<128xi32, #tpu.memory_space<hbm>>
        tpu.enqueue_dma source(%dma_start3A_1524 : memref<128xi32, #tpu.memory_space<hbm>>) target(%arg9 : memref<128xi32, #tpu.memory_space<vmem>>) target_semaphore(%run_scoped3A : memref<!tpu.dma_semaphore, #tpu.memory_space<semaphore_mem>>)
        %dma_wait3A_1525 = tpu.memref_slice %arg4[%mul3A_712] : memref<16384xi32, #tpu.memory_space<hbm>> -> memref<128xi32, #tpu.memory_space<hbm>>
        %dma_wait3A_1526 = tpu.memref_slice %arg4[%mul3A_712] : memref<16384xi32, #tpu.memory_space<hbm>> -> memref<128xi32, #tpu.memory_space<hbm>>
        tpu.wait_dma2 semaphore(%run_scoped3A : memref<!tpu.dma_semaphore, #tpu.memory_space<semaphore_mem>>) src(%dma_wait3A_1526 : memref<128xi32, #tpu.memory_space<hbm>>) dst(%arg9 : memref<128xi32, #tpu.memory_space<vmem>>)
        tpu.yield
      }) : () -> ()
    } else {
    }
    %eq3A_747 = arith.constant 2 : i32
    %eq3A_748 = arith.cmpi eq, %select_n3A_736, %eq3A_747 : i32
    %convert_element_type3A_749 = arith.extui %eq3A_748 : i1 to i32
    %cond3A_750 = arith.constant 0 : i32
    %cond3A_751 = arith.cmpi ne, %convert_element_type3A_749, %cond3A_750 : i32
    scf.if %cond3A_751 {
      "tpu.region"() ({
        %run_scoped3A = tpu.sem_alloc : memref<!tpu.dma_semaphore, #tpu.memory_space<semaphore_mem>>
        %dma_start3A_1523 = tpu.memref_slice %arg5[%mul3A_712] : memref<16384xi32, #tpu.memory_space<hbm>> -> memref<128xi32, #tpu.memory_space<hbm>>
        %dma_start3A_1524 = tpu.memref_slice %arg5[%mul3A_712] : memref<16384xi32, #tpu.memory_space<hbm>> -> memref<128xi32, #tpu.memory_space<hbm>>
        tpu.enqueue_dma source(%dma_start3A_1524 : memref<128xi32, #tpu.memory_space<hbm>>) target(%arg9 : memref<128xi32, #tpu.memory_space<vmem>>) target_semaphore(%run_scoped3A : memref<!tpu.dma_semaphore, #tpu.memory_space<semaphore_mem>>)
        %dma_wait3A_1525 = tpu.memref_slice %arg5[%mul3A_712] : memref<16384xi32, #tpu.memory_space<hbm>> -> memref<128xi32, #tpu.memory_space<hbm>>
        %dma_wait3A_1526 = tpu.memref_slice %arg5[%mul3A_712] : memref<16384xi32, #tpu.memory_space<hbm>> -> memref<128xi32, #tpu.memory_space<hbm>>
        tpu.wait_dma2 semaphore(%run_scoped3A : memref<!tpu.dma_semaphore, #tpu.memory_space<semaphore_mem>>) src(%dma_wait3A_1526 : memref<128xi32, #tpu.memory_space<hbm>>) dst(%arg9 : memref<128xi32, #tpu.memory_space<vmem>>)
        tpu.yield
      }) : () -> ()
    } else {
    }
    %dma_start3A_752 = arith.constant 0 : i32
    %dma_start3A_753 = arith.constant 0 : i32
    %dma_start3A_754 = tpu.memref_slice %arg2[%dma_start3A_752, %dma_start3A_753] : memref<1024x256xf32, #tpu.memory_space<hbm>> -> memref<1024x256xf32, #tpu.memory_space<hbm>>
    tpu.enqueue_indirect_dma source(%dma_start3A_754 : memref<1024x256xf32, #tpu.memory_space<hbm>>) target(%arg11 : memref<128x256xf32, #tpu.memory_space<vmem>>) offsets(%arg9 : memref<128xi32, #tpu.memory_space<vmem>>) semaphore(%arg13 : memref<!tpu.dma_semaphore, #tpu.memory_space<semaphore_mem>>)
    %dma_wait3A_755 = arith.constant 0 : i32
    %dma_wait3A_756 = arith.constant 0 : i32
    %dma_wait3A_757 = tpu.memref_slice %arg2[%dma_wait3A_755, %dma_wait3A_756] : memref<1024x256xf32, #tpu.memory_space<hbm>> -> memref<1024x256xf32, #tpu.memory_space<hbm>>
    tpu.wait_indirect_dma semaphore(%arg14 : memref<!tpu.dma_semaphore, #tpu.memory_space<semaphore_mem>>) src(%dma_wait3A_757 : memref<1024x256xf32, #tpu.memory_space<hbm>>) dst(%arg12 : memref<128x256xf32, #tpu.memory_space<vmem>>)
    %mul3A_758 = arith.constant 12 : i32
    %mul3A_759 = arith.muli %add3A, %mul3A_758 : i32
    %add3A_760 = arith.constant 5 : i32
    %add3A_761 = arith.addi %mul3A_759, %add3A_760 : i32
    %jit3A_762 = arith.constant 128 : i32
    %eq3A_763 = arith.constant 0 : i32
    %eq3A_764 = arith.cmpi eq, %jit3A_762, %eq3A_763 : i32
    %jit3A_765 = arith.constant 1 : i32
    %select_n3A_766 = arith.select %eq3A_764, %jit3A_765, %jit3A_762 : i32
    %rem3A_767 = arith.remsi %add3A_761, %select_n3A_766 : i32
    %ne3A_768 = arith.constant 0 : i32
    %ne3A_769 = arith.cmpi ne, %rem3A_767, %ne3A_768 : i32
    %lt3A_770 = arith.constant 0 : i32
    %lt3A_771 = arith.cmpi slt, %rem3A_767, %lt3A_770 : i32
    %lt3A_772 = arith.constant 0 : i32
    %lt3A_773 = arith.cmpi slt, %select_n3A_766, %lt3A_772 : i32
    %ne3A_774 = arith.xori %lt3A_771, %lt3A_773 : i1
    %and3A_775 = arith.andi %ne3A_774, %ne3A_769 : i1
    %add3A_776 = arith.addi %rem3A_767, %select_n3A_766 : i32
    %select_n3A_777 = arith.select %and3A_775, %add3A_776, %rem3A_767 : i32
    %mul3A_778 = arith.constant 128 : i32
    %mul3A_779 = arith.muli %select_n3A_777, %mul3A_778 : i32
    %jit3A_780 = arith.constant 128 : i32
    %div3A_781 = arith.divsi %add3A_761, %jit3A_780 : i32
    %sign3A_782 = arith.constant 0 : i32
    %sign3A_783 = arith.cmpi sgt, %add3A_761, %sign3A_782 : i32
    %sign3A_784 = arith.extui %sign3A_783 : i1 to i32
    %sign3A_785 = arith.constant 0 : i32
    %sign3A_786 = arith.cmpi slt, %add3A_761, %sign3A_785 : i32
    %sign3A_787 = arith.extui %sign3A_786 : i1 to i32
    %sign3A_788 = arith.subi %sign3A_784, %sign3A_787 : i32
    %sign3A_789 = arith.constant 0 : i32
    %sign3A_790 = arith.cmpi sgt, %jit3A_780, %sign3A_789 : i32
    %sign3A_791 = arith.extui %sign3A_790 : i1 to i32
    %sign3A_792 = arith.constant 0 : i32
    %sign3A_793 = arith.cmpi slt, %jit3A_780, %sign3A_792 : i32
    %sign3A_794 = arith.extui %sign3A_793 : i1 to i32
    %sign3A_795 = arith.subi %sign3A_791, %sign3A_794 : i32
    %ne3A_796 = arith.cmpi ne, %sign3A_788, %sign3A_795 : i32
    %rem3A_797 = arith.remsi %add3A_761, %jit3A_780 : i32
    %ne3A_798 = arith.constant 0 : i32
    %ne3A_799 = arith.cmpi ne, %rem3A_797, %ne3A_798 : i32
    %and3A_800 = arith.andi %ne3A_796, %ne3A_799 : i1
    %sub3A_801 = arith.constant 1 : i32
    %sub3A_802 = arith.subi %div3A_781, %sub3A_801 : i32
    %select_n3A_803 = arith.select %and3A_800, %sub3A_802, %div3A_781 : i32
    %eq3A_804 = arith.constant 0 : i32
    %eq3A_805 = arith.cmpi eq, %select_n3A_803, %eq3A_804 : i32
    %convert_element_type3A_806 = arith.extui %eq3A_805 : i1 to i32
    %cond3A_807 = arith.constant 0 : i32
    %cond3A_808 = arith.cmpi ne, %convert_element_type3A_806, %cond3A_807 : i32
    scf.if %cond3A_808 {
      "tpu.region"() ({
        %run_scoped3A = tpu.sem_alloc : memref<!tpu.dma_semaphore, #tpu.memory_space<semaphore_mem>>
        %dma_start3A_1523 = arith.constant 0 : i32
        %dma_start3A_1524 = tpu.memref_slice %arg6[%mul3A_779, %dma_start3A_1523] : memref<16384x256xf32, #tpu.memory_space<hbm>> -> memref<128x256xf32, #tpu.memory_space<hbm>>
        %dma_start3A_1525 = arith.constant 0 : i32
        %dma_start3A_1526 = tpu.memref_slice %arg6[%mul3A_779, %dma_start3A_1525] : memref<16384x256xf32, #tpu.memory_space<hbm>> -> memref<128x256xf32, #tpu.memory_space<hbm>>
        tpu.enqueue_dma source(%arg12 : memref<128x256xf32, #tpu.memory_space<vmem>>) target(%dma_start3A_1526 : memref<128x256xf32, #tpu.memory_space<hbm>>) target_semaphore(%run_scoped3A : memref<!tpu.dma_semaphore, #tpu.memory_space<semaphore_mem>>)
        %dma_wait3A_1527 = arith.constant 0 : i32
        %dma_wait3A_1528 = tpu.memref_slice %arg6[%mul3A_779, %dma_wait3A_1527] : memref<16384x256xf32, #tpu.memory_space<hbm>> -> memref<128x256xf32, #tpu.memory_space<hbm>>
        %dma_wait3A_1529 = arith.constant 0 : i32
        %dma_wait3A_1530 = tpu.memref_slice %arg6[%mul3A_779, %dma_wait3A_1529] : memref<16384x256xf32, #tpu.memory_space<hbm>> -> memref<128x256xf32, #tpu.memory_space<hbm>>
        tpu.wait_dma2 semaphore(%run_scoped3A : memref<!tpu.dma_semaphore, #tpu.memory_space<semaphore_mem>>) src(%arg12 : memref<128x256xf32, #tpu.memory_space<vmem>>) dst(%dma_wait3A_1530 : memref<128x256xf32, #tpu.memory_space<hbm>>)
        tpu.yield
      }) : () -> ()
    } else {
    }
    %eq3A_809 = arith.constant 1 : i32
    %eq3A_810 = arith.cmpi eq, %select_n3A_803, %eq3A_809 : i32
    %convert_element_type3A_811 = arith.extui %eq3A_810 : i1 to i32
    %cond3A_812 = arith.constant 0 : i32
    %cond3A_813 = arith.cmpi ne, %convert_element_type3A_811, %cond3A_812 : i32
    scf.if %cond3A_813 {
      "tpu.region"() ({
        %run_scoped3A = tpu.sem_alloc : memref<!tpu.dma_semaphore, #tpu.memory_space<semaphore_mem>>
        %dma_start3A_1523 = arith.constant 0 : i32
        %dma_start3A_1524 = tpu.memref_slice %arg7[%mul3A_779, %dma_start3A_1523] : memref<16384x256xf32, #tpu.memory_space<hbm>> -> memref<128x256xf32, #tpu.memory_space<hbm>>
        %dma_start3A_1525 = arith.constant 0 : i32
        %dma_start3A_1526 = tpu.memref_slice %arg7[%mul3A_779, %dma_start3A_1525] : memref<16384x256xf32, #tpu.memory_space<hbm>> -> memref<128x256xf32, #tpu.memory_space<hbm>>
        tpu.enqueue_dma source(%arg12 : memref<128x256xf32, #tpu.memory_space<vmem>>) target(%dma_start3A_1526 : memref<128x256xf32, #tpu.memory_space<hbm>>) target_semaphore(%run_scoped3A : memref<!tpu.dma_semaphore, #tpu.memory_space<semaphore_mem>>)
        %dma_wait3A_1527 = arith.constant 0 : i32
        %dma_wait3A_1528 = tpu.memref_slice %arg7[%mul3A_779, %dma_wait3A_1527] : memref<16384x256xf32, #tpu.memory_space<hbm>> -> memref<128x256xf32, #tpu.memory_space<hbm>>
        %dma_wait3A_1529 = arith.constant 0 : i32
        %dma_wait3A_1530 = tpu.memref_slice %arg7[%mul3A_779, %dma_wait3A_1529] : memref<16384x256xf32, #tpu.memory_space<hbm>> -> memref<128x256xf32, #tpu.memory_space<hbm>>
        tpu.wait_dma2 semaphore(%run_scoped3A : memref<!tpu.dma_semaphore, #tpu.memory_space<semaphore_mem>>) src(%arg12 : memref<128x256xf32, #tpu.memory_space<vmem>>) dst(%dma_wait3A_1530 : memref<128x256xf32, #tpu.memory_space<hbm>>)
        tpu.yield
      }) : () -> ()
    } else {
    }
    %eq3A_814 = arith.constant 2 : i32
    %eq3A_815 = arith.cmpi eq, %select_n3A_803, %eq3A_814 : i32
    %convert_element_type3A_816 = arith.extui %eq3A_815 : i1 to i32
    %cond3A_817 = arith.constant 0 : i32
    %cond3A_818 = arith.cmpi ne, %convert_element_type3A_816, %cond3A_817 : i32
    scf.if %cond3A_818 {
      "tpu.region"() ({
        %run_scoped3A = tpu.sem_alloc : memref<!tpu.dma_semaphore, #tpu.memory_space<semaphore_mem>>
        %dma_start3A_1523 = arith.constant 0 : i32
        %dma_start3A_1524 = tpu.memref_slice %arg8[%mul3A_779, %dma_start3A_1523] : memref<16384x256xf32, #tpu.memory_space<hbm>> -> memref<128x256xf32, #tpu.memory_space<hbm>>
        %dma_start3A_1525 = arith.constant 0 : i32
        %dma_start3A_1526 = tpu.memref_slice %arg8[%mul3A_779, %dma_start3A_1525] : memref<16384x256xf32, #tpu.memory_space<hbm>> -> memref<128x256xf32, #tpu.memory_space<hbm>>
        tpu.enqueue_dma source(%arg12 : memref<128x256xf32, #tpu.memory_space<vmem>>) target(%dma_start3A_1526 : memref<128x256xf32, #tpu.memory_space<hbm>>) target_semaphore(%run_scoped3A : memref<!tpu.dma_semaphore, #tpu.memory_space<semaphore_mem>>)
        %dma_wait3A_1527 = arith.constant 0 : i32
        %dma_wait3A_1528 = tpu.memref_slice %arg8[%mul3A_779, %dma_wait3A_1527] : memref<16384x256xf32, #tpu.memory_space<hbm>> -> memref<128x256xf32, #tpu.memory_space<hbm>>
        %dma_wait3A_1529 = arith.constant 0 : i32
        %dma_wait3A_1530 = tpu.memref_slice %arg8[%mul3A_779, %dma_wait3A_1529] : memref<16384x256xf32, #tpu.memory_space<hbm>> -> memref<128x256xf32, #tpu.memory_space<hbm>>
        tpu.wait_dma2 semaphore(%run_scoped3A : memref<!tpu.dma_semaphore, #tpu.memory_space<semaphore_mem>>) src(%arg12 : memref<128x256xf32, #tpu.memory_space<vmem>>) dst(%dma_wait3A_1530 : memref<128x256xf32, #tpu.memory_space<hbm>>)
        tpu.yield
      }) : () -> ()
    } else {
    }
    %mul3A_819 = arith.constant 12 : i32
    %mul3A_820 = arith.muli %add3A, %mul3A_819 : i32
    %add3A_821 = arith.constant 7 : i32
    %add3A_822 = arith.addi %mul3A_820, %add3A_821 : i32
    %jit3A_823 = arith.constant 128 : i32
    %eq3A_824 = arith.constant 0 : i32
    %eq3A_825 = arith.cmpi eq, %jit3A_823, %eq3A_824 : i32
    %jit3A_826 = arith.constant 1 : i32
    %select_n3A_827 = arith.select %eq3A_825, %jit3A_826, %jit3A_823 : i32
    %rem3A_828 = arith.remsi %add3A_822, %select_n3A_827 : i32
    %ne3A_829 = arith.constant 0 : i32
    %ne3A_830 = arith.cmpi ne, %rem3A_828, %ne3A_829 : i32
    %lt3A_831 = arith.constant 0 : i32
    %lt3A_832 = arith.cmpi slt, %rem3A_828, %lt3A_831 : i32
    %lt3A_833 = arith.constant 0 : i32
    %lt3A_834 = arith.cmpi slt, %select_n3A_827, %lt3A_833 : i32
    %ne3A_835 = arith.xori %lt3A_832, %lt3A_834 : i1
    %and3A_836 = arith.andi %ne3A_835, %ne3A_830 : i1
    %add3A_837 = arith.addi %rem3A_828, %select_n3A_827 : i32
    %select_n3A_838 = arith.select %and3A_836, %add3A_837, %rem3A_828 : i32
    %mul3A_839 = arith.constant 128 : i32
    %mul3A_840 = arith.muli %select_n3A_838, %mul3A_839 : i32
    %jit3A_841 = arith.constant 128 : i32
    %div3A_842 = arith.divsi %add3A_822, %jit3A_841 : i32
    %sign3A_843 = arith.constant 0 : i32
    %sign3A_844 = arith.cmpi sgt, %add3A_822, %sign3A_843 : i32
    %sign3A_845 = arith.extui %sign3A_844 : i1 to i32
    %sign3A_846 = arith.constant 0 : i32
    %sign3A_847 = arith.cmpi slt, %add3A_822, %sign3A_846 : i32
    %sign3A_848 = arith.extui %sign3A_847 : i1 to i32
    %sign3A_849 = arith.subi %sign3A_845, %sign3A_848 : i32
    %sign3A_850 = arith.constant 0 : i32
    %sign3A_851 = arith.cmpi sgt, %jit3A_841, %sign3A_850 : i32
    %sign3A_852 = arith.extui %sign3A_851 : i1 to i32
    %sign3A_853 = arith.constant 0 : i32
    %sign3A_854 = arith.cmpi slt, %jit3A_841, %sign3A_853 : i32
    %sign3A_855 = arith.extui %sign3A_854 : i1 to i32
    %sign3A_856 = arith.subi %sign3A_852, %sign3A_855 : i32
    %ne3A_857 = arith.cmpi ne, %sign3A_849, %sign3A_856 : i32
    %rem3A_858 = arith.remsi %add3A_822, %jit3A_841 : i32
    %ne3A_859 = arith.constant 0 : i32
    %ne3A_860 = arith.cmpi ne, %rem3A_858, %ne3A_859 : i32
    %and3A_861 = arith.andi %ne3A_857, %ne3A_860 : i1
    %sub3A_862 = arith.constant 1 : i32
    %sub3A_863 = arith.subi %div3A_842, %sub3A_862 : i32
    %select_n3A_864 = arith.select %and3A_861, %sub3A_863, %div3A_842 : i32
    %eq3A_865 = arith.constant 0 : i32
    %eq3A_866 = arith.cmpi eq, %select_n3A_864, %eq3A_865 : i32
    %convert_element_type3A_867 = arith.extui %eq3A_866 : i1 to i32
    %cond3A_868 = arith.constant 0 : i32
    %cond3A_869 = arith.cmpi ne, %convert_element_type3A_867, %cond3A_868 : i32
    scf.if %cond3A_869 {
      "tpu.region"() ({
        %run_scoped3A = tpu.sem_alloc : memref<!tpu.dma_semaphore, #tpu.memory_space<semaphore_mem>>
        %dma_start3A_1523 = tpu.memref_slice %arg3[%mul3A_840] : memref<16384xi32, #tpu.memory_space<hbm>> -> memref<128xi32, #tpu.memory_space<hbm>>
        %dma_start3A_1524 = tpu.memref_slice %arg3[%mul3A_840] : memref<16384xi32, #tpu.memory_space<hbm>> -> memref<128xi32, #tpu.memory_space<hbm>>
        tpu.enqueue_dma source(%dma_start3A_1524 : memref<128xi32, #tpu.memory_space<hbm>>) target(%arg10 : memref<128xi32, #tpu.memory_space<vmem>>) target_semaphore(%run_scoped3A : memref<!tpu.dma_semaphore, #tpu.memory_space<semaphore_mem>>)
        %dma_wait3A_1525 = tpu.memref_slice %arg3[%mul3A_840] : memref<16384xi32, #tpu.memory_space<hbm>> -> memref<128xi32, #tpu.memory_space<hbm>>
        %dma_wait3A_1526 = tpu.memref_slice %arg3[%mul3A_840] : memref<16384xi32, #tpu.memory_space<hbm>> -> memref<128xi32, #tpu.memory_space<hbm>>
        tpu.wait_dma2 semaphore(%run_scoped3A : memref<!tpu.dma_semaphore, #tpu.memory_space<semaphore_mem>>) src(%dma_wait3A_1526 : memref<128xi32, #tpu.memory_space<hbm>>) dst(%arg10 : memref<128xi32, #tpu.memory_space<vmem>>)
        tpu.yield
      }) : () -> ()
    } else {
    }
    %eq3A_870 = arith.constant 1 : i32
    %eq3A_871 = arith.cmpi eq, %select_n3A_864, %eq3A_870 : i32
    %convert_element_type3A_872 = arith.extui %eq3A_871 : i1 to i32
    %cond3A_873 = arith.constant 0 : i32
    %cond3A_874 = arith.cmpi ne, %convert_element_type3A_872, %cond3A_873 : i32
    scf.if %cond3A_874 {
      "tpu.region"() ({
        %run_scoped3A = tpu.sem_alloc : memref<!tpu.dma_semaphore, #tpu.memory_space<semaphore_mem>>
        %dma_start3A_1523 = tpu.memref_slice %arg4[%mul3A_840] : memref<16384xi32, #tpu.memory_space<hbm>> -> memref<128xi32, #tpu.memory_space<hbm>>
        %dma_start3A_1524 = tpu.memref_slice %arg4[%mul3A_840] : memref<16384xi32, #tpu.memory_space<hbm>> -> memref<128xi32, #tpu.memory_space<hbm>>
        tpu.enqueue_dma source(%dma_start3A_1524 : memref<128xi32, #tpu.memory_space<hbm>>) target(%arg10 : memref<128xi32, #tpu.memory_space<vmem>>) target_semaphore(%run_scoped3A : memref<!tpu.dma_semaphore, #tpu.memory_space<semaphore_mem>>)
        %dma_wait3A_1525 = tpu.memref_slice %arg4[%mul3A_840] : memref<16384xi32, #tpu.memory_space<hbm>> -> memref<128xi32, #tpu.memory_space<hbm>>
        %dma_wait3A_1526 = tpu.memref_slice %arg4[%mul3A_840] : memref<16384xi32, #tpu.memory_space<hbm>> -> memref<128xi32, #tpu.memory_space<hbm>>
        tpu.wait_dma2 semaphore(%run_scoped3A : memref<!tpu.dma_semaphore, #tpu.memory_space<semaphore_mem>>) src(%dma_wait3A_1526 : memref<128xi32, #tpu.memory_space<hbm>>) dst(%arg10 : memref<128xi32, #tpu.memory_space<vmem>>)
        tpu.yield
      }) : () -> ()
    } else {
    }
    %eq3A_875 = arith.constant 2 : i32
    %eq3A_876 = arith.cmpi eq, %select_n3A_864, %eq3A_875 : i32
    %convert_element_type3A_877 = arith.extui %eq3A_876 : i1 to i32
    %cond3A_878 = arith.constant 0 : i32
    %cond3A_879 = arith.cmpi ne, %convert_element_type3A_877, %cond3A_878 : i32
    scf.if %cond3A_879 {
      "tpu.region"() ({
        %run_scoped3A = tpu.sem_alloc : memref<!tpu.dma_semaphore, #tpu.memory_space<semaphore_mem>>
        %dma_start3A_1523 = tpu.memref_slice %arg5[%mul3A_840] : memref<16384xi32, #tpu.memory_space<hbm>> -> memref<128xi32, #tpu.memory_space<hbm>>
        %dma_start3A_1524 = tpu.memref_slice %arg5[%mul3A_840] : memref<16384xi32, #tpu.memory_space<hbm>> -> memref<128xi32, #tpu.memory_space<hbm>>
        tpu.enqueue_dma source(%dma_start3A_1524 : memref<128xi32, #tpu.memory_space<hbm>>) target(%arg10 : memref<128xi32, #tpu.memory_space<vmem>>) target_semaphore(%run_scoped3A : memref<!tpu.dma_semaphore, #tpu.memory_space<semaphore_mem>>)
        %dma_wait3A_1525 = tpu.memref_slice %arg5[%mul3A_840] : memref<16384xi32, #tpu.memory_space<hbm>> -> memref<128xi32, #tpu.memory_space<hbm>>
        %dma_wait3A_1526 = tpu.memref_slice %arg5[%mul3A_840] : memref<16384xi32, #tpu.memory_space<hbm>> -> memref<128xi32, #tpu.memory_space<hbm>>
        tpu.wait_dma2 semaphore(%run_scoped3A : memref<!tpu.dma_semaphore, #tpu.memory_space<semaphore_mem>>) src(%dma_wait3A_1526 : memref<128xi32, #tpu.memory_space<hbm>>) dst(%arg10 : memref<128xi32, #tpu.memory_space<vmem>>)
        tpu.yield
      }) : () -> ()
    } else {
    }
    %dma_start3A_880 = arith.constant 0 : i32
    %dma_start3A_881 = arith.constant 0 : i32
    %dma_start3A_882 = tpu.memref_slice %arg2[%dma_start3A_880, %dma_start3A_881] : memref<1024x256xf32, #tpu.memory_space<hbm>> -> memref<1024x256xf32, #tpu.memory_space<hbm>>
    tpu.enqueue_indirect_dma source(%dma_start3A_882 : memref<1024x256xf32, #tpu.memory_space<hbm>>) target(%arg12 : memref<128x256xf32, #tpu.memory_space<vmem>>) offsets(%arg10 : memref<128xi32, #tpu.memory_space<vmem>>) semaphore(%arg14 : memref<!tpu.dma_semaphore, #tpu.memory_space<semaphore_mem>>)
    %dma_wait3A_883 = arith.constant 0 : i32
    %dma_wait3A_884 = arith.constant 0 : i32
    %dma_wait3A_885 = tpu.memref_slice %arg2[%dma_wait3A_883, %dma_wait3A_884] : memref<1024x256xf32, #tpu.memory_space<hbm>> -> memref<1024x256xf32, #tpu.memory_space<hbm>>
    tpu.wait_indirect_dma semaphore(%arg13 : memref<!tpu.dma_semaphore, #tpu.memory_space<semaphore_mem>>) src(%dma_wait3A_885 : memref<1024x256xf32, #tpu.memory_space<hbm>>) dst(%arg11 : memref<128x256xf32, #tpu.memory_space<vmem>>)
    %mul3A_886 = arith.constant 12 : i32
    %mul3A_887 = arith.muli %add3A, %mul3A_886 : i32
    %add3A_888 = arith.constant 6 : i32
    %add3A_889 = arith.addi %mul3A_887, %add3A_888 : i32
    %jit3A_890 = arith.constant 128 : i32
    %eq3A_891 = arith.constant 0 : i32
    %eq3A_892 = arith.cmpi eq, %jit3A_890, %eq3A_891 : i32
    %jit3A_893 = arith.constant 1 : i32
    %select_n3A_894 = arith.select %eq3A_892, %jit3A_893, %jit3A_890 : i32
    %rem3A_895 = arith.remsi %add3A_889, %select_n3A_894 : i32
    %ne3A_896 = arith.constant 0 : i32
    %ne3A_897 = arith.cmpi ne, %rem3A_895, %ne3A_896 : i32
    %lt3A_898 = arith.constant 0 : i32
    %lt3A_899 = arith.cmpi slt, %rem3A_895, %lt3A_898 : i32
    %lt3A_900 = arith.constant 0 : i32
    %lt3A_901 = arith.cmpi slt, %select_n3A_894, %lt3A_900 : i32
    %ne3A_902 = arith.xori %lt3A_899, %lt3A_901 : i1
    %and3A_903 = arith.andi %ne3A_902, %ne3A_897 : i1
    %add3A_904 = arith.addi %rem3A_895, %select_n3A_894 : i32
    %select_n3A_905 = arith.select %and3A_903, %add3A_904, %rem3A_895 : i32
    %mul3A_906 = arith.constant 128 : i32
    %mul3A_907 = arith.muli %select_n3A_905, %mul3A_906 : i32
    %jit3A_908 = arith.constant 128 : i32
    %div3A_909 = arith.divsi %add3A_889, %jit3A_908 : i32
    %sign3A_910 = arith.constant 0 : i32
    %sign3A_911 = arith.cmpi sgt, %add3A_889, %sign3A_910 : i32
    %sign3A_912 = arith.extui %sign3A_911 : i1 to i32
    %sign3A_913 = arith.constant 0 : i32
    %sign3A_914 = arith.cmpi slt, %add3A_889, %sign3A_913 : i32
    %sign3A_915 = arith.extui %sign3A_914 : i1 to i32
    %sign3A_916 = arith.subi %sign3A_912, %sign3A_915 : i32
    %sign3A_917 = arith.constant 0 : i32
    %sign3A_918 = arith.cmpi sgt, %jit3A_908, %sign3A_917 : i32
    %sign3A_919 = arith.extui %sign3A_918 : i1 to i32
    %sign3A_920 = arith.constant 0 : i32
    %sign3A_921 = arith.cmpi slt, %jit3A_908, %sign3A_920 : i32
    %sign3A_922 = arith.extui %sign3A_921 : i1 to i32
    %sign3A_923 = arith.subi %sign3A_919, %sign3A_922 : i32
    %ne3A_924 = arith.cmpi ne, %sign3A_916, %sign3A_923 : i32
    %rem3A_925 = arith.remsi %add3A_889, %jit3A_908 : i32
    %ne3A_926 = arith.constant 0 : i32
    %ne3A_927 = arith.cmpi ne, %rem3A_925, %ne3A_926 : i32
    %and3A_928 = arith.andi %ne3A_924, %ne3A_927 : i1
    %sub3A_929 = arith.constant 1 : i32
    %sub3A_930 = arith.subi %div3A_909, %sub3A_929 : i32
    %select_n3A_931 = arith.select %and3A_928, %sub3A_930, %div3A_909 : i32
    %eq3A_932 = arith.constant 0 : i32
    %eq3A_933 = arith.cmpi eq, %select_n3A_931, %eq3A_932 : i32
    %convert_element_type3A_934 = arith.extui %eq3A_933 : i1 to i32
    %cond3A_935 = arith.constant 0 : i32
    %cond3A_936 = arith.cmpi ne, %convert_element_type3A_934, %cond3A_935 : i32
    scf.if %cond3A_936 {
      "tpu.region"() ({
        %run_scoped3A = tpu.sem_alloc : memref<!tpu.dma_semaphore, #tpu.memory_space<semaphore_mem>>
        %dma_start3A_1523 = arith.constant 0 : i32
        %dma_start3A_1524 = tpu.memref_slice %arg6[%mul3A_907, %dma_start3A_1523] : memref<16384x256xf32, #tpu.memory_space<hbm>> -> memref<128x256xf32, #tpu.memory_space<hbm>>
        %dma_start3A_1525 = arith.constant 0 : i32
        %dma_start3A_1526 = tpu.memref_slice %arg6[%mul3A_907, %dma_start3A_1525] : memref<16384x256xf32, #tpu.memory_space<hbm>> -> memref<128x256xf32, #tpu.memory_space<hbm>>
        tpu.enqueue_dma source(%arg11 : memref<128x256xf32, #tpu.memory_space<vmem>>) target(%dma_start3A_1526 : memref<128x256xf32, #tpu.memory_space<hbm>>) target_semaphore(%run_scoped3A : memref<!tpu.dma_semaphore, #tpu.memory_space<semaphore_mem>>)
        %dma_wait3A_1527 = arith.constant 0 : i32
        %dma_wait3A_1528 = tpu.memref_slice %arg6[%mul3A_907, %dma_wait3A_1527] : memref<16384x256xf32, #tpu.memory_space<hbm>> -> memref<128x256xf32, #tpu.memory_space<hbm>>
        %dma_wait3A_1529 = arith.constant 0 : i32
        %dma_wait3A_1530 = tpu.memref_slice %arg6[%mul3A_907, %dma_wait3A_1529] : memref<16384x256xf32, #tpu.memory_space<hbm>> -> memref<128x256xf32, #tpu.memory_space<hbm>>
        tpu.wait_dma2 semaphore(%run_scoped3A : memref<!tpu.dma_semaphore, #tpu.memory_space<semaphore_mem>>) src(%arg11 : memref<128x256xf32, #tpu.memory_space<vmem>>) dst(%dma_wait3A_1530 : memref<128x256xf32, #tpu.memory_space<hbm>>)
        tpu.yield
      }) : () -> ()
    } else {
    }
    %eq3A_937 = arith.constant 1 : i32
    %eq3A_938 = arith.cmpi eq, %select_n3A_931, %eq3A_937 : i32
    %convert_element_type3A_939 = arith.extui %eq3A_938 : i1 to i32
    %cond3A_940 = arith.constant 0 : i32
    %cond3A_941 = arith.cmpi ne, %convert_element_type3A_939, %cond3A_940 : i32
    scf.if %cond3A_941 {
      "tpu.region"() ({
        %run_scoped3A = tpu.sem_alloc : memref<!tpu.dma_semaphore, #tpu.memory_space<semaphore_mem>>
        %dma_start3A_1523 = arith.constant 0 : i32
        %dma_start3A_1524 = tpu.memref_slice %arg7[%mul3A_907, %dma_start3A_1523] : memref<16384x256xf32, #tpu.memory_space<hbm>> -> memref<128x256xf32, #tpu.memory_space<hbm>>
        %dma_start3A_1525 = arith.constant 0 : i32
        %dma_start3A_1526 = tpu.memref_slice %arg7[%mul3A_907, %dma_start3A_1525] : memref<16384x256xf32, #tpu.memory_space<hbm>> -> memref<128x256xf32, #tpu.memory_space<hbm>>
        tpu.enqueue_dma source(%arg11 : memref<128x256xf32, #tpu.memory_space<vmem>>) target(%dma_start3A_1526 : memref<128x256xf32, #tpu.memory_space<hbm>>) target_semaphore(%run_scoped3A : memref<!tpu.dma_semaphore, #tpu.memory_space<semaphore_mem>>)
        %dma_wait3A_1527 = arith.constant 0 : i32
        %dma_wait3A_1528 = tpu.memref_slice %arg7[%mul3A_907, %dma_wait3A_1527] : memref<16384x256xf32, #tpu.memory_space<hbm>> -> memref<128x256xf32, #tpu.memory_space<hbm>>
        %dma_wait3A_1529 = arith.constant 0 : i32
        %dma_wait3A_1530 = tpu.memref_slice %arg7[%mul3A_907, %dma_wait3A_1529] : memref<16384x256xf32, #tpu.memory_space<hbm>> -> memref<128x256xf32, #tpu.memory_space<hbm>>
        tpu.wait_dma2 semaphore(%run_scoped3A : memref<!tpu.dma_semaphore, #tpu.memory_space<semaphore_mem>>) src(%arg11 : memref<128x256xf32, #tpu.memory_space<vmem>>) dst(%dma_wait3A_1530 : memref<128x256xf32, #tpu.memory_space<hbm>>)
        tpu.yield
      }) : () -> ()
    } else {
    }
    %eq3A_942 = arith.constant 2 : i32
    %eq3A_943 = arith.cmpi eq, %select_n3A_931, %eq3A_942 : i32
    %convert_element_type3A_944 = arith.extui %eq3A_943 : i1 to i32
    %cond3A_945 = arith.constant 0 : i32
    %cond3A_946 = arith.cmpi ne, %convert_element_type3A_944, %cond3A_945 : i32
    scf.if %cond3A_946 {
      "tpu.region"() ({
        %run_scoped3A = tpu.sem_alloc : memref<!tpu.dma_semaphore, #tpu.memory_space<semaphore_mem>>
        %dma_start3A_1523 = arith.constant 0 : i32
        %dma_start3A_1524 = tpu.memref_slice %arg8[%mul3A_907, %dma_start3A_1523] : memref<16384x256xf32, #tpu.memory_space<hbm>> -> memref<128x256xf32, #tpu.memory_space<hbm>>
        %dma_start3A_1525 = arith.constant 0 : i32
        %dma_start3A_1526 = tpu.memref_slice %arg8[%mul3A_907, %dma_start3A_1525] : memref<16384x256xf32, #tpu.memory_space<hbm>> -> memref<128x256xf32, #tpu.memory_space<hbm>>
        tpu.enqueue_dma source(%arg11 : memref<128x256xf32, #tpu.memory_space<vmem>>) target(%dma_start3A_1526 : memref<128x256xf32, #tpu.memory_space<hbm>>) target_semaphore(%run_scoped3A : memref<!tpu.dma_semaphore, #tpu.memory_space<semaphore_mem>>)
        %dma_wait3A_1527 = arith.constant 0 : i32
        %dma_wait3A_1528 = tpu.memref_slice %arg8[%mul3A_907, %dma_wait3A_1527] : memref<16384x256xf32, #tpu.memory_space<hbm>> -> memref<128x256xf32, #tpu.memory_space<hbm>>
        %dma_wait3A_1529 = arith.constant 0 : i32
        %dma_wait3A_1530 = tpu.memref_slice %arg8[%mul3A_907, %dma_wait3A_1529] : memref<16384x256xf32, #tpu.memory_space<hbm>> -> memref<128x256xf32, #tpu.memory_space<hbm>>
        tpu.wait_dma2 semaphore(%run_scoped3A : memref<!tpu.dma_semaphore, #tpu.memory_space<semaphore_mem>>) src(%arg11 : memref<128x256xf32, #tpu.memory_space<vmem>>) dst(%dma_wait3A_1530 : memref<128x256xf32, #tpu.memory_space<hbm>>)
        tpu.yield
      }) : () -> ()
    } else {
    }
    %mul3A_947 = arith.constant 12 : i32
    %mul3A_948 = arith.muli %add3A, %mul3A_947 : i32
    %add3A_949 = arith.constant 8 : i32
    %add3A_950 = arith.addi %mul3A_948, %add3A_949 : i32
    %jit3A_951 = arith.constant 128 : i32
    %eq3A_952 = arith.constant 0 : i32
    %eq3A_953 = arith.cmpi eq, %jit3A_951, %eq3A_952 : i32
    %jit3A_954 = arith.constant 1 : i32
    %select_n3A_955 = arith.select %eq3A_953, %jit3A_954, %jit3A_951 : i32
    %rem3A_956 = arith.remsi %add3A_950, %select_n3A_955 : i32
    %ne3A_957 = arith.constant 0 : i32
    %ne3A_958 = arith.cmpi ne, %rem3A_956, %ne3A_957 : i32
    %lt3A_959 = arith.constant 0 : i32
    %lt3A_960 = arith.cmpi slt, %rem3A_956, %lt3A_959 : i32
    %lt3A_961 = arith.constant 0 : i32
    %lt3A_962 = arith.cmpi slt, %select_n3A_955, %lt3A_961 : i32
    %ne3A_963 = arith.xori %lt3A_960, %lt3A_962 : i1
    %and3A_964 = arith.andi %ne3A_963, %ne3A_958 : i1
    %add3A_965 = arith.addi %rem3A_956, %select_n3A_955 : i32
    %select_n3A_966 = arith.select %and3A_964, %add3A_965, %rem3A_956 : i32
    %mul3A_967 = arith.constant 128 : i32
    %mul3A_968 = arith.muli %select_n3A_966, %mul3A_967 : i32
    %jit3A_969 = arith.constant 128 : i32
    %div3A_970 = arith.divsi %add3A_950, %jit3A_969 : i32
    %sign3A_971 = arith.constant 0 : i32
    %sign3A_972 = arith.cmpi sgt, %add3A_950, %sign3A_971 : i32
    %sign3A_973 = arith.extui %sign3A_972 : i1 to i32
    %sign3A_974 = arith.constant 0 : i32
    %sign3A_975 = arith.cmpi slt, %add3A_950, %sign3A_974 : i32
    %sign3A_976 = arith.extui %sign3A_975 : i1 to i32
    %sign3A_977 = arith.subi %sign3A_973, %sign3A_976 : i32
    %sign3A_978 = arith.constant 0 : i32
    %sign3A_979 = arith.cmpi sgt, %jit3A_969, %sign3A_978 : i32
    %sign3A_980 = arith.extui %sign3A_979 : i1 to i32
    %sign3A_981 = arith.constant 0 : i32
    %sign3A_982 = arith.cmpi slt, %jit3A_969, %sign3A_981 : i32
    %sign3A_983 = arith.extui %sign3A_982 : i1 to i32
    %sign3A_984 = arith.subi %sign3A_980, %sign3A_983 : i32
    %ne3A_985 = arith.cmpi ne, %sign3A_977, %sign3A_984 : i32
    %rem3A_986 = arith.remsi %add3A_950, %jit3A_969 : i32
    %ne3A_987 = arith.constant 0 : i32
    %ne3A_988 = arith.cmpi ne, %rem3A_986, %ne3A_987 : i32
    %and3A_989 = arith.andi %ne3A_985, %ne3A_988 : i1
    %sub3A_990 = arith.constant 1 : i32
    %sub3A_991 = arith.subi %div3A_970, %sub3A_990 : i32
    %select_n3A_992 = arith.select %and3A_989, %sub3A_991, %div3A_970 : i32
    %eq3A_993 = arith.constant 0 : i32
    %eq3A_994 = arith.cmpi eq, %select_n3A_992, %eq3A_993 : i32
    %convert_element_type3A_995 = arith.extui %eq3A_994 : i1 to i32
    %cond3A_996 = arith.constant 0 : i32
    %cond3A_997 = arith.cmpi ne, %convert_element_type3A_995, %cond3A_996 : i32
    scf.if %cond3A_997 {
      "tpu.region"() ({
        %run_scoped3A = tpu.sem_alloc : memref<!tpu.dma_semaphore, #tpu.memory_space<semaphore_mem>>
        %dma_start3A_1523 = tpu.memref_slice %arg3[%mul3A_968] : memref<16384xi32, #tpu.memory_space<hbm>> -> memref<128xi32, #tpu.memory_space<hbm>>
        %dma_start3A_1524 = tpu.memref_slice %arg3[%mul3A_968] : memref<16384xi32, #tpu.memory_space<hbm>> -> memref<128xi32, #tpu.memory_space<hbm>>
        tpu.enqueue_dma source(%dma_start3A_1524 : memref<128xi32, #tpu.memory_space<hbm>>) target(%arg9 : memref<128xi32, #tpu.memory_space<vmem>>) target_semaphore(%run_scoped3A : memref<!tpu.dma_semaphore, #tpu.memory_space<semaphore_mem>>)
        %dma_wait3A_1525 = tpu.memref_slice %arg3[%mul3A_968] : memref<16384xi32, #tpu.memory_space<hbm>> -> memref<128xi32, #tpu.memory_space<hbm>>
        %dma_wait3A_1526 = tpu.memref_slice %arg3[%mul3A_968] : memref<16384xi32, #tpu.memory_space<hbm>> -> memref<128xi32, #tpu.memory_space<hbm>>
        tpu.wait_dma2 semaphore(%run_scoped3A : memref<!tpu.dma_semaphore, #tpu.memory_space<semaphore_mem>>) src(%dma_wait3A_1526 : memref<128xi32, #tpu.memory_space<hbm>>) dst(%arg9 : memref<128xi32, #tpu.memory_space<vmem>>)
        tpu.yield
      }) : () -> ()
    } else {
    }
    %eq3A_998 = arith.constant 1 : i32
    %eq3A_999 = arith.cmpi eq, %select_n3A_992, %eq3A_998 : i32
    %convert_element_type3A_1000 = arith.extui %eq3A_999 : i1 to i32
    %cond3A_1001 = arith.constant 0 : i32
    %cond3A_1002 = arith.cmpi ne, %convert_element_type3A_1000, %cond3A_1001 : i32
    scf.if %cond3A_1002 {
      "tpu.region"() ({
        %run_scoped3A = tpu.sem_alloc : memref<!tpu.dma_semaphore, #tpu.memory_space<semaphore_mem>>
        %dma_start3A_1523 = tpu.memref_slice %arg4[%mul3A_968] : memref<16384xi32, #tpu.memory_space<hbm>> -> memref<128xi32, #tpu.memory_space<hbm>>
        %dma_start3A_1524 = tpu.memref_slice %arg4[%mul3A_968] : memref<16384xi32, #tpu.memory_space<hbm>> -> memref<128xi32, #tpu.memory_space<hbm>>
        tpu.enqueue_dma source(%dma_start3A_1524 : memref<128xi32, #tpu.memory_space<hbm>>) target(%arg9 : memref<128xi32, #tpu.memory_space<vmem>>) target_semaphore(%run_scoped3A : memref<!tpu.dma_semaphore, #tpu.memory_space<semaphore_mem>>)
        %dma_wait3A_1525 = tpu.memref_slice %arg4[%mul3A_968] : memref<16384xi32, #tpu.memory_space<hbm>> -> memref<128xi32, #tpu.memory_space<hbm>>
        %dma_wait3A_1526 = tpu.memref_slice %arg4[%mul3A_968] : memref<16384xi32, #tpu.memory_space<hbm>> -> memref<128xi32, #tpu.memory_space<hbm>>
        tpu.wait_dma2 semaphore(%run_scoped3A : memref<!tpu.dma_semaphore, #tpu.memory_space<semaphore_mem>>) src(%dma_wait3A_1526 : memref<128xi32, #tpu.memory_space<hbm>>) dst(%arg9 : memref<128xi32, #tpu.memory_space<vmem>>)
        tpu.yield
      }) : () -> ()
    } else {
    }
    %eq3A_1003 = arith.constant 2 : i32
    %eq3A_1004 = arith.cmpi eq, %select_n3A_992, %eq3A_1003 : i32
    %convert_element_type3A_1005 = arith.extui %eq3A_1004 : i1 to i32
    %cond3A_1006 = arith.constant 0 : i32
    %cond3A_1007 = arith.cmpi ne, %convert_element_type3A_1005, %cond3A_1006 : i32
    scf.if %cond3A_1007 {
      "tpu.region"() ({
        %run_scoped3A = tpu.sem_alloc : memref<!tpu.dma_semaphore, #tpu.memory_space<semaphore_mem>>
        %dma_start3A_1523 = tpu.memref_slice %arg5[%mul3A_968] : memref<16384xi32, #tpu.memory_space<hbm>> -> memref<128xi32, #tpu.memory_space<hbm>>
        %dma_start3A_1524 = tpu.memref_slice %arg5[%mul3A_968] : memref<16384xi32, #tpu.memory_space<hbm>> -> memref<128xi32, #tpu.memory_space<hbm>>
        tpu.enqueue_dma source(%dma_start3A_1524 : memref<128xi32, #tpu.memory_space<hbm>>) target(%arg9 : memref<128xi32, #tpu.memory_space<vmem>>) target_semaphore(%run_scoped3A : memref<!tpu.dma_semaphore, #tpu.memory_space<semaphore_mem>>)
        %dma_wait3A_1525 = tpu.memref_slice %arg5[%mul3A_968] : memref<16384xi32, #tpu.memory_space<hbm>> -> memref<128xi32, #tpu.memory_space<hbm>>
        %dma_wait3A_1526 = tpu.memref_slice %arg5[%mul3A_968] : memref<16384xi32, #tpu.memory_space<hbm>> -> memref<128xi32, #tpu.memory_space<hbm>>
        tpu.wait_dma2 semaphore(%run_scoped3A : memref<!tpu.dma_semaphore, #tpu.memory_space<semaphore_mem>>) src(%dma_wait3A_1526 : memref<128xi32, #tpu.memory_space<hbm>>) dst(%arg9 : memref<128xi32, #tpu.memory_space<vmem>>)
        tpu.yield
      }) : () -> ()
    } else {
    }
    %dma_start3A_1008 = arith.constant 0 : i32
    %dma_start3A_1009 = arith.constant 0 : i32
    %dma_start3A_1010 = tpu.memref_slice %arg2[%dma_start3A_1008, %dma_start3A_1009] : memref<1024x256xf32, #tpu.memory_space<hbm>> -> memref<1024x256xf32, #tpu.memory_space<hbm>>
    tpu.enqueue_indirect_dma source(%dma_start3A_1010 : memref<1024x256xf32, #tpu.memory_space<hbm>>) target(%arg11 : memref<128x256xf32, #tpu.memory_space<vmem>>) offsets(%arg9 : memref<128xi32, #tpu.memory_space<vmem>>) semaphore(%arg13 : memref<!tpu.dma_semaphore, #tpu.memory_space<semaphore_mem>>)
    %dma_wait3A_1011 = arith.constant 0 : i32
    %dma_wait3A_1012 = arith.constant 0 : i32
    %dma_wait3A_1013 = tpu.memref_slice %arg2[%dma_wait3A_1011, %dma_wait3A_1012] : memref<1024x256xf32, #tpu.memory_space<hbm>> -> memref<1024x256xf32, #tpu.memory_space<hbm>>
    tpu.wait_indirect_dma semaphore(%arg14 : memref<!tpu.dma_semaphore, #tpu.memory_space<semaphore_mem>>) src(%dma_wait3A_1013 : memref<1024x256xf32, #tpu.memory_space<hbm>>) dst(%arg12 : memref<128x256xf32, #tpu.memory_space<vmem>>)
    %mul3A_1014 = arith.constant 12 : i32
    %mul3A_1015 = arith.muli %add3A, %mul3A_1014 : i32
    %add3A_1016 = arith.constant 7 : i32
    %add3A_1017 = arith.addi %mul3A_1015, %add3A_1016 : i32
    %jit3A_1018 = arith.constant 128 : i32
    %eq3A_1019 = arith.constant 0 : i32
    %eq3A_1020 = arith.cmpi eq, %jit3A_1018, %eq3A_1019 : i32
    %jit3A_1021 = arith.constant 1 : i32
    %select_n3A_1022 = arith.select %eq3A_1020, %jit3A_1021, %jit3A_1018 : i32
    %rem3A_1023 = arith.remsi %add3A_1017, %select_n3A_1022 : i32
    %ne3A_1024 = arith.constant 0 : i32
    %ne3A_1025 = arith.cmpi ne, %rem3A_1023, %ne3A_1024 : i32
    %lt3A_1026 = arith.constant 0 : i32
    %lt3A_1027 = arith.cmpi slt, %rem3A_1023, %lt3A_1026 : i32
    %lt3A_1028 = arith.constant 0 : i32
    %lt3A_1029 = arith.cmpi slt, %select_n3A_1022, %lt3A_1028 : i32
    %ne3A_1030 = arith.xori %lt3A_1027, %lt3A_1029 : i1
    %and3A_1031 = arith.andi %ne3A_1030, %ne3A_1025 : i1
    %add3A_1032 = arith.addi %rem3A_1023, %select_n3A_1022 : i32
    %select_n3A_1033 = arith.select %and3A_1031, %add3A_1032, %rem3A_1023 : i32
    %mul3A_1034 = arith.constant 128 : i32
    %mul3A_1035 = arith.muli %select_n3A_1033, %mul3A_1034 : i32
    %jit3A_1036 = arith.constant 128 : i32
    %div3A_1037 = arith.divsi %add3A_1017, %jit3A_1036 : i32
    %sign3A_1038 = arith.constant 0 : i32
    %sign3A_1039 = arith.cmpi sgt, %add3A_1017, %sign3A_1038 : i32
    %sign3A_1040 = arith.extui %sign3A_1039 : i1 to i32
    %sign3A_1041 = arith.constant 0 : i32
    %sign3A_1042 = arith.cmpi slt, %add3A_1017, %sign3A_1041 : i32
    %sign3A_1043 = arith.extui %sign3A_1042 : i1 to i32
    %sign3A_1044 = arith.subi %sign3A_1040, %sign3A_1043 : i32
    %sign3A_1045 = arith.constant 0 : i32
    %sign3A_1046 = arith.cmpi sgt, %jit3A_1036, %sign3A_1045 : i32
    %sign3A_1047 = arith.extui %sign3A_1046 : i1 to i32
    %sign3A_1048 = arith.constant 0 : i32
    %sign3A_1049 = arith.cmpi slt, %jit3A_1036, %sign3A_1048 : i32
    %sign3A_1050 = arith.extui %sign3A_1049 : i1 to i32
    %sign3A_1051 = arith.subi %sign3A_1047, %sign3A_1050 : i32
    %ne3A_1052 = arith.cmpi ne, %sign3A_1044, %sign3A_1051 : i32
    %rem3A_1053 = arith.remsi %add3A_1017, %jit3A_1036 : i32
    %ne3A_1054 = arith.constant 0 : i32
    %ne3A_1055 = arith.cmpi ne, %rem3A_1053, %ne3A_1054 : i32
    %and3A_1056 = arith.andi %ne3A_1052, %ne3A_1055 : i1
    %sub3A_1057 = arith.constant 1 : i32
    %sub3A_1058 = arith.subi %div3A_1037, %sub3A_1057 : i32
    %select_n3A_1059 = arith.select %and3A_1056, %sub3A_1058, %div3A_1037 : i32
    %eq3A_1060 = arith.constant 0 : i32
    %eq3A_1061 = arith.cmpi eq, %select_n3A_1059, %eq3A_1060 : i32
    %convert_element_type3A_1062 = arith.extui %eq3A_1061 : i1 to i32
    %cond3A_1063 = arith.constant 0 : i32
    %cond3A_1064 = arith.cmpi ne, %convert_element_type3A_1062, %cond3A_1063 : i32
    scf.if %cond3A_1064 {
      "tpu.region"() ({
        %run_scoped3A = tpu.sem_alloc : memref<!tpu.dma_semaphore, #tpu.memory_space<semaphore_mem>>
        %dma_start3A_1523 = arith.constant 0 : i32
        %dma_start3A_1524 = tpu.memref_slice %arg6[%mul3A_1035, %dma_start3A_1523] : memref<16384x256xf32, #tpu.memory_space<hbm>> -> memref<128x256xf32, #tpu.memory_space<hbm>>
        %dma_start3A_1525 = arith.constant 0 : i32
        %dma_start3A_1526 = tpu.memref_slice %arg6[%mul3A_1035, %dma_start3A_1525] : memref<16384x256xf32, #tpu.memory_space<hbm>> -> memref<128x256xf32, #tpu.memory_space<hbm>>
        tpu.enqueue_dma source(%arg12 : memref<128x256xf32, #tpu.memory_space<vmem>>) target(%dma_start3A_1526 : memref<128x256xf32, #tpu.memory_space<hbm>>) target_semaphore(%run_scoped3A : memref<!tpu.dma_semaphore, #tpu.memory_space<semaphore_mem>>)
        %dma_wait3A_1527 = arith.constant 0 : i32
        %dma_wait3A_1528 = tpu.memref_slice %arg6[%mul3A_1035, %dma_wait3A_1527] : memref<16384x256xf32, #tpu.memory_space<hbm>> -> memref<128x256xf32, #tpu.memory_space<hbm>>
        %dma_wait3A_1529 = arith.constant 0 : i32
        %dma_wait3A_1530 = tpu.memref_slice %arg6[%mul3A_1035, %dma_wait3A_1529] : memref<16384x256xf32, #tpu.memory_space<hbm>> -> memref<128x256xf32, #tpu.memory_space<hbm>>
        tpu.wait_dma2 semaphore(%run_scoped3A : memref<!tpu.dma_semaphore, #tpu.memory_space<semaphore_mem>>) src(%arg12 : memref<128x256xf32, #tpu.memory_space<vmem>>) dst(%dma_wait3A_1530 : memref<128x256xf32, #tpu.memory_space<hbm>>)
        tpu.yield
      }) : () -> ()
    } else {
    }
    %eq3A_1065 = arith.constant 1 : i32
    %eq3A_1066 = arith.cmpi eq, %select_n3A_1059, %eq3A_1065 : i32
    %convert_element_type3A_1067 = arith.extui %eq3A_1066 : i1 to i32
    %cond3A_1068 = arith.constant 0 : i32
    %cond3A_1069 = arith.cmpi ne, %convert_element_type3A_1067, %cond3A_1068 : i32
    scf.if %cond3A_1069 {
      "tpu.region"() ({
        %run_scoped3A = tpu.sem_alloc : memref<!tpu.dma_semaphore, #tpu.memory_space<semaphore_mem>>
        %dma_start3A_1523 = arith.constant 0 : i32
        %dma_start3A_1524 = tpu.memref_slice %arg7[%mul3A_1035, %dma_start3A_1523] : memref<16384x256xf32, #tpu.memory_space<hbm>> -> memref<128x256xf32, #tpu.memory_space<hbm>>
        %dma_start3A_1525 = arith.constant 0 : i32
        %dma_start3A_1526 = tpu.memref_slice %arg7[%mul3A_1035, %dma_start3A_1525] : memref<16384x256xf32, #tpu.memory_space<hbm>> -> memref<128x256xf32, #tpu.memory_space<hbm>>
        tpu.enqueue_dma source(%arg12 : memref<128x256xf32, #tpu.memory_space<vmem>>) target(%dma_start3A_1526 : memref<128x256xf32, #tpu.memory_space<hbm>>) target_semaphore(%run_scoped3A : memref<!tpu.dma_semaphore, #tpu.memory_space<semaphore_mem>>)
        %dma_wait3A_1527 = arith.constant 0 : i32
        %dma_wait3A_1528 = tpu.memref_slice %arg7[%mul3A_1035, %dma_wait3A_1527] : memref<16384x256xf32, #tpu.memory_space<hbm>> -> memref<128x256xf32, #tpu.memory_space<hbm>>
        %dma_wait3A_1529 = arith.constant 0 : i32
        %dma_wait3A_1530 = tpu.memref_slice %arg7[%mul3A_1035, %dma_wait3A_1529] : memref<16384x256xf32, #tpu.memory_space<hbm>> -> memref<128x256xf32, #tpu.memory_space<hbm>>
        tpu.wait_dma2 semaphore(%run_scoped3A : memref<!tpu.dma_semaphore, #tpu.memory_space<semaphore_mem>>) src(%arg12 : memref<128x256xf32, #tpu.memory_space<vmem>>) dst(%dma_wait3A_1530 : memref<128x256xf32, #tpu.memory_space<hbm>>)
        tpu.yield
      }) : () -> ()
    } else {
    }
    %eq3A_1070 = arith.constant 2 : i32
    %eq3A_1071 = arith.cmpi eq, %select_n3A_1059, %eq3A_1070 : i32
    %convert_element_type3A_1072 = arith.extui %eq3A_1071 : i1 to i32
    %cond3A_1073 = arith.constant 0 : i32
    %cond3A_1074 = arith.cmpi ne, %convert_element_type3A_1072, %cond3A_1073 : i32
    scf.if %cond3A_1074 {
      "tpu.region"() ({
        %run_scoped3A = tpu.sem_alloc : memref<!tpu.dma_semaphore, #tpu.memory_space<semaphore_mem>>
        %dma_start3A_1523 = arith.constant 0 : i32
        %dma_start3A_1524 = tpu.memref_slice %arg8[%mul3A_1035, %dma_start3A_1523] : memref<16384x256xf32, #tpu.memory_space<hbm>> -> memref<128x256xf32, #tpu.memory_space<hbm>>
        %dma_start3A_1525 = arith.constant 0 : i32
        %dma_start3A_1526 = tpu.memref_slice %arg8[%mul3A_1035, %dma_start3A_1525] : memref<16384x256xf32, #tpu.memory_space<hbm>> -> memref<128x256xf32, #tpu.memory_space<hbm>>
        tpu.enqueue_dma source(%arg12 : memref<128x256xf32, #tpu.memory_space<vmem>>) target(%dma_start3A_1526 : memref<128x256xf32, #tpu.memory_space<hbm>>) target_semaphore(%run_scoped3A : memref<!tpu.dma_semaphore, #tpu.memory_space<semaphore_mem>>)
        %dma_wait3A_1527 = arith.constant 0 : i32
        %dma_wait3A_1528 = tpu.memref_slice %arg8[%mul3A_1035, %dma_wait3A_1527] : memref<16384x256xf32, #tpu.memory_space<hbm>> -> memref<128x256xf32, #tpu.memory_space<hbm>>
        %dma_wait3A_1529 = arith.constant 0 : i32
        %dma_wait3A_1530 = tpu.memref_slice %arg8[%mul3A_1035, %dma_wait3A_1529] : memref<16384x256xf32, #tpu.memory_space<hbm>> -> memref<128x256xf32, #tpu.memory_space<hbm>>
        tpu.wait_dma2 semaphore(%run_scoped3A : memref<!tpu.dma_semaphore, #tpu.memory_space<semaphore_mem>>) src(%arg12 : memref<128x256xf32, #tpu.memory_space<vmem>>) dst(%dma_wait3A_1530 : memref<128x256xf32, #tpu.memory_space<hbm>>)
        tpu.yield
      }) : () -> ()
    } else {
    }
    %mul3A_1075 = arith.constant 12 : i32
    %mul3A_1076 = arith.muli %add3A, %mul3A_1075 : i32
    %add3A_1077 = arith.constant 9 : i32
    %add3A_1078 = arith.addi %mul3A_1076, %add3A_1077 : i32
    %jit3A_1079 = arith.constant 128 : i32
    %eq3A_1080 = arith.constant 0 : i32
    %eq3A_1081 = arith.cmpi eq, %jit3A_1079, %eq3A_1080 : i32
    %jit3A_1082 = arith.constant 1 : i32
    %select_n3A_1083 = arith.select %eq3A_1081, %jit3A_1082, %jit3A_1079 : i32
    %rem3A_1084 = arith.remsi %add3A_1078, %select_n3A_1083 : i32
    %ne3A_1085 = arith.constant 0 : i32
    %ne3A_1086 = arith.cmpi ne, %rem3A_1084, %ne3A_1085 : i32
    %lt3A_1087 = arith.constant 0 : i32
    %lt3A_1088 = arith.cmpi slt, %rem3A_1084, %lt3A_1087 : i32
    %lt3A_1089 = arith.constant 0 : i32
    %lt3A_1090 = arith.cmpi slt, %select_n3A_1083, %lt3A_1089 : i32
    %ne3A_1091 = arith.xori %lt3A_1088, %lt3A_1090 : i1
    %and3A_1092 = arith.andi %ne3A_1091, %ne3A_1086 : i1
    %add3A_1093 = arith.addi %rem3A_1084, %select_n3A_1083 : i32
    %select_n3A_1094 = arith.select %and3A_1092, %add3A_1093, %rem3A_1084 : i32
    %mul3A_1095 = arith.constant 128 : i32
    %mul3A_1096 = arith.muli %select_n3A_1094, %mul3A_1095 : i32
    %jit3A_1097 = arith.constant 128 : i32
    %div3A_1098 = arith.divsi %add3A_1078, %jit3A_1097 : i32
    %sign3A_1099 = arith.constant 0 : i32
    %sign3A_1100 = arith.cmpi sgt, %add3A_1078, %sign3A_1099 : i32
    %sign3A_1101 = arith.extui %sign3A_1100 : i1 to i32
    %sign3A_1102 = arith.constant 0 : i32
    %sign3A_1103 = arith.cmpi slt, %add3A_1078, %sign3A_1102 : i32
    %sign3A_1104 = arith.extui %sign3A_1103 : i1 to i32
    %sign3A_1105 = arith.subi %sign3A_1101, %sign3A_1104 : i32
    %sign3A_1106 = arith.constant 0 : i32
    %sign3A_1107 = arith.cmpi sgt, %jit3A_1097, %sign3A_1106 : i32
    %sign3A_1108 = arith.extui %sign3A_1107 : i1 to i32
    %sign3A_1109 = arith.constant 0 : i32
    %sign3A_1110 = arith.cmpi slt, %jit3A_1097, %sign3A_1109 : i32
    %sign3A_1111 = arith.extui %sign3A_1110 : i1 to i32
    %sign3A_1112 = arith.subi %sign3A_1108, %sign3A_1111 : i32
    %ne3A_1113 = arith.cmpi ne, %sign3A_1105, %sign3A_1112 : i32
    %rem3A_1114 = arith.remsi %add3A_1078, %jit3A_1097 : i32
    %ne3A_1115 = arith.constant 0 : i32
    %ne3A_1116 = arith.cmpi ne, %rem3A_1114, %ne3A_1115 : i32
    %and3A_1117 = arith.andi %ne3A_1113, %ne3A_1116 : i1
    %sub3A_1118 = arith.constant 1 : i32
    %sub3A_1119 = arith.subi %div3A_1098, %sub3A_1118 : i32
    %select_n3A_1120 = arith.select %and3A_1117, %sub3A_1119, %div3A_1098 : i32
    %eq3A_1121 = arith.constant 0 : i32
    %eq3A_1122 = arith.cmpi eq, %select_n3A_1120, %eq3A_1121 : i32
    %convert_element_type3A_1123 = arith.extui %eq3A_1122 : i1 to i32
    %cond3A_1124 = arith.constant 0 : i32
    %cond3A_1125 = arith.cmpi ne, %convert_element_type3A_1123, %cond3A_1124 : i32
    scf.if %cond3A_1125 {
      "tpu.region"() ({
        %run_scoped3A = tpu.sem_alloc : memref<!tpu.dma_semaphore, #tpu.memory_space<semaphore_mem>>
        %dma_start3A_1523 = tpu.memref_slice %arg3[%mul3A_1096] : memref<16384xi32, #tpu.memory_space<hbm>> -> memref<128xi32, #tpu.memory_space<hbm>>
        %dma_start3A_1524 = tpu.memref_slice %arg3[%mul3A_1096] : memref<16384xi32, #tpu.memory_space<hbm>> -> memref<128xi32, #tpu.memory_space<hbm>>
        tpu.enqueue_dma source(%dma_start3A_1524 : memref<128xi32, #tpu.memory_space<hbm>>) target(%arg10 : memref<128xi32, #tpu.memory_space<vmem>>) target_semaphore(%run_scoped3A : memref<!tpu.dma_semaphore, #tpu.memory_space<semaphore_mem>>)
        %dma_wait3A_1525 = tpu.memref_slice %arg3[%mul3A_1096] : memref<16384xi32, #tpu.memory_space<hbm>> -> memref<128xi32, #tpu.memory_space<hbm>>
        %dma_wait3A_1526 = tpu.memref_slice %arg3[%mul3A_1096] : memref<16384xi32, #tpu.memory_space<hbm>> -> memref<128xi32, #tpu.memory_space<hbm>>
        tpu.wait_dma2 semaphore(%run_scoped3A : memref<!tpu.dma_semaphore, #tpu.memory_space<semaphore_mem>>) src(%dma_wait3A_1526 : memref<128xi32, #tpu.memory_space<hbm>>) dst(%arg10 : memref<128xi32, #tpu.memory_space<vmem>>)
        tpu.yield
      }) : () -> ()
    } else {
    }
    %eq3A_1126 = arith.constant 1 : i32
    %eq3A_1127 = arith.cmpi eq, %select_n3A_1120, %eq3A_1126 : i32
    %convert_element_type3A_1128 = arith.extui %eq3A_1127 : i1 to i32
    %cond3A_1129 = arith.constant 0 : i32
    %cond3A_1130 = arith.cmpi ne, %convert_element_type3A_1128, %cond3A_1129 : i32
    scf.if %cond3A_1130 {
      "tpu.region"() ({
        %run_scoped3A = tpu.sem_alloc : memref<!tpu.dma_semaphore, #tpu.memory_space<semaphore_mem>>
        %dma_start3A_1523 = tpu.memref_slice %arg4[%mul3A_1096] : memref<16384xi32, #tpu.memory_space<hbm>> -> memref<128xi32, #tpu.memory_space<hbm>>
        %dma_start3A_1524 = tpu.memref_slice %arg4[%mul3A_1096] : memref<16384xi32, #tpu.memory_space<hbm>> -> memref<128xi32, #tpu.memory_space<hbm>>
        tpu.enqueue_dma source(%dma_start3A_1524 : memref<128xi32, #tpu.memory_space<hbm>>) target(%arg10 : memref<128xi32, #tpu.memory_space<vmem>>) target_semaphore(%run_scoped3A : memref<!tpu.dma_semaphore, #tpu.memory_space<semaphore_mem>>)
        %dma_wait3A_1525 = tpu.memref_slice %arg4[%mul3A_1096] : memref<16384xi32, #tpu.memory_space<hbm>> -> memref<128xi32, #tpu.memory_space<hbm>>
        %dma_wait3A_1526 = tpu.memref_slice %arg4[%mul3A_1096] : memref<16384xi32, #tpu.memory_space<hbm>> -> memref<128xi32, #tpu.memory_space<hbm>>
        tpu.wait_dma2 semaphore(%run_scoped3A : memref<!tpu.dma_semaphore, #tpu.memory_space<semaphore_mem>>) src(%dma_wait3A_1526 : memref<128xi32, #tpu.memory_space<hbm>>) dst(%arg10 : memref<128xi32, #tpu.memory_space<vmem>>)
        tpu.yield
      }) : () -> ()
    } else {
    }
    %eq3A_1131 = arith.constant 2 : i32
    %eq3A_1132 = arith.cmpi eq, %select_n3A_1120, %eq3A_1131 : i32
    %convert_element_type3A_1133 = arith.extui %eq3A_1132 : i1 to i32
    %cond3A_1134 = arith.constant 0 : i32
    %cond3A_1135 = arith.cmpi ne, %convert_element_type3A_1133, %cond3A_1134 : i32
    scf.if %cond3A_1135 {
      "tpu.region"() ({
        %run_scoped3A = tpu.sem_alloc : memref<!tpu.dma_semaphore, #tpu.memory_space<semaphore_mem>>
        %dma_start3A_1523 = tpu.memref_slice %arg5[%mul3A_1096] : memref<16384xi32, #tpu.memory_space<hbm>> -> memref<128xi32, #tpu.memory_space<hbm>>
        %dma_start3A_1524 = tpu.memref_slice %arg5[%mul3A_1096] : memref<16384xi32, #tpu.memory_space<hbm>> -> memref<128xi32, #tpu.memory_space<hbm>>
        tpu.enqueue_dma source(%dma_start3A_1524 : memref<128xi32, #tpu.memory_space<hbm>>) target(%arg10 : memref<128xi32, #tpu.memory_space<vmem>>) target_semaphore(%run_scoped3A : memref<!tpu.dma_semaphore, #tpu.memory_space<semaphore_mem>>)
        %dma_wait3A_1525 = tpu.memref_slice %arg5[%mul3A_1096] : memref<16384xi32, #tpu.memory_space<hbm>> -> memref<128xi32, #tpu.memory_space<hbm>>
        %dma_wait3A_1526 = tpu.memref_slice %arg5[%mul3A_1096] : memref<16384xi32, #tpu.memory_space<hbm>> -> memref<128xi32, #tpu.memory_space<hbm>>
        tpu.wait_dma2 semaphore(%run_scoped3A : memref<!tpu.dma_semaphore, #tpu.memory_space<semaphore_mem>>) src(%dma_wait3A_1526 : memref<128xi32, #tpu.memory_space<hbm>>) dst(%arg10 : memref<128xi32, #tpu.memory_space<vmem>>)
        tpu.yield
      }) : () -> ()
    } else {
    }
    %dma_start3A_1136 = arith.constant 0 : i32
    %dma_start3A_1137 = arith.constant 0 : i32
    %dma_start3A_1138 = tpu.memref_slice %arg2[%dma_start3A_1136, %dma_start3A_1137] : memref<1024x256xf32, #tpu.memory_space<hbm>> -> memref<1024x256xf32, #tpu.memory_space<hbm>>
    tpu.enqueue_indirect_dma source(%dma_start3A_1138 : memref<1024x256xf32, #tpu.memory_space<hbm>>) target(%arg12 : memref<128x256xf32, #tpu.memory_space<vmem>>) offsets(%arg10 : memref<128xi32, #tpu.memory_space<vmem>>) semaphore(%arg14 : memref<!tpu.dma_semaphore, #tpu.memory_space<semaphore_mem>>)
    %dma_wait3A_1139 = arith.constant 0 : i32
    %dma_wait3A_1140 = arith.constant 0 : i32
    %dma_wait3A_1141 = tpu.memref_slice %arg2[%dma_wait3A_1139, %dma_wait3A_1140] : memref<1024x256xf32, #tpu.memory_space<hbm>> -> memref<1024x256xf32, #tpu.memory_space<hbm>>
    tpu.wait_indirect_dma semaphore(%arg13 : memref<!tpu.dma_semaphore, #tpu.memory_space<semaphore_mem>>) src(%dma_wait3A_1141 : memref<1024x256xf32, #tpu.memory_space<hbm>>) dst(%arg11 : memref<128x256xf32, #tpu.memory_space<vmem>>)
    %mul3A_1142 = arith.constant 12 : i32
    %mul3A_1143 = arith.muli %add3A, %mul3A_1142 : i32
    %add3A_1144 = arith.constant 8 : i32
    %add3A_1145 = arith.addi %mul3A_1143, %add3A_1144 : i32
    %jit3A_1146 = arith.constant 128 : i32
    %eq3A_1147 = arith.constant 0 : i32
    %eq3A_1148 = arith.cmpi eq, %jit3A_1146, %eq3A_1147 : i32
    %jit3A_1149 = arith.constant 1 : i32
    %select_n3A_1150 = arith.select %eq3A_1148, %jit3A_1149, %jit3A_1146 : i32
    %rem3A_1151 = arith.remsi %add3A_1145, %select_n3A_1150 : i32
    %ne3A_1152 = arith.constant 0 : i32
    %ne3A_1153 = arith.cmpi ne, %rem3A_1151, %ne3A_1152 : i32
    %lt3A_1154 = arith.constant 0 : i32
    %lt3A_1155 = arith.cmpi slt, %rem3A_1151, %lt3A_1154 : i32
    %lt3A_1156 = arith.constant 0 : i32
    %lt3A_1157 = arith.cmpi slt, %select_n3A_1150, %lt3A_1156 : i32
    %ne3A_1158 = arith.xori %lt3A_1155, %lt3A_1157 : i1
    %and3A_1159 = arith.andi %ne3A_1158, %ne3A_1153 : i1
    %add3A_1160 = arith.addi %rem3A_1151, %select_n3A_1150 : i32
    %select_n3A_1161 = arith.select %and3A_1159, %add3A_1160, %rem3A_1151 : i32
    %mul3A_1162 = arith.constant 128 : i32
    %mul3A_1163 = arith.muli %select_n3A_1161, %mul3A_1162 : i32
    %jit3A_1164 = arith.constant 128 : i32
    %div3A_1165 = arith.divsi %add3A_1145, %jit3A_1164 : i32
    %sign3A_1166 = arith.constant 0 : i32
    %sign3A_1167 = arith.cmpi sgt, %add3A_1145, %sign3A_1166 : i32
    %sign3A_1168 = arith.extui %sign3A_1167 : i1 to i32
    %sign3A_1169 = arith.constant 0 : i32
    %sign3A_1170 = arith.cmpi slt, %add3A_1145, %sign3A_1169 : i32
    %sign3A_1171 = arith.extui %sign3A_1170 : i1 to i32
    %sign3A_1172 = arith.subi %sign3A_1168, %sign3A_1171 : i32
    %sign3A_1173 = arith.constant 0 : i32
    %sign3A_1174 = arith.cmpi sgt, %jit3A_1164, %sign3A_1173 : i32
    %sign3A_1175 = arith.extui %sign3A_1174 : i1 to i32
    %sign3A_1176 = arith.constant 0 : i32
    %sign3A_1177 = arith.cmpi slt, %jit3A_1164, %sign3A_1176 : i32
    %sign3A_1178 = arith.extui %sign3A_1177 : i1 to i32
    %sign3A_1179 = arith.subi %sign3A_1175, %sign3A_1178 : i32
    %ne3A_1180 = arith.cmpi ne, %sign3A_1172, %sign3A_1179 : i32
    %rem3A_1181 = arith.remsi %add3A_1145, %jit3A_1164 : i32
    %ne3A_1182 = arith.constant 0 : i32
    %ne3A_1183 = arith.cmpi ne, %rem3A_1181, %ne3A_1182 : i32
    %and3A_1184 = arith.andi %ne3A_1180, %ne3A_1183 : i1
    %sub3A_1185 = arith.constant 1 : i32
    %sub3A_1186 = arith.subi %div3A_1165, %sub3A_1185 : i32
    %select_n3A_1187 = arith.select %and3A_1184, %sub3A_1186, %div3A_1165 : i32
    %eq3A_1188 = arith.constant 0 : i32
    %eq3A_1189 = arith.cmpi eq, %select_n3A_1187, %eq3A_1188 : i32
    %convert_element_type3A_1190 = arith.extui %eq3A_1189 : i1 to i32
    %cond3A_1191 = arith.constant 0 : i32
    %cond3A_1192 = arith.cmpi ne, %convert_element_type3A_1190, %cond3A_1191 : i32
    scf.if %cond3A_1192 {
      "tpu.region"() ({
        %run_scoped3A = tpu.sem_alloc : memref<!tpu.dma_semaphore, #tpu.memory_space<semaphore_mem>>
        %dma_start3A_1523 = arith.constant 0 : i32
        %dma_start3A_1524 = tpu.memref_slice %arg6[%mul3A_1163, %dma_start3A_1523] : memref<16384x256xf32, #tpu.memory_space<hbm>> -> memref<128x256xf32, #tpu.memory_space<hbm>>
        %dma_start3A_1525 = arith.constant 0 : i32
        %dma_start3A_1526 = tpu.memref_slice %arg6[%mul3A_1163, %dma_start3A_1525] : memref<16384x256xf32, #tpu.memory_space<hbm>> -> memref<128x256xf32, #tpu.memory_space<hbm>>
        tpu.enqueue_dma source(%arg11 : memref<128x256xf32, #tpu.memory_space<vmem>>) target(%dma_start3A_1526 : memref<128x256xf32, #tpu.memory_space<hbm>>) target_semaphore(%run_scoped3A : memref<!tpu.dma_semaphore, #tpu.memory_space<semaphore_mem>>)
        %dma_wait3A_1527 = arith.constant 0 : i32
        %dma_wait3A_1528 = tpu.memref_slice %arg6[%mul3A_1163, %dma_wait3A_1527] : memref<16384x256xf32, #tpu.memory_space<hbm>> -> memref<128x256xf32, #tpu.memory_space<hbm>>
        %dma_wait3A_1529 = arith.constant 0 : i32
        %dma_wait3A_1530 = tpu.memref_slice %arg6[%mul3A_1163, %dma_wait3A_1529] : memref<16384x256xf32, #tpu.memory_space<hbm>> -> memref<128x256xf32, #tpu.memory_space<hbm>>
        tpu.wait_dma2 semaphore(%run_scoped3A : memref<!tpu.dma_semaphore, #tpu.memory_space<semaphore_mem>>) src(%arg11 : memref<128x256xf32, #tpu.memory_space<vmem>>) dst(%dma_wait3A_1530 : memref<128x256xf32, #tpu.memory_space<hbm>>)
        tpu.yield
      }) : () -> ()
    } else {
    }
    %eq3A_1193 = arith.constant 1 : i32
    %eq3A_1194 = arith.cmpi eq, %select_n3A_1187, %eq3A_1193 : i32
    %convert_element_type3A_1195 = arith.extui %eq3A_1194 : i1 to i32
    %cond3A_1196 = arith.constant 0 : i32
    %cond3A_1197 = arith.cmpi ne, %convert_element_type3A_1195, %cond3A_1196 : i32
    scf.if %cond3A_1197 {
      "tpu.region"() ({
        %run_scoped3A = tpu.sem_alloc : memref<!tpu.dma_semaphore, #tpu.memory_space<semaphore_mem>>
        %dma_start3A_1523 = arith.constant 0 : i32
        %dma_start3A_1524 = tpu.memref_slice %arg7[%mul3A_1163, %dma_start3A_1523] : memref<16384x256xf32, #tpu.memory_space<hbm>> -> memref<128x256xf32, #tpu.memory_space<hbm>>
        %dma_start3A_1525 = arith.constant 0 : i32
        %dma_start3A_1526 = tpu.memref_slice %arg7[%mul3A_1163, %dma_start3A_1525] : memref<16384x256xf32, #tpu.memory_space<hbm>> -> memref<128x256xf32, #tpu.memory_space<hbm>>
        tpu.enqueue_dma source(%arg11 : memref<128x256xf32, #tpu.memory_space<vmem>>) target(%dma_start3A_1526 : memref<128x256xf32, #tpu.memory_space<hbm>>) target_semaphore(%run_scoped3A : memref<!tpu.dma_semaphore, #tpu.memory_space<semaphore_mem>>)
        %dma_wait3A_1527 = arith.constant 0 : i32
        %dma_wait3A_1528 = tpu.memref_slice %arg7[%mul3A_1163, %dma_wait3A_1527] : memref<16384x256xf32, #tpu.memory_space<hbm>> -> memref<128x256xf32, #tpu.memory_space<hbm>>
        %dma_wait3A_1529 = arith.constant 0 : i32
        %dma_wait3A_1530 = tpu.memref_slice %arg7[%mul3A_1163, %dma_wait3A_1529] : memref<16384x256xf32, #tpu.memory_space<hbm>> -> memref<128x256xf32, #tpu.memory_space<hbm>>
        tpu.wait_dma2 semaphore(%run_scoped3A : memref<!tpu.dma_semaphore, #tpu.memory_space<semaphore_mem>>) src(%arg11 : memref<128x256xf32, #tpu.memory_space<vmem>>) dst(%dma_wait3A_1530 : memref<128x256xf32, #tpu.memory_space<hbm>>)
        tpu.yield
      }) : () -> ()
    } else {
    }
    %eq3A_1198 = arith.constant 2 : i32
    %eq3A_1199 = arith.cmpi eq, %select_n3A_1187, %eq3A_1198 : i32
    %convert_element_type3A_1200 = arith.extui %eq3A_1199 : i1 to i32
    %cond3A_1201 = arith.constant 0 : i32
    %cond3A_1202 = arith.cmpi ne, %convert_element_type3A_1200, %cond3A_1201 : i32
    scf.if %cond3A_1202 {
      "tpu.region"() ({
        %run_scoped3A = tpu.sem_alloc : memref<!tpu.dma_semaphore, #tpu.memory_space<semaphore_mem>>
        %dma_start3A_1523 = arith.constant 0 : i32
        %dma_start3A_1524 = tpu.memref_slice %arg8[%mul3A_1163, %dma_start3A_1523] : memref<16384x256xf32, #tpu.memory_space<hbm>> -> memref<128x256xf32, #tpu.memory_space<hbm>>
        %dma_start3A_1525 = arith.constant 0 : i32
        %dma_start3A_1526 = tpu.memref_slice %arg8[%mul3A_1163, %dma_start3A_1525] : memref<16384x256xf32, #tpu.memory_space<hbm>> -> memref<128x256xf32, #tpu.memory_space<hbm>>
        tpu.enqueue_dma source(%arg11 : memref<128x256xf32, #tpu.memory_space<vmem>>) target(%dma_start3A_1526 : memref<128x256xf32, #tpu.memory_space<hbm>>) target_semaphore(%run_scoped3A : memref<!tpu.dma_semaphore, #tpu.memory_space<semaphore_mem>>)
        %dma_wait3A_1527 = arith.constant 0 : i32
        %dma_wait3A_1528 = tpu.memref_slice %arg8[%mul3A_1163, %dma_wait3A_1527] : memref<16384x256xf32, #tpu.memory_space<hbm>> -> memref<128x256xf32, #tpu.memory_space<hbm>>
        %dma_wait3A_1529 = arith.constant 0 : i32
        %dma_wait3A_1530 = tpu.memref_slice %arg8[%mul3A_1163, %dma_wait3A_1529] : memref<16384x256xf32, #tpu.memory_space<hbm>> -> memref<128x256xf32, #tpu.memory_space<hbm>>
        tpu.wait_dma2 semaphore(%run_scoped3A : memref<!tpu.dma_semaphore, #tpu.memory_space<semaphore_mem>>) src(%arg11 : memref<128x256xf32, #tpu.memory_space<vmem>>) dst(%dma_wait3A_1530 : memref<128x256xf32, #tpu.memory_space<hbm>>)
        tpu.yield
      }) : () -> ()
    } else {
    }
    %mul3A_1203 = arith.constant 12 : i32
    %mul3A_1204 = arith.muli %add3A, %mul3A_1203 : i32
    %add3A_1205 = arith.constant 10 : i32
    %add3A_1206 = arith.addi %mul3A_1204, %add3A_1205 : i32
    %jit3A_1207 = arith.constant 128 : i32
    %eq3A_1208 = arith.constant 0 : i32
    %eq3A_1209 = arith.cmpi eq, %jit3A_1207, %eq3A_1208 : i32
    %jit3A_1210 = arith.constant 1 : i32
    %select_n3A_1211 = arith.select %eq3A_1209, %jit3A_1210, %jit3A_1207 : i32
    %rem3A_1212 = arith.remsi %add3A_1206, %select_n3A_1211 : i32
    %ne3A_1213 = arith.constant 0 : i32
    %ne3A_1214 = arith.cmpi ne, %rem3A_1212, %ne3A_1213 : i32
    %lt3A_1215 = arith.constant 0 : i32
    %lt3A_1216 = arith.cmpi slt, %rem3A_1212, %lt3A_1215 : i32
    %lt3A_1217 = arith.constant 0 : i32
    %lt3A_1218 = arith.cmpi slt, %select_n3A_1211, %lt3A_1217 : i32
    %ne3A_1219 = arith.xori %lt3A_1216, %lt3A_1218 : i1
    %and3A_1220 = arith.andi %ne3A_1219, %ne3A_1214 : i1
    %add3A_1221 = arith.addi %rem3A_1212, %select_n3A_1211 : i32
    %select_n3A_1222 = arith.select %and3A_1220, %add3A_1221, %rem3A_1212 : i32
    %mul3A_1223 = arith.constant 128 : i32
    %mul3A_1224 = arith.muli %select_n3A_1222, %mul3A_1223 : i32
    %jit3A_1225 = arith.constant 128 : i32
    %div3A_1226 = arith.divsi %add3A_1206, %jit3A_1225 : i32
    %sign3A_1227 = arith.constant 0 : i32
    %sign3A_1228 = arith.cmpi sgt, %add3A_1206, %sign3A_1227 : i32
    %sign3A_1229 = arith.extui %sign3A_1228 : i1 to i32
    %sign3A_1230 = arith.constant 0 : i32
    %sign3A_1231 = arith.cmpi slt, %add3A_1206, %sign3A_1230 : i32
    %sign3A_1232 = arith.extui %sign3A_1231 : i1 to i32
    %sign3A_1233 = arith.subi %sign3A_1229, %sign3A_1232 : i32
    %sign3A_1234 = arith.constant 0 : i32
    %sign3A_1235 = arith.cmpi sgt, %jit3A_1225, %sign3A_1234 : i32
    %sign3A_1236 = arith.extui %sign3A_1235 : i1 to i32
    %sign3A_1237 = arith.constant 0 : i32
    %sign3A_1238 = arith.cmpi slt, %jit3A_1225, %sign3A_1237 : i32
    %sign3A_1239 = arith.extui %sign3A_1238 : i1 to i32
    %sign3A_1240 = arith.subi %sign3A_1236, %sign3A_1239 : i32
    %ne3A_1241 = arith.cmpi ne, %sign3A_1233, %sign3A_1240 : i32
    %rem3A_1242 = arith.remsi %add3A_1206, %jit3A_1225 : i32
    %ne3A_1243 = arith.constant 0 : i32
    %ne3A_1244 = arith.cmpi ne, %rem3A_1242, %ne3A_1243 : i32
    %and3A_1245 = arith.andi %ne3A_1241, %ne3A_1244 : i1
    %sub3A_1246 = arith.constant 1 : i32
    %sub3A_1247 = arith.subi %div3A_1226, %sub3A_1246 : i32
    %select_n3A_1248 = arith.select %and3A_1245, %sub3A_1247, %div3A_1226 : i32
    %eq3A_1249 = arith.constant 0 : i32
    %eq3A_1250 = arith.cmpi eq, %select_n3A_1248, %eq3A_1249 : i32
    %convert_element_type3A_1251 = arith.extui %eq3A_1250 : i1 to i32
    %cond3A_1252 = arith.constant 0 : i32
    %cond3A_1253 = arith.cmpi ne, %convert_element_type3A_1251, %cond3A_1252 : i32
    scf.if %cond3A_1253 {
      "tpu.region"() ({
        %run_scoped3A = tpu.sem_alloc : memref<!tpu.dma_semaphore, #tpu.memory_space<semaphore_mem>>
        %dma_start3A_1523 = tpu.memref_slice %arg3[%mul3A_1224] : memref<16384xi32, #tpu.memory_space<hbm>> -> memref<128xi32, #tpu.memory_space<hbm>>
        %dma_start3A_1524 = tpu.memref_slice %arg3[%mul3A_1224] : memref<16384xi32, #tpu.memory_space<hbm>> -> memref<128xi32, #tpu.memory_space<hbm>>
        tpu.enqueue_dma source(%dma_start3A_1524 : memref<128xi32, #tpu.memory_space<hbm>>) target(%arg9 : memref<128xi32, #tpu.memory_space<vmem>>) target_semaphore(%run_scoped3A : memref<!tpu.dma_semaphore, #tpu.memory_space<semaphore_mem>>)
        %dma_wait3A_1525 = tpu.memref_slice %arg3[%mul3A_1224] : memref<16384xi32, #tpu.memory_space<hbm>> -> memref<128xi32, #tpu.memory_space<hbm>>
        %dma_wait3A_1526 = tpu.memref_slice %arg3[%mul3A_1224] : memref<16384xi32, #tpu.memory_space<hbm>> -> memref<128xi32, #tpu.memory_space<hbm>>
        tpu.wait_dma2 semaphore(%run_scoped3A : memref<!tpu.dma_semaphore, #tpu.memory_space<semaphore_mem>>) src(%dma_wait3A_1526 : memref<128xi32, #tpu.memory_space<hbm>>) dst(%arg9 : memref<128xi32, #tpu.memory_space<vmem>>)
        tpu.yield
      }) : () -> ()
    } else {
    }
    %eq3A_1254 = arith.constant 1 : i32
    %eq3A_1255 = arith.cmpi eq, %select_n3A_1248, %eq3A_1254 : i32
    %convert_element_type3A_1256 = arith.extui %eq3A_1255 : i1 to i32
    %cond3A_1257 = arith.constant 0 : i32
    %cond3A_1258 = arith.cmpi ne, %convert_element_type3A_1256, %cond3A_1257 : i32
    scf.if %cond3A_1258 {
      "tpu.region"() ({
        %run_scoped3A = tpu.sem_alloc : memref<!tpu.dma_semaphore, #tpu.memory_space<semaphore_mem>>
        %dma_start3A_1523 = tpu.memref_slice %arg4[%mul3A_1224] : memref<16384xi32, #tpu.memory_space<hbm>> -> memref<128xi32, #tpu.memory_space<hbm>>
        %dma_start3A_1524 = tpu.memref_slice %arg4[%mul3A_1224] : memref<16384xi32, #tpu.memory_space<hbm>> -> memref<128xi32, #tpu.memory_space<hbm>>
        tpu.enqueue_dma source(%dma_start3A_1524 : memref<128xi32, #tpu.memory_space<hbm>>) target(%arg9 : memref<128xi32, #tpu.memory_space<vmem>>) target_semaphore(%run_scoped3A : memref<!tpu.dma_semaphore, #tpu.memory_space<semaphore_mem>>)
        %dma_wait3A_1525 = tpu.memref_slice %arg4[%mul3A_1224] : memref<16384xi32, #tpu.memory_space<hbm>> -> memref<128xi32, #tpu.memory_space<hbm>>
        %dma_wait3A_1526 = tpu.memref_slice %arg4[%mul3A_1224] : memref<16384xi32, #tpu.memory_space<hbm>> -> memref<128xi32, #tpu.memory_space<hbm>>
        tpu.wait_dma2 semaphore(%run_scoped3A : memref<!tpu.dma_semaphore, #tpu.memory_space<semaphore_mem>>) src(%dma_wait3A_1526 : memref<128xi32, #tpu.memory_space<hbm>>) dst(%arg9 : memref<128xi32, #tpu.memory_space<vmem>>)
        tpu.yield
      }) : () -> ()
    } else {
    }
    %eq3A_1259 = arith.constant 2 : i32
    %eq3A_1260 = arith.cmpi eq, %select_n3A_1248, %eq3A_1259 : i32
    %convert_element_type3A_1261 = arith.extui %eq3A_1260 : i1 to i32
    %cond3A_1262 = arith.constant 0 : i32
    %cond3A_1263 = arith.cmpi ne, %convert_element_type3A_1261, %cond3A_1262 : i32
    scf.if %cond3A_1263 {
      "tpu.region"() ({
        %run_scoped3A = tpu.sem_alloc : memref<!tpu.dma_semaphore, #tpu.memory_space<semaphore_mem>>
        %dma_start3A_1523 = tpu.memref_slice %arg5[%mul3A_1224] : memref<16384xi32, #tpu.memory_space<hbm>> -> memref<128xi32, #tpu.memory_space<hbm>>
        %dma_start3A_1524 = tpu.memref_slice %arg5[%mul3A_1224] : memref<16384xi32, #tpu.memory_space<hbm>> -> memref<128xi32, #tpu.memory_space<hbm>>
        tpu.enqueue_dma source(%dma_start3A_1524 : memref<128xi32, #tpu.memory_space<hbm>>) target(%arg9 : memref<128xi32, #tpu.memory_space<vmem>>) target_semaphore(%run_scoped3A : memref<!tpu.dma_semaphore, #tpu.memory_space<semaphore_mem>>)
        %dma_wait3A_1525 = tpu.memref_slice %arg5[%mul3A_1224] : memref<16384xi32, #tpu.memory_space<hbm>> -> memref<128xi32, #tpu.memory_space<hbm>>
        %dma_wait3A_1526 = tpu.memref_slice %arg5[%mul3A_1224] : memref<16384xi32, #tpu.memory_space<hbm>> -> memref<128xi32, #tpu.memory_space<hbm>>
        tpu.wait_dma2 semaphore(%run_scoped3A : memref<!tpu.dma_semaphore, #tpu.memory_space<semaphore_mem>>) src(%dma_wait3A_1526 : memref<128xi32, #tpu.memory_space<hbm>>) dst(%arg9 : memref<128xi32, #tpu.memory_space<vmem>>)
        tpu.yield
      }) : () -> ()
    } else {
    }
    %dma_start3A_1264 = arith.constant 0 : i32
    %dma_start3A_1265 = arith.constant 0 : i32
    %dma_start3A_1266 = tpu.memref_slice %arg2[%dma_start3A_1264, %dma_start3A_1265] : memref<1024x256xf32, #tpu.memory_space<hbm>> -> memref<1024x256xf32, #tpu.memory_space<hbm>>
    tpu.enqueue_indirect_dma source(%dma_start3A_1266 : memref<1024x256xf32, #tpu.memory_space<hbm>>) target(%arg11 : memref<128x256xf32, #tpu.memory_space<vmem>>) offsets(%arg9 : memref<128xi32, #tpu.memory_space<vmem>>) semaphore(%arg13 : memref<!tpu.dma_semaphore, #tpu.memory_space<semaphore_mem>>)
    %dma_wait3A_1267 = arith.constant 0 : i32
    %dma_wait3A_1268 = arith.constant 0 : i32
    %dma_wait3A_1269 = tpu.memref_slice %arg2[%dma_wait3A_1267, %dma_wait3A_1268] : memref<1024x256xf32, #tpu.memory_space<hbm>> -> memref<1024x256xf32, #tpu.memory_space<hbm>>
    tpu.wait_indirect_dma semaphore(%arg14 : memref<!tpu.dma_semaphore, #tpu.memory_space<semaphore_mem>>) src(%dma_wait3A_1269 : memref<1024x256xf32, #tpu.memory_space<hbm>>) dst(%arg12 : memref<128x256xf32, #tpu.memory_space<vmem>>)
    %mul3A_1270 = arith.constant 12 : i32
    %mul3A_1271 = arith.muli %add3A, %mul3A_1270 : i32
    %add3A_1272 = arith.constant 9 : i32
    %add3A_1273 = arith.addi %mul3A_1271, %add3A_1272 : i32
    %jit3A_1274 = arith.constant 128 : i32
    %eq3A_1275 = arith.constant 0 : i32
    %eq3A_1276 = arith.cmpi eq, %jit3A_1274, %eq3A_1275 : i32
    %jit3A_1277 = arith.constant 1 : i32
    %select_n3A_1278 = arith.select %eq3A_1276, %jit3A_1277, %jit3A_1274 : i32
    %rem3A_1279 = arith.remsi %add3A_1273, %select_n3A_1278 : i32
    %ne3A_1280 = arith.constant 0 : i32
    %ne3A_1281 = arith.cmpi ne, %rem3A_1279, %ne3A_1280 : i32
    %lt3A_1282 = arith.constant 0 : i32
    %lt3A_1283 = arith.cmpi slt, %rem3A_1279, %lt3A_1282 : i32
    %lt3A_1284 = arith.constant 0 : i32
    %lt3A_1285 = arith.cmpi slt, %select_n3A_1278, %lt3A_1284 : i32
    %ne3A_1286 = arith.xori %lt3A_1283, %lt3A_1285 : i1
    %and3A_1287 = arith.andi %ne3A_1286, %ne3A_1281 : i1
    %add3A_1288 = arith.addi %rem3A_1279, %select_n3A_1278 : i32
    %select_n3A_1289 = arith.select %and3A_1287, %add3A_1288, %rem3A_1279 : i32
    %mul3A_1290 = arith.constant 128 : i32
    %mul3A_1291 = arith.muli %select_n3A_1289, %mul3A_1290 : i32
    %jit3A_1292 = arith.constant 128 : i32
    %div3A_1293 = arith.divsi %add3A_1273, %jit3A_1292 : i32
    %sign3A_1294 = arith.constant 0 : i32
    %sign3A_1295 = arith.cmpi sgt, %add3A_1273, %sign3A_1294 : i32
    %sign3A_1296 = arith.extui %sign3A_1295 : i1 to i32
    %sign3A_1297 = arith.constant 0 : i32
    %sign3A_1298 = arith.cmpi slt, %add3A_1273, %sign3A_1297 : i32
    %sign3A_1299 = arith.extui %sign3A_1298 : i1 to i32
    %sign3A_1300 = arith.subi %sign3A_1296, %sign3A_1299 : i32
    %sign3A_1301 = arith.constant 0 : i32
    %sign3A_1302 = arith.cmpi sgt, %jit3A_1292, %sign3A_1301 : i32
    %sign3A_1303 = arith.extui %sign3A_1302 : i1 to i32
    %sign3A_1304 = arith.constant 0 : i32
    %sign3A_1305 = arith.cmpi slt, %jit3A_1292, %sign3A_1304 : i32
    %sign3A_1306 = arith.extui %sign3A_1305 : i1 to i32
    %sign3A_1307 = arith.subi %sign3A_1303, %sign3A_1306 : i32
    %ne3A_1308 = arith.cmpi ne, %sign3A_1300, %sign3A_1307 : i32
    %rem3A_1309 = arith.remsi %add3A_1273, %jit3A_1292 : i32
    %ne3A_1310 = arith.constant 0 : i32
    %ne3A_1311 = arith.cmpi ne, %rem3A_1309, %ne3A_1310 : i32
    %and3A_1312 = arith.andi %ne3A_1308, %ne3A_1311 : i1
    %sub3A_1313 = arith.constant 1 : i32
    %sub3A_1314 = arith.subi %div3A_1293, %sub3A_1313 : i32
    %select_n3A_1315 = arith.select %and3A_1312, %sub3A_1314, %div3A_1293 : i32
    %eq3A_1316 = arith.constant 0 : i32
    %eq3A_1317 = arith.cmpi eq, %select_n3A_1315, %eq3A_1316 : i32
    %convert_element_type3A_1318 = arith.extui %eq3A_1317 : i1 to i32
    %cond3A_1319 = arith.constant 0 : i32
    %cond3A_1320 = arith.cmpi ne, %convert_element_type3A_1318, %cond3A_1319 : i32
    scf.if %cond3A_1320 {
      "tpu.region"() ({
        %run_scoped3A = tpu.sem_alloc : memref<!tpu.dma_semaphore, #tpu.memory_space<semaphore_mem>>
        %dma_start3A_1523 = arith.constant 0 : i32
        %dma_start3A_1524 = tpu.memref_slice %arg6[%mul3A_1291, %dma_start3A_1523] : memref<16384x256xf32, #tpu.memory_space<hbm>> -> memref<128x256xf32, #tpu.memory_space<hbm>>
        %dma_start3A_1525 = arith.constant 0 : i32
        %dma_start3A_1526 = tpu.memref_slice %arg6[%mul3A_1291, %dma_start3A_1525] : memref<16384x256xf32, #tpu.memory_space<hbm>> -> memref<128x256xf32, #tpu.memory_space<hbm>>
        tpu.enqueue_dma source(%arg12 : memref<128x256xf32, #tpu.memory_space<vmem>>) target(%dma_start3A_1526 : memref<128x256xf32, #tpu.memory_space<hbm>>) target_semaphore(%run_scoped3A : memref<!tpu.dma_semaphore, #tpu.memory_space<semaphore_mem>>)
        %dma_wait3A_1527 = arith.constant 0 : i32
        %dma_wait3A_1528 = tpu.memref_slice %arg6[%mul3A_1291, %dma_wait3A_1527] : memref<16384x256xf32, #tpu.memory_space<hbm>> -> memref<128x256xf32, #tpu.memory_space<hbm>>
        %dma_wait3A_1529 = arith.constant 0 : i32
        %dma_wait3A_1530 = tpu.memref_slice %arg6[%mul3A_1291, %dma_wait3A_1529] : memref<16384x256xf32, #tpu.memory_space<hbm>> -> memref<128x256xf32, #tpu.memory_space<hbm>>
        tpu.wait_dma2 semaphore(%run_scoped3A : memref<!tpu.dma_semaphore, #tpu.memory_space<semaphore_mem>>) src(%arg12 : memref<128x256xf32, #tpu.memory_space<vmem>>) dst(%dma_wait3A_1530 : memref<128x256xf32, #tpu.memory_space<hbm>>)
        tpu.yield
      }) : () -> ()
    } else {
    }
    %eq3A_1321 = arith.constant 1 : i32
    %eq3A_1322 = arith.cmpi eq, %select_n3A_1315, %eq3A_1321 : i32
    %convert_element_type3A_1323 = arith.extui %eq3A_1322 : i1 to i32
    %cond3A_1324 = arith.constant 0 : i32
    %cond3A_1325 = arith.cmpi ne, %convert_element_type3A_1323, %cond3A_1324 : i32
    scf.if %cond3A_1325 {
      "tpu.region"() ({
        %run_scoped3A = tpu.sem_alloc : memref<!tpu.dma_semaphore, #tpu.memory_space<semaphore_mem>>
        %dma_start3A_1523 = arith.constant 0 : i32
        %dma_start3A_1524 = tpu.memref_slice %arg7[%mul3A_1291, %dma_start3A_1523] : memref<16384x256xf32, #tpu.memory_space<hbm>> -> memref<128x256xf32, #tpu.memory_space<hbm>>
        %dma_start3A_1525 = arith.constant 0 : i32
        %dma_start3A_1526 = tpu.memref_slice %arg7[%mul3A_1291, %dma_start3A_1525] : memref<16384x256xf32, #tpu.memory_space<hbm>> -> memref<128x256xf32, #tpu.memory_space<hbm>>
        tpu.enqueue_dma source(%arg12 : memref<128x256xf32, #tpu.memory_space<vmem>>) target(%dma_start3A_1526 : memref<128x256xf32, #tpu.memory_space<hbm>>) target_semaphore(%run_scoped3A : memref<!tpu.dma_semaphore, #tpu.memory_space<semaphore_mem>>)
        %dma_wait3A_1527 = arith.constant 0 : i32
        %dma_wait3A_1528 = tpu.memref_slice %arg7[%mul3A_1291, %dma_wait3A_1527] : memref<16384x256xf32, #tpu.memory_space<hbm>> -> memref<128x256xf32, #tpu.memory_space<hbm>>
        %dma_wait3A_1529 = arith.constant 0 : i32
        %dma_wait3A_1530 = tpu.memref_slice %arg7[%mul3A_1291, %dma_wait3A_1529] : memref<16384x256xf32, #tpu.memory_space<hbm>> -> memref<128x256xf32, #tpu.memory_space<hbm>>
        tpu.wait_dma2 semaphore(%run_scoped3A : memref<!tpu.dma_semaphore, #tpu.memory_space<semaphore_mem>>) src(%arg12 : memref<128x256xf32, #tpu.memory_space<vmem>>) dst(%dma_wait3A_1530 : memref<128x256xf32, #tpu.memory_space<hbm>>)
        tpu.yield
      }) : () -> ()
    } else {
    }
    %eq3A_1326 = arith.constant 2 : i32
    %eq3A_1327 = arith.cmpi eq, %select_n3A_1315, %eq3A_1326 : i32
    %convert_element_type3A_1328 = arith.extui %eq3A_1327 : i1 to i32
    %cond3A_1329 = arith.constant 0 : i32
    %cond3A_1330 = arith.cmpi ne, %convert_element_type3A_1328, %cond3A_1329 : i32
    scf.if %cond3A_1330 {
      "tpu.region"() ({
        %run_scoped3A = tpu.sem_alloc : memref<!tpu.dma_semaphore, #tpu.memory_space<semaphore_mem>>
        %dma_start3A_1523 = arith.constant 0 : i32
        %dma_start3A_1524 = tpu.memref_slice %arg8[%mul3A_1291, %dma_start3A_1523] : memref<16384x256xf32, #tpu.memory_space<hbm>> -> memref<128x256xf32, #tpu.memory_space<hbm>>
        %dma_start3A_1525 = arith.constant 0 : i32
        %dma_start3A_1526 = tpu.memref_slice %arg8[%mul3A_1291, %dma_start3A_1525] : memref<16384x256xf32, #tpu.memory_space<hbm>> -> memref<128x256xf32, #tpu.memory_space<hbm>>
        tpu.enqueue_dma source(%arg12 : memref<128x256xf32, #tpu.memory_space<vmem>>) target(%dma_start3A_1526 : memref<128x256xf32, #tpu.memory_space<hbm>>) target_semaphore(%run_scoped3A : memref<!tpu.dma_semaphore, #tpu.memory_space<semaphore_mem>>)
        %dma_wait3A_1527 = arith.constant 0 : i32
        %dma_wait3A_1528 = tpu.memref_slice %arg8[%mul3A_1291, %dma_wait3A_1527] : memref<16384x256xf32, #tpu.memory_space<hbm>> -> memref<128x256xf32, #tpu.memory_space<hbm>>
        %dma_wait3A_1529 = arith.constant 0 : i32
        %dma_wait3A_1530 = tpu.memref_slice %arg8[%mul3A_1291, %dma_wait3A_1529] : memref<16384x256xf32, #tpu.memory_space<hbm>> -> memref<128x256xf32, #tpu.memory_space<hbm>>
        tpu.wait_dma2 semaphore(%run_scoped3A : memref<!tpu.dma_semaphore, #tpu.memory_space<semaphore_mem>>) src(%arg12 : memref<128x256xf32, #tpu.memory_space<vmem>>) dst(%dma_wait3A_1530 : memref<128x256xf32, #tpu.memory_space<hbm>>)
        tpu.yield
      }) : () -> ()
    } else {
    }
    %mul3A_1331 = arith.constant 12 : i32
    %mul3A_1332 = arith.muli %add3A, %mul3A_1331 : i32
    %add3A_1333 = arith.constant 11 : i32
    %add3A_1334 = arith.addi %mul3A_1332, %add3A_1333 : i32
    %jit3A_1335 = arith.constant 128 : i32
    %eq3A_1336 = arith.constant 0 : i32
    %eq3A_1337 = arith.cmpi eq, %jit3A_1335, %eq3A_1336 : i32
    %jit3A_1338 = arith.constant 1 : i32
    %select_n3A_1339 = arith.select %eq3A_1337, %jit3A_1338, %jit3A_1335 : i32
    %rem3A_1340 = arith.remsi %add3A_1334, %select_n3A_1339 : i32
    %ne3A_1341 = arith.constant 0 : i32
    %ne3A_1342 = arith.cmpi ne, %rem3A_1340, %ne3A_1341 : i32
    %lt3A_1343 = arith.constant 0 : i32
    %lt3A_1344 = arith.cmpi slt, %rem3A_1340, %lt3A_1343 : i32
    %lt3A_1345 = arith.constant 0 : i32
    %lt3A_1346 = arith.cmpi slt, %select_n3A_1339, %lt3A_1345 : i32
    %ne3A_1347 = arith.xori %lt3A_1344, %lt3A_1346 : i1
    %and3A_1348 = arith.andi %ne3A_1347, %ne3A_1342 : i1
    %add3A_1349 = arith.addi %rem3A_1340, %select_n3A_1339 : i32
    %select_n3A_1350 = arith.select %and3A_1348, %add3A_1349, %rem3A_1340 : i32
    %mul3A_1351 = arith.constant 128 : i32
    %mul3A_1352 = arith.muli %select_n3A_1350, %mul3A_1351 : i32
    %jit3A_1353 = arith.constant 128 : i32
    %div3A_1354 = arith.divsi %add3A_1334, %jit3A_1353 : i32
    %sign3A_1355 = arith.constant 0 : i32
    %sign3A_1356 = arith.cmpi sgt, %add3A_1334, %sign3A_1355 : i32
    %sign3A_1357 = arith.extui %sign3A_1356 : i1 to i32
    %sign3A_1358 = arith.constant 0 : i32
    %sign3A_1359 = arith.cmpi slt, %add3A_1334, %sign3A_1358 : i32
    %sign3A_1360 = arith.extui %sign3A_1359 : i1 to i32
    %sign3A_1361 = arith.subi %sign3A_1357, %sign3A_1360 : i32
    %sign3A_1362 = arith.constant 0 : i32
    %sign3A_1363 = arith.cmpi sgt, %jit3A_1353, %sign3A_1362 : i32
    %sign3A_1364 = arith.extui %sign3A_1363 : i1 to i32
    %sign3A_1365 = arith.constant 0 : i32
    %sign3A_1366 = arith.cmpi slt, %jit3A_1353, %sign3A_1365 : i32
    %sign3A_1367 = arith.extui %sign3A_1366 : i1 to i32
    %sign3A_1368 = arith.subi %sign3A_1364, %sign3A_1367 : i32
    %ne3A_1369 = arith.cmpi ne, %sign3A_1361, %sign3A_1368 : i32
    %rem3A_1370 = arith.remsi %add3A_1334, %jit3A_1353 : i32
    %ne3A_1371 = arith.constant 0 : i32
    %ne3A_1372 = arith.cmpi ne, %rem3A_1370, %ne3A_1371 : i32
    %and3A_1373 = arith.andi %ne3A_1369, %ne3A_1372 : i1
    %sub3A_1374 = arith.constant 1 : i32
    %sub3A_1375 = arith.subi %div3A_1354, %sub3A_1374 : i32
    %select_n3A_1376 = arith.select %and3A_1373, %sub3A_1375, %div3A_1354 : i32
    %eq3A_1377 = arith.constant 0 : i32
    %eq3A_1378 = arith.cmpi eq, %select_n3A_1376, %eq3A_1377 : i32
    %convert_element_type3A_1379 = arith.extui %eq3A_1378 : i1 to i32
    %cond3A_1380 = arith.constant 0 : i32
    %cond3A_1381 = arith.cmpi ne, %convert_element_type3A_1379, %cond3A_1380 : i32
    scf.if %cond3A_1381 {
      "tpu.region"() ({
        %run_scoped3A = tpu.sem_alloc : memref<!tpu.dma_semaphore, #tpu.memory_space<semaphore_mem>>
        %dma_start3A_1523 = tpu.memref_slice %arg3[%mul3A_1352] : memref<16384xi32, #tpu.memory_space<hbm>> -> memref<128xi32, #tpu.memory_space<hbm>>
        %dma_start3A_1524 = tpu.memref_slice %arg3[%mul3A_1352] : memref<16384xi32, #tpu.memory_space<hbm>> -> memref<128xi32, #tpu.memory_space<hbm>>
        tpu.enqueue_dma source(%dma_start3A_1524 : memref<128xi32, #tpu.memory_space<hbm>>) target(%arg10 : memref<128xi32, #tpu.memory_space<vmem>>) target_semaphore(%run_scoped3A : memref<!tpu.dma_semaphore, #tpu.memory_space<semaphore_mem>>)
        %dma_wait3A_1525 = tpu.memref_slice %arg3[%mul3A_1352] : memref<16384xi32, #tpu.memory_space<hbm>> -> memref<128xi32, #tpu.memory_space<hbm>>
        %dma_wait3A_1526 = tpu.memref_slice %arg3[%mul3A_1352] : memref<16384xi32, #tpu.memory_space<hbm>> -> memref<128xi32, #tpu.memory_space<hbm>>
        tpu.wait_dma2 semaphore(%run_scoped3A : memref<!tpu.dma_semaphore, #tpu.memory_space<semaphore_mem>>) src(%dma_wait3A_1526 : memref<128xi32, #tpu.memory_space<hbm>>) dst(%arg10 : memref<128xi32, #tpu.memory_space<vmem>>)
        tpu.yield
      }) : () -> ()
    } else {
    }
    %eq3A_1382 = arith.constant 1 : i32
    %eq3A_1383 = arith.cmpi eq, %select_n3A_1376, %eq3A_1382 : i32
    %convert_element_type3A_1384 = arith.extui %eq3A_1383 : i1 to i32
    %cond3A_1385 = arith.constant 0 : i32
    %cond3A_1386 = arith.cmpi ne, %convert_element_type3A_1384, %cond3A_1385 : i32
    scf.if %cond3A_1386 {
      "tpu.region"() ({
        %run_scoped3A = tpu.sem_alloc : memref<!tpu.dma_semaphore, #tpu.memory_space<semaphore_mem>>
        %dma_start3A_1523 = tpu.memref_slice %arg4[%mul3A_1352] : memref<16384xi32, #tpu.memory_space<hbm>> -> memref<128xi32, #tpu.memory_space<hbm>>
        %dma_start3A_1524 = tpu.memref_slice %arg4[%mul3A_1352] : memref<16384xi32, #tpu.memory_space<hbm>> -> memref<128xi32, #tpu.memory_space<hbm>>
        tpu.enqueue_dma source(%dma_start3A_1524 : memref<128xi32, #tpu.memory_space<hbm>>) target(%arg10 : memref<128xi32, #tpu.memory_space<vmem>>) target_semaphore(%run_scoped3A : memref<!tpu.dma_semaphore, #tpu.memory_space<semaphore_mem>>)
        %dma_wait3A_1525 = tpu.memref_slice %arg4[%mul3A_1352] : memref<16384xi32, #tpu.memory_space<hbm>> -> memref<128xi32, #tpu.memory_space<hbm>>
        %dma_wait3A_1526 = tpu.memref_slice %arg4[%mul3A_1352] : memref<16384xi32, #tpu.memory_space<hbm>> -> memref<128xi32, #tpu.memory_space<hbm>>
        tpu.wait_dma2 semaphore(%run_scoped3A : memref<!tpu.dma_semaphore, #tpu.memory_space<semaphore_mem>>) src(%dma_wait3A_1526 : memref<128xi32, #tpu.memory_space<hbm>>) dst(%arg10 : memref<128xi32, #tpu.memory_space<vmem>>)
        tpu.yield
      }) : () -> ()
    } else {
    }
    %eq3A_1387 = arith.constant 2 : i32
    %eq3A_1388 = arith.cmpi eq, %select_n3A_1376, %eq3A_1387 : i32
    %convert_element_type3A_1389 = arith.extui %eq3A_1388 : i1 to i32
    %cond3A_1390 = arith.constant 0 : i32
    %cond3A_1391 = arith.cmpi ne, %convert_element_type3A_1389, %cond3A_1390 : i32
    scf.if %cond3A_1391 {
      "tpu.region"() ({
        %run_scoped3A = tpu.sem_alloc : memref<!tpu.dma_semaphore, #tpu.memory_space<semaphore_mem>>
        %dma_start3A_1523 = tpu.memref_slice %arg5[%mul3A_1352] : memref<16384xi32, #tpu.memory_space<hbm>> -> memref<128xi32, #tpu.memory_space<hbm>>
        %dma_start3A_1524 = tpu.memref_slice %arg5[%mul3A_1352] : memref<16384xi32, #tpu.memory_space<hbm>> -> memref<128xi32, #tpu.memory_space<hbm>>
        tpu.enqueue_dma source(%dma_start3A_1524 : memref<128xi32, #tpu.memory_space<hbm>>) target(%arg10 : memref<128xi32, #tpu.memory_space<vmem>>) target_semaphore(%run_scoped3A : memref<!tpu.dma_semaphore, #tpu.memory_space<semaphore_mem>>)
        %dma_wait3A_1525 = tpu.memref_slice %arg5[%mul3A_1352] : memref<16384xi32, #tpu.memory_space<hbm>> -> memref<128xi32, #tpu.memory_space<hbm>>
        %dma_wait3A_1526 = tpu.memref_slice %arg5[%mul3A_1352] : memref<16384xi32, #tpu.memory_space<hbm>> -> memref<128xi32, #tpu.memory_space<hbm>>
        tpu.wait_dma2 semaphore(%run_scoped3A : memref<!tpu.dma_semaphore, #tpu.memory_space<semaphore_mem>>) src(%dma_wait3A_1526 : memref<128xi32, #tpu.memory_space<hbm>>) dst(%arg10 : memref<128xi32, #tpu.memory_space<vmem>>)
        tpu.yield
      }) : () -> ()
    } else {
    }
    %dma_start3A_1392 = arith.constant 0 : i32
    %dma_start3A_1393 = arith.constant 0 : i32
    %dma_start3A_1394 = tpu.memref_slice %arg2[%dma_start3A_1392, %dma_start3A_1393] : memref<1024x256xf32, #tpu.memory_space<hbm>> -> memref<1024x256xf32, #tpu.memory_space<hbm>>
    tpu.enqueue_indirect_dma source(%dma_start3A_1394 : memref<1024x256xf32, #tpu.memory_space<hbm>>) target(%arg12 : memref<128x256xf32, #tpu.memory_space<vmem>>) offsets(%arg10 : memref<128xi32, #tpu.memory_space<vmem>>) semaphore(%arg14 : memref<!tpu.dma_semaphore, #tpu.memory_space<semaphore_mem>>)
    %dma_wait3A_1395 = arith.constant 0 : i32
    %dma_wait3A_1396 = arith.constant 0 : i32
    %dma_wait3A_1397 = tpu.memref_slice %arg2[%dma_wait3A_1395, %dma_wait3A_1396] : memref<1024x256xf32, #tpu.memory_space<hbm>> -> memref<1024x256xf32, #tpu.memory_space<hbm>>
    tpu.wait_indirect_dma semaphore(%arg13 : memref<!tpu.dma_semaphore, #tpu.memory_space<semaphore_mem>>) src(%dma_wait3A_1397 : memref<1024x256xf32, #tpu.memory_space<hbm>>) dst(%arg11 : memref<128x256xf32, #tpu.memory_space<vmem>>)
    %mul3A_1398 = arith.constant 12 : i32
    %mul3A_1399 = arith.muli %add3A, %mul3A_1398 : i32
    %add3A_1400 = arith.constant 10 : i32
    %add3A_1401 = arith.addi %mul3A_1399, %add3A_1400 : i32
    %jit3A_1402 = arith.constant 128 : i32
    %eq3A_1403 = arith.constant 0 : i32
    %eq3A_1404 = arith.cmpi eq, %jit3A_1402, %eq3A_1403 : i32
    %jit3A_1405 = arith.constant 1 : i32
    %select_n3A_1406 = arith.select %eq3A_1404, %jit3A_1405, %jit3A_1402 : i32
    %rem3A_1407 = arith.remsi %add3A_1401, %select_n3A_1406 : i32
    %ne3A_1408 = arith.constant 0 : i32
    %ne3A_1409 = arith.cmpi ne, %rem3A_1407, %ne3A_1408 : i32
    %lt3A_1410 = arith.constant 0 : i32
    %lt3A_1411 = arith.cmpi slt, %rem3A_1407, %lt3A_1410 : i32
    %lt3A_1412 = arith.constant 0 : i32
    %lt3A_1413 = arith.cmpi slt, %select_n3A_1406, %lt3A_1412 : i32
    %ne3A_1414 = arith.xori %lt3A_1411, %lt3A_1413 : i1
    %and3A_1415 = arith.andi %ne3A_1414, %ne3A_1409 : i1
    %add3A_1416 = arith.addi %rem3A_1407, %select_n3A_1406 : i32
    %select_n3A_1417 = arith.select %and3A_1415, %add3A_1416, %rem3A_1407 : i32
    %mul3A_1418 = arith.constant 128 : i32
    %mul3A_1419 = arith.muli %select_n3A_1417, %mul3A_1418 : i32
    %jit3A_1420 = arith.constant 128 : i32
    %div3A_1421 = arith.divsi %add3A_1401, %jit3A_1420 : i32
    %sign3A_1422 = arith.constant 0 : i32
    %sign3A_1423 = arith.cmpi sgt, %add3A_1401, %sign3A_1422 : i32
    %sign3A_1424 = arith.extui %sign3A_1423 : i1 to i32
    %sign3A_1425 = arith.constant 0 : i32
    %sign3A_1426 = arith.cmpi slt, %add3A_1401, %sign3A_1425 : i32
    %sign3A_1427 = arith.extui %sign3A_1426 : i1 to i32
    %sign3A_1428 = arith.subi %sign3A_1424, %sign3A_1427 : i32
    %sign3A_1429 = arith.constant 0 : i32
    %sign3A_1430 = arith.cmpi sgt, %jit3A_1420, %sign3A_1429 : i32
    %sign3A_1431 = arith.extui %sign3A_1430 : i1 to i32
    %sign3A_1432 = arith.constant 0 : i32
    %sign3A_1433 = arith.cmpi slt, %jit3A_1420, %sign3A_1432 : i32
    %sign3A_1434 = arith.extui %sign3A_1433 : i1 to i32
    %sign3A_1435 = arith.subi %sign3A_1431, %sign3A_1434 : i32
    %ne3A_1436 = arith.cmpi ne, %sign3A_1428, %sign3A_1435 : i32
    %rem3A_1437 = arith.remsi %add3A_1401, %jit3A_1420 : i32
    %ne3A_1438 = arith.constant 0 : i32
    %ne3A_1439 = arith.cmpi ne, %rem3A_1437, %ne3A_1438 : i32
    %and3A_1440 = arith.andi %ne3A_1436, %ne3A_1439 : i1
    %sub3A_1441 = arith.constant 1 : i32
    %sub3A_1442 = arith.subi %div3A_1421, %sub3A_1441 : i32
    %select_n3A_1443 = arith.select %and3A_1440, %sub3A_1442, %div3A_1421 : i32
    %eq3A_1444 = arith.constant 0 : i32
    %eq3A_1445 = arith.cmpi eq, %select_n3A_1443, %eq3A_1444 : i32
    %convert_element_type3A_1446 = arith.extui %eq3A_1445 : i1 to i32
    %cond3A_1447 = arith.constant 0 : i32
    %cond3A_1448 = arith.cmpi ne, %convert_element_type3A_1446, %cond3A_1447 : i32
    scf.if %cond3A_1448 {
      "tpu.region"() ({
        %run_scoped3A = tpu.sem_alloc : memref<!tpu.dma_semaphore, #tpu.memory_space<semaphore_mem>>
        %dma_start3A_1523 = arith.constant 0 : i32
        %dma_start3A_1524 = tpu.memref_slice %arg6[%mul3A_1419, %dma_start3A_1523] : memref<16384x256xf32, #tpu.memory_space<hbm>> -> memref<128x256xf32, #tpu.memory_space<hbm>>
        %dma_start3A_1525 = arith.constant 0 : i32
        %dma_start3A_1526 = tpu.memref_slice %arg6[%mul3A_1419, %dma_start3A_1525] : memref<16384x256xf32, #tpu.memory_space<hbm>> -> memref<128x256xf32, #tpu.memory_space<hbm>>
        tpu.enqueue_dma source(%arg11 : memref<128x256xf32, #tpu.memory_space<vmem>>) target(%dma_start3A_1526 : memref<128x256xf32, #tpu.memory_space<hbm>>) target_semaphore(%run_scoped3A : memref<!tpu.dma_semaphore, #tpu.memory_space<semaphore_mem>>)
        %dma_wait3A_1527 = arith.constant 0 : i32
        %dma_wait3A_1528 = tpu.memref_slice %arg6[%mul3A_1419, %dma_wait3A_1527] : memref<16384x256xf32, #tpu.memory_space<hbm>> -> memref<128x256xf32, #tpu.memory_space<hbm>>
        %dma_wait3A_1529 = arith.constant 0 : i32
        %dma_wait3A_1530 = tpu.memref_slice %arg6[%mul3A_1419, %dma_wait3A_1529] : memref<16384x256xf32, #tpu.memory_space<hbm>> -> memref<128x256xf32, #tpu.memory_space<hbm>>
        tpu.wait_dma2 semaphore(%run_scoped3A : memref<!tpu.dma_semaphore, #tpu.memory_space<semaphore_mem>>) src(%arg11 : memref<128x256xf32, #tpu.memory_space<vmem>>) dst(%dma_wait3A_1530 : memref<128x256xf32, #tpu.memory_space<hbm>>)
        tpu.yield
      }) : () -> ()
    } else {
    }
    %eq3A_1449 = arith.constant 1 : i32
    %eq3A_1450 = arith.cmpi eq, %select_n3A_1443, %eq3A_1449 : i32
    %convert_element_type3A_1451 = arith.extui %eq3A_1450 : i1 to i32
    %cond3A_1452 = arith.constant 0 : i32
    %cond3A_1453 = arith.cmpi ne, %convert_element_type3A_1451, %cond3A_1452 : i32
    scf.if %cond3A_1453 {
      "tpu.region"() ({
        %run_scoped3A = tpu.sem_alloc : memref<!tpu.dma_semaphore, #tpu.memory_space<semaphore_mem>>
        %dma_start3A_1523 = arith.constant 0 : i32
        %dma_start3A_1524 = tpu.memref_slice %arg7[%mul3A_1419, %dma_start3A_1523] : memref<16384x256xf32, #tpu.memory_space<hbm>> -> memref<128x256xf32, #tpu.memory_space<hbm>>
        %dma_start3A_1525 = arith.constant 0 : i32
        %dma_start3A_1526 = tpu.memref_slice %arg7[%mul3A_1419, %dma_start3A_1525] : memref<16384x256xf32, #tpu.memory_space<hbm>> -> memref<128x256xf32, #tpu.memory_space<hbm>>
        tpu.enqueue_dma source(%arg11 : memref<128x256xf32, #tpu.memory_space<vmem>>) target(%dma_start3A_1526 : memref<128x256xf32, #tpu.memory_space<hbm>>) target_semaphore(%run_scoped3A : memref<!tpu.dma_semaphore, #tpu.memory_space<semaphore_mem>>)
        %dma_wait3A_1527 = arith.constant 0 : i32
        %dma_wait3A_1528 = tpu.memref_slice %arg7[%mul3A_1419, %dma_wait3A_1527] : memref<16384x256xf32, #tpu.memory_space<hbm>> -> memref<128x256xf32, #tpu.memory_space<hbm>>
        %dma_wait3A_1529 = arith.constant 0 : i32
        %dma_wait3A_1530 = tpu.memref_slice %arg7[%mul3A_1419, %dma_wait3A_1529] : memref<16384x256xf32, #tpu.memory_space<hbm>> -> memref<128x256xf32, #tpu.memory_space<hbm>>
        tpu.wait_dma2 semaphore(%run_scoped3A : memref<!tpu.dma_semaphore, #tpu.memory_space<semaphore_mem>>) src(%arg11 : memref<128x256xf32, #tpu.memory_space<vmem>>) dst(%dma_wait3A_1530 : memref<128x256xf32, #tpu.memory_space<hbm>>)
        tpu.yield
      }) : () -> ()
    } else {
    }
    %eq3A_1454 = arith.constant 2 : i32
    %eq3A_1455 = arith.cmpi eq, %select_n3A_1443, %eq3A_1454 : i32
    %convert_element_type3A_1456 = arith.extui %eq3A_1455 : i1 to i32
    %cond3A_1457 = arith.constant 0 : i32
    %cond3A_1458 = arith.cmpi ne, %convert_element_type3A_1456, %cond3A_1457 : i32
    scf.if %cond3A_1458 {
      "tpu.region"() ({
        %run_scoped3A = tpu.sem_alloc : memref<!tpu.dma_semaphore, #tpu.memory_space<semaphore_mem>>
        %dma_start3A_1523 = arith.constant 0 : i32
        %dma_start3A_1524 = tpu.memref_slice %arg8[%mul3A_1419, %dma_start3A_1523] : memref<16384x256xf32, #tpu.memory_space<hbm>> -> memref<128x256xf32, #tpu.memory_space<hbm>>
        %dma_start3A_1525 = arith.constant 0 : i32
        %dma_start3A_1526 = tpu.memref_slice %arg8[%mul3A_1419, %dma_start3A_1525] : memref<16384x256xf32, #tpu.memory_space<hbm>> -> memref<128x256xf32, #tpu.memory_space<hbm>>
        tpu.enqueue_dma source(%arg11 : memref<128x256xf32, #tpu.memory_space<vmem>>) target(%dma_start3A_1526 : memref<128x256xf32, #tpu.memory_space<hbm>>) target_semaphore(%run_scoped3A : memref<!tpu.dma_semaphore, #tpu.memory_space<semaphore_mem>>)
        %dma_wait3A_1527 = arith.constant 0 : i32
        %dma_wait3A_1528 = tpu.memref_slice %arg8[%mul3A_1419, %dma_wait3A_1527] : memref<16384x256xf32, #tpu.memory_space<hbm>> -> memref<128x256xf32, #tpu.memory_space<hbm>>
        %dma_wait3A_1529 = arith.constant 0 : i32
        %dma_wait3A_1530 = tpu.memref_slice %arg8[%mul3A_1419, %dma_wait3A_1529] : memref<16384x256xf32, #tpu.memory_space<hbm>> -> memref<128x256xf32, #tpu.memory_space<hbm>>
        tpu.wait_dma2 semaphore(%run_scoped3A : memref<!tpu.dma_semaphore, #tpu.memory_space<semaphore_mem>>) src(%arg11 : memref<128x256xf32, #tpu.memory_space<vmem>>) dst(%dma_wait3A_1530 : memref<128x256xf32, #tpu.memory_space<hbm>>)
        tpu.yield
      }) : () -> ()
    } else {
    }
    %dma_wait3A_1459 = arith.constant 0 : i32
    %dma_wait3A_1460 = arith.constant 0 : i32
    %dma_wait3A_1461 = tpu.memref_slice %arg2[%dma_wait3A_1459, %dma_wait3A_1460] : memref<1024x256xf32, #tpu.memory_space<hbm>> -> memref<1024x256xf32, #tpu.memory_space<hbm>>
    tpu.wait_indirect_dma semaphore(%arg14 : memref<!tpu.dma_semaphore, #tpu.memory_space<semaphore_mem>>) src(%dma_wait3A_1461 : memref<1024x256xf32, #tpu.memory_space<hbm>>) dst(%arg12 : memref<128x256xf32, #tpu.memory_space<vmem>>)
    %mul3A_1462 = arith.constant 12 : i32
    %mul3A_1463 = arith.muli %add3A, %mul3A_1462 : i32
    %add3A_1464 = arith.constant 11 : i32
    %add3A_1465 = arith.addi %mul3A_1463, %add3A_1464 : i32
    %jit3A_1466 = arith.constant 128 : i32
    %eq3A_1467 = arith.constant 0 : i32
    %eq3A_1468 = arith.cmpi eq, %jit3A_1466, %eq3A_1467 : i32
    %jit3A_1469 = arith.constant 1 : i32
    %select_n3A_1470 = arith.select %eq3A_1468, %jit3A_1469, %jit3A_1466 : i32
    %rem3A_1471 = arith.remsi %add3A_1465, %select_n3A_1470 : i32
    %ne3A_1472 = arith.constant 0 : i32
    %ne3A_1473 = arith.cmpi ne, %rem3A_1471, %ne3A_1472 : i32
    %lt3A_1474 = arith.constant 0 : i32
    %lt3A_1475 = arith.cmpi slt, %rem3A_1471, %lt3A_1474 : i32
    %lt3A_1476 = arith.constant 0 : i32
    %lt3A_1477 = arith.cmpi slt, %select_n3A_1470, %lt3A_1476 : i32
    %ne3A_1478 = arith.xori %lt3A_1475, %lt3A_1477 : i1
    %and3A_1479 = arith.andi %ne3A_1478, %ne3A_1473 : i1
    %add3A_1480 = arith.addi %rem3A_1471, %select_n3A_1470 : i32
    %select_n3A_1481 = arith.select %and3A_1479, %add3A_1480, %rem3A_1471 : i32
    %mul3A_1482 = arith.constant 128 : i32
    %mul3A_1483 = arith.muli %select_n3A_1481, %mul3A_1482 : i32
    %jit3A_1484 = arith.constant 128 : i32
    %div3A_1485 = arith.divsi %add3A_1465, %jit3A_1484 : i32
    %sign3A_1486 = arith.constant 0 : i32
    %sign3A_1487 = arith.cmpi sgt, %add3A_1465, %sign3A_1486 : i32
    %sign3A_1488 = arith.extui %sign3A_1487 : i1 to i32
    %sign3A_1489 = arith.constant 0 : i32
    %sign3A_1490 = arith.cmpi slt, %add3A_1465, %sign3A_1489 : i32
    %sign3A_1491 = arith.extui %sign3A_1490 : i1 to i32
    %sign3A_1492 = arith.subi %sign3A_1488, %sign3A_1491 : i32
    %sign3A_1493 = arith.constant 0 : i32
    %sign3A_1494 = arith.cmpi sgt, %jit3A_1484, %sign3A_1493 : i32
    %sign3A_1495 = arith.extui %sign3A_1494 : i1 to i32
    %sign3A_1496 = arith.constant 0 : i32
    %sign3A_1497 = arith.cmpi slt, %jit3A_1484, %sign3A_1496 : i32
    %sign3A_1498 = arith.extui %sign3A_1497 : i1 to i32
    %sign3A_1499 = arith.subi %sign3A_1495, %sign3A_1498 : i32
    %ne3A_1500 = arith.cmpi ne, %sign3A_1492, %sign3A_1499 : i32
    %rem3A_1501 = arith.remsi %add3A_1465, %jit3A_1484 : i32
    %ne3A_1502 = arith.constant 0 : i32
    %ne3A_1503 = arith.cmpi ne, %rem3A_1501, %ne3A_1502 : i32
    %and3A_1504 = arith.andi %ne3A_1500, %ne3A_1503 : i1
    %sub3A_1505 = arith.constant 1 : i32
    %sub3A_1506 = arith.subi %div3A_1485, %sub3A_1505 : i32
    %select_n3A_1507 = arith.select %and3A_1504, %sub3A_1506, %div3A_1485 : i32
    %eq3A_1508 = arith.constant 0 : i32
    %eq3A_1509 = arith.cmpi eq, %select_n3A_1507, %eq3A_1508 : i32
    %convert_element_type3A_1510 = arith.extui %eq3A_1509 : i1 to i32
    %cond3A_1511 = arith.constant 0 : i32
    %cond3A_1512 = arith.cmpi ne, %convert_element_type3A_1510, %cond3A_1511 : i32
    scf.if %cond3A_1512 {
      "tpu.region"() ({
        %run_scoped3A = tpu.sem_alloc : memref<!tpu.dma_semaphore, #tpu.memory_space<semaphore_mem>>
        %dma_start3A_1523 = arith.constant 0 : i32
        %dma_start3A_1524 = tpu.memref_slice %arg6[%mul3A_1483, %dma_start3A_1523] : memref<16384x256xf32, #tpu.memory_space<hbm>> -> memref<128x256xf32, #tpu.memory_space<hbm>>
        %dma_start3A_1525 = arith.constant 0 : i32
        %dma_start3A_1526 = tpu.memref_slice %arg6[%mul3A_1483, %dma_start3A_1525] : memref<16384x256xf32, #tpu.memory_space<hbm>> -> memref<128x256xf32, #tpu.memory_space<hbm>>
        tpu.enqueue_dma source(%arg12 : memref<128x256xf32, #tpu.memory_space<vmem>>) target(%dma_start3A_1526 : memref<128x256xf32, #tpu.memory_space<hbm>>) target_semaphore(%run_scoped3A : memref<!tpu.dma_semaphore, #tpu.memory_space<semaphore_mem>>)
        %dma_wait3A_1527 = arith.constant 0 : i32
        %dma_wait3A_1528 = tpu.memref_slice %arg6[%mul3A_1483, %dma_wait3A_1527] : memref<16384x256xf32, #tpu.memory_space<hbm>> -> memref<128x256xf32, #tpu.memory_space<hbm>>
        %dma_wait3A_1529 = arith.constant 0 : i32
        %dma_wait3A_1530 = tpu.memref_slice %arg6[%mul3A_1483, %dma_wait3A_1529] : memref<16384x256xf32, #tpu.memory_space<hbm>> -> memref<128x256xf32, #tpu.memory_space<hbm>>
        tpu.wait_dma2 semaphore(%run_scoped3A : memref<!tpu.dma_semaphore, #tpu.memory_space<semaphore_mem>>) src(%arg12 : memref<128x256xf32, #tpu.memory_space<vmem>>) dst(%dma_wait3A_1530 : memref<128x256xf32, #tpu.memory_space<hbm>>)
        tpu.yield
      }) : () -> ()
    } else {
    }
    %eq3A_1513 = arith.constant 1 : i32
    %eq3A_1514 = arith.cmpi eq, %select_n3A_1507, %eq3A_1513 : i32
    %convert_element_type3A_1515 = arith.extui %eq3A_1514 : i1 to i32
    %cond3A_1516 = arith.constant 0 : i32
    %cond3A_1517 = arith.cmpi ne, %convert_element_type3A_1515, %cond3A_1516 : i32
    scf.if %cond3A_1517 {
      "tpu.region"() ({
        %run_scoped3A = tpu.sem_alloc : memref<!tpu.dma_semaphore, #tpu.memory_space<semaphore_mem>>
        %dma_start3A_1523 = arith.constant 0 : i32
        %dma_start3A_1524 = tpu.memref_slice %arg7[%mul3A_1483, %dma_start3A_1523] : memref<16384x256xf32, #tpu.memory_space<hbm>> -> memref<128x256xf32, #tpu.memory_space<hbm>>
        %dma_start3A_1525 = arith.constant 0 : i32
        %dma_start3A_1526 = tpu.memref_slice %arg7[%mul3A_1483, %dma_start3A_1525] : memref<16384x256xf32, #tpu.memory_space<hbm>> -> memref<128x256xf32, #tpu.memory_space<hbm>>
        tpu.enqueue_dma source(%arg12 : memref<128x256xf32, #tpu.memory_space<vmem>>) target(%dma_start3A_1526 : memref<128x256xf32, #tpu.memory_space<hbm>>) target_semaphore(%run_scoped3A : memref<!tpu.dma_semaphore, #tpu.memory_space<semaphore_mem>>)
        %dma_wait3A_1527 = arith.constant 0 : i32
        %dma_wait3A_1528 = tpu.memref_slice %arg7[%mul3A_1483, %dma_wait3A_1527] : memref<16384x256xf32, #tpu.memory_space<hbm>> -> memref<128x256xf32, #tpu.memory_space<hbm>>
        %dma_wait3A_1529 = arith.constant 0 : i32
        %dma_wait3A_1530 = tpu.memref_slice %arg7[%mul3A_1483, %dma_wait3A_1529] : memref<16384x256xf32, #tpu.memory_space<hbm>> -> memref<128x256xf32, #tpu.memory_space<hbm>>
        tpu.wait_dma2 semaphore(%run_scoped3A : memref<!tpu.dma_semaphore, #tpu.memory_space<semaphore_mem>>) src(%arg12 : memref<128x256xf32, #tpu.memory_space<vmem>>) dst(%dma_wait3A_1530 : memref<128x256xf32, #tpu.memory_space<hbm>>)
        tpu.yield
      }) : () -> ()
    } else {
    }
    %eq3A_1518 = arith.constant 2 : i32
    %eq3A_1519 = arith.cmpi eq, %select_n3A_1507, %eq3A_1518 : i32
    %convert_element_type3A_1520 = arith.extui %eq3A_1519 : i1 to i32
    %cond3A_1521 = arith.constant 0 : i32
    %cond3A_1522 = arith.cmpi ne, %convert_element_type3A_1520, %cond3A_1521 : i32
    scf.if %cond3A_1522 {
      "tpu.region"() ({
        %run_scoped3A = tpu.sem_alloc : memref<!tpu.dma_semaphore, #tpu.memory_space<semaphore_mem>>
        %dma_start3A_1523 = arith.constant 0 : i32
        %dma_start3A_1524 = tpu.memref_slice %arg8[%mul3A_1483, %dma_start3A_1523] : memref<16384x256xf32, #tpu.memory_space<hbm>> -> memref<128x256xf32, #tpu.memory_space<hbm>>
        %dma_start3A_1525 = arith.constant 0 : i32
        %dma_start3A_1526 = tpu.memref_slice %arg8[%mul3A_1483, %dma_start3A_1525] : memref<16384x256xf32, #tpu.memory_space<hbm>> -> memref<128x256xf32, #tpu.memory_space<hbm>>
        tpu.enqueue_dma source(%arg12 : memref<128x256xf32, #tpu.memory_space<vmem>>) target(%dma_start3A_1526 : memref<128x256xf32, #tpu.memory_space<hbm>>) target_semaphore(%run_scoped3A : memref<!tpu.dma_semaphore, #tpu.memory_space<semaphore_mem>>)
        %dma_wait3A_1527 = arith.constant 0 : i32
        %dma_wait3A_1528 = tpu.memref_slice %arg8[%mul3A_1483, %dma_wait3A_1527] : memref<16384x256xf32, #tpu.memory_space<hbm>> -> memref<128x256xf32, #tpu.memory_space<hbm>>
        %dma_wait3A_1529 = arith.constant 0 : i32
        %dma_wait3A_1530 = tpu.memref_slice %arg8[%mul3A_1483, %dma_wait3A_1529] : memref<16384x256xf32, #tpu.memory_space<hbm>> -> memref<128x256xf32, #tpu.memory_space<hbm>>
        tpu.wait_dma2 semaphore(%run_scoped3A : memref<!tpu.dma_semaphore, #tpu.memory_space<semaphore_mem>>) src(%arg12 : memref<128x256xf32, #tpu.memory_space<vmem>>) dst(%dma_wait3A_1530 : memref<128x256xf32, #tpu.memory_space<hbm>>)
        tpu.yield
      }) : () -> ()
    } else {
    }
    return
  }
}

module attributes {stable_mosaic.version = 14 : i64} {
  func.func @_vq_body(%arg0: i32, %arg1: memref<1x256x256xf32, #tpu.memory_space<vmem>>, %arg2: memref<1x256x256xf32, #tpu.memory_space<vmem>>, %arg3: memref<1x256x256xf32, #tpu.memory_space<vmem>>, %arg4: memref<1024x256xf32, #tpu.memory_space<vmem>>, %arg5: memref<1x1024xf32, #tpu.memory_space<vmem>>, %arg6: memref<1x256x1xf32, #tpu.memory_space<vmem>>, %arg7: memref<1x256x1xf32, #tpu.memory_space<vmem>>, %arg8: memref<1x256x1xf32, #tpu.memory_space<vmem>>, %arg9: memref<1x256x1xi32, #tpu.memory_space<vmem>>, %arg10: memref<1x256x1xi32, #tpu.memory_space<vmem>>, %arg11: memref<1x256x1xi32, #tpu.memory_space<vmem>>, %arg12: memref<1x128xf32, #tpu.memory_space<vmem>>, %arg13: memref<1x128xi32, #tpu.memory_space<vmem>>, %arg14: memref<64x1024xf32, #tpu.memory_space<vmem>>, %arg15: memref<64x1024xf32, #tpu.memory_space<vmem>>, %arg16: memref<64x1024xf32, #tpu.memory_space<vmem>>, %arg17: memref<64x1024xi32, #tpu.memory_space<vmem>>, %arg18: memref<64x1024xi32, #tpu.memory_space<vmem>>, %arg19: memref<64x1024xi32, #tpu.memory_space<vmem>>) attributes {dimension_semantics = [#tpu.dimension_semantics<arbitrary>], iteration_bounds = array<i64: 64>, scalar_prefetch = 0 : i64, scratch_operands = 6 : i64, tpu.core_type = #tpu.core_type<tc>, window_params = [{transform_indices = @transform_0, window_bounds = array<i64: 1, 256, 256>}, {transform_indices = @transform_1, window_bounds = array<i64: 1, 256, 256>}, {transform_indices = @transform_2, window_bounds = array<i64: 1, 256, 256>}, {pipeline_mode = #tpu.pipeline_mode<synchronous>, transform_indices = @transform_3, window_bounds = array<i64: 1024, 256>}, {pipeline_mode = #tpu.pipeline_mode<synchronous>, transform_indices = @transform_4, window_bounds = array<i64: 1, 1024>}, {transform_indices = @transform_5, window_bounds = array<i64: 1, 256, 1>}, {transform_indices = @transform_6, window_bounds = array<i64: 1, 256, 1>}, {transform_indices = @transform_7, window_bounds = array<i64: 1, 256, 1>}, {transform_indices = @transform_8, window_bounds = array<i64: 1, 256, 1>}, {transform_indices = @transform_9, window_bounds = array<i64: 1, 256, 1>}, {transform_indices = @transform_10, window_bounds = array<i64: 1, 256, 1>}, {pipeline_mode = #tpu.pipeline_mode<synchronous>, transform_indices = @transform_11, window_bounds = array<i64: 1, 128>}, {pipeline_mode = #tpu.pipeline_mode<synchronous>, transform_indices = @transform_12, window_bounds = array<i64: 1, 128>}]} {
    %get3A = arith.constant 0 : index
    %get3A_0 = arith.constant 0 : index
    %get3A_1 = vector.load %arg4[%get3A, %get3A_0] : memref<1024x256xf32, #tpu.memory_space<vmem>>, vector<1024x256xf32>
    %get3A_2 = arith.constant 0 : index
    %get3A_3 = arith.constant 0 : index
    %get3A_4 = vector.load %arg5[%get3A_2, %get3A_3] : memref<1x1024xf32, #tpu.memory_space<vmem>>, vector<1x1024xf32>
    %iota3A = tpu.iota {dimensions = array<i32: 1>} : vector<256x1024xi32>
    %convert_element_type3A = arith.sitofp %iota3A : vector<256x1024xi32> to vector<256x1024xf32>
    %get3A_5 = arith.constant 0 : index
    %get3A_6 = arith.constant 0 : index
    %get3A_7 = arith.constant 0 : index
    %get3A_8 = vector.load %arg1[%get3A_5, %get3A_6, %get3A_7] : memref<1x256x256xf32, #tpu.memory_space<vmem>>, vector<1x256x256xf32>
    %get3A_9 = vector.shape_cast %get3A_8 : vector<1x256x256xf32> to vector<256x256xf32>
    %get3A_10 = arith.constant 0 : index
    %get3A_11 = arith.constant 0 : index
    %get3A_12 = arith.constant 0 : index
    %get3A_13 = vector.load %arg6[%get3A_10, %get3A_11, %get3A_12] : memref<1x256x1xf32, #tpu.memory_space<vmem>>, vector<1x256x1xf32>
    %get3A_14 = vector.shape_cast %get3A_13 : vector<1x256x1xf32> to vector<256x1xf32>
    %add3A = arith.addf %get3A_9, %get3A_9 : vector<256x256xf32>
    %dot_general3A = arith.constant dense<0.000000e+00> : vector<256x1024xf32>
    %dot_general3A_15 = tpu.matmul %add3A, %get3A_1, %dot_general3A {dimension_numbers = #tpu.dot_dimension_numbers<[1], [1], [0], [0], [0, 0, 1, 0], [], []>, transpose_lhs_hint = false} : vector<256x256xf32>, vector<1024x256xf32>, vector<256x1024xf32> -> vector<256x1024xf32>
    %add3A_16 = vector.broadcast %get3A_4 : vector<1x1024xf32> to vector<256x1024xf32>
    %add3A_17 = vector.broadcast %get3A_14 : vector<256x1xf32> to vector<256x1024xf32>
    %add3A_18 = arith.addf %add3A_16, %add3A_17 : vector<256x1024xf32>
    %sub3A = arith.subf %add3A_18, %dot_general3A_15 : vector<256x1024xf32>
    %reduce_min3A = arith.constant dense<0x7F800000> : vector<256xf32>
    %reduce_min3A_19 = vector.multi_reduction <minimumf>, %sub3A, %reduce_min3A [1] : vector<256x1024xf32> to vector<256xf32>
    %broadcast_in_dim3A = vector.shape_cast %reduce_min3A_19 : vector<256xf32> to vector<256x1xf32>
    %eq3A = vector.broadcast %broadcast_in_dim3A : vector<256x1xf32> to vector<256x1024xf32>
    %eq3A_20 = arith.cmpf oeq, %sub3A, %eq3A : vector<256x1024xf32>
    %jit3A = arith.constant 1.024000e+03 : f32
    %broadcast_in_dim3A_21 = vector.broadcast %jit3A : f32 to vector<256x1024xf32>
    %select_n3A = arith.select %eq3A_20, %convert_element_type3A, %broadcast_in_dim3A_21 : vector<256x1024xi1>, vector<256x1024xf32>
    %reduce_min3A_22 = arith.constant dense<0x7F800000> : vector<256xf32>
    %reduce_min3A_23 = vector.multi_reduction <minimumf>, %select_n3A, %reduce_min3A_22 [1] : vector<256x1024xf32> to vector<256xf32>
    %broadcast_in_dim3A_24 = vector.shape_cast %reduce_min3A_23 : vector<256xf32> to vector<256x1xf32>
    %eq3A_25 = vector.broadcast %broadcast_in_dim3A_24 : vector<256x1xf32> to vector<256x1024xf32>
    %eq3A_26 = arith.cmpf oeq, %convert_element_type3A, %eq3A_25 : vector<256x1024xf32>
    %rsqrt3A = math.rsqrt %sub3A : vector<256x1024xf32>
    %mul3A = arith.mulf %sub3A, %rsqrt3A : vector<256x1024xf32>
    %rsqrt3A_27 = math.rsqrt %broadcast_in_dim3A : vector<256x1xf32>
    %mul3A_28 = arith.mulf %broadcast_in_dim3A, %rsqrt3A_27 : vector<256x1xf32>
    %sub3A_29 = vector.broadcast %mul3A_28 : vector<256x1xf32> to vector<256x1024xf32>
    %sub3A_30 = arith.subf %sub3A_29, %mul3A : vector<256x1024xf32>
    %mul3A_31 = arith.constant 1.44269502 : f32
    %mul3A_32 = vector.broadcast %mul3A_31 : f32 to vector<256x1024xf32>
    %mul3A_33 = arith.mulf %sub3A_30, %mul3A_32 : vector<256x1024xf32>
    %exp23A = math.exp2 %mul3A_33 : vector<256x1024xf32>
    %reduce_sum3A = arith.constant dense<0.000000e+00> : vector<256xf32>
    %reduce_sum3A_34 = vector.multi_reduction <add>, %exp23A, %reduce_sum3A [1] : vector<256x1024xf32> to vector<256xf32>
    %broadcast_in_dim3A_35 = vector.shape_cast %reduce_sum3A_34 : vector<256xf32> to vector<256x1xf32>
    %div3A = arith.constant 3.906250e-03 : f32
    %div3A_36 = vector.broadcast %div3A : f32 to vector<256x1xf32>
    %div3A_37 = arith.divf %div3A_36, %broadcast_in_dim3A_35 : vector<256x1xf32>
    %convert_element_type3A_38 = arith.fptosi %broadcast_in_dim3A_24 : vector<256x1xf32> to vector<256x1xi32>
    %reshape3A = vector.shape_cast %convert_element_type3A_38 : vector<256x1xi32> to vector<1x256x1xi32>
    %swap3A = arith.constant 0 : index
    %swap3A_39 = arith.constant 0 : index
    %swap3A_40 = arith.constant 0 : index
    %swap3A_41 = vector.load %arg9[%swap3A, %swap3A_39, %swap3A_40] : memref<1x256x1xi32, #tpu.memory_space<vmem>>, vector<1x256x1xi32>
    tpu.vector_store %arg9[%swap3A, %swap3A_39, %swap3A_40], %reshape3A {strides = array<i32>} : memref<1x256x1xi32, #tpu.memory_space<vmem>>, vector<1x256x1xi32>,
    %mul3A_42 = vector.broadcast %div3A_37 : vector<256x1xf32> to vector<256x1024xf32>
    %mul3A_43 = arith.mulf %exp23A, %mul3A_42 : vector<256x1024xf32>
    %reduce_sum3A_44 = arith.constant dense<0.000000e+00> : vector<1024xf32>
    %reduce_sum3A_45 = vector.multi_reduction <add>, %mul3A_43, %reduce_sum3A_44 [0] : vector<256x1024xf32> to vector<1024xf32>
    %reshape3A_46 = vector.shape_cast %reduce_sum3A_45 : vector<1024xf32> to vector<1x1024xf32>
    %swap3A_47 = arith.index_cast %arg0 : i32 to index
    %swap3A_48 = arith.constant 0 : index
    %swap3A_49 = vector.load %arg14[%swap3A_47, %swap3A_48] : memref<64x1024xf32, #tpu.memory_space<vmem>>, vector<1x1024xf32>
    tpu.vector_store %arg14[%swap3A_47, %swap3A_48], %reshape3A_46 {strides = array<i32>} : memref<64x1024xf32, #tpu.memory_space<vmem>>, vector<1x1024xf32>,
    %convert_element_type3A_50 = arith.extui %eq3A_26 : vector<256x1024xi1> to vector<256x1024xi32>
    %reduce_sum3A_51 = arith.constant dense<0> : vector<1024xi32>
    %reduce_sum3A_52 = vector.multi_reduction <add>, %convert_element_type3A_50, %reduce_sum3A_51 [0] : vector<256x1024xi32> to vector<1024xi32>
    %reshape3A_53 = vector.shape_cast %reduce_sum3A_52 : vector<1024xi32> to vector<1x1024xi32>
    %swap3A_54 = arith.index_cast %arg0 : i32 to index
    %swap3A_55 = arith.constant 0 : index
    %swap3A_56 = vector.load %arg17[%swap3A_54, %swap3A_55] : memref<64x1024xi32, #tpu.memory_space<vmem>>, vector<1x1024xi32>
    tpu.vector_store %arg17[%swap3A_54, %swap3A_55], %reshape3A_53 {strides = array<i32>} : memref<64x1024xi32, #tpu.memory_space<vmem>>, vector<1x1024xi32>,
    %get3A_57 = arith.constant 0 : index
    %get3A_58 = arith.constant 0 : index
    %get3A_59 = arith.constant 0 : index
    %get3A_60 = vector.load %arg2[%get3A_57, %get3A_58, %get3A_59] : memref<1x256x256xf32, #tpu.memory_space<vmem>>, vector<1x256x256xf32>
    %get3A_61 = vector.shape_cast %get3A_60 : vector<1x256x256xf32> to vector<256x256xf32>
    %get3A_62 = arith.constant 0 : index
    %get3A_63 = arith.constant 0 : index
    %get3A_64 = arith.constant 0 : index
    %get3A_65 = vector.load %arg7[%get3A_62, %get3A_63, %get3A_64] : memref<1x256x1xf32, #tpu.memory_space<vmem>>, vector<1x256x1xf32>
    %get3A_66 = vector.shape_cast %get3A_65 : vector<1x256x1xf32> to vector<256x1xf32>
    %add3A_67 = arith.addf %get3A_61, %get3A_61 : vector<256x256xf32>
    %dot_general3A_68 = arith.constant dense<0.000000e+00> : vector<256x1024xf32>
    %dot_general3A_69 = tpu.matmul %add3A_67, %get3A_1, %dot_general3A_68 {dimension_numbers = #tpu.dot_dimension_numbers<[1], [1], [0], [0], [0, 0, 1, 0], [], []>, transpose_lhs_hint = false} : vector<256x256xf32>, vector<1024x256xf32>, vector<256x1024xf32> -> vector<256x1024xf32>
    %add3A_70 = vector.broadcast %get3A_4 : vector<1x1024xf32> to vector<256x1024xf32>
    %add3A_71 = vector.broadcast %get3A_66 : vector<256x1xf32> to vector<256x1024xf32>
    %add3A_72 = arith.addf %add3A_70, %add3A_71 : vector<256x1024xf32>
    %sub3A_73 = arith.subf %add3A_72, %dot_general3A_69 : vector<256x1024xf32>
    %reduce_min3A_74 = arith.constant dense<0x7F800000> : vector<256xf32>
    %reduce_min3A_75 = vector.multi_reduction <minimumf>, %sub3A_73, %reduce_min3A_74 [1] : vector<256x1024xf32> to vector<256xf32>
    %broadcast_in_dim3A_76 = vector.shape_cast %reduce_min3A_75 : vector<256xf32> to vector<256x1xf32>
    %eq3A_77 = vector.broadcast %broadcast_in_dim3A_76 : vector<256x1xf32> to vector<256x1024xf32>
    %eq3A_78 = arith.cmpf oeq, %sub3A_73, %eq3A_77 : vector<256x1024xf32>
    %jit3A_79 = arith.constant 1.024000e+03 : f32
    %broadcast_in_dim3A_80 = vector.broadcast %jit3A_79 : f32 to vector<256x1024xf32>
    %select_n3A_81 = arith.select %eq3A_78, %convert_element_type3A, %broadcast_in_dim3A_80 : vector<256x1024xi1>, vector<256x1024xf32>
    %reduce_min3A_82 = arith.constant dense<0x7F800000> : vector<256xf32>
    %reduce_min3A_83 = vector.multi_reduction <minimumf>, %select_n3A_81, %reduce_min3A_82 [1] : vector<256x1024xf32> to vector<256xf32>
    %broadcast_in_dim3A_84 = vector.shape_cast %reduce_min3A_83 : vector<256xf32> to vector<256x1xf32>
    %eq3A_85 = vector.broadcast %broadcast_in_dim3A_84 : vector<256x1xf32> to vector<256x1024xf32>
    %eq3A_86 = arith.cmpf oeq, %convert_element_type3A, %eq3A_85 : vector<256x1024xf32>
    %rsqrt3A_87 = math.rsqrt %sub3A_73 : vector<256x1024xf32>
    %mul3A_88 = arith.mulf %sub3A_73, %rsqrt3A_87 : vector<256x1024xf32>
    %rsqrt3A_89 = math.rsqrt %broadcast_in_dim3A_76 : vector<256x1xf32>
    %mul3A_90 = arith.mulf %broadcast_in_dim3A_76, %rsqrt3A_89 : vector<256x1xf32>
    %sub3A_91 = vector.broadcast %mul3A_90 : vector<256x1xf32> to vector<256x1024xf32>
    %sub3A_92 = arith.subf %sub3A_91, %mul3A_88 : vector<256x1024xf32>
    %mul3A_93 = arith.constant 1.44269502 : f32
    %mul3A_94 = vector.broadcast %mul3A_93 : f32 to vector<256x1024xf32>
    %mul3A_95 = arith.mulf %sub3A_92, %mul3A_94 : vector<256x1024xf32>
    %exp23A_96 = math.exp2 %mul3A_95 : vector<256x1024xf32>
    %reduce_sum3A_97 = arith.constant dense<0.000000e+00> : vector<256xf32>
    %reduce_sum3A_98 = vector.multi_reduction <add>, %exp23A_96, %reduce_sum3A_97 [1] : vector<256x1024xf32> to vector<256xf32>
    %broadcast_in_dim3A_99 = vector.shape_cast %reduce_sum3A_98 : vector<256xf32> to vector<256x1xf32>
    %div3A_100 = arith.constant 3.906250e-03 : f32
    %div3A_101 = vector.broadcast %div3A_100 : f32 to vector<256x1xf32>
    %div3A_102 = arith.divf %div3A_101, %broadcast_in_dim3A_99 : vector<256x1xf32>
    %convert_element_type3A_103 = arith.fptosi %broadcast_in_dim3A_84 : vector<256x1xf32> to vector<256x1xi32>
    %reshape3A_104 = vector.shape_cast %convert_element_type3A_103 : vector<256x1xi32> to vector<1x256x1xi32>
    %swap3A_105 = arith.constant 0 : index
    %swap3A_106 = arith.constant 0 : index
    %swap3A_107 = arith.constant 0 : index
    %swap3A_108 = vector.load %arg10[%swap3A_105, %swap3A_106, %swap3A_107] : memref<1x256x1xi32, #tpu.memory_space<vmem>>, vector<1x256x1xi32>
    tpu.vector_store %arg10[%swap3A_105, %swap3A_106, %swap3A_107], %reshape3A_104 {strides = array<i32>} : memref<1x256x1xi32, #tpu.memory_space<vmem>>, vector<1x256x1xi32>,
    %mul3A_109 = vector.broadcast %div3A_102 : vector<256x1xf32> to vector<256x1024xf32>
    %mul3A_110 = arith.mulf %exp23A_96, %mul3A_109 : vector<256x1024xf32>
    %reduce_sum3A_111 = arith.constant dense<0.000000e+00> : vector<1024xf32>
    %reduce_sum3A_112 = vector.multi_reduction <add>, %mul3A_110, %reduce_sum3A_111 [0] : vector<256x1024xf32> to vector<1024xf32>
    %reshape3A_113 = vector.shape_cast %reduce_sum3A_112 : vector<1024xf32> to vector<1x1024xf32>
    %swap3A_114 = arith.index_cast %arg0 : i32 to index
    %swap3A_115 = arith.constant 0 : index
    %swap3A_116 = vector.load %arg15[%swap3A_114, %swap3A_115] : memref<64x1024xf32, #tpu.memory_space<vmem>>, vector<1x1024xf32>
    tpu.vector_store %arg15[%swap3A_114, %swap3A_115], %reshape3A_113 {strides = array<i32>} : memref<64x1024xf32, #tpu.memory_space<vmem>>, vector<1x1024xf32>,
    %convert_element_type3A_117 = arith.extui %eq3A_86 : vector<256x1024xi1> to vector<256x1024xi32>
    %reduce_sum3A_118 = arith.constant dense<0> : vector<1024xi32>
    %reduce_sum3A_119 = vector.multi_reduction <add>, %convert_element_type3A_117, %reduce_sum3A_118 [0] : vector<256x1024xi32> to vector<1024xi32>
    %reshape3A_120 = vector.shape_cast %reduce_sum3A_119 : vector<1024xi32> to vector<1x1024xi32>
    %swap3A_121 = arith.index_cast %arg0 : i32 to index
    %swap3A_122 = arith.constant 0 : index
    %swap3A_123 = vector.load %arg18[%swap3A_121, %swap3A_122] : memref<64x1024xi32, #tpu.memory_space<vmem>>, vector<1x1024xi32>
    tpu.vector_store %arg18[%swap3A_121, %swap3A_122], %reshape3A_120 {strides = array<i32>} : memref<64x1024xi32, #tpu.memory_space<vmem>>, vector<1x1024xi32>,
    %get3A_124 = arith.constant 0 : index
    %get3A_125 = arith.constant 0 : index
    %get3A_126 = arith.constant 0 : index
    %get3A_127 = vector.load %arg3[%get3A_124, %get3A_125, %get3A_126] : memref<1x256x256xf32, #tpu.memory_space<vmem>>, vector<1x256x256xf32>
    %get3A_128 = vector.shape_cast %get3A_127 : vector<1x256x256xf32> to vector<256x256xf32>
    %get3A_129 = arith.constant 0 : index
    %get3A_130 = arith.constant 0 : index
    %get3A_131 = arith.constant 0 : index
    %get3A_132 = vector.load %arg8[%get3A_129, %get3A_130, %get3A_131] : memref<1x256x1xf32, #tpu.memory_space<vmem>>, vector<1x256x1xf32>
    %get3A_133 = vector.shape_cast %get3A_132 : vector<1x256x1xf32> to vector<256x1xf32>
    %add3A_134 = arith.addf %get3A_128, %get3A_128 : vector<256x256xf32>
    %dot_general3A_135 = arith.constant dense<0.000000e+00> : vector<256x1024xf32>
    %dot_general3A_136 = tpu.matmul %add3A_134, %get3A_1, %dot_general3A_135 {dimension_numbers = #tpu.dot_dimension_numbers<[1], [1], [0], [0], [0, 0, 1, 0], [], []>, transpose_lhs_hint = false} : vector<256x256xf32>, vector<1024x256xf32>, vector<256x1024xf32> -> vector<256x1024xf32>
    %add3A_137 = vector.broadcast %get3A_4 : vector<1x1024xf32> to vector<256x1024xf32>
    %add3A_138 = vector.broadcast %get3A_133 : vector<256x1xf32> to vector<256x1024xf32>
    %add3A_139 = arith.addf %add3A_137, %add3A_138 : vector<256x1024xf32>
    %sub3A_140 = arith.subf %add3A_139, %dot_general3A_136 : vector<256x1024xf32>
    %reduce_min3A_141 = arith.constant dense<0x7F800000> : vector<256xf32>
    %reduce_min3A_142 = vector.multi_reduction <minimumf>, %sub3A_140, %reduce_min3A_141 [1] : vector<256x1024xf32> to vector<256xf32>
    %broadcast_in_dim3A_143 = vector.shape_cast %reduce_min3A_142 : vector<256xf32> to vector<256x1xf32>
    %eq3A_144 = vector.broadcast %broadcast_in_dim3A_143 : vector<256x1xf32> to vector<256x1024xf32>
    %eq3A_145 = arith.cmpf oeq, %sub3A_140, %eq3A_144 : vector<256x1024xf32>
    %jit3A_146 = arith.constant 1.024000e+03 : f32
    %broadcast_in_dim3A_147 = vector.broadcast %jit3A_146 : f32 to vector<256x1024xf32>
    %select_n3A_148 = arith.select %eq3A_145, %convert_element_type3A, %broadcast_in_dim3A_147 : vector<256x1024xi1>, vector<256x1024xf32>
    %reduce_min3A_149 = arith.constant dense<0x7F800000> : vector<256xf32>
    %reduce_min3A_150 = vector.multi_reduction <minimumf>, %select_n3A_148, %reduce_min3A_149 [1] : vector<256x1024xf32> to vector<256xf32>
    %broadcast_in_dim3A_151 = vector.shape_cast %reduce_min3A_150 : vector<256xf32> to vector<256x1xf32>
    %eq3A_152 = vector.broadcast %broadcast_in_dim3A_151 : vector<256x1xf32> to vector<256x1024xf32>
    %eq3A_153 = arith.cmpf oeq, %convert_element_type3A, %eq3A_152 : vector<256x1024xf32>
    %rsqrt3A_154 = math.rsqrt %sub3A_140 : vector<256x1024xf32>
    %mul3A_155 = arith.mulf %sub3A_140, %rsqrt3A_154 : vector<256x1024xf32>
    %rsqrt3A_156 = math.rsqrt %broadcast_in_dim3A_143 : vector<256x1xf32>
    %mul3A_157 = arith.mulf %broadcast_in_dim3A_143, %rsqrt3A_156 : vector<256x1xf32>
    %sub3A_158 = vector.broadcast %mul3A_157 : vector<256x1xf32> to vector<256x1024xf32>
    %sub3A_159 = arith.subf %sub3A_158, %mul3A_155 : vector<256x1024xf32>
    %mul3A_160 = arith.constant 1.44269502 : f32
    %mul3A_161 = vector.broadcast %mul3A_160 : f32 to vector<256x1024xf32>
    %mul3A_162 = arith.mulf %sub3A_159, %mul3A_161 : vector<256x1024xf32>
    %exp23A_163 = math.exp2 %mul3A_162 : vector<256x1024xf32>
    %reduce_sum3A_164 = arith.constant dense<0.000000e+00> : vector<256xf32>
    %reduce_sum3A_165 = vector.multi_reduction <add>, %exp23A_163, %reduce_sum3A_164 [1] : vector<256x1024xf32> to vector<256xf32>
    %broadcast_in_dim3A_166 = vector.shape_cast %reduce_sum3A_165 : vector<256xf32> to vector<256x1xf32>
    %div3A_167 = arith.constant 3.906250e-03 : f32
    %div3A_168 = vector.broadcast %div3A_167 : f32 to vector<256x1xf32>
    %div3A_169 = arith.divf %div3A_168, %broadcast_in_dim3A_166 : vector<256x1xf32>
    %convert_element_type3A_170 = arith.fptosi %broadcast_in_dim3A_151 : vector<256x1xf32> to vector<256x1xi32>
    %reshape3A_171 = vector.shape_cast %convert_element_type3A_170 : vector<256x1xi32> to vector<1x256x1xi32>
    %swap3A_172 = arith.constant 0 : index
    %swap3A_173 = arith.constant 0 : index
    %swap3A_174 = arith.constant 0 : index
    %swap3A_175 = vector.load %arg11[%swap3A_172, %swap3A_173, %swap3A_174] : memref<1x256x1xi32, #tpu.memory_space<vmem>>, vector<1x256x1xi32>
    tpu.vector_store %arg11[%swap3A_172, %swap3A_173, %swap3A_174], %reshape3A_171 {strides = array<i32>} : memref<1x256x1xi32, #tpu.memory_space<vmem>>, vector<1x256x1xi32>,
    %mul3A_176 = vector.broadcast %div3A_169 : vector<256x1xf32> to vector<256x1024xf32>
    %mul3A_177 = arith.mulf %exp23A_163, %mul3A_176 : vector<256x1024xf32>
    %reduce_sum3A_178 = arith.constant dense<0.000000e+00> : vector<1024xf32>
    %reduce_sum3A_179 = vector.multi_reduction <add>, %mul3A_177, %reduce_sum3A_178 [0] : vector<256x1024xf32> to vector<1024xf32>
    %reshape3A_180 = vector.shape_cast %reduce_sum3A_179 : vector<1024xf32> to vector<1x1024xf32>
    %swap3A_181 = arith.index_cast %arg0 : i32 to index
    %swap3A_182 = arith.constant 0 : index
    %swap3A_183 = vector.load %arg16[%swap3A_181, %swap3A_182] : memref<64x1024xf32, #tpu.memory_space<vmem>>, vector<1x1024xf32>
    tpu.vector_store %arg16[%swap3A_181, %swap3A_182], %reshape3A_180 {strides = array<i32>} : memref<64x1024xf32, #tpu.memory_space<vmem>>, vector<1x1024xf32>,
    %convert_element_type3A_184 = arith.extui %eq3A_153 : vector<256x1024xi1> to vector<256x1024xi32>
    %reduce_sum3A_185 = arith.constant dense<0> : vector<1024xi32>
    %reduce_sum3A_186 = vector.multi_reduction <add>, %convert_element_type3A_184, %reduce_sum3A_185 [0] : vector<256x1024xi32> to vector<1024xi32>
    %reshape3A_187 = vector.shape_cast %reduce_sum3A_186 : vector<1024xi32> to vector<1x1024xi32>
    %swap3A_188 = arith.index_cast %arg0 : i32 to index
    %swap3A_189 = arith.constant 0 : index
    %swap3A_190 = vector.load %arg19[%swap3A_188, %swap3A_189] : memref<64x1024xi32, #tpu.memory_space<vmem>>, vector<1x1024xi32>
    tpu.vector_store %arg19[%swap3A_188, %swap3A_189], %reshape3A_187 {strides = array<i32>} : memref<64x1024xi32, #tpu.memory_space<vmem>>, vector<1x1024xi32>,
    %eq3A_191 = arith.constant 63 : i32
    %eq3A_192 = arith.cmpi eq, %arg0, %eq3A_191 : i32
    %convert_element_type3A_193 = arith.extui %eq3A_192 : i1 to i32
    %cond3A = arith.constant 0 : i32
    %cond3A_194 = arith.cmpi ne, %convert_element_type3A_193, %cond3A : i32
    scf.if %cond3A_194 {
      %get3A_195 = arith.constant 0 : index
      %get3A_196 = arith.constant 0 : index
      %get3A_197 = vector.load %arg14[%get3A_195, %get3A_196] : memref<64x1024xf32, #tpu.memory_space<vmem>>, vector<64x1024xf32>
      %get3A_198 = arith.constant 0 : index
      %get3A_199 = arith.constant 0 : index
      %get3A_200 = vector.load %arg15[%get3A_198, %get3A_199] : memref<64x1024xf32, #tpu.memory_space<vmem>>, vector<64x1024xf32>
      %get3A_201 = arith.constant 0 : index
      %get3A_202 = arith.constant 0 : index
      %get3A_203 = vector.load %arg16[%get3A_201, %get3A_202] : memref<64x1024xf32, #tpu.memory_space<vmem>>, vector<64x1024xf32>
      %add3A_204 = arith.constant 1.000000e-10 : f32
      %add3A_205 = vector.broadcast %add3A_204 : f32 to vector<64x1024xf32>
      %add3A_206 = arith.addf %get3A_197, %add3A_205 : vector<64x1024xf32>
      %log3A = math.log %add3A_206 : vector<64x1024xf32>
      %add3A_207 = arith.constant 1.000000e-10 : f32
      %add3A_208 = vector.broadcast %add3A_207 : f32 to vector<64x1024xf32>
      %add3A_209 = arith.addf %get3A_200, %add3A_208 : vector<64x1024xf32>
      %log3A_210 = math.log %add3A_209 : vector<64x1024xf32>
      %add3A_211 = arith.constant 1.000000e-10 : f32
      %add3A_212 = vector.broadcast %add3A_211 : f32 to vector<64x1024xf32>
      %add3A_213 = arith.addf %get3A_203, %add3A_212 : vector<64x1024xf32>
      %log3A_214 = math.log %add3A_213 : vector<64x1024xf32>
      %iota3A_215 = tpu.iota {dimensions = array<i32: 0>} : vector<64x64xi32>
      %iota3A_216 = tpu.iota {dimensions = array<i32: 1>} : vector<64x64xi32>
      %eq3A_217 = arith.cmpi eq, %iota3A_215, %iota3A_216 : vector<64x64xi32>
      %dot_general3A_218 = arith.constant dense<0.000000e+00> : vector<64x64xf32>
      %dot_general3A_219 = tpu.matmul %get3A_197, %log3A_210, %dot_general3A_218 {dimension_numbers = #tpu.dot_dimension_numbers<[1], [1], [0], [0], [0, 0, 1, 0], [], []>, transpose_lhs_hint = false} : vector<64x1024xf32>, vector<64x1024xf32>, vector<64x64xf32> -> vector<64x64xf32>
      %dot_general3A_220 = arith.constant dense<0.000000e+00> : vector<64x64xf32>
      %dot_general3A_221 = tpu.matmul %get3A_200, %log3A, %dot_general3A_220 {dimension_numbers = #tpu.dot_dimension_numbers<[1], [1], [0], [0], [0, 0, 1, 0], [], []>, transpose_lhs_hint = false} : vector<64x1024xf32>, vector<64x1024xf32>, vector<64x64xf32> -> vector<64x64xf32>
      %add3A_222 = arith.addf %dot_general3A_219, %dot_general3A_221 : vector<64x64xf32>
      %neg3A = arith.constant 0.000000e+00 : f32
      %neg3A_223 = vector.broadcast %neg3A : f32 to vector<64x64xf32>
      %neg3A_224 = arith.subf %neg3A_223, %add3A_222 : vector<64x64xf32>
      %reduce_max3A = vector.shape_cast %neg3A_224 : vector<64x64xf32> to vector<1x64x64xf32>
      %reduce_max3A_225 = arith.constant dense<0xFF800000> : vector<1xf32>
      %reduce_max3A_226 = vector.multi_reduction <maximumf>, %reduce_max3A, %reduce_max3A_225 [1, 2] : vector<1x64x64xf32> to vector<1xf32>
      %reduce_max3A_227 = vector.shape_cast %reduce_max3A_226 : vector<1xf32> to vector<1x1x1xf32>
      %reduce_max3A_228 = vector.extract %reduce_max3A_227[0, 0, 0] : f32 from vector<1x1x1xf32>
      %add3A_229 = vector.broadcast %reduce_max3A_228 : f32 to vector<64x64xf32>
      %add3A_230 = arith.addf %add3A_222, %add3A_229 : vector<64x64xf32>
      %exp3A = math.exp %add3A_230 : vector<64x64xf32>
      %reduce_sum3A_231 = arith.constant dense<0.000000e+00> : vector<64xf32>
      %reduce_sum3A_232 = vector.multi_reduction <add>, %exp3A, %reduce_sum3A_231 [1] : vector<64x64xf32> to vector<64xf32>
      %broadcast_in_dim3A_233 = vector.shape_cast %reduce_sum3A_232 : vector<64xf32> to vector<64x1xf32>
      %jit3A_234 = arith.constant 0.000000e+00 : f32
      %broadcast_in_dim3A_235 = vector.broadcast %jit3A_234 : f32 to vector<64x64xf32>
      %select_n3A_236 = arith.select %eq3A_217, %exp3A, %broadcast_in_dim3A_235 : vector<64x64xi1>, vector<64x64xf32>
      %reduce_sum3A_237 = arith.constant dense<0.000000e+00> : vector<64xf32>
      %reduce_sum3A_238 = vector.multi_reduction <add>, %select_n3A_236, %reduce_sum3A_237 [1] : vector<64x64xf32> to vector<64xf32>
      %broadcast_in_dim3A_239 = vector.shape_cast %reduce_sum3A_238 : vector<64xf32> to vector<64x1xf32>
      %add3A_240 = arith.constant 9.99999974E-6 : f32
      %add3A_241 = vector.broadcast %add3A_240 : f32 to vector<64x1xf32>
      %add3A_242 = arith.addf %broadcast_in_dim3A_233, %add3A_241 : vector<64x1xf32>
      %div3A_243 = arith.divf %broadcast_in_dim3A_239, %add3A_242 : vector<64x1xf32>
      %log3A_244 = math.log %div3A_243 : vector<64x1xf32>
      %reduce_sum3A_245 = vector.shape_cast %log3A_244 : vector<64x1xf32> to vector<1x64x1xf32>
      %reduce_sum3A_246 = arith.constant dense<0.000000e+00> : vector<1xf32>
      %reduce_sum3A_247 = vector.multi_reduction <add>, %reduce_sum3A_245, %reduce_sum3A_246 [1, 2] : vector<1x64x1xf32> to vector<1xf32>
      %reduce_sum3A_248 = vector.shape_cast %reduce_sum3A_247 : vector<1xf32> to vector<1x1x1xf32>
      %reduce_sum3A_249 = vector.extract %reduce_sum3A_248[0, 0, 0] : f32 from vector<1x1x1xf32>
      %div3A_250 = arith.constant 6.400000e+01 : f32
      %div3A_251 = arith.divf %reduce_sum3A_249, %div3A_250 : f32
      %neg3A_252 = arith.constant 0.000000e+00 : f32
      %neg3A_253 = arith.subf %neg3A_252, %div3A_251 : f32
      %dot_general3A_254 = arith.constant dense<0.000000e+00> : vector<64x64xf32>
      %dot_general3A_255 = tpu.matmul %get3A_197, %log3A_214, %dot_general3A_254 {dimension_numbers = #tpu.dot_dimension_numbers<[1], [1], [0], [0], [0, 0, 1, 0], [], []>, transpose_lhs_hint = false} : vector<64x1024xf32>, vector<64x1024xf32>, vector<64x64xf32> -> vector<64x64xf32>
      %dot_general3A_256 = arith.constant dense<0.000000e+00> : vector<64x64xf32>
      %dot_general3A_257 = tpu.matmul %get3A_203, %log3A, %dot_general3A_256 {dimension_numbers = #tpu.dot_dimension_numbers<[1], [1], [0], [0], [0, 0, 1, 0], [], []>, transpose_lhs_hint = false} : vector<64x1024xf32>, vector<64x1024xf32>, vector<64x64xf32> -> vector<64x64xf32>
      %add3A_258 = arith.addf %dot_general3A_255, %dot_general3A_257 : vector<64x64xf32>
      %neg3A_259 = arith.constant 0.000000e+00 : f32
      %neg3A_260 = vector.broadcast %neg3A_259 : f32 to vector<64x64xf32>
      %neg3A_261 = arith.subf %neg3A_260, %add3A_258 : vector<64x64xf32>
      %reduce_max3A_262 = vector.shape_cast %neg3A_261 : vector<64x64xf32> to vector<1x64x64xf32>
      %reduce_max3A_263 = arith.constant dense<0xFF800000> : vector<1xf32>
      %reduce_max3A_264 = vector.multi_reduction <maximumf>, %reduce_max3A_262, %reduce_max3A_263 [1, 2] : vector<1x64x64xf32> to vector<1xf32>
      %reduce_max3A_265 = vector.shape_cast %reduce_max3A_264 : vector<1xf32> to vector<1x1x1xf32>
      %reduce_max3A_266 = vector.extract %reduce_max3A_265[0, 0, 0] : f32 from vector<1x1x1xf32>
      %add3A_267 = vector.broadcast %reduce_max3A_266 : f32 to vector<64x64xf32>
      %add3A_268 = arith.addf %add3A_258, %add3A_267 : vector<64x64xf32>
      %exp3A_269 = math.exp %add3A_268 : vector<64x64xf32>
      %reduce_sum3A_270 = arith.constant dense<0.000000e+00> : vector<64xf32>
      %reduce_sum3A_271 = vector.multi_reduction <add>, %exp3A_269, %reduce_sum3A_270 [1] : vector<64x64xf32> to vector<64xf32>
      %broadcast_in_dim3A_272 = vector.shape_cast %reduce_sum3A_271 : vector<64xf32> to vector<64x1xf32>
      %jit3A_273 = arith.constant 0.000000e+00 : f32
      %broadcast_in_dim3A_274 = vector.broadcast %jit3A_273 : f32 to vector<64x64xf32>
      %select_n3A_275 = arith.select %eq3A_217, %exp3A_269, %broadcast_in_dim3A_274 : vector<64x64xi1>, vector<64x64xf32>
      %reduce_sum3A_276 = arith.constant dense<0.000000e+00> : vector<64xf32>
      %reduce_sum3A_277 = vector.multi_reduction <add>, %select_n3A_275, %reduce_sum3A_276 [1] : vector<64x64xf32> to vector<64xf32>
      %broadcast_in_dim3A_278 = vector.shape_cast %reduce_sum3A_277 : vector<64xf32> to vector<64x1xf32>
      %add3A_279 = arith.constant 9.99999974E-6 : f32
      %add3A_280 = vector.broadcast %add3A_279 : f32 to vector<64x1xf32>
      %add3A_281 = arith.addf %broadcast_in_dim3A_272, %add3A_280 : vector<64x1xf32>
      %div3A_282 = arith.divf %broadcast_in_dim3A_278, %add3A_281 : vector<64x1xf32>
      %log3A_283 = math.log %div3A_282 : vector<64x1xf32>
      %reduce_sum3A_284 = vector.shape_cast %log3A_283 : vector<64x1xf32> to vector<1x64x1xf32>
      %reduce_sum3A_285 = arith.constant dense<0.000000e+00> : vector<1xf32>
      %reduce_sum3A_286 = vector.multi_reduction <add>, %reduce_sum3A_284, %reduce_sum3A_285 [1, 2] : vector<1x64x1xf32> to vector<1xf32>
      %reduce_sum3A_287 = vector.shape_cast %reduce_sum3A_286 : vector<1xf32> to vector<1x1x1xf32>
      %reduce_sum3A_288 = vector.extract %reduce_sum3A_287[0, 0, 0] : f32 from vector<1x1x1xf32>
      %div3A_289 = arith.constant 6.400000e+01 : f32
      %div3A_290 = arith.divf %reduce_sum3A_288, %div3A_289 : f32
      %neg3A_291 = arith.constant 0.000000e+00 : f32
      %neg3A_292 = arith.subf %neg3A_291, %div3A_290 : f32
      %dot_general3A_293 = arith.constant dense<0.000000e+00> : vector<64x64xf32>
      %dot_general3A_294 = tpu.matmul %get3A_203, %log3A_210, %dot_general3A_293 {dimension_numbers = #tpu.dot_dimension_numbers<[1], [1], [0], [0], [0, 0, 1, 0], [], []>, transpose_lhs_hint = false} : vector<64x1024xf32>, vector<64x1024xf32>, vector<64x64xf32> -> vector<64x64xf32>
      %dot_general3A_295 = arith.constant dense<0.000000e+00> : vector<64x64xf32>
      %dot_general3A_296 = tpu.matmul %get3A_200, %log3A_214, %dot_general3A_295 {dimension_numbers = #tpu.dot_dimension_numbers<[1], [1], [0], [0], [0, 0, 1, 0], [], []>, transpose_lhs_hint = false} : vector<64x1024xf32>, vector<64x1024xf32>, vector<64x64xf32> -> vector<64x64xf32>
      %add3A_297 = arith.addf %dot_general3A_294, %dot_general3A_296 : vector<64x64xf32>
      %neg3A_298 = arith.constant 0.000000e+00 : f32
      %neg3A_299 = vector.broadcast %neg3A_298 : f32 to vector<64x64xf32>
      %neg3A_300 = arith.subf %neg3A_299, %add3A_297 : vector<64x64xf32>
      %reduce_max3A_301 = vector.shape_cast %neg3A_300 : vector<64x64xf32> to vector<1x64x64xf32>
      %reduce_max3A_302 = arith.constant dense<0xFF800000> : vector<1xf32>
      %reduce_max3A_303 = vector.multi_reduction <maximumf>, %reduce_max3A_301, %reduce_max3A_302 [1, 2] : vector<1x64x64xf32> to vector<1xf32>
      %reduce_max3A_304 = vector.shape_cast %reduce_max3A_303 : vector<1xf32> to vector<1x1x1xf32>
      %reduce_max3A_305 = vector.extract %reduce_max3A_304[0, 0, 0] : f32 from vector<1x1x1xf32>
      %add3A_306 = vector.broadcast %reduce_max3A_305 : f32 to vector<64x64xf32>
      %add3A_307 = arith.addf %add3A_297, %add3A_306 : vector<64x64xf32>
      %exp3A_308 = math.exp %add3A_307 : vector<64x64xf32>
      %reduce_sum3A_309 = arith.constant dense<0.000000e+00> : vector<64xf32>
      %reduce_sum3A_310 = vector.multi_reduction <add>, %exp3A_308, %reduce_sum3A_309 [1] : vector<64x64xf32> to vector<64xf32>
      %broadcast_in_dim3A_311 = vector.shape_cast %reduce_sum3A_310 : vector<64xf32> to vector<64x1xf32>
      %jit3A_312 = arith.constant 0.000000e+00 : f32
      %broadcast_in_dim3A_313 = vector.broadcast %jit3A_312 : f32 to vector<64x64xf32>
      %select_n3A_314 = arith.select %eq3A_217, %exp3A_308, %broadcast_in_dim3A_313 : vector<64x64xi1>, vector<64x64xf32>
      %reduce_sum3A_315 = arith.constant dense<0.000000e+00> : vector<64xf32>
      %reduce_sum3A_316 = vector.multi_reduction <add>, %select_n3A_314, %reduce_sum3A_315 [1] : vector<64x64xf32> to vector<64xf32>
      %broadcast_in_dim3A_317 = vector.shape_cast %reduce_sum3A_316 : vector<64xf32> to vector<64x1xf32>
      %add3A_318 = arith.constant 9.99999974E-6 : f32
      %add3A_319 = vector.broadcast %add3A_318 : f32 to vector<64x1xf32>
      %add3A_320 = arith.addf %broadcast_in_dim3A_311, %add3A_319 : vector<64x1xf32>
      %div3A_321 = arith.divf %broadcast_in_dim3A_317, %add3A_320 : vector<64x1xf32>
      %log3A_322 = math.log %div3A_321 : vector<64x1xf32>
      %reduce_sum3A_323 = vector.shape_cast %log3A_322 : vector<64x1xf32> to vector<1x64x1xf32>
      %reduce_sum3A_324 = arith.constant dense<0.000000e+00> : vector<1xf32>
      %reduce_sum3A_325 = vector.multi_reduction <add>, %reduce_sum3A_323, %reduce_sum3A_324 [1, 2] : vector<1x64x1xf32> to vector<1xf32>
      %reduce_sum3A_326 = vector.shape_cast %reduce_sum3A_325 : vector<1xf32> to vector<1x1x1xf32>
      %reduce_sum3A_327 = vector.extract %reduce_sum3A_326[0, 0, 0] : f32 from vector<1x1x1xf32>
      %div3A_328 = arith.constant 6.400000e+01 : f32
      %div3A_329 = arith.divf %reduce_sum3A_327, %div3A_328 : f32
      %neg3A_330 = arith.constant 0.000000e+00 : f32
      %neg3A_331 = arith.subf %neg3A_330, %div3A_329 : f32
      %iota3A_332 = tpu.iota {dimensions = array<i32: 1>} : vector<64x1024xi32>
      %get3A_333 = arith.constant 0 : index
      %get3A_334 = arith.constant 0 : index
      %get3A_335 = vector.load %arg17[%get3A_333, %get3A_334] : memref<64x1024xi32, #tpu.memory_space<vmem>>, vector<64x1024xi32>
      %reduce_max3A_336 = arith.constant dense<-2147483648> : vector<64xi32>
      %reduce_max3A_337 = vector.multi_reduction <maxsi>, %get3A_335, %reduce_max3A_336 [1] : vector<64x1024xi32> to vector<64xi32>
      %broadcast_in_dim3A_338 = vector.shape_cast %reduce_max3A_337 : vector<64xi32> to vector<64x1xi32>
      %eq3A_339 = vector.broadcast %broadcast_in_dim3A_338 : vector<64x1xi32> to vector<64x1024xi32>
      %eq3A_340 = arith.cmpi eq, %get3A_335, %eq3A_339 : vector<64x1024xi32>
      %jit3A_341 = arith.constant 1024 : i32
      %broadcast_in_dim3A_342 = vector.broadcast %jit3A_341 : i32 to vector<64x1024xi32>
      %select_n3A_343 = arith.select %eq3A_340, %iota3A_332, %broadcast_in_dim3A_342 : vector<64x1024xi1>, vector<64x1024xi32>
      %reduce_min3A_344 = arith.constant dense<2147483647> : vector<64xi32>
      %reduce_min3A_345 = vector.multi_reduction <minsi>, %select_n3A_343, %reduce_min3A_344 [1] : vector<64x1024xi32> to vector<64xi32>
      %broadcast_in_dim3A_346 = vector.shape_cast %reduce_min3A_345 : vector<64xi32> to vector<64x1xi32>
      %get3A_347 = arith.constant 0 : index
      %get3A_348 = arith.constant 0 : index
      %get3A_349 = vector.load %arg18[%get3A_347, %get3A_348] : memref<64x1024xi32, #tpu.memory_space<vmem>>, vector<64x1024xi32>
      %reduce_max3A_350 = arith.constant dense<-2147483648> : vector<64xi32>
      %reduce_max3A_351 = vector.multi_reduction <maxsi>, %get3A_349, %reduce_max3A_350 [1] : vector<64x1024xi32> to vector<64xi32>
      %broadcast_in_dim3A_352 = vector.shape_cast %reduce_max3A_351 : vector<64xi32> to vector<64x1xi32>
      %eq3A_353 = vector.broadcast %broadcast_in_dim3A_352 : vector<64x1xi32> to vector<64x1024xi32>
      %eq3A_354 = arith.cmpi eq, %get3A_349, %eq3A_353 : vector<64x1024xi32>
      %jit3A_355 = arith.constant 1024 : i32
      %broadcast_in_dim3A_356 = vector.broadcast %jit3A_355 : i32 to vector<64x1024xi32>
      %select_n3A_357 = arith.select %eq3A_354, %iota3A_332, %broadcast_in_dim3A_356 : vector<64x1024xi1>, vector<64x1024xi32>
      %reduce_min3A_358 = arith.constant dense<2147483647> : vector<64xi32>
      %reduce_min3A_359 = vector.multi_reduction <minsi>, %select_n3A_357, %reduce_min3A_358 [1] : vector<64x1024xi32> to vector<64xi32>
      %broadcast_in_dim3A_360 = vector.shape_cast %reduce_min3A_359 : vector<64xi32> to vector<64x1xi32>
      %get3A_361 = arith.constant 0 : index
      %get3A_362 = arith.constant 0 : index
      %get3A_363 = vector.load %arg19[%get3A_361, %get3A_362] : memref<64x1024xi32, #tpu.memory_space<vmem>>, vector<64x1024xi32>
      %reduce_max3A_364 = arith.constant dense<-2147483648> : vector<64xi32>
      %reduce_max3A_365 = vector.multi_reduction <maxsi>, %get3A_363, %reduce_max3A_364 [1] : vector<64x1024xi32> to vector<64xi32>
      %broadcast_in_dim3A_366 = vector.shape_cast %reduce_max3A_365 : vector<64xi32> to vector<64x1xi32>
      %eq3A_367 = vector.broadcast %broadcast_in_dim3A_366 : vector<64x1xi32> to vector<64x1024xi32>
      %eq3A_368 = arith.cmpi eq, %get3A_363, %eq3A_367 : vector<64x1024xi32>
      %jit3A_369 = arith.constant 1024 : i32
      %broadcast_in_dim3A_370 = vector.broadcast %jit3A_369 : i32 to vector<64x1024xi32>
      %select_n3A_371 = arith.select %eq3A_368, %iota3A_332, %broadcast_in_dim3A_370 : vector<64x1024xi1>, vector<64x1024xi32>
      %reduce_min3A_372 = arith.constant dense<2147483647> : vector<64xi32>
      %reduce_min3A_373 = vector.multi_reduction <minsi>, %select_n3A_371, %reduce_min3A_372 [1] : vector<64x1024xi32> to vector<64xi32>
      %broadcast_in_dim3A_374 = vector.shape_cast %reduce_min3A_373 : vector<64xi32> to vector<64x1xi32>
      %eq3A_375 = arith.cmpi eq, %broadcast_in_dim3A_346, %broadcast_in_dim3A_360 : vector<64x1xi32>
      %eq3A_376 = arith.cmpi eq, %broadcast_in_dim3A_346, %broadcast_in_dim3A_374 : vector<64x1xi32>
      %and3A = arith.andi %eq3A_375, %eq3A_376 : vector<64x1xi1>
      %convert_element_type3A_377 = arith.extui %and3A : vector<64x1xi1> to vector<64x1xi32>
      %reduce_sum3A_378 = vector.shape_cast %convert_element_type3A_377 : vector<64x1xi32> to vector<1x64x1xi32>
      %reduce_sum3A_379 = arith.constant dense<0> : vector<1xi32>
      %reduce_sum3A_380 = vector.multi_reduction <add>, %reduce_sum3A_378, %reduce_sum3A_379 [1, 2] : vector<1x64x1xi32> to vector<1xi32>
      %reduce_sum3A_381 = vector.shape_cast %reduce_sum3A_380 : vector<1xi32> to vector<1x1x1xi32>
      %reduce_sum3A_382 = vector.extract %reduce_sum3A_381[0, 0, 0] : i32 from vector<1x1x1xi32>
      %iota3A_383 = tpu.iota {dimensions = array<i32: 1>} : vector<1x128xi32>
      %eq3A_384 = arith.constant 0 : i32
      %eq3A_385 = vector.broadcast %eq3A_384 : i32 to vector<1x128xi32>
      %eq3A_386 = arith.cmpi eq, %iota3A_383, %eq3A_385 : vector<1x128xi32>
      %eq3A_387 = arith.constant 1 : i32
      %eq3A_388 = vector.broadcast %eq3A_387 : i32 to vector<1x128xi32>
      %eq3A_389 = arith.cmpi eq, %iota3A_383, %eq3A_388 : vector<1x128xi32>
      %eq3A_390 = arith.constant 2 : i32
      %eq3A_391 = vector.broadcast %eq3A_390 : i32 to vector<1x128xi32>
      %eq3A_392 = arith.cmpi eq, %iota3A_383, %eq3A_391 : vector<1x128xi32>
      %jit3A_393 = arith.constant 0.000000e+00 : f32
      %broadcast_in_dim3A_394 = vector.broadcast %neg3A_331 : f32 to vector<1x128xf32>
      %broadcast_in_dim3A_395 = vector.broadcast %jit3A_393 : f32 to vector<1x128xf32>
      %select_n3A_396 = arith.select %eq3A_392, %broadcast_in_dim3A_394, %broadcast_in_dim3A_395 : vector<1x128xi1>, vector<1x128xf32>
      %broadcast_in_dim3A_397 = vector.broadcast %neg3A_292 : f32 to vector<1x128xf32>
      %select_n3A_398 = arith.select %eq3A_389, %broadcast_in_dim3A_397, %select_n3A_396 : vector<1x128xi1>, vector<1x128xf32>
      %broadcast_in_dim3A_399 = vector.broadcast %neg3A_253 : f32 to vector<1x128xf32>
      %select_n3A_400 = arith.select %eq3A_386, %broadcast_in_dim3A_399, %select_n3A_398 : vector<1x128xi1>, vector<1x128xf32>
      %swap3A_401 = arith.constant 0 : index
      %swap3A_402 = arith.constant 0 : index
      %swap3A_403 = vector.load %arg12[%swap3A_401, %swap3A_402] : memref<1x128xf32, #tpu.memory_space<vmem>>, vector<1x128xf32>
      tpu.vector_store %arg12[%swap3A_401, %swap3A_402], %select_n3A_400 {strides = array<i32>} : memref<1x128xf32, #tpu.memory_space<vmem>>, vector<1x128xf32>,
      %broadcast_in_dim3A_404 = vector.broadcast %reduce_sum3A_382 : i32 to vector<1x128xi32>
      %swap3A_405 = arith.constant 0 : index
      %swap3A_406 = arith.constant 0 : index
      %swap3A_407 = vector.load %arg13[%swap3A_405, %swap3A_406] : memref<1x128xi32, #tpu.memory_space<vmem>>, vector<1x128xi32>
      tpu.vector_store %arg13[%swap3A_405, %swap3A_406], %broadcast_in_dim3A_404 {strides = array<i32>} : memref<1x128xi32, #tpu.memory_space<vmem>>, vector<1x128xi32>,
    } else {
    }
    return
  }
  func.func @transform_0(%arg0: i32) -> (i32, i32, i32) {
    %c0_i32 = arith.constant 0 : i32
    %c0_i32_0 = arith.constant 0 : i32
    %c0_i32_1 = arith.constant 0 : i32
    return %arg0, %c0_i32, %c0_i32_0 : i32, i32, i32
  }
  func.func @transform_1(%arg0: i32) -> (i32, i32, i32) {
    %c0_i32 = arith.constant 0 : i32
    %c0_i32_0 = arith.constant 0 : i32
    %c0_i32_1 = arith.constant 0 : i32
    return %arg0, %c0_i32, %c0_i32_0 : i32, i32, i32
  }
  func.func @transform_2(%arg0: i32) -> (i32, i32, i32) {
    %c0_i32 = arith.constant 0 : i32
    %c0_i32_0 = arith.constant 0 : i32
    %c0_i32_1 = arith.constant 0 : i32
    return %arg0, %c0_i32, %c0_i32_0 : i32, i32, i32
  }
  func.func @transform_3(%arg0: i32) -> (i32, i32) {
    %c0_i32 = arith.constant 0 : i32
    %c0_i32_0 = arith.constant 0 : i32
    %c0_i32_1 = arith.constant 0 : i32
    return %c0_i32, %c0_i32_0 : i32, i32
  }
  func.func @transform_4(%arg0: i32) -> (i32, i32) {
    %c0_i32 = arith.constant 0 : i32
    %c0_i32_0 = arith.constant 0 : i32
    %c0_i32_1 = arith.constant 0 : i32
    return %c0_i32, %c0_i32_0 : i32, i32
  }
  func.func @transform_5(%arg0: i32) -> (i32, i32, i32) {
    %c0_i32 = arith.constant 0 : i32
    %c0_i32_0 = arith.constant 0 : i32
    %c0_i32_1 = arith.constant 0 : i32
    return %arg0, %c0_i32, %c0_i32_0 : i32, i32, i32
  }
  func.func @transform_6(%arg0: i32) -> (i32, i32, i32) {
    %c0_i32 = arith.constant 0 : i32
    %c0_i32_0 = arith.constant 0 : i32
    %c0_i32_1 = arith.constant 0 : i32
    return %arg0, %c0_i32, %c0_i32_0 : i32, i32, i32
  }
  func.func @transform_7(%arg0: i32) -> (i32, i32, i32) {
    %c0_i32 = arith.constant 0 : i32
    %c0_i32_0 = arith.constant 0 : i32
    %c0_i32_1 = arith.constant 0 : i32
    return %arg0, %c0_i32, %c0_i32_0 : i32, i32, i32
  }
  func.func @transform_8(%arg0: i32) -> (i32, i32, i32) {
    %c0_i32 = arith.constant 0 : i32
    %c0_i32_0 = arith.constant 0 : i32
    %c0_i32_1 = arith.constant 0 : i32
    return %arg0, %c0_i32, %c0_i32_0 : i32, i32, i32
  }
  func.func @transform_9(%arg0: i32) -> (i32, i32, i32) {
    %c0_i32 = arith.constant 0 : i32
    %c0_i32_0 = arith.constant 0 : i32
    %c0_i32_1 = arith.constant 0 : i32
    return %arg0, %c0_i32, %c0_i32_0 : i32, i32, i32
  }
  func.func @transform_10(%arg0: i32) -> (i32, i32, i32) {
    %c0_i32 = arith.constant 0 : i32
    %c0_i32_0 = arith.constant 0 : i32
    %c0_i32_1 = arith.constant 0 : i32
    return %arg0, %c0_i32, %c0_i32_0 : i32, i32, i32
  }
  func.func @transform_11(%arg0: i32) -> (i32, i32) {
    %c0_i32 = arith.constant 0 : i32
    %c0_i32_0 = arith.constant 0 : i32
    %c0_i32_1 = arith.constant 0 : i32
    return %c0_i32, %c0_i32_0 : i32, i32
  }
  func.func @transform_12(%arg0: i32) -> (i32, i32) {
    %c0_i32 = arith.constant 0 : i32
    %c0_i32_0 = arith.constant 0 : i32
    %c0_i32_1 = arith.constant 0 : i32
    return %c0_i32, %c0_i32_0 : i32, i32
  }
}

</mosaic_0001>

<sc_bundles>
// kernel: kernel.4.cloned.1.call-start
scs
__scs_entry_jumppad:
0x0: {  	(pc) =	sbr.rel $0x88, $3  }
0x1: {  	(tag) =	ssettag $0x0;
	lr =	simm.s32 $0x1  }
0x2: {  	[smem:$0x3F9D] =	sst lr;
	_ =	strace $0xD0000000  }
0x3: {  	_ = 	snop  }
0x4: {  	_ = 	snop  }
0x5: {  	_ = 	snop  }
0x6: {  	_ = 	snop  }
0x7: {  	_ = 	snop  }
__scs_overlays_trampoline_lowered:
0x8: {  	[smem:$0x3FAC] =	sst s0  }
0x9: {  	[smem:$0x3FAD] =	sst s1  }
0xa: {  	[smem:$0x3FAE] =	sst s2  }
0xb: {  	[smem:$0x3FAF] =	sst s3  }
0xc: {  	[smem:$0x3FB0] =	sst s4  }
0xd: {  	[smem:$0x3FB1] =	sst s5  }
0xe: {  	[smem:$0x3FB2] =	sst s6  }
0xf: {  	[smem:$0x3FB3] =	sst s7  }
0x10: {  	[smem:$0x3FB4] =	sst s8  }
0x11: {  	[smem:$0x3FB5] =	sst s9;
	s0 =	simm.s32 @!p0 $0x0  }
0x12: {  	s1 =	sld [smem:$0x3F9B];
	s0 =	simm.s32 @p0 $0x1  }
0x13: {  	[smem:$0x3FB6] =	sst s0;
	s0 =	simm.s32 @!p1 $0x0  }
0x14: {  	s2 =	sld [smem:$0x3F9A];
	s0 =	simm.s32 @p1 $0x1  }
0x15: {  	[smem:$0x3FB7] =	sst s0;
	s0 =	simm.s32 @!p2 $0x0  }
0x16: {  	s3 =	sld [smem:$0x3FDB];
	s0 =	simm.s32 @p2 $0x1  }
0x17: {  	s4 =	simm.s32 $0x1BF5;
	[smem:$0x3FB9] =	sst s0  }
0x18: {  	s0 =	sld [smem:$0x3F9C];
	_ =	swait.ge [sflag:s4], $0x0  }
0x19: {  	s7 =	sld [smem:$0x3F9D]  }
0x1a: {  	s8 =	sadd.s32 $0xFFFFE003, lr  }
0x1b: {  	s9 =	sadd.s32 $0xFFFFFEF7, lr;
	s5 =	simm.s32 $0xFFFFFFFF;
	p2 =	slt.u32 s8, $0xFFFFF086  }
0x1c: {  	p1 =	slt.u32 s9, $0xF7A;
	s5 =	simm.s32 @!p2 $0x0  }
0x1d: {  	s5 =	simm.s32 @p1 $0x1;
	p0 =	seq.s32 s7, s2  }
0x1e: {  	s7 =	smul.u32 @!p0 $0xF7A, s2;
	p2 =	seq.s32 @!p0 s5, $0x0  }
0x1f: {  	s9 =	smul.u32 $0xF7A, s1;
	s8 =	simm.s32 @!p0 $0x1BF5;
	p2 =	por !p2, p0  }
0x20: {  	[sflag:s8] =	ssyncset.s32 @!p0 $0xFFFFF086;
	s6 =	sadd.s32 @!p0 s3, s7;
	s7 =	simm.s32 @!p0 $0x108  }
0x21: {  	s3 =	sadd.s32 s3, s9;
	s6 =	sadd.s32 @!p0 $0x88, s6;
	s7 =	simm.s32 @p2 $0x1082  }
0x22: {  	[simem:s7], [sflag:s8] =	dma.local @!p0 [hbm:s6], $0xF7A  }
0x23: {  	s9 =	sor.u32 $0xD0000000, s2;
	s6 =	simm.s32 $0x108;
	_ =	swait.ge @!p0 [sflag:s8], $0x0  }
0x24: {  	s3 =	sadd.s32 $0x88, s3;
	s6 =	simm.s32 @!p1 $0x1082;
	[sflag:s4] =	ssyncset.s32 $0xFFFFF086  }
0x25: {  	[simem:s6], [sflag:s4] =	dma.local [hbm:s3], $0xF7A  }
0x26: {  	[smem:$0x3F9D] =	sst s1;
	(tag) =	ssettag s2;
	_ =	strace s9  }
0x27: {  	s1 =	sld [smem:$0x3FAD]  }
0x28: {  	s2 =	sld [smem:$0x3FAE]  }
0x29: {  	s4 =	sld [smem:$0x3FB0]  }
0x2a: {  	p0 =	seq.s32 s5, $0x0;
	s5 =	sld [smem:$0x3FB1]  }
0x2b: {  	s6 =	sld [smem:$0x3FB2]  }
0x2c: {  	s7 =	sld [smem:$0x3FB3]  }
0x2d: {  	s3 =	simm.s32 $0x108;
	s8 =	sld [smem:$0x3FB4]  }
0x2e: {  	s3 =	simm.s32 @!p0 $0x1082;
	s9 =	sld [smem:$0x3FB5]  }
0x2f: {  	lr =	sadd.s32 s0, s3;
	s0 =	sld [smem:$0x3FAC]  }
0x30: {  	s3 =	sld [smem:$0x3FAF]  }
0x31: {  	[smem:$0x3FB8] =	sst s10  }
0x32: {  	s10 =	sld [smem:$0x3FB6];
	_ =	sdelay $0x3  }
0x33: {  	p0 =	seq.s32 s10, $0x1;
	s10 =	sld [smem:$0x3FB8];
	_ =	sdelay $0x3  }
0x34: {  	[smem:$0x3FB8] =	sst s10  }
0x35: {  	s10 =	sld [smem:$0x3FB7];
	_ =	sdelay $0x3  }
0x36: {  	p1 =	seq.s32 s10, $0x1;
	s10 =	sld [smem:$0x3FB8];
	_ =	sdelay $0x3  }
0x37: {  	[smem:$0x3FB8] =	sst s10  }
0x38: {  	s10 =	sld [smem:$0x3FB9]  }
0x39: {  	_ = 	snop;
	(pc) =	sbr.ind lr, $3  }
0x3a: {  	_ = 	snop  }
0x3b: {  	_ = 	snop  }
0x3c: {  	p2 =	seq.s32 s10, $0x1;
	s10 =	sld [smem:$0x3FB8]  }
0x3d: {  	_ =	shalt  }
0x3e: {  	_ =	shalt  }
0x3f: {  	_ =	shalt  }
0x40: {  	_ =	shalt  }
0x41: {  	_ =	shalt  }
0x42: {  	_ =	shalt  }
0x43: {  	_ =	shalt  }
0x44: {  	_ =	shalt  }
0x45: {  	_ =	shalt  }
0x46: {  	_ =	shalt  }
0x47: {  	_ =	shalt  }
0x48: {  	_ =	shalt  }
0x49: {  	_ =	shalt  }
0x4a: {  	_ =	shalt  }
0x4b: {  	_ =	shalt  }
0x4c: {  	_ =	shalt  }
0x4d: {  	_ =	shalt  }
0x4e: {  	_ =	shalt  }
0x4f: {  	_ =	shalt  }
0x50: {  	_ =	shalt  }
0x51: {  	_ =	shalt  }
0x52: {  	_ =	shalt  }
0x53: {  	_ =	shalt  }
0x54: {  	_ =	shalt  }
0x55: {  	_ =	shalt  }
0x56: {  	_ =	shalt  }
0x57: {  	_ =	shalt  }
0x58: {  	_ =	shalt  }
0x59: {  	_ =	shalt  }
0x5a: {  	_ =	shalt  }
0x5b: {  	_ =	shalt  }
0x5c: {  	_ =	shalt  }
0x5d: {  	_ =	shalt  }
0x5e: {  	_ =	shalt  }
0x5f: {  	_ =	shalt  }
0x60: {  	_ =	shalt  }
0x61: {  	_ =	shalt  }
0x62: {  	_ =	shalt  }
0x63: {  	_ =	shalt  }
0x64: {  	_ =	shalt  }
0x65: {  	_ =	shalt  }
0x66: {  	_ =	shalt  }
0x67: {  	_ =	shalt  }
0x68: {  	_ =	shalt  }
0x69: {  	_ =	shalt  }
0x6a: {  	_ =	shalt  }
0x6b: {  	_ =	shalt  }
0x6c: {  	_ =	shalt  }
0x6d: {  	_ =	shalt  }
0x6e: {  	_ =	shalt  }
0x6f: {  	_ =	shalt  }
0x70: {  	_ =	shalt  }
0x71: {  	_ =	shalt  }
0x72: {  	_ =	shalt  }
0x73: {  	_ =	shalt  }
0x74: {  	_ =	shalt  }
0x75: {  	_ =	shalt  }
0x76: {  	_ =	shalt  }
0x77: {  	_ =	shalt  }
0x78: {  	_ =	shalt  }
0x79: {  	_ =	shalt  }
0x7a: {  	_ =	shalt  }
0x7b: {  	_ =	shalt  }
0x7c: {  	_ =	shalt  }
0x7d: {  	_ =	shalt  }
0x7e: {  	_ =	shalt  }
0x7f: {  	_ =	shalt  }
0x80: {  	_ =	shalt  }
0x81: {  	_ =	shalt  }
0x82: {  	_ =	shalt  }
0x83: {  	_ =	shalt  }
0x84: {  	_ =	shalt  }
0x85: {  	_ =	shalt  }
0x86: {  	_ =	shalt  }
0x87: {  	_ =	shalt  }
.Lfunc_end0:
.L_simem_size_0:
called_computation_lowered:
.L_overlay_start_0:
0x88: {  	s2 =	sld [smem:$0x3FD9]  }
0x89: {  	s3 =	sld [smem:$0x3FFE];
	_ =	sdelay $0x1  }
0x8a: {  	s1 =	srdreg.scid  }
0x8b: {  	s0 =	sand.u32 $0x1, s1  }
0x8c: {  	s14 =	sshll.u32 s0, $0xA;
	s2 =	sadd.s32 s3, s2  }
0x8d: {  	s2 =	sadd.s32 s2, s14  }
0x8e: {  	[smem:$0x3FC4] =	sst s2  }
0x8f: {  	_ = 	snop  }
0x90: {  	s2 =	sld [smem:$0x3FD0];
	_ =	sdelay $0x2  }
0x91: {  	s4 =	simm.s32 $0xA;
	s5 =	simm.s32 $0x10;
	s15 =	sld [smem:$0x3FC6]  }
0x92: {  	[smem:s5], [sflag:s4] =	dma.local [hbm:s2], $0x1  }
0x93: {  	_ =	swait.eq [sflag:s4], $0x1  }
0x94: {  	s16 =	sld [smem:$0x10];
	[sflag:s4] =	ssyncset.done $0x0  }
0x95: {  	s17 =	sld [smem:$0x11];
	[sflag:s4] =	ssyncadd.s32 $0xFFFFFFFF  }
0x96: {  	s18 =	sld [smem:$0x12];
	(tm) =	ssettm $0x1  }
0x97: {  	s6 =	sld [smem:$0x3FFB];
	_ =	sdelay $0x3  }
0x98: {  	_ =	strace s6  }
0x99: {  	s6 =	sld [smem:$0x3FFC];
	_ =	sdelay $0x3  }
0x9a: {  	_ =	strace s6  }
0x9b: {  	s6 =	sld [smem:$0x3FFD];
	_ =	sdelay $0x3  }
0x9c: {  	_ =	strace s6  }
0x9d: {  	_ =	strace $0x8FFFFFFF  }
0x9e: {  	s19 =	sld [smem:$0x3FDB];
	_ =	sdelay $0x1  }
0x9f: {  	s7 =	simm.s32 $_scs_section_size  }
0xa0: {  	s8 =	simm.s32 $_size__tile_overlayer_lowered;
	s9 =	simm.s32 $_tile_overlayer_lowered  }
0xa1: {  	s22 =	simm.s32 $0x1BFF;
	s21 =	sshll.u32 s9, $0x1;
	s6 =	sadd.s32 s7, s19  }
0xa2: {  	s10 =	simm.s32 $0x0;
	s20 =	sshll.u32 s8, $0x1;
	s8 =	sadd.s32 s21, s6  }
0xa3: {  	[timem:s10], [sflag:s22] =	dma.local [hbm:s8], s20  }
0xa4: {  	_ =	swait.ge [sflag:s22], s20  }
0xa5: {  	s7 =	ssub.s32 $0x0, s20;
	[sflag:s22] =	ssyncset.done $0x0  }
0xa6: {  	[sflag:s22] =	ssyncadd.s32 s7;
	_ =	sdelay $0x1  }
0xa7: {  	s23 =	simm.s32 $0x1B8B  }
0xa8: {  	_ =	swait.ge [sflag:s23], $0x1  }
0xa9: {  	[sflag:s23] =	ssyncset.done $0x0  }
0xaa: {  	s25 =	simm.s32 $0x1B8E;
	s24 =	sld [smem:$0x3FFE];
	[sflag:s23] =	ssyncadd.s32 $0xFFFFFFFF  }
0xab: {  	s26 =	simm.s32 $execute0_lowered;
	[smem:$0x3FD2] =	sst s25  }
0xac: {  	s8 =	sshll.u32 s26, $0x1;
	_ =	strace $0x80000046;
	[dreg:$0x1] =	wrdreg $0xFFFFFFFF  }
0xad: {  	s28 =	simm.s32 $_size_execute0_lowered;
	s6 =	sadd.s32 s6, s8;
	[dreg:$0x0] =	wrdreg $0x0  }
0xae: {  	s8 =	sshll.u32 s28, $0x1;
	[dreg:$0x2] =	wrdreg s6  }
0xaf: {  	[dreg:$0x3] =	wrdreg s8  }
0xb0: {  	[dreg:$0x4] =	wrdreg $0xC0  }
0xb1: {  	_ =	task [dreg:s10], $0x5FFFF  }
0xb2: {  	[dreg:$0x1] =	wrdreg $0xFFFFFFFF  }
0xb3: {  	[dreg:$0x0] =	wrdreg $0x60  }
0xb4: {  	[dreg:$0x2] =	wrdreg s15  }
0xb5: {  	[dreg:$0x3] =	wrdreg s24  }
0xb6: {  	[dreg:$0x4] =	wrdreg s16  }
0xb7: {  	[dreg:$0x5] =	wrdreg s17  }
0xb8: {  	[dreg:$0x6] =	wrdreg s18  }
0xb9: {  	[dreg:$0x7] =	wrdreg $0x9  }
0xba: {  	_ =	task.clear_ibuf [dreg:s10], $0x8FFFF;
	_ =	strace $0x90000046  }
0xbb: {  	s29 =	simm.s32 $0x9;
	_ =	strace $0x80000048  }
0xbc: {  	_ =	swait.ge [sflag:s29], $0x1  }
0xbd: {  	[sflag:s29] =	ssyncadd.s32 $0xFFFFFFFF  }
0xbe: {  	_ =	strace $0x90000048  }
0xbf: {  	_ =	sfence  }
0xc0: {  	s30 =	sld [smem:$0x0];
	_ =	sdelay $0x2  }
0xc1: {  	s31 =	sshll.u32 s1, $0xD;
	s1 =	sshrl.u32 s1, $0x2  }
0xc2: {  	s3 =	sand.u32 $0x4000, s31;
	s1 =	sadd.s32 s1, s30  }
0xc3: {  	s0 =	sor.u32 s3, s0;
	s1 =	sshll.u32 s1, $0x11  }
0xc4: {  	s0 =	sor.u32 s1, s0  }
0xc5: {  	s0 =	sadd.s32 $0x8F2B, s0  }
0xc6: {  	[sflag:s0] =	ssyncadd.remote.s32 $0x1  }
0xc7: {  	_ =	sfence.sel $0xFFFF  }
0xc8: {  	[dreg:$0x0] =	wrdreg $0xFFFFFFFF;
	(pc) =	sbr.abs _section_cstart, $3  }
0xc9: {  	[dreg:$0x1] =	wrdreg $0xFFFFFFFF  }
0xca: {  	_ =	task.clear_ibuf [dreg:s10], $0x2FFFF;
	_ =	strace $0x9FFFFFFF  }
0xcb: {  	(tm) =	ssettm $0x7FFFFFFF  }
tec
execute0_lowered:
.L_overlay_start_1:
0x0: {  	(tag) =	ssettag $0x1  }
0x1: {  	s0 =	srdreg.scid;
	s2 =	stileid.u32  }
0x2: {  	s1 =	rddreg [dreg:$0x0];
	s7 =	sand.u32 $0x1, s0;
	s18 =	sshll.u32 s2, $0x1  }
0x3: {  	s5 =	rddreg [dreg:$0x1];
	s2 =	sor.u32 s7, s18  }
0x4: {  	s10 =	rddreg [dreg:$0x2];
	s3 =	smul.u32 $0x600, s2  }
0x5: {  	s9 =	rddreg [dreg:$0x3]  }
0x6: {  	s8 =	rddreg [dreg:$0x4];
	s6 =	sadd.s32 $0x40000, s5;
	s20 =	sand.u32 $0x3E00, s3  }
0x7: {  	[smem:$0x7E6] =	sst s2;
	s3 =	simm.s32 $0x0;
	s21 =	sshll.u32 s20, $0x5  }
0x8: {  	s11 =	sor.u32 $0x80, s20;
	[smem:$0x7FF] =	sst s3;
	s22 =	sadd.s32 s10, s21  }
0x9: {  	_ =	strace $0x80000047;
	s23 =	sadd.s32 s9, s21;
	[dreg:$0x9] =	wrdreg s22  }
0xa: {  	s12 =	sshrl.u32 s11, $0x3;
	s24 =	sadd.s32 s8, s21;
	[dreg:$0xa] =	wrdreg s23  }
0xb: {  	s0 =	sadd.s32 $0x40800, s5;
	s13 =	sadd.s32 s6, s12;
	[dreg:$0xb] =	wrdreg s24  }
0xc: {  	s14 =	sor.u32 $0x100, s20;
	s19 =	sadd.s32 s0, s12;
	[dreg:$0x6] =	wrdreg s13  }
0xd: {  	s25 =	sshrl.u32 s14, $0x3;
	s12 =	sadd.s32 s5, s12;
	[dreg:$0x7] =	wrdreg s19  }
0xe: {  	s26 =	sadd.s32 s6, s25;
	[dreg:$0x8] =	wrdreg s12  }
0xf: {  	s28 =	sadd.s32 s0, s25;
	[dreg:$0xc] =	wrdreg s26  }
0x10: {  	s11 =	sshll.u32 s11, $0x5;
	s29 =	sadd.s32 s5, s25;
	[dreg:$0xd] =	wrdreg s28  }
0x11: {  	s30 =	sadd.s32 s10, s11;
	[dreg:$0xe] =	wrdreg s29  }
0x12: {  	s4 =	sor.u32 $0x180, s20;
	s31 =	sadd.s32 s9, s11;
	[dreg:$0xf] =	wrdreg s30  }
0x13: {  	s15 =	sshrl.u32 s4, $0x3;
	s11 =	sadd.s32 s8, s11;
	[dreg:$0x10] =	wrdreg s31  }
0x14: {  	s16 =	sadd.s32 s6, s15;
	[dreg:$0x11] =	wrdreg s11  }
0x15: {  	s17 =	sadd.s32 s0, s15;
	[dreg:$0x12] =	wrdreg s16  }
0x16: {  	s18 =	sadd.s32 s5, s15;
	[dreg:$0x13] =	wrdreg s17;
	s19 =	sshll.u32 s14, $0x5  }
0x17: {  	[dreg:$0x14] =	wrdreg s18;
	s14 =	sadd.s32 s10, s19  }
0x18: {  	s21 =	sadd.s32 s9, s19;
	[dreg:$0x15] =	wrdreg s14  }
0x19: {  	s13 =	sshll.u32 s4, $0x5;
	s12 =	sadd.s32 s8, s19;
	[dreg:$0x16] =	wrdreg s21  }
0x1a: {  	s22 =	sadd.s32 s10, s13;
	[dreg:$0x17] =	wrdreg s12  }
0x1b: {  	s11 =	smul.u32 $0xC, s2;
	s23 =	sadd.s32 s9, s13;
	[dreg:$0x18] =	wrdreg s22  }
0x1c: {  	s7 =	ssub.s32 $0x2, s7;
	s13 =	sadd.s32 s8, s13;
	[dreg:$0x19] =	wrdreg s23  }
0x1d: {  	s12 =	sadd.s32 $0x4, s11;
	[dreg:$0x1a] =	wrdreg s13;
	s13 =	sadd.s32 $0x5, s11  }
0x1e: {  	s22 =	sadd.s32 $0x8, s11;
	s15 =	sshll.u32 s12, $0x7;
	s24 =	sshll.u32 s12, $0xC  }
0x1f: {  	s16 =	sshll.u32 s13, $0x7;
	s28 =	sshll.u32 s13, $0xC;
	s21 =	sshll.u32 s22, $0x7  }
0x20: {  	s15 =	sand.u32 $0x3E00, s15;
	s14 =	sadd.s32 s10, s24;
	s24 =	sand.u32 $0x3E80, s16  }
0x21: {  	s16 =	sadd.s32 s10, s28;
	s17 =	sshll.u32 s15, $0x5;
	[dreg:$0x1b] =	wrdreg s14  }
0x22: {  	s29 =	sshll.u32 s24, $0x5;
	s14 =	sadd.s32 $0x6, s11;
	[dreg:$0x1e] =	wrdreg s16  }
0x23: {  	s16 =	sadd.s32 $0x7, s11;
	s15 =	sshrl.u32 s15, $0x3;
	s25 =	sadd.s32 s9, s17  }
0x24: {  	s26 =	sadd.s32 s8, s17;
	s30 =	sadd.s32 s9, s29;
	[dreg:$0x1c] =	wrdreg s25  }
0x25: {  	s18 =	sshll.u32 s14, $0x7;
	s31 =	sadd.s32 s8, s29;
	[dreg:$0x1d] =	wrdreg s26  }
0x26: {  	s2 =	sshll.u32 s14, $0xC;
	s19 =	sshll.u32 s16, $0x7;
	[dreg:$0x1f] =	wrdreg s30  }
0x27: {  	s29 =	sand.u32 $0x3E00, s21;
	s25 =	sand.u32 $0x3F00, s18;
	[smem:$0x7C6] =	sst s31  }
0x28: {  	s17 =	sadd.s32 s10, s2;
	s28 =	sand.u32 $0x3F80, s19;
	s19 =	sshll.u32 s16, $0xC  }
0x29: {  	s30 =	sshll.u32 s22, $0xC;
	[smem:$0x7C7] =	sst s17;
	s17 =	sadd.s32 s10, s19  }
0x2a: {  	s2 =	sshll.u32 s29, $0x5;
	s31 =	sadd.s32 s10, s30;
	[smem:$0x7CA] =	sst s17  }
0x2b: {  	s18 =	sshll.u32 s25, $0x5;
	s21 =	sadd.s32 s8, s2;
	[smem:$0x7CD] =	sst s31  }
0x2c: {  	s29 =	sshrl.u32 s29, $0x3;
	s4 =	sadd.s32 s9, s18;
	[smem:$0x7CF] =	sst s21  }
0x2d: {  	s19 =	sshll.u32 s28, $0x5;
	s18 =	sadd.s32 s8, s18;
	[smem:$0x7C8] =	sst s4  }
0x2e: {  	s25 =	sshrl.u32 s25, $0x3;
	s26 =	sadd.s32 s8, s19;
	[smem:$0x7C9] =	sst s18  }
0x2f: {  	s23 =	sadd.s32 s9, s19;
	[smem:$0x7CC] =	sst s26;
	s26 =	sadd.s32 $0x9, s11  }
0x30: {  	[smem:$0x7CB] =	sst s23;
	s4 =	sadd.s32 s9, s2;
	s19 =	sshll.u32 s26, $0x7  }
0x31: {  	[smem:$0x7CE] =	sst s4;
	s30 =	sshll.u32 s26, $0xC;
	s23 =	sand.u32 $0x3E80, s19  }
0x32: {  	s31 =	sadd.s32 s10, s30;
	s19 =	sadd.s32 $0xA, s11;
	s2 =	sshll.u32 s23, $0x5  }
0x33: {  	[smem:$0x7D0] =	sst s31;
	s21 =	sshll.u32 s19, $0x7;
	s4 =	sadd.s32 s9, s2  }
0x34: {  	s28 =	sshrl.u32 s28, $0x3;
	s30 =	sand.u32 $0x3F00, s21;
	[smem:$0x7D1] =	sst s4  }
0x35: {  	s31 =	sadd.s32 s8, s2;
	[smem:$0x7DA] =	sst s30;
	s4 =	sshll.u32 s19, $0xC  }
0x36: {  	[smem:$0x7D2] =	sst s31;
	s21 =	sshll.u32 s30, $0x5;
	s18 =	sadd.s32 s10, s4  }
0x37: {  	s30 =	sadd.s32 s9, s21;
	s21 =	sadd.s32 s8, s21;
	[smem:$0x7D3] =	sst s18  }
0x38: {  	s4 =	sshrl.u32 s7, $0x1;
	s18 =	sadd.s32 $0xB, s11;
	[smem:$0x7D4] =	sst s30  }
0x39: {  	[smem:$0x7D5] =	sst s21;
	s21 =	sshrl.u32 s24, $0x3;
	s31 =	sshll.u32 s18, $0x7  }
0x3a: {  	s24 =	smov.u32 s5;
	s30 =	sshll.u32 s18, $0xC;
	s17 =	sand.u32 $0x3F80, s31  }
0x3b: {  	s10 =	sadd.s32 s10, s30;
	s31 =	smov.u32 s5;
	s2 =	sshll.u32 s17, $0x5  }
0x3c: {  	[smem:$0x7D6] =	sst s10;
	s10 =	ssub.s32 s7, s4;
	s7 =	sshrl.u32 s13, $0x7  }
0x3d: {  	s4 =	sshll.u32 s12, $0x4;
	s13 =	sshll.u32 s13, $0x4;
	s9 =	sadd.s32 s9, s2  }
0x3e: {  	s8 =	sadd.s32 s8, s2;
	[smem:$0x7DD] =	sst s10;
	p0 =	seq.s32 s7, $0x1  }
0x3f: {  	s10 =	sshrl.u32 s16, $0x7;
	s13 =	sadd.s32 s6, s13;
	[smem:$0x7D7] =	sst s9  }
0x40: {  	[smem:$0x7D8] =	sst s8;
	s8 =	sshrl.u32 s12, $0x7;
	s2 =	simm.s32 @!p0 $0x0  }
0x41: {  	s31 =	smov.u32 @p0 s0;
	s9 =	sshrl.u32 s14, $0x7;
	s12 =	sshrl.u32 s11, $0x7  }
0x42: {  	s11 =	sshrl.u32 s26, $0x7;
	p3 =	seq.s32 s8, $0x1;
	s2 =	simm.s32 @p0 $0x1  }
0x43: {  	p0 =	seq.s32 s9, $0x1;
	[smem:$0x7EC] =	sst s2;
	s24 =	smov.u32 @p3 s0  }
0x44: {  	s2 =	simm.s32 @!p0 $0x0;
	s30 =	sadd.s32 s24, s15;
	s24 =	sadd.s32 s31, s21  }
0x45: {  	s2 =	simm.s32 @p0 $0x1;
	s15 =	smov.u32 s5;
	s31 =	smov.u32 s5  }
0x46: {  	[smem:$0x7EF] =	sst s2;
	s15 =	smov.u32 @p0 s0;
	p0 =	seq.s32 s10, $0x1  }
0x47: {  	s25 =	sadd.s32 s15, s25;
	s2 =	simm.s32 @!p0 $0x0;
	s15 =	sshrl.u32 s22, $0x7  }
0x48: {  	s31 =	smov.u32 @p0 s0;
	s2 =	simm.s32 @p0 $0x1;
	p0 =	seq.s32 s15, $0x1  }
0x49: {  	s26 =	sshll.u32 s26, $0x4;
	[smem:$0x7E7] =	sst s2;
	s2 =	simm.s32 @!p0 $0x0  }
0x4a: {  	s26 =	sadd.s32 s6, s26;
	p5 =	seq.s32 s12, $0x1;
	s2 =	simm.s32 @p0 $0x1  }
0x4b: {  	s21 =	sshll.u32 s14, $0x4;
	[smem:$0x7F4] =	sst s2;
	s2 =	smov.u32 s5  }
0x4c: {  	s28 =	sadd.s32 s31, s28;
	s31 =	sshll.u32 s16, $0x4;
	s2 =	smov.u32 @p0 s0  }
0x4d: {  	p1 =	seq.s32 s15, $0x0;
	s14 =	sadd.s32 s6, s31;
	s29 =	sadd.s32 s2, s29  }
0x4e: {  	s2 =	sadd.s32 s6, s4;
	s4 =	sshll.u32 s22, $0x4;
	s22 =	sadd.s32 s6, s21  }
0x4f: {  	s21 =	sshll.u32 s19, $0x4;
	s16 =	sadd.s32 s6, s4;
	s4 =	smov.u32 s5  }
0x50: {  	p0 =	seq.s32 s12, $0x0;
	s31 =	sadd.s32 s6, s21;
	s4 =	smov.u32 @p5 s0  }
0x51: {  	s21 =	sshll.u32 s18, $0x4;
	s4 =	smov.u32 @p0 s6;
	p0 =	seq.s32 s11, $0x1  }
0x52: {  	s21 =	sadd.s32 s6, s21;
	s29 =	smov.u32 @p1 s16;
	s6 =	simm.s32 @!p0 $0x0  }
0x53: {  	s20 =	sshrl.u32 s20, $0x3;
	[smem:$0x7E0] =	sst s29;
	s6 =	simm.s32 @p0 $0x1  }
0x54: {  	s23 =	sshrl.u32 s23, $0x3;
	[smem:$0x7F7] =	sst s6;
	s6 =	smov.u32 s5  }
0x55: {  	s4 =	sadd.s32 s4, s20;
	s20 =	sld [smem:$0x7EF];
	s6 =	smov.u32 @p0 s0  }
0x56: {  	[smem:$0x7D9] =	sst s4;
	p0 =	seq.s32 s8, $0x0;
	s6 =	sadd.s32 s6, s23  }
0x57: {  	s30 =	smov.u32 @p0 s2;
	p0 =	seq.s32 s7, $0x0;
	s23 =	sld [smem:$0x7DA]  }
0x58: {  	s2 =	sshrl.u32 s19, $0x7;
	s24 =	smov.u32 @p0 s13;
	[smem:$0x7DB] =	sst s30  }
0x59: {  	p0 =	seq.s32 s9, $0x0;
	p6 =	seq.s32 s2, $0x1;
	s30 =	sld [smem:$0x7DD]  }
0x5a: {  	s13 =	smov.u32 s5;
	s25 =	smov.u32 @p0 s22;
	[smem:$0x7DC] =	sst s24  }
0x5b: {  	s13 =	smov.u32 @p6 s0;
	p0 =	seq.s32 s10, $0x0;
	[smem:$0x7DE] =	sst s25  }
0x5c: {  	s28 =	smov.u32 @p0 s14;
	s14 =	sshrl.u32 s18, $0x7;
	s18 =	sld [smem:$0x7EC]  }
0x5d: {  	s4 =	sshrl.u32 s23, $0x3;
	p0 =	seq.s32 s11, $0x0;
	s23 =	sld [smem:$0x7F4]  }
0x5e: {  	s13 =	sadd.s32 s13, s4;
	s6 =	smov.u32 @p0 s26;
	p0 =	seq.s32 s14, $0x1  }
0x5f: {  	s26 =	sshrl.u32 s17, $0x3;
	s4 =	simm.s32 @!p0 $0x0;
	s5 =	smov.u32 @p0 s0  }
0x60: {  	s4 =	simm.s32 @p0 $0x1;
	s0 =	sadd.s32 s5, s26;
	p0 =	seq.s32 s14, $0x0  }
0x61: {  	s25 =	sld [smem:$0x7F7];
	s0 =	smov.u32 @p0 s21;
	p0 =	sne.s32 s12, $0x0  }
0x62: {  	[smem:$0x7E3] =	sst s0;
	s0 =	simm.s32 @!p0 $0x0  }
0x63: {  	[smem:$0x7E1] =	sst s6;
	s0 =	simm.s32 @p0 $0x1;
	p0 =	sne.s32 s12, $0x1  }
0x64: {  	[smem:$0x7E4] =	sst s0;
	s0 =	simm.s32 @!p0 $0x0  }
0x65: {  	s6 =	sld [smem:$0x7EC];
	s0 =	simm.s32 @p0 $0x1;
	p0 =	sne.s32 @!p5 s12, $0x0  }
0x66: {  	[smem:$0x7E5] =	sst s0;
	s0 =	simm.s32 @!p0 $0x0  }
0x67: {  	[smem:$0x7DF] =	sst s28;
	s0 =	simm.s32 @p0 $0x1;
	p0 =	sne.s32 @!p3 s8, $0x0  }
0x68: {  	p1 =	seq.s32 s2, $0x0;
	[smem:$0x7E8] =	sst s0;
	s0 =	simm.s32 @!p0 $0x0  }
0x69: {  	s8 =	sld [smem:$0x7EF];
	s0 =	simm.s32 @p0 $0x1;
	p0 =	seq.s32 s6, $0x1  }
0x6a: {  	s13 =	smov.u32 @p1 s31;
	s31 =	sld [smem:$0x7E6];
	p0 =	sne.s32 @!p0 s7, $0x0  }
0x6b: {  	[smem:$0x7EA] =	sst s0;
	s0 =	simm.s32 @!p0 $0x0  }
0x6c: {  	[smem:$0x7E2] =	sst s13;
	s0 =	simm.s32 @p0 $0x1;
	p0 =	seq.s32 s8, $0x1  }
0x6d: {  	p0 =	sne.s32 @!p0 s9, $0x0;
	s9 =	sld [smem:$0x7E7]  }
0x6e: {  	s12 =	sld [smem:$0x7F4]  }
0x6f: {  	[smem:$0x7ED] =	sst s0;
	s0 =	simm.s32 @!p0 $0x0  }
0x70: {  	s13 =	sld [smem:$0x7F7];
	s0 =	simm.s32 @p0 $0x1;
	p0 =	seq.s32 s9, $0x1  }
0x71: {  	[smem:$0x7FC] =	sst s4;
	p1 =	sne.s32 @!p0 s10, $0x0  }
0x72: {  	p2 =	seq.s32 s12, $0x1;
	[smem:$0x7F0] =	sst s0;
	s0 =	simm.s32 @!p1 $0x0  }
0x73: {  	s16 =	sld [smem:$0x7E8];
	s0 =	simm.s32 @p1 $0x1;
	p1 =	sne.s32 @!p2 s15, $0x0  }
0x74: {  	p2 =	seq.s32 s13, $0x1;
	[smem:$0x7F2] =	sst s0;
	s0 =	simm.s32 @!p1 $0x0  }
0x75: {  	s15 =	sld [smem:$0x7FC];
	s0 =	simm.s32 @p1 $0x1;
	p1 =	sne.s32 @!p2 s11, $0x0  }
0x76: {  	[smem:$0x7F5] =	sst s0;
	s0 =	simm.s32 @!p1 $0x0  }
0x77: {  	p2 =	sne.s32 @!p6 s2, $0x0;
	s0 =	simm.s32 @p1 $0x1;
	p1 =	por p6, p6  }
0x78: {  	p6 =	seq.s32 s15, $0x1;
	[smem:$0x7F8] =	sst s0;
	s0 =	simm.s32 @!p2 $0x0  }
0x79: {  	s17 =	sld [smem:$0x7EA];
	s0 =	simm.s32 @p2 $0x1;
	p2 =	sne.s32 @!p6 s14, $0x0  }
0x7a: {  	[smem:$0x7FB] =	sst s0;
	s0 =	simm.s32 @!p2 $0x0  }
0x7b: {  	s19 =	sld [smem:$0x7ED];
	s0 =	simm.s32 @p2 $0x1  }
0x7c: {  	p2 =	seq.s32 s16, $0x1;
	[smem:$0x7FD] =	sst s0  }
0x7d: {  	p6 =	por p2, p5;
	s0 =	simm.s32 @!p3 $0x0;
	p2 =	seq.s32 s17, $0x1  }
0x7e: {  	s21 =	sld [smem:$0x7F0];
	s0 =	simm.s32 @p3 $0x1;
	p3 =	por p2, p3  }
0x7f: {  	[smem:$0x7E9] =	sst s0;
	s0 =	simm.s32 @!p3 $0x0  }
0x80: {  	p2 =	seq.s32 s19, $0x1;
	s0 =	simm.s32 @p3 $0x1;
	p3 =	seq.s32 s18, $0x1  }
0x81: {  	s22 =	sld [smem:$0x7F2];
	p3 =	por p2, p3  }
0x82: {  	[smem:$0x7EB] =	sst s0;
	s0 =	simm.s32 @!p3 $0x0  }
0x83: {  	p2 =	seq.s32 s21, $0x1;
	s0 =	simm.s32 @p3 $0x1;
	p3 =	seq.s32 s20, $0x1  }
0x84: {  	s29 =	sld [smem:$0x7FC];
	p3 =	por p2, p3  }
0x85: {  	[smem:$0x7EE] =	sst s0;
	s0 =	simm.s32 @!p3 $0x0  }
0x86: {  	s24 =	sld [smem:$0x7F5];
	s0 =	simm.s32 @p3 $0x1;
	p3 =	seq.s32 s22, $0x1  }
0x87: {  	s5 =	simm.s32 $0x3;
	s26 =	sld [smem:$0x7F8];
	p3 =	por p3, p0  }
0x88: {  	s4 =	smax.u32 s30, $0x1;
	[smem:$0x7F1] =	sst s0;
	s0 =	simm.s32 @!p3 $0x0  }
0x89: {  	p2 =	seq.s32 s23, $0x1;
	s0 =	simm.s32 @p3 $0x1;
	p3 =	seq.s32 s24, $0x1  }
0x8a: {  	p4 =	slt.u32 s31, $0x15;
	s28 =	sld [smem:$0x7FB];
	p3 =	por p3, p2  }
0x8b: {  	s31 =	stileid.u32;
	[smem:$0x7F3] =	sst s0;
	s0 =	simm.s32 @!p3 $0x0  }
0x8c: {  	p2 =	seq.s32 s25, $0x1;
	s0 =	simm.s32 @p3 $0x1;
	p3 =	seq.s32 s26, $0x1  }
0x8d: {  	s12 =	simm.s32 $0x2;
	s30 =	sld [smem:$0x7FD];
	p3 =	por p3, p2  }
0x8e: {  	s11 =	simm.s32 $0x1;
	[smem:$0x7F6] =	sst s0;
	s0 =	simm.s32 @!p3 $0x0  }
0x8f: {  	p2 =	por p1, p1;
	s0 =	simm.s32 @p3 $0x1;
	p3 =	seq.s32 s28, $0x1  }
0x90: {  	v2 =	vlaneseq.u32;
	[smem:$0x7F9] =	sst s0;
	s0 =	simm.s32 @!p1 $0x0;
	p2 =	por p3, p2  }
0x91: {  	vm0 =	vmmov $0xffff;
	v1 =	vshrl.u32 v2, $0x3;
	p3 =	seq.s32 s30, $0x1;
	s0 =	simm.s32 @p1 $0x1;
	p1 =	seq.s32 s29, $0x1  }
0x92: {  	v0 =	vand.u32 $0x7, v2;
	v2 =	vor.u32 $0x8, v2;
	v1 =	vmul.u32 $0x8, v1;
	p0 =	slt.u32 s31, $0xB;
	[smem:$0x7FA] =	sst s0;
	p3 =	por p3, p1  }
.LBB2_1:
0x93: {  	s13 =	sld [smem:$0x7D9];
	_ =	sdelay $0x1  }
0x94: {  	[smem:$0x7C5] =	sst s4  }
0x95: {  	[tilespmem:s3], [sflag:$0x3] =	stream.linear.gather [hbm4b:s13+s3], $0x80, $0x38;
	[tilespmem:$0x10100] =	vst v63  }
0x96: {  	_ =	swait.ge [sflag:s5], $0x80  }
0x97: {  	[sflag:s5] =	ssyncset.done $0x0  }
0x98: {  	[sflag:s5] =	ssyncadd.s32 $0xFFFFFF80  }
0x99: {  	v3 =	vld [tilespmem:$0x0];
	_ =	sdelay $0x4  }
0x9a: {  	v4 =	vshll.u32 v3, $0x1  }
0x9b: {  	v3 =	vand.u32 $0x7, v3;
	v4 =	vand.u32 $0xFFFFFFF0, v4  }
0x9c: {  	v3 =	vor.u32 v3, v4  }
0x9d: {  	v4 =	vperm.xlane v3, v0;
	_ =	sdelay $0x1  }
0x9e: {  	v3 =	vperm.xlane v3, v2;
	v4 =	vadd.s32 v1, v4;
	_ =	sdelay $0x1  }
0x9f: {  	v3 =	vadd.s32 v1, v3;
	_ =	sdelay $0x1  }
0xa0: {  	s0 =	simm.s32 $0x100  }
0xa1: {  	[tilespmem:s0], [sflag:$0x1] =	stream.indirect_vreg.gather [hbm4b:s1+s3], $0x80, v4, vm0, $0xb8;
	[tilespmem:$0x10100] =	vst v63  }
0xa2: {  	s29 =	simm.s32 $0x900  }
0xa3: {  	[tilespmem:s29], [sflag:$0x1] =	stream.indirect_vreg.gather [hbm4b:s1+s3], $0x80, v3, vm0, $0xb8;
	[tilespmem:$0x10100] =	vst v63  }
0xa4: {  	v3 =	vld [tilespmem:$0x10];
	_ =	sdelay $0x4  }
0xa5: {  	v25 =	vshll.u32 v3, $0x1  }
0xa6: {  	v3 =	vand.u32 $0x7, v3;
	v4 =	vand.u32 $0xFFFFFFF0, v25  }
0xa7: {  	v3 =	vor.u32 v3, v4  }
0xa8: {  	v4 =	vperm.xlane v3, v0;
	_ =	sdelay $0x1  }
0xa9: {  	v3 =	vperm.xlane v3, v2;
	v4 =	vadd.s32 v1, v4;
	_ =	sdelay $0x1  }
0xaa: {  	v3 =	vadd.s32 v1, v3;
	_ =	sdelay $0x1  }
0xab: {  	s30 =	simm.s32 $0x1100  }
0xac: {  	[tilespmem:s30], [sflag:$0x1] =	stream.indirect_vreg.gather [hbm4b:s1+s3], $0x80, v4, vm0, $0xb8;
	[tilespmem:$0x10100] =	vst v63  }
0xad: {  	s31 =	simm.s32 $0x1900  }
0xae: {  	[tilespmem:s31], [sflag:$0x1] =	stream.indirect_vreg.gather [hbm4b:s1+s3], $0x80, v3, vm0, $0xb8;
	[tilespmem:$0x10100] =	vst v63  }
0xaf: {  	v3 =	vld [tilespmem:$0x20];
	_ =	sdelay $0x4  }
0xb0: {  	v26 =	vshll.u32 v3, $0x1  }
0xb1: {  	v3 =	vand.u32 $0x7, v3;
	v4 =	vand.u32 $0xFFFFFFF0, v26  }
0xb2: {  	v3 =	vor.u32 v3, v4  }
0xb3: {  	v4 =	vperm.xlane v3, v0;
	_ =	sdelay $0x1  }
0xb4: {  	v3 =	vperm.xlane v3, v2;
	v4 =	vadd.s32 v1, v4;
	_ =	sdelay $0x1  }
0xb5: {  	v3 =	vadd.s32 v1, v3;
	_ =	sdelay $0x1  }
0xb6: {  	s2 =	simm.s32 $0x2100  }
0xb7: {  	[tilespmem:s2], [sflag:$0x1] =	stream.indirect_vreg.gather [hbm4b:s1+s3], $0x80, v4, vm0, $0xb8;
	[tilespmem:$0x10100] =	vst v63  }
0xb8: {  	s6 =	simm.s32 $0x2900  }
0xb9: {  	[tilespmem:s6], [sflag:$0x1] =	stream.indirect_vreg.gather [hbm4b:s1+s3], $0x80, v3, vm0, $0xb8;
	[tilespmem:$0x10100] =	vst v63  }
0xba: {  	v3 =	vld [tilespmem:$0x30];
	_ =	sdelay $0x4  }
0xbb: {  	v27 =	vshll.u32 v3, $0x1  }
0xbc: {  	v3 =	vand.u32 $0x7, v3;
	v4 =	vand.u32 $0xFFFFFFF0, v27  }
0xbd: {  	v3 =	vor.u32 v3, v4  }
0xbe: {  	v4 =	vperm.xlane v3, v0;
	_ =	sdelay $0x1  }
0xbf: {  	v3 =	vperm.xlane v3, v2;
	v4 =	vadd.s32 v1, v4;
	_ =	sdelay $0x1  }
0xc0: {  	v3 =	vadd.s32 v1, v3;
	_ =	sdelay $0x1  }
0xc1: {  	s8 =	simm.s32 $0x3100  }
0xc2: {  	[tilespmem:s8], [sflag:$0x1] =	stream.indirect_vreg.gather [hbm4b:s1+s3], $0x80, v4, vm0, $0xb8;
	[tilespmem:$0x10100] =	vst v63  }
0xc3: {  	s13 =	simm.s32 $0x3900  }
0xc4: {  	[tilespmem:s13], [sflag:$0x1] =	stream.indirect_vreg.gather [hbm4b:s1+s3], $0x80, v3, vm0, $0xb8;
	[tilespmem:$0x10100] =	vst v63  }
0xc5: {  	v3 =	vld [tilespmem:$0x40];
	_ =	sdelay $0x4  }
0xc6: {  	v28 =	vshll.u32 v3, $0x1  }
0xc7: {  	v3 =	vand.u32 $0x7, v3;
	v4 =	vand.u32 $0xFFFFFFF0, v28  }
0xc8: {  	v3 =	vor.u32 v3, v4  }
0xc9: {  	v4 =	vperm.xlane v3, v0;
	_ =	sdelay $0x1  }
0xca: {  	v3 =	vperm.xlane v3, v2;
	v4 =	vadd.s32 v1, v4;
	_ =	sdelay $0x1  }
0xcb: {  	v3 =	vadd.s32 v1, v3;
	_ =	sdelay $0x1  }
0xcc: {  	s14 =	simm.s32 $0x4100  }
0xcd: {  	[tilespmem:s14], [sflag:$0x1] =	stream.indirect_vreg.gather [hbm4b:s1+s3], $0x80, v4, vm0, $0xb8;
	[tilespmem:$0x10100] =	vst v63  }
0xce: {  	s15 =	simm.s32 $0x4900  }
0xcf: {  	[tilespmem:s15], [sflag:$0x1] =	stream.indirect_vreg.gather [hbm4b:s1+s3], $0x80, v3, vm0, $0xb8;
	[tilespmem:$0x10100] =	vst v63  }
0xd0: {  	v3 =	vld [tilespmem:$0x50];
	_ =	sdelay $0x4  }
0xd1: {  	v29 =	vshll.u32 v3, $0x1  }
0xd2: {  	v3 =	vand.u32 $0x7, v3;
	v4 =	vand.u32 $0xFFFFFFF0, v29  }
0xd3: {  	v3 =	vor.u32 v3, v4  }
0xd4: {  	v4 =	vperm.xlane v3, v0;
	_ =	sdelay $0x1  }
0xd5: {  	v3 =	vperm.xlane v3, v2;
	v4 =	vadd.s32 v1, v4;
	_ =	sdelay $0x1  }
0xd6: {  	v3 =	vadd.s32 v1, v3;
	_ =	sdelay $0x1  }
0xd7: {  	s16 =	simm.s32 $0x5100  }
0xd8: {  	[tilespmem:s16], [sflag:$0x1] =	stream.indirect_vreg.gather [hbm4b:s1+s3], $0x80, v4, vm0, $0xb8;
	[tilespmem:$0x10100] =	vst v63  }
0xd9: {  	s17 =	simm.s32 $0x5900  }
0xda: {  	[tilespmem:s17], [sflag:$0x1] =	stream.indirect_vreg.gather [hbm4b:s1+s3], $0x80, v3, vm0, $0xb8;
	[tilespmem:$0x10100] =	vst v63  }
0xdb: {  	v3 =	vld [tilespmem:$0x60];
	_ =	sdelay $0x4  }
0xdc: {  	v30 =	vshll.u32 v3, $0x1  }
0xdd: {  	v3 =	vand.u32 $0x7, v3;
	v4 =	vand.u32 $0xFFFFFFF0, v30  }
0xde: {  	v3 =	vor.u32 v3, v4  }
0xdf: {  	v4 =	vperm.xlane v3, v0;
	_ =	sdelay $0x1  }
0xe0: {  	v3 =	vperm.xlane v3, v2;
	v4 =	vadd.s32 v1, v4;
	_ =	sdelay $0x1  }
0xe1: {  	v3 =	vadd.s32 v1, v3;
	_ =	sdelay $0x1  }
0xe2: {  	s18 =	simm.s32 $0x6100  }
0xe3: {  	[tilespmem:s18], [sflag:$0x1] =	stream.indirect_vreg.gather [hbm4b:s1+s3], $0x80, v4, vm0, $0xb8;
	[tilespmem:$0x10100] =	vst v63  }
0xe4: {  	s19 =	simm.s32 $0x6900  }
0xe5: {  	[tilespmem:s19], [sflag:$0x1] =	stream.indirect_vreg.gather [hbm4b:s1+s3], $0x80, v3, vm0, $0xb8;
	[tilespmem:$0x10100] =	vst v63  }
0xe6: {  	v3 =	vld [tilespmem:$0x70];
	_ =	sdelay $0x4  }
0xe7: {  	v31 =	vshll.u32 v3, $0x1  }
0xe8: {  	v3 =	vand.u32 $0x7, v3;
	v4 =	vand.u32 $0xFFFFFFF0, v31  }
0xe9: {  	v3 =	vor.u32 v3, v4  }
0xea: {  	v4 =	vperm.xlane v3, v0;
	_ =	sdelay $0x1  }
0xeb: {  	v3 =	vperm.xlane v3, v2;
	v4 =	vadd.s32 v1, v4;
	_ =	sdelay $0x1  }
0xec: {  	v3 =	vadd.s32 v1, v3  }
0xed: {  	s22 =	sld [smem:$0x7E4]  }
0xee: {  	s20 =	simm.s32 $0x7100  }
0xef: {  	[tilespmem:s20], [sflag:$0x1] =	stream.indirect_vreg.gather [hbm4b:s1+s3], $0x80, v4, vm0, $0xb8;
	[tilespmem:$0x10100] =	vst v63  }
0xf0: {  	s21 =	simm.s32 $0x7900;
	p1 =	seq.s32 s22, $0x1  }
0xf1: {  	[tilespmem:s21], [sflag:$0x1] =	stream.indirect_vreg.gather [hbm4b:s1+s3], $0x80, v3, vm0, $0xb8;
	[tilespmem:$0x10100] =	vst v63  }
0xf2: {  	s13 =	rddreg [dreg:$0x6];
	s14 =	simm.s32 @!p1 $0x0;
	s15 =	simm.s32 @!p1 $0x80  }
0xf3: {  	[tilespmem:s15], [sflag:$0x3] =	stream.linear.gather @!p1 [hbm4b:s13+s14], $0x80, $0x38;
	[tilespmem:$0x10100] =	vst v63  }
0xf4: {  	s13 =	simm.s32 @!p1 $0x3  }
0xf5: {  	_ =	swait.ge @!p1 [sflag:s13], $0x80  }
0xf6: {  	s23 =	sld [smem:$0x7E5];
	_ =	sdelay $0x1  }
0xf7: {  	[sflag:s13] =	ssyncset.done @!p1 $0x0  }
0xf8: {  	[sflag:s13] =	ssyncadd.s32 @!p1 $0xFFFFFF80;
	p1 =	seq.s32 s23, $0x1  }
0xf9: {  	s14 =	rddreg [dreg:$0x7];
	s13 =	simm.s32 @!p1 $0x0;
	s15 =	simm.s32 @!p1 $0x80  }
0xfa: {  	[tilespmem:s15], [sflag:$0x3] =	stream.linear.gather @!p1 [hbm4b:s14+s13], $0x80, $0x38;
	[tilespmem:$0x10100] =	vst v63  }
0xfb: {  	s13 =	simm.s32 @!p1 $0x3  }
0xfc: {  	_ =	swait.ge @!p1 [sflag:s13], $0x80  }
0xfd: {  	s19 =	simm.s32 @!p0 $0x80;
	s14 =	simm.s32 @!p0 $0x0;
	[sflag:s13] =	ssyncset.done @!p1 $0x0  }
0xfe: {  	s15 =	rddreg [dreg:$0x8];
	[sflag:s13] =	ssyncadd.s32 @!p1 $0xFFFFFF80;
	s13 =	simm.s32 @!p0 $0x3  }
0xff: {  	[tilespmem:s19], [sflag:$0x3] =	stream.linear.gather @!p0 [hbm4b:s15+s14], $0x80, $0x38;
	[tilespmem:$0x10100] =	vst v63  }
0x100: {  	_ =	swait.ge @!p0 [sflag:s13], $0x80  }
0x101: {  	[sflag:s13] =	ssyncset.done @!p0 $0x0  }
0x102: {  	[sflag:s13] =	ssyncadd.s32 @!p0 $0xFFFFFF80  }
0x103: {  	v3 =	vld [tilespmem:$0x80];
	_ =	sdelay $0x4  }
0x104: {  	v32 =	vshll.u32 v3, $0x1  }
0x105: {  	v3 =	vand.u32 $0x7, v3;
	v4 =	vand.u32 $0xFFFFFFF0, v32  }
0x106: {  	v3 =	vor.u32 v3, v4  }
0x107: {  	v4 =	vperm.xlane v3, v0;
	_ =	sdelay $0x1  }
0x108: {  	v3 =	vperm.xlane v3, v2;
	v4 =	vadd.s32 v1, v4;
	_ =	sdelay $0x1  }
0x109: {  	v3 =	vadd.s32 v1, v3;
	_ =	sdelay $0x1  }
0x10a: {  	s6 =	simm.s32 $0x8100  }
0x10b: {  	[tilespmem:s6], [sflag:$0x2] =	stream.indirect_vreg.gather [hbm4b:s1+s3], $0x80, v4, vm0, $0xb8;
	[tilespmem:$0x10100] =	vst v63  }
0x10c: {  	s16 =	simm.s32 $0x8900  }
0x10d: {  	[tilespmem:s16], [sflag:$0x2] =	stream.indirect_vreg.gather [hbm4b:s1+s3], $0x80, v3, vm0, $0xb8;
	[tilespmem:$0x10100] =	vst v63  }
0x10e: {  	v3 =	vld [tilespmem:$0x90];
	_ =	sdelay $0x4  }
0x10f: {  	v33 =	vshll.u32 v3, $0x1  }
0x110: {  	v3 =	vand.u32 $0x7, v3;
	v4 =	vand.u32 $0xFFFFFFF0, v33  }
0x111: {  	v3 =	vor.u32 v3, v4  }
0x112: {  	v4 =	vperm.xlane v3, v0;
	_ =	sdelay $0x1  }
0x113: {  	v3 =	vperm.xlane v3, v2;
	v4 =	vadd.s32 v1, v4;
	_ =	sdelay $0x1  }
0x114: {  	v3 =	vadd.s32 v1, v3;
	_ =	sdelay $0x1  }
0x115: {  	s17 =	simm.s32 $0x9100  }
0x116: {  	[tilespmem:s17], [sflag:$0x2] =	stream.indirect_vreg.gather [hbm4b:s1+s3], $0x80, v4, vm0, $0xb8;
	[tilespmem:$0x10100] =	vst v63  }
0x117: {  	s18 =	simm.s32 $0x9900  }
0x118: {  	[tilespmem:s18], [sflag:$0x2] =	stream.indirect_vreg.gather [hbm4b:s1+s3], $0x80, v3, vm0, $0xb8;
	[tilespmem:$0x10100] =	vst v63  }
0x119: {  	v3 =	vld [tilespmem:$0xA0];
	_ =	sdelay $0x4  }
0x11a: {  	v34 =	vshll.u32 v3, $0x1  }
0x11b: {  	v3 =	vand.u32 $0x7, v3;
	v4 =	vand.u32 $0xFFFFFFF0, v34  }
0x11c: {  	v3 =	vor.u32 v3, v4  }
0x11d: {  	v4 =	vperm.xlane v3, v0;
	_ =	sdelay $0x1  }
0x11e: {  	v3 =	vperm.xlane v3, v2;
	v4 =	vadd.s32 v1, v4;
	_ =	sdelay $0x1  }
0x11f: {  	v3 =	vadd.s32 v1, v3;
	_ =	sdelay $0x1  }
0x120: {  	s20 =	simm.s32 $0xA100  }
0x121: {  	[tilespmem:s20], [sflag:$0x2] =	stream.indirect_vreg.gather [hbm4b:s1+s3], $0x80, v4, vm0, $0xb8;
	[tilespmem:$0x10100] =	vst v63  }
0x122: {  	s21 =	simm.s32 $0xA900  }
0x123: {  	[tilespmem:s21], [sflag:$0x2] =	stream.indirect_vreg.gather [hbm4b:s1+s3], $0x80, v3, vm0, $0xb8;
	[tilespmem:$0x10100] =	vst v63  }
0x124: {  	v3 =	vld [tilespmem:$0xB0];
	_ =	sdelay $0x4  }
0x125: {  	v35 =	vshll.u32 v3, $0x1  }
0x126: {  	v3 =	vand.u32 $0x7, v3;
	v4 =	vand.u32 $0xFFFFFFF0, v35  }
0x127: {  	v3 =	vor.u32 v3, v4  }
0x128: {  	v4 =	vperm.xlane v3, v0;
	_ =	sdelay $0x1  }
0x129: {  	v3 =	vperm.xlane v3, v2;
	v4 =	vadd.s32 v1, v4;
	_ =	sdelay $0x1  }
0x12a: {  	v3 =	vadd.s32 v1, v3;
	_ =	sdelay $0x1  }
0x12b: {  	s22 =	simm.s32 $0xB100  }
0x12c: {  	[tilespmem:s22], [sflag:$0x2] =	stream.indirect_vreg.gather [hbm4b:s1+s3], $0x80, v4, vm0, $0xb8;
	[tilespmem:$0x10100] =	vst v63  }
0x12d: {  	s23 =	simm.s32 $0xB900  }
0x12e: {  	[tilespmem:s23], [sflag:$0x2] =	stream.indirect_vreg.gather [hbm4b:s1+s3], $0x80, v3, vm0, $0xb8;
	[tilespmem:$0x10100] =	vst v63  }
0x12f: {  	v3 =	vld [tilespmem:$0xC0];
	_ =	sdelay $0x4  }
0x130: {  	v36 =	vshll.u32 v3, $0x1  }
0x131: {  	v3 =	vand.u32 $0x7, v3;
	v4 =	vand.u32 $0xFFFFFFF0, v36  }
0x132: {  	v3 =	vor.u32 v3, v4  }
0x133: {  	v4 =	vperm.xlane v3, v0;
	_ =	sdelay $0x1  }
0x134: {  	v3 =	vperm.xlane v3, v2;
	v4 =	vadd.s32 v1, v4;
	_ =	sdelay $0x1  }
0x135: {  	v3 =	vadd.s32 v1, v3;
	_ =	sdelay $0x1  }
0x136: {  	s6 =	simm.s32 $0xC100  }
0x137: {  	[tilespmem:s6], [sflag:$0x2] =	stream.indirect_vreg.gather [hbm4b:s1+s3], $0x80, v4, vm0, $0xb8;
	[tilespmem:$0x10100] =	vst v63  }
0x138: {  	s16 =	simm.s32 $0xC900  }
0x139: {  	[tilespmem:s16], [sflag:$0x2] =	stream.indirect_vreg.gather [hbm4b:s1+s3], $0x80, v3, vm0, $0xb8;
	[tilespmem:$0x10100] =	vst v63  }
0x13a: {  	v3 =	vld [tilespmem:$0xD0];
	_ =	sdelay $0x4  }
0x13b: {  	v37 =	vshll.u32 v3, $0x1  }
0x13c: {  	v3 =	vand.u32 $0x7, v3;
	v4 =	vand.u32 $0xFFFFFFF0, v37  }
0x13d: {  	v3 =	vor.u32 v3, v4  }
0x13e: {  	v4 =	vperm.xlane v3, v0;
	_ =	sdelay $0x1  }
0x13f: {  	v3 =	vperm.xlane v3, v2;
	v4 =	vadd.s32 v1, v4;
	_ =	sdelay $0x1  }
0x140: {  	v3 =	vadd.s32 v1, v3;
	_ =	sdelay $0x1  }
0x141: {  	s17 =	simm.s32 $0xD100  }
0x142: {  	[tilespmem:s17], [sflag:$0x2] =	stream.indirect_vreg.gather [hbm4b:s1+s3], $0x80, v4, vm0, $0xb8;
	[tilespmem:$0x10100] =	vst v63  }
0x143: {  	s18 =	simm.s32 $0xD900  }
0x144: {  	[tilespmem:s18], [sflag:$0x2] =	stream.indirect_vreg.gather [hbm4b:s1+s3], $0x80, v3, vm0, $0xb8;
	[tilespmem:$0x10100] =	vst v63  }
0x145: {  	v3 =	vld [tilespmem:$0xE0];
	_ =	sdelay $0x4  }
0x146: {  	v38 =	vshll.u32 v3, $0x1  }
0x147: {  	v3 =	vand.u32 $0x7, v3;
	v4 =	vand.u32 $0xFFFFFFF0, v38  }
0x148: {  	v3 =	vor.u32 v3, v4  }
0x149: {  	v4 =	vperm.xlane v3, v0;
	_ =	sdelay $0x1  }
0x14a: {  	v3 =	vperm.xlane v3, v2;
	v4 =	vadd.s32 v1, v4;
	_ =	sdelay $0x1  }
0x14b: {  	v3 =	vadd.s32 v1, v3;
	_ =	sdelay $0x1  }
0x14c: {  	s20 =	simm.s32 $0xE100  }
0x14d: {  	[tilespmem:s20], [sflag:$0x2] =	stream.indirect_vreg.gather [hbm4b:s1+s3], $0x80, v4, vm0, $0xb8;
	[tilespmem:$0x10100] =	vst v63  }
0x14e: {  	s21 =	simm.s32 $0xE900  }
0x14f: {  	[tilespmem:s21], [sflag:$0x2] =	stream.indirect_vreg.gather [hbm4b:s1+s3], $0x80, v3, vm0, $0xb8;
	[tilespmem:$0x10100] =	vst v63  }
0x150: {  	v3 =	vld [tilespmem:$0xF0];
	_ =	sdelay $0x4  }
0x151: {  	v39 =	vshll.u32 v3, $0x1  }
0x152: {  	v3 =	vand.u32 $0x7, v3;
	v4 =	vand.u32 $0xFFFFFFF0, v39  }
0x153: {  	v3 =	vor.u32 v3, v4  }
0x154: {  	v4 =	vperm.xlane v3, v0;
	_ =	sdelay $0x1  }
0x155: {  	v3 =	vperm.xlane v3, v2;
	v4 =	vadd.s32 v1, v4;
	_ =	sdelay $0x1  }
0x156: {  	v3 =	vadd.s32 v1, v3;
	_ =	sdelay $0x1  }
0x157: {  	s22 =	simm.s32 $0xF100  }
0x158: {  	[tilespmem:s22], [sflag:$0x2] =	stream.indirect_vreg.gather [hbm4b:s1+s3], $0x80, v4, vm0, $0xb8;
	[tilespmem:$0x10100] =	vst v63  }
0x159: {  	s23 =	simm.s32 $0xF900  }
0x15a: {  	[tilespmem:s23], [sflag:$0x2] =	stream.indirect_vreg.gather [hbm4b:s1+s3], $0x80, v3, vm0, $0xb8;
	[tilespmem:$0x10100] =	vst v63  }
0x15b: {  	_ =	swait.ge [sflag:s11], $0x8000  }
0x15c: {  	s16 =	simm.s32 @p5 $0x0;
	[sflag:s11] =	ssyncset.done $0x0  }
0x15d: {  	s20 =	simm.s32 @p5 $0x100;
	s15 =	rddreg [dreg:$0xa];
	[sflag:s11] =	ssyncadd.s32 $0xFFFF8000  }
0x15e: {  	[hbm4b:s15+s16] =	stream.linear.scatter @p5 [tilespmem:s20], [sflag:$0x3], $0x8000, $0x38;
	[tilespmem:$0x10100] =	vst v63  }
0x15f: {  	s15 =	simm.s32 @p5 $0x3  }
0x160: {  	_ =	swait.ge @p5 [sflag:s15], $0x8000  }
0x161: {  	s18 =	simm.s32 @!p6 $0x0;
	[sflag:s15] =	ssyncset.done @p5 $0x0  }
0x162: {  	s21 =	simm.s32 @!p6 $0x100;
	s17 =	rddreg [dreg:$0x9];
	[sflag:s15] =	ssyncadd.s32 @p5 $0xFFFF8000  }
0x163: {  	[hbm4b:s17+s18] =	stream.linear.scatter @!p6 [tilespmem:s21], [sflag:$0x3], $0x8000, $0x38;
	[tilespmem:$0x10100] =	vst v63  }
0x164: {  	s17 =	simm.s32 @!p6 $0x3  }
0x165: {  	_ =	swait.ge @!p6 [sflag:s17], $0x8000  }
0x166: {  	[sflag:s17] =	ssyncset.done @!p6 $0x0  }
0x167: {  	s22 =	simm.s32 @!p0 $0x100;
	s23 =	rddreg [dreg:$0xb];
	[sflag:s17] =	ssyncadd.s32 @!p6 $0xFFFF8000  }
0x168: {  	[hbm4b:s23+s14] =	stream.linear.scatter @!p0 [tilespmem:s22], [sflag:$0x3], $0x8000, $0x38;
	[tilespmem:$0x10100] =	vst v63  }
0x169: {  	_ =	swait.ge @!p0 [sflag:s13], $0x8000  }
0x16a: {  	[sflag:s13] =	ssyncset.done @!p0 $0x0  }
0x16b: {  	s23 =	rddreg [dreg:$0xd];
	[sflag:s13] =	ssyncadd.s32 @!p0 $0xFFFF8000  }
0x16c: {  	[tilespmem:s16], [sflag:$0x3] =	stream.linear.gather @p5 [hbm4b:s23+s16], $0x80, $0x38;
	[tilespmem:$0x10100] =	vst v63  }
0x16d: {  	_ =	swait.ge @p5 [sflag:s15], $0x80  }
0x16e: {  	[sflag:s15] =	ssyncset.done @p5 $0x0  }
0x16f: {  	s23 =	rddreg [dreg:$0xc];
	[sflag:s15] =	ssyncadd.s32 @p5 $0xFFFFFF80  }
0x170: {  	[tilespmem:s18], [sflag:$0x3] =	stream.linear.gather @!p6 [hbm4b:s23+s18], $0x80, $0x38;
	[tilespmem:$0x10100] =	vst v63  }
0x171: {  	_ =	swait.ge @!p6 [sflag:s17], $0x80  }
0x172: {  	[sflag:s17] =	ssyncset.done @!p6 $0x0  }
0x173: {  	s23 =	rddreg [dreg:$0xe];
	[sflag:s17] =	ssyncadd.s32 @!p6 $0xFFFFFF80  }
0x174: {  	[tilespmem:s14], [sflag:$0x3] =	stream.linear.gather @!p0 [hbm4b:s23+s14], $0x80, $0x38;
	[tilespmem:$0x10100] =	vst v63  }
0x175: {  	_ =	swait.ge @!p0 [sflag:s13], $0x80  }
0x176: {  	[sflag:s13] =	ssyncset.done @!p0 $0x0  }
0x177: {  	[sflag:s13] =	ssyncadd.s32 @!p0 $0xFFFFFF80  }
0x178: {  	v3 =	vld [tilespmem:$0x0];
	_ =	sdelay $0x4  }
0x179: {  	v40 =	vshll.u32 v3, $0x1  }
0x17a: {  	v3 =	vand.u32 $0x7, v3;
	v4 =	vand.u32 $0xFFFFFFF0, v40  }
0x17b: {  	v3 =	vor.u32 v3, v4  }
0x17c: {  	v4 =	vperm.xlane v3, v0;
	_ =	sdelay $0x1  }
0x17d: {  	v3 =	vperm.xlane v3, v2;
	v4 =	vadd.s32 v1, v4;
	_ =	sdelay $0x1  }
0x17e: {  	v3 =	vadd.s32 v1, v3;
	_ =	sdelay $0x1  }
0x17f: {  	s7 =	simm.s32 $0x100  }
0x180: {  	[tilespmem:s7], [sflag:$0x1] =	stream.indirect_vreg.gather [hbm4b:s1+s3], $0x80, v4, vm0, $0xb8;
	[tilespmem:$0x10100] =	vst v63  }
0x181: {  	s4 =	simm.s32 $0x900  }
0x182: {  	[tilespmem:s4], [sflag:$0x1] =	stream.indirect_vreg.gather [hbm4b:s1+s3], $0x80, v3, vm0, $0xb8;
	[tilespmem:$0x10100] =	vst v63  }
0x183: {  	v3 =	vld [tilespmem:$0x10];
	_ =	sdelay $0x4  }
0x184: {  	v41 =	vshll.u32 v3, $0x1  }
0x185: {  	v3 =	vand.u32 $0x7, v3;
	v4 =	vand.u32 $0xFFFFFFF0, v41  }
0x186: {  	v3 =	vor.u32 v3, v4  }
0x187: {  	v4 =	vperm.xlane v3, v0;
	_ =	sdelay $0x1  }
0x188: {  	v3 =	vperm.xlane v3, v2;
	v4 =	vadd.s32 v1, v4;
	_ =	sdelay $0x1  }
0x189: {  	v3 =	vadd.s32 v1, v3;
	_ =	sdelay $0x1  }
0x18a: {  	s6 =	simm.s32 $0x1100  }
0x18b: {  	[tilespmem:s6], [sflag:$0x1] =	stream.indirect_vreg.gather [hbm4b:s1+s3], $0x80, v4, vm0, $0xb8;
	[tilespmem:$0x10100] =	vst v63  }
0x18c: {  	s9 =	simm.s32 $0x1900  }
0x18d: {  	[tilespmem:s9], [sflag:$0x1] =	stream.indirect_vreg.gather [hbm4b:s1+s3], $0x80, v3, vm0, $0xb8;
	[tilespmem:$0x10100] =	vst v63  }
0x18e: {  	v3 =	vld [tilespmem:$0x20];
	_ =	sdelay $0x4  }
0x18f: {  	v42 =	vshll.u32 v3, $0x1  }
0x190: {  	v3 =	vand.u32 $0x7, v3;
	v4 =	vand.u32 $0xFFFFFFF0, v42  }
0x191: {  	v3 =	vor.u32 v3, v4  }
0x192: {  	v4 =	vperm.xlane v3, v0;
	_ =	sdelay $0x1  }
0x193: {  	v3 =	vperm.xlane v3, v2;
	v4 =	vadd.s32 v1, v4;
	_ =	sdelay $0x1  }
0x194: {  	v3 =	vadd.s32 v1, v3;
	_ =	sdelay $0x1  }
0x195: {  	s31 =	simm.s32 $0x2100  }
0x196: {  	[tilespmem:s31], [sflag:$0x1] =	stream.indirect_vreg.gather [hbm4b:s1+s3], $0x80, v4, vm0, $0xb8;
	[tilespmem:$0x10100] =	vst v63  }
0x197: {  	s10 =	simm.s32 $0x2900  }
0x198: {  	[tilespmem:s10], [sflag:$0x1] =	stream.indirect_vreg.gather [hbm4b:s1+s3], $0x80, v3, vm0, $0xb8;
	[tilespmem:$0x10100] =	vst v63  }
0x199: {  	v3 =	vld [tilespmem:$0x30];
	_ =	sdelay $0x4  }
0x19a: {  	v43 =	vshll.u32 v3, $0x1  }
0x19b: {  	v3 =	vand.u32 $0x7, v3;
	v4 =	vand.u32 $0xFFFFFFF0, v43  }
0x19c: {  	v3 =	vor.u32 v3, v4  }
0x19d: {  	v4 =	vperm.xlane v3, v0;
	_ =	sdelay $0x1  }
0x19e: {  	v3 =	vperm.xlane v3, v2;
	v4 =	vadd.s32 v1, v4;
	_ =	sdelay $0x1  }
0x19f: {  	v3 =	vadd.s32 v1, v3;
	_ =	sdelay $0x1  }
0x1a0: {  	s29 =	simm.s32 $0x3100  }
0x1a1: {  	[tilespmem:s29], [sflag:$0x1] =	stream.indirect_vreg.gather [hbm4b:s1+s3], $0x80, v4, vm0, $0xb8;
	[tilespmem:$0x10100] =	vst v63  }
0x1a2: {  	s24 =	simm.s32 $0x3900  }
0x1a3: {  	[tilespmem:s24], [sflag:$0x1] =	stream.indirect_vreg.gather [hbm4b:s1+s3], $0x80, v3, vm0, $0xb8;
	[tilespmem:$0x10100] =	vst v63  }
0x1a4: {  	v3 =	vld [tilespmem:$0x40];
	_ =	sdelay $0x4  }
0x1a5: {  	v44 =	vshll.u32 v3, $0x1  }
0x1a6: {  	v3 =	vand.u32 $0x7, v3;
	v4 =	vand.u32 $0xFFFFFFF0, v44  }
0x1a7: {  	v3 =	vor.u32 v3, v4  }
0x1a8: {  	v4 =	vperm.xlane v3, v0;
	_ =	sdelay $0x1  }
0x1a9: {  	v3 =	vperm.xlane v3, v2;
	v4 =	vadd.s32 v1, v4;
	_ =	sdelay $0x1  }
0x1aa: {  	v3 =	vadd.s32 v1, v3;
	_ =	sdelay $0x1  }
0x1ab: {  	s2 =	simm.s32 $0x4100  }
0x1ac: {  	[tilespmem:s2], [sflag:$0x1] =	stream.indirect_vreg.gather [hbm4b:s1+s3], $0x80, v4, vm0, $0xb8;
	[tilespmem:$0x10100] =	vst v63  }
0x1ad: {  	s25 =	simm.s32 $0x4900  }
0x1ae: {  	[tilespmem:s25], [sflag:$0x1] =	stream.indirect_vreg.gather [hbm4b:s1+s3], $0x80, v3, vm0, $0xb8;
	[tilespmem:$0x10100] =	vst v63  }
0x1af: {  	v3 =	vld [tilespmem:$0x50];
	_ =	sdelay $0x4  }
0x1b0: {  	v45 =	vshll.u32 v3, $0x1  }
0x1b1: {  	v3 =	vand.u32 $0x7, v3;
	v4 =	vand.u32 $0xFFFFFFF0, v45  }
0x1b2: {  	v3 =	vor.u32 v3, v4  }
0x1b3: {  	v4 =	vperm.xlane v3, v0;
	_ =	sdelay $0x1  }
0x1b4: {  	v3 =	vperm.xlane v3, v2;
	v4 =	vadd.s32 v1, v4;
	_ =	sdelay $0x1  }
0x1b5: {  	v3 =	vadd.s32 v1, v3;
	_ =	sdelay $0x1  }
0x1b6: {  	s25 =	simm.s32 $0x5100  }
0x1b7: {  	[tilespmem:s25], [sflag:$0x1] =	stream.indirect_vreg.gather [hbm4b:s1+s3], $0x80, v4, vm0, $0xb8;
	[tilespmem:$0x10100] =	vst v63  }
0x1b8: {  	s28 =	simm.s32 $0x5900  }
0x1b9: {  	[tilespmem:s28], [sflag:$0x1] =	stream.indirect_vreg.gather [hbm4b:s1+s3], $0x80, v3, vm0, $0xb8;
	[tilespmem:$0x10100] =	vst v63  }
0x1ba: {  	v3 =	vld [tilespmem:$0x60];
	_ =	sdelay $0x4  }
0x1bb: {  	v46 =	vshll.u32 v3, $0x1  }
0x1bc: {  	v3 =	vand.u32 $0x7, v3;
	v4 =	vand.u32 $0xFFFFFFF0, v46  }
0x1bd: {  	v3 =	vor.u32 v3, v4  }
0x1be: {  	v4 =	vperm.xlane v3, v0;
	_ =	sdelay $0x1  }
0x1bf: {  	v3 =	vperm.xlane v3, v2;
	v4 =	vadd.s32 v1, v4;
	_ =	sdelay $0x1  }
0x1c0: {  	v3 =	vadd.s32 v1, v3;
	_ =	sdelay $0x1  }
0x1c1: {  	s28 =	simm.s32 $0x6100  }
0x1c2: {  	[tilespmem:s28], [sflag:$0x1] =	stream.indirect_vreg.gather [hbm4b:s1+s3], $0x80, v4, vm0, $0xb8;
	[tilespmem:$0x10100] =	vst v63  }
0x1c3: {  	s8 =	simm.s32 $0x6900  }
0x1c4: {  	[tilespmem:s8], [sflag:$0x1] =	stream.indirect_vreg.gather [hbm4b:s1+s3], $0x80, v3, vm0, $0xb8;
	[tilespmem:$0x10100] =	vst v63  }
0x1c5: {  	v3 =	vld [tilespmem:$0x70];
	_ =	sdelay $0x4  }
0x1c6: {  	v47 =	vshll.u32 v3, $0x1  }
0x1c7: {  	v3 =	vand.u32 $0x7, v3;
	v4 =	vand.u32 $0xFFFFFFF0, v47  }
0x1c8: {  	v3 =	vor.u32 v3, v4  }
0x1c9: {  	v4 =	vperm.xlane v3, v0;
	_ =	sdelay $0x1  }
0x1ca: {  	v3 =	vperm.xlane v3, v2;
	v4 =	vadd.s32 v1, v4;
	_ =	sdelay $0x1  }
0x1cb: {  	v3 =	vadd.s32 v1, v3;
	_ =	sdelay $0x1  }
0x1cc: {  	s30 =	simm.s32 $0x7100  }
0x1cd: {  	[tilespmem:s30], [sflag:$0x1] =	stream.indirect_vreg.gather [hbm4b:s1+s3], $0x80, v4, vm0, $0xb8;
	[tilespmem:$0x10100] =	vst v63  }
0x1ce: {  	s26 =	simm.s32 $0x7900  }
0x1cf: {  	[tilespmem:s26], [sflag:$0x1] =	stream.indirect_vreg.gather [hbm4b:s1+s3], $0x80, v3, vm0, $0xb8;
	[tilespmem:$0x10100] =	vst v63  }
0x1d0: {  	_ =	swait.ge [sflag:s12], $0x8000  }
0x1d1: {  	[sflag:s12] =	ssyncset.done $0x0  }
0x1d2: {  	s23 =	simm.s32 @p5 $0x8100;
	s24 =	rddreg [dreg:$0x10];
	[sflag:s12] =	ssyncadd.s32 $0xFFFF8000  }
0x1d3: {  	[hbm4b:s24+s16] =	stream.linear.scatter @p5 [tilespmem:s23], [sflag:$0x3], $0x8000, $0x38;
	[tilespmem:$0x10100] =	vst v63  }
0x1d4: {  	_ =	swait.ge @p5 [sflag:s15], $0x8000  }
0x1d5: {  	[sflag:s15] =	ssyncset.done @p5 $0x0  }
0x1d6: {  	s24 =	simm.s32 @!p6 $0x8100;
	s25 =	rddreg [dreg:$0xf];
	[sflag:s15] =	ssyncadd.s32 @p5 $0xFFFF8000  }
0x1d7: {  	[hbm4b:s25+s18] =	stream.linear.scatter @!p6 [tilespmem:s24], [sflag:$0x3], $0x8000, $0x38;
	[tilespmem:$0x10100] =	vst v63  }
0x1d8: {  	_ =	swait.ge @!p6 [sflag:s17], $0x8000  }
0x1d9: {  	[sflag:s17] =	ssyncset.done @!p6 $0x0  }
0x1da: {  	s25 =	simm.s32 @!p0 $0x8100;
	s26 =	rddreg [dreg:$0x11];
	[sflag:s17] =	ssyncadd.s32 @!p6 $0xFFFF8000  }
0x1db: {  	[hbm4b:s26+s14] =	stream.linear.scatter @!p0 [tilespmem:s25], [sflag:$0x3], $0x8000, $0x38;
	[tilespmem:$0x10100] =	vst v63  }
0x1dc: {  	_ =	swait.ge @!p0 [sflag:s13], $0x8000  }
0x1dd: {  	[sflag:s13] =	ssyncset.done @!p0 $0x0  }
0x1de: {  	s28 =	simm.s32 @p5 $0x80;
	s26 =	rddreg [dreg:$0x13];
	[sflag:s13] =	ssyncadd.s32 @!p0 $0xFFFF8000  }
0x1df: {  	[tilespmem:s28], [sflag:$0x3] =	stream.linear.gather @p5 [hbm4b:s26+s16], $0x80, $0x38;
	[tilespmem:$0x10100] =	vst v63  }
0x1e0: {  	_ =	swait.ge @p5 [sflag:s15], $0x80  }
0x1e1: {  	[sflag:s15] =	ssyncset.done @p5 $0x0  }
0x1e2: {  	s28 =	simm.s32 @!p6 $0x80;
	s26 =	rddreg [dreg:$0x12];
	[sflag:s15] =	ssyncadd.s32 @p5 $0xFFFFFF80  }
0x1e3: {  	[tilespmem:s28], [sflag:$0x3] =	stream.linear.gather @!p6 [hbm4b:s26+s18], $0x80, $0x38;
	[tilespmem:$0x10100] =	vst v63  }
0x1e4: {  	_ =	swait.ge @!p6 [sflag:s17], $0x80  }
0x1e5: {  	[sflag:s17] =	ssyncset.done @!p6 $0x0  }
0x1e6: {  	s26 =	rddreg [dreg:$0x14];
	[sflag:s17] =	ssyncadd.s32 @!p6 $0xFFFFFF80  }
0x1e7: {  	[tilespmem:s19], [sflag:$0x3] =	stream.linear.gather @!p0 [hbm4b:s26+s14], $0x80, $0x38;
	[tilespmem:$0x10100] =	vst v63  }
0x1e8: {  	_ =	swait.ge @!p0 [sflag:s13], $0x80  }
0x1e9: {  	[sflag:s13] =	ssyncset.done @!p0 $0x0  }
0x1ea: {  	[sflag:s13] =	ssyncadd.s32 @!p0 $0xFFFFFF80  }
0x1eb: {  	v3 =	vld [tilespmem:$0x80];
	_ =	sdelay $0x4  }
0x1ec: {  	v48 =	vshll.u32 v3, $0x1  }
0x1ed: {  	v3 =	vand.u32 $0x7, v3;
	v4 =	vand.u32 $0xFFFFFFF0, v48  }
0x1ee: {  	v3 =	vor.u32 v3, v4  }
0x1ef: {  	v4 =	vperm.xlane v3, v0;
	_ =	sdelay $0x1  }
0x1f0: {  	v3 =	vperm.xlane v3, v2;
	v4 =	vadd.s32 v1, v4;
	_ =	sdelay $0x1  }
0x1f1: {  	v3 =	vadd.s32 v1, v3;
	_ =	sdelay $0x1  }
0x1f2: {  	s26 =	simm.s32 $0x8100  }
0x1f3: {  	[tilespmem:s26], [sflag:$0x2] =	stream.indirect_vreg.gather [hbm4b:s1+s3], $0x80, v4, vm0, $0xb8;
	[tilespmem:$0x10100] =	vst v63  }
0x1f4: {  	s31 =	simm.s32 $0x8900  }
0x1f5: {  	[tilespmem:s31], [sflag:$0x2] =	stream.indirect_vreg.gather [hbm4b:s1+s3], $0x80, v3, vm0, $0xb8;
	[tilespmem:$0x10100] =	vst v63  }
0x1f6: {  	v3 =	vld [tilespmem:$0x90];
	_ =	sdelay $0x4  }
0x1f7: {  	v49 =	vshll.u32 v3, $0x1  }
0x1f8: {  	v3 =	vand.u32 $0x7, v3;
	v4 =	vand.u32 $0xFFFFFFF0, v49  }
0x1f9: {  	v3 =	vor.u32 v3, v4  }
0x1fa: {  	v4 =	vperm.xlane v3, v0;
	_ =	sdelay $0x1  }
0x1fb: {  	v3 =	vperm.xlane v3, v2;
	v4 =	vadd.s32 v1, v4;
	_ =	sdelay $0x1  }
0x1fc: {  	v3 =	vadd.s32 v1, v3;
	_ =	sdelay $0x1  }
0x1fd: {  	s28 =	simm.s32 $0x9100  }
0x1fe: {  	[tilespmem:s28], [sflag:$0x2] =	stream.indirect_vreg.gather [hbm4b:s1+s3], $0x80, v4, vm0, $0xb8;
	[tilespmem:$0x10100] =	vst v63  }
0x1ff: {  	s4 =	simm.s32 $0x9900  }
0x200: {  	[tilespmem:s4], [sflag:$0x2] =	stream.indirect_vreg.gather [hbm4b:s1+s3], $0x80, v3, vm0, $0xb8;
	[tilespmem:$0x10100] =	vst v63  }
0x201: {  	v3 =	vld [tilespmem:$0xA0];
	_ =	sdelay $0x4  }
0x202: {  	v50 =	vshll.u32 v3, $0x1  }
0x203: {  	v3 =	vand.u32 $0x7, v3;
	v4 =	vand.u32 $0xFFFFFFF0, v50  }
0x204: {  	v3 =	vor.u32 v3, v4  }
0x205: {  	v4 =	vperm.xlane v3, v0;
	_ =	sdelay $0x1  }
0x206: {  	v3 =	vperm.xlane v3, v2;
	v4 =	vadd.s32 v1, v4;
	_ =	sdelay $0x1  }
0x207: {  	v3 =	vadd.s32 v1, v3;
	_ =	sdelay $0x1  }
0x208: {  	s0 =	simm.s32 $0xA100  }
0x209: {  	[tilespmem:s0], [sflag:$0x2] =	stream.indirect_vreg.gather [hbm4b:s1+s3], $0x80, v4, vm0, $0xb8;
	[tilespmem:$0x10100] =	vst v63  }
0x20a: {  	s30 =	simm.s32 $0xA900  }
0x20b: {  	[tilespmem:s30], [sflag:$0x2] =	stream.indirect_vreg.gather [hbm4b:s1+s3], $0x80, v3, vm0, $0xb8;
	[tilespmem:$0x10100] =	vst v63  }
0x20c: {  	v3 =	vld [tilespmem:$0xB0];
	_ =	sdelay $0x4  }
0x20d: {  	v51 =	vshll.u32 v3, $0x1  }
0x20e: {  	v3 =	vand.u32 $0x7, v3;
	v4 =	vand.u32 $0xFFFFFFF0, v51  }
0x20f: {  	v3 =	vor.u32 v3, v4  }
0x210: {  	v4 =	vperm.xlane v3, v0;
	_ =	sdelay $0x1  }
0x211: {  	v3 =	vperm.xlane v3, v2;
	v4 =	vadd.s32 v1, v4;
	_ =	sdelay $0x1  }
0x212: {  	v3 =	vadd.s32 v1, v3;
	_ =	sdelay $0x1  }
0x213: {  	s7 =	simm.s32 $0xB100  }
0x214: {  	[tilespmem:s7], [sflag:$0x2] =	stream.indirect_vreg.gather [hbm4b:s1+s3], $0x80, v4, vm0, $0xb8;
	[tilespmem:$0x10100] =	vst v63  }
0x215: {  	s0 =	simm.s32 $0xB900  }
0x216: {  	[tilespmem:s0], [sflag:$0x2] =	stream.indirect_vreg.gather [hbm4b:s1+s3], $0x80, v3, vm0, $0xb8;
	[tilespmem:$0x10100] =	vst v63  }
0x217: {  	v3 =	vld [tilespmem:$0xC0];
	_ =	sdelay $0x4  }
0x218: {  	v52 =	vshll.u32 v3, $0x1  }
0x219: {  	v3 =	vand.u32 $0x7, v3;
	v4 =	vand.u32 $0xFFFFFFF0, v52  }
0x21a: {  	v3 =	vor.u32 v3, v4  }
0x21b: {  	v4 =	vperm.xlane v3, v0;
	_ =	sdelay $0x1  }
0x21c: {  	v3 =	vperm.xlane v3, v2;
	v4 =	vadd.s32 v1, v4;
	_ =	sdelay $0x1  }
0x21d: {  	v3 =	vadd.s32 v1, v3;
	_ =	sdelay $0x1  }
0x21e: {  	s8 =	simm.s32 $0xC100  }
0x21f: {  	[tilespmem:s8], [sflag:$0x2] =	stream.indirect_vreg.gather [hbm4b:s1+s3], $0x80, v4, vm0, $0xb8;
	[tilespmem:$0x10100] =	vst v63  }
0x220: {  	s2 =	simm.s32 $0xC900  }
0x221: {  	[tilespmem:s2], [sflag:$0x2] =	stream.indirect_vreg.gather [hbm4b:s1+s3], $0x80, v3, vm0, $0xb8;
	[tilespmem:$0x10100] =	vst v63  }
0x222: {  	v3 =	vld [tilespmem:$0xD0];
	_ =	sdelay $0x4  }
0x223: {  	v53 =	vshll.u32 v3, $0x1  }
0x224: {  	v3 =	vand.u32 $0x7, v3;
	v4 =	vand.u32 $0xFFFFFFF0, v53  }
0x225: {  	v3 =	vor.u32 v3, v4  }
0x226: {  	v4 =	vperm.xlane v3, v0;
	_ =	sdelay $0x1  }
0x227: {  	v3 =	vperm.xlane v3, v2;
	v4 =	vadd.s32 v1, v4;
	_ =	sdelay $0x1  }
0x228: {  	v3 =	vadd.s32 v1, v3;
	_ =	sdelay $0x1  }
0x229: {  	s19 =	simm.s32 $0xD100  }
0x22a: {  	[tilespmem:s19], [sflag:$0x2] =	stream.indirect_vreg.gather [hbm4b:s1+s3], $0x80, v4, vm0, $0xb8;
	[tilespmem:$0x10100] =	vst v63  }
0x22b: {  	s4 =	simm.s32 $0xD900  }
0x22c: {  	[tilespmem:s4], [sflag:$0x2] =	stream.indirect_vreg.gather [hbm4b:s1+s3], $0x80, v3, vm0, $0xb8;
	[tilespmem:$0x10100] =	vst v63  }
0x22d: {  	v3 =	vld [tilespmem:$0xE0];
	_ =	sdelay $0x4  }
0x22e: {  	v54 =	vshll.u32 v3, $0x1  }
0x22f: {  	v3 =	vand.u32 $0x7, v3;
	v4 =	vand.u32 $0xFFFFFFF0, v54  }
0x230: {  	v3 =	vor.u32 v3, v4  }
0x231: {  	v4 =	vperm.xlane v3, v0;
	_ =	sdelay $0x1  }
0x232: {  	v3 =	vperm.xlane v3, v2;
	v4 =	vadd.s32 v1, v4;
	_ =	sdelay $0x1  }
0x233: {  	v3 =	vadd.s32 v1, v3;
	_ =	sdelay $0x1  }
0x234: {  	s31 =	simm.s32 $0xE100  }
0x235: {  	[tilespmem:s31], [sflag:$0x2] =	stream.indirect_vreg.gather [hbm4b:s1+s3], $0x80, v4, vm0, $0xb8;
	[tilespmem:$0x10100] =	vst v63  }
0x236: {  	s7 =	simm.s32 $0xE900  }
0x237: {  	[tilespmem:s7], [sflag:$0x2] =	stream.indirect_vreg.gather [hbm4b:s1+s3], $0x80, v3, vm0, $0xb8;
	[tilespmem:$0x10100] =	vst v63  }
0x238: {  	v3 =	vld [tilespmem:$0xF0];
	_ =	sdelay $0x4  }
0x239: {  	v55 =	vshll.u32 v3, $0x1  }
0x23a: {  	v3 =	vand.u32 $0x7, v3;
	v4 =	vand.u32 $0xFFFFFFF0, v55  }
0x23b: {  	v3 =	vor.u32 v3, v4  }
0x23c: {  	v4 =	vperm.xlane v3, v0;
	_ =	sdelay $0x1  }
0x23d: {  	v3 =	vperm.xlane v3, v2;
	v4 =	vadd.s32 v1, v4;
	_ =	sdelay $0x1  }
0x23e: {  	v3 =	vadd.s32 v1, v3;
	_ =	sdelay $0x1  }
0x23f: {  	s19 =	simm.s32 $0xF100  }
0x240: {  	[tilespmem:s19], [sflag:$0x2] =	stream.indirect_vreg.gather [hbm4b:s1+s3], $0x80, v4, vm0, $0xb8;
	[tilespmem:$0x10100] =	vst v63  }
0x241: {  	s7 =	simm.s32 $0xF900  }
0x242: {  	[tilespmem:s7], [sflag:$0x2] =	stream.indirect_vreg.gather [hbm4b:s1+s3], $0x80, v3, vm0, $0xb8;
	[tilespmem:$0x10100] =	vst v63  }
0x243: {  	_ =	swait.ge [sflag:s11], $0x8000  }
0x244: {  	[sflag:s11] =	ssyncset.done $0x0  }
0x245: {  	s19 =	rddreg [dreg:$0x16];
	[sflag:s11] =	ssyncadd.s32 $0xFFFF8000  }
0x246: {  	[hbm4b:s19+s16] =	stream.linear.scatter @p5 [tilespmem:s20], [sflag:$0x3], $0x8000, $0x38;
	[tilespmem:$0x10100] =	vst v63  }
0x247: {  	_ =	swait.ge @p5 [sflag:s15], $0x8000  }
0x248: {  	[sflag:s15] =	ssyncset.done @p5 $0x0  }
0x249: {  	s19 =	rddreg [dreg:$0x15];
	[sflag:s15] =	ssyncadd.s32 @p5 $0xFFFF8000  }
0x24a: {  	[hbm4b:s19+s18] =	stream.linear.scatter @!p6 [tilespmem:s21], [sflag:$0x3], $0x8000, $0x38;
	[tilespmem:$0x10100] =	vst v63  }
0x24b: {  	_ =	swait.ge @!p6 [sflag:s17], $0x8000  }
0x24c: {  	[sflag:s17] =	ssyncset.done @!p6 $0x0  }
0x24d: {  	s19 =	rddreg [dreg:$0x17];
	[sflag:s17] =	ssyncadd.s32 @!p6 $0xFFFF8000  }
0x24e: {  	[hbm4b:s19+s14] =	stream.linear.scatter @!p0 [tilespmem:s22], [sflag:$0x3], $0x8000, $0x38;
	[tilespmem:$0x10100] =	vst v63  }
0x24f: {  	_ =	swait.ge @!p0 [sflag:s13], $0x8000  }
0x250: {  	s20 =	sld [smem:$0x7DB]  }
0x251: {  	[sflag:s13] =	ssyncset.done @!p0 $0x0  }
0x252: {  	[sflag:s13] =	ssyncadd.s32 @!p0 $0xFFFF8000  }
0x253: {  	[tilespmem:s3], [sflag:$0x3] =	stream.linear.gather [hbm4b:s20+s3], $0x80, $0x38;
	[tilespmem:$0x10100] =	vst v63  }
0x254: {  	_ =	swait.ge [sflag:s5], $0x80  }
0x255: {  	[sflag:s5] =	ssyncset.done $0x0  }
0x256: {  	[sflag:s5] =	ssyncadd.s32 $0xFFFFFF80  }
0x257: {  	v3 =	vld [tilespmem:$0x0];
	_ =	sdelay $0x4  }
0x258: {  	v56 =	vshll.u32 v3, $0x1  }
0x259: {  	v3 =	vand.u32 $0x7, v3;
	v4 =	vand.u32 $0xFFFFFFF0, v56  }
0x25a: {  	v3 =	vor.u32 v3, v4  }
0x25b: {  	v4 =	vperm.xlane v3, v0;
	_ =	sdelay $0x1  }
0x25c: {  	v3 =	vperm.xlane v3, v2;
	v4 =	vadd.s32 v1, v4;
	_ =	sdelay $0x1  }
0x25d: {  	v3 =	vadd.s32 v1, v3;
	_ =	sdelay $0x1  }
0x25e: {  	s21 =	simm.s32 $0x100  }
0x25f: {  	[tilespmem:s21], [sflag:$0x1] =	stream.indirect_vreg.gather [hbm4b:s1+s3], $0x80, v4, vm0, $0xb8;
	[tilespmem:$0x10100] =	vst v63  }
0x260: {  	s22 =	simm.s32 $0x900  }
0x261: {  	[tilespmem:s22], [sflag:$0x1] =	stream.indirect_vreg.gather [hbm4b:s1+s3], $0x80, v3, vm0, $0xb8;
	[tilespmem:$0x10100] =	vst v63  }
0x262: {  	v3 =	vld [tilespmem:$0x10];
	_ =	sdelay $0x4  }
0x263: {  	v57 =	vshll.u32 v3, $0x1  }
0x264: {  	v3 =	vand.u32 $0x7, v3;
	v4 =	vand.u32 $0xFFFFFFF0, v57  }
0x265: {  	v3 =	vor.u32 v3, v4  }
0x266: {  	v4 =	vperm.xlane v3, v0;
	_ =	sdelay $0x1  }
0x267: {  	v3 =	vperm.xlane v3, v2;
	v4 =	vadd.s32 v1, v4;
	_ =	sdelay $0x1  }
0x268: {  	v3 =	vadd.s32 v1, v3;
	_ =	sdelay $0x2  }
0x269: {  	[tilespmem:s6], [sflag:$0x1] =	stream.indirect_vreg.gather [hbm4b:s1+s3], $0x80, v4, vm0, $0xb8;
	[tilespmem:$0x10100] =	vst v63  }
0x26a: {  	s9 =	simm.s32 $0x1900  }
0x26b: {  	[tilespmem:s9], [sflag:$0x1] =	stream.indirect_vreg.gather [hbm4b:s1+s3], $0x80, v3, vm0, $0xb8;
	[tilespmem:$0x10100] =	vst v63  }
0x26c: {  	v3 =	vld [tilespmem:$0x20];
	_ =	sdelay $0x4  }
0x26d: {  	v58 =	vshll.u32 v3, $0x1  }
0x26e: {  	v3 =	vand.u32 $0x7, v3;
	v4 =	vand.u32 $0xFFFFFFF0, v58  }
0x26f: {  	v3 =	vor.u32 v3, v4  }
0x270: {  	v4 =	vperm.xlane v3, v0;
	_ =	sdelay $0x1  }
0x271: {  	v3 =	vperm.xlane v3, v2;
	v4 =	vadd.s32 v1, v4;
	_ =	sdelay $0x1  }
0x272: {  	v3 =	vadd.s32 v1, v3;
	_ =	sdelay $0x1  }
0x273: {  	s20 =	simm.s32 $0x2100  }
0x274: {  	[tilespmem:s20], [sflag:$0x1] =	stream.indirect_vreg.gather [hbm4b:s1+s3], $0x80, v4, vm0, $0xb8;
	[tilespmem:$0x10100] =	vst v63  }
0x275: {  	s10 =	simm.s32 $0x2900  }
0x276: {  	[tilespmem:s10], [sflag:$0x1] =	stream.indirect_vreg.gather [hbm4b:s1+s3], $0x80, v3, vm0, $0xb8;
	[tilespmem:$0x10100] =	vst v63  }
0x277: {  	v3 =	vld [tilespmem:$0x30];
	_ =	sdelay $0x4  }
0x278: {  	v59 =	vshll.u32 v3, $0x1  }
0x279: {  	v3 =	vand.u32 $0x7, v3;
	v4 =	vand.u32 $0xFFFFFFF0, v59  }
0x27a: {  	v3 =	vor.u32 v3, v4  }
0x27b: {  	v4 =	vperm.xlane v3, v0;
	_ =	sdelay $0x1  }
0x27c: {  	v3 =	vperm.xlane v3, v2;
	v4 =	vadd.s32 v1, v4;
	_ =	sdelay $0x1  }
0x27d: {  	v3 =	vadd.s32 v1, v3;
	_ =	sdelay $0x1  }
0x27e: {  	s9 =	simm.s32 $0x3100  }
0x27f: {  	[tilespmem:s9], [sflag:$0x1] =	stream.indirect_vreg.gather [hbm4b:s1+s3], $0x80, v4, vm0, $0xb8;
	[tilespmem:$0x10100] =	vst v63  }
0x280: {  	s10 =	simm.s32 $0x3900  }
0x281: {  	[tilespmem:s10], [sflag:$0x1] =	stream.indirect_vreg.gather [hbm4b:s1+s3], $0x80, v3, vm0, $0xb8;
	[tilespmem:$0x10100] =	vst v63  }
0x282: {  	v3 =	vld [tilespmem:$0x40];
	_ =	sdelay $0x4  }
0x283: {  	v60 =	vshll.u32 v3, $0x1  }
0x284: {  	v3 =	vand.u32 $0x7, v3;
	v4 =	vand.u32 $0xFFFFFFF0, v60  }
0x285: {  	v3 =	vor.u32 v3, v4  }
0x286: {  	v4 =	vperm.xlane v3, v0;
	_ =	sdelay $0x1  }
0x287: {  	v3 =	vperm.xlane v3, v2;
	v4 =	vadd.s32 v1, v4;
	_ =	sdelay $0x1  }
0x288: {  	v3 =	vadd.s32 v1, v3;
	_ =	sdelay $0x1  }
0x289: {  	s10 =	simm.s32 $0x4100  }
0x28a: {  	[tilespmem:s10], [sflag:$0x1] =	stream.indirect_vreg.gather [hbm4b:s1+s3], $0x80, v4, vm0, $0xb8;
	[tilespmem:$0x10100] =	vst v63  }
0x28b: {  	s19 =	simm.s32 $0x4900  }
0x28c: {  	[tilespmem:s19], [sflag:$0x1] =	stream.indirect_vreg.gather [hbm4b:s1+s3], $0x80, v3, vm0, $0xb8;
	[tilespmem:$0x10100] =	vst v63  }
0x28d: {  	v3 =	vld [tilespmem:$0x50];
	_ =	sdelay $0x4  }
0x28e: {  	v61 =	vshll.u32 v3, $0x1  }
0x28f: {  	v3 =	vand.u32 $0x7, v3;
	v4 =	vand.u32 $0xFFFFFFF0, v61  }
0x290: {  	v3 =	vor.u32 v3, v4  }
0x291: {  	v4 =	vperm.xlane v3, v0;
	_ =	sdelay $0x1  }
0x292: {  	v3 =	vperm.xlane v3, v2;
	v4 =	vadd.s32 v1, v4;
	_ =	sdelay $0x1  }
0x293: {  	v3 =	vadd.s32 v1, v3;
	_ =	sdelay $0x1  }
0x294: {  	s22 =	simm.s32 $0x5100  }
0x295: {  	[tilespmem:s22], [sflag:$0x1] =	stream.indirect_vreg.gather [hbm4b:s1+s3], $0x80, v4, vm0, $0xb8;
	[tilespmem:$0x10100] =	vst v63  }
0x296: {  	s29 =	simm.s32 $0x5900  }
0x297: {  	[tilespmem:s29], [sflag:$0x1] =	stream.indirect_vreg.gather [hbm4b:s1+s3], $0x80, v3, vm0, $0xb8;
	[tilespmem:$0x10100] =	vst v63  }
0x298: {  	v3 =	vld [tilespmem:$0x60];
	_ =	sdelay $0x4  }
0x299: {  	v62 =	vshll.u32 v3, $0x1  }
0x29a: {  	v3 =	vand.u32 $0x7, v3;
	v4 =	vand.u32 $0xFFFFFFF0, v62  }
0x29b: {  	v3 =	vor.u32 v3, v4  }
0x29c: {  	v4 =	vperm.xlane v3, v0;
	_ =	sdelay $0x1  }
0x29d: {  	v3 =	vperm.xlane v3, v2;
	v4 =	vadd.s32 v1, v4;
	_ =	sdelay $0x1  }
0x29e: {  	v3 =	vadd.s32 v1, v3;
	_ =	sdelay $0x1  }
0x29f: {  	s21 =	simm.s32 $0x6100  }
0x2a0: {  	[tilespmem:s21], [sflag:$0x1] =	stream.indirect_vreg.gather [hbm4b:s1+s3], $0x80, v4, vm0, $0xb8;
	[tilespmem:$0x10100] =	vst v63  }
0x2a1: {  	s8 =	simm.s32 $0x6900  }
0x2a2: {  	[tilespmem:s8], [sflag:$0x1] =	stream.indirect_vreg.gather [hbm4b:s1+s3], $0x80, v3, vm0, $0xb8;
	[tilespmem:$0x10100] =	vst v63  }
0x2a3: {  	v3 =	vld [tilespmem:$0x70];
	_ =	sdelay $0x4  }
0x2a4: {  	v63 =	vshll.u32 v3, $0x1  }
0x2a5: {  	v3 =	vand.u32 $0x7, v3;
	v4 =	vand.u32 $0xFFFFFFF0, v63  }
0x2a6: {  	v3 =	vor.u32 v3, v4  }
0x2a7: {  	v4 =	vperm.xlane v3, v0;
	_ =	sdelay $0x1  }
0x2a8: {  	v3 =	vperm.xlane v3, v2;
	v4 =	vadd.s32 v1, v4;
	_ =	sdelay $0x1  }
0x2a9: {  	v3 =	vadd.s32 v1, v3;
	_ =	sdelay $0x1  }
0x2aa: {  	s29 =	simm.s32 $0x7100  }
0x2ab: {  	[tilespmem:s29], [sflag:$0x1] =	stream.indirect_vreg.gather [hbm4b:s1+s3], $0x80, v4, vm0, $0xb8;
	[tilespmem:$0x10100] =	vst v63  }
0x2ac: {  	s21 =	simm.s32 $0x7900  }
0x2ad: {  	[tilespmem:s21], [sflag:$0x1] =	stream.indirect_vreg.gather [hbm4b:s1+s3], $0x80, v3, vm0, $0xb8;
	[tilespmem:$0x10100] =	vst v63  }
0x2ae: {  	_ =	swait.ge [sflag:s12], $0x8000  }
0x2af: {  	[sflag:s12] =	ssyncset.done $0x0  }
0x2b0: {  	s19 =	rddreg [dreg:$0x19];
	[sflag:s12] =	ssyncadd.s32 $0xFFFF8000  }
0x2b1: {  	[hbm4b:s19+s16] =	stream.linear.scatter @p5 [tilespmem:s23], [sflag:$0x3], $0x8000, $0x38;
	[tilespmem:$0x10100] =	vst v63  }
0x2b2: {  	_ =	swait.ge @p5 [sflag:s15], $0x8000  }
0x2b3: {  	[sflag:s15] =	ssyncset.done @p5 $0x0  }
0x2b4: {  	s16 =	rddreg [dreg:$0x18];
	[sflag:s15] =	ssyncadd.s32 @p5 $0xFFFF8000  }
0x2b5: {  	[hbm4b:s16+s18] =	stream.linear.scatter @!p6 [tilespmem:s24], [sflag:$0x3], $0x8000, $0x38;
	[tilespmem:$0x10100] =	vst v63  }
0x2b6: {  	_ =	swait.ge @!p6 [sflag:s17], $0x8000  }
0x2b7: {  	[sflag:s17] =	ssyncset.done @!p6 $0x0  }
0x2b8: {  	s15 =	rddreg [dreg:$0x1a];
	[sflag:s17] =	ssyncadd.s32 @!p6 $0xFFFF8000  }
0x2b9: {  	[hbm4b:s15+s14] =	stream.linear.scatter @!p0 [tilespmem:s25], [sflag:$0x3], $0x8000, $0x38;
	[tilespmem:$0x10100] =	vst v63  }
0x2ba: {  	_ =	swait.ge @!p0 [sflag:s13], $0x8000  }
0x2bb: {  	s18 =	sld [smem:$0x7DC]  }
0x2bc: {  	[sflag:s13] =	ssyncset.done @!p0 $0x0  }
0x2bd: {  	s19 =	simm.s32 $0x80;
	[sflag:s13] =	ssyncadd.s32 @!p0 $0xFFFF8000  }
0x2be: {  	[tilespmem:s19], [sflag:$0x3] =	stream.linear.gather [hbm4b:s18+s3], $0x80, $0x38;
	[tilespmem:$0x10100] =	vst v63  }
0x2bf: {  	_ =	swait.ge [sflag:s5], $0x80  }
0x2c0: {  	[sflag:s5] =	ssyncset.done $0x0  }
0x2c1: {  	[sflag:s5] =	ssyncadd.s32 $0xFFFFFF80  }
0x2c2: {  	v3 =	vld [tilespmem:$0x80];
	_ =	sdelay $0x4  }
0x2c3: {  	v8 =	vshll.u32 v3, $0x1  }
0x2c4: {  	v3 =	vand.u32 $0x7, v3;
	v4 =	vand.u32 $0xFFFFFFF0, v8  }
0x2c5: {  	v3 =	vor.u32 v3, v4  }
0x2c6: {  	v4 =	vperm.xlane v3, v0;
	_ =	sdelay $0x1  }
0x2c7: {  	v3 =	vperm.xlane v3, v2;
	v4 =	vadd.s32 v1, v4;
	_ =	sdelay $0x1  }
0x2c8: {  	v3 =	vadd.s32 v1, v3;
	_ =	sdelay $0x2  }
0x2c9: {  	[tilespmem:s26], [sflag:$0x2] =	stream.indirect_vreg.gather [hbm4b:s1+s3], $0x80, v4, vm0, $0xb8;
	[tilespmem:$0x10100] =	vst v63  }
0x2ca: {  	s6 =	simm.s32 $0x8900  }
0x2cb: {  	[tilespmem:s6], [sflag:$0x2] =	stream.indirect_vreg.gather [hbm4b:s1+s3], $0x80, v3, vm0, $0xb8;
	[tilespmem:$0x10100] =	vst v63  }
0x2cc: {  	v3 =	vld [tilespmem:$0x90];
	_ =	sdelay $0x4  }
0x2cd: {  	v9 =	vshll.u32 v3, $0x1  }
0x2ce: {  	v3 =	vand.u32 $0x7, v3;
	v4 =	vand.u32 $0xFFFFFFF0, v9  }
0x2cf: {  	v3 =	vor.u32 v3, v4  }
0x2d0: {  	v4 =	vperm.xlane v3, v0;
	_ =	sdelay $0x1  }
0x2d1: {  	v3 =	vperm.xlane v3, v2;
	v4 =	vadd.s32 v1, v4;
	_ =	sdelay $0x1  }
0x2d2: {  	v3 =	vadd.s32 v1, v3;
	_ =	sdelay $0x2  }
0x2d3: {  	[tilespmem:s28], [sflag:$0x2] =	stream.indirect_vreg.gather [hbm4b:s1+s3], $0x80, v4, vm0, $0xb8;
	[tilespmem:$0x10100] =	vst v63  }
0x2d4: {  	s19 =	simm.s32 $0x9900  }
0x2d5: {  	[tilespmem:s19], [sflag:$0x2] =	stream.indirect_vreg.gather [hbm4b:s1+s3], $0x80, v3, vm0, $0xb8;
	[tilespmem:$0x10100] =	vst v63  }
0x2d6: {  	v3 =	vld [tilespmem:$0xA0];
	_ =	sdelay $0x4  }
0x2d7: {  	v10 =	vshll.u32 v3, $0x1  }
0x2d8: {  	v3 =	vand.u32 $0x7, v3;
	v4 =	vand.u32 $0xFFFFFFF0, v10  }
0x2d9: {  	v3 =	vor.u32 v3, v4  }
0x2da: {  	v4 =	vperm.xlane v3, v0;
	_ =	sdelay $0x1  }
0x2db: {  	v3 =	vperm.xlane v3, v2;
	v4 =	vadd.s32 v1, v4;
	_ =	sdelay $0x1  }
0x2dc: {  	v3 =	vadd.s32 v1, v3;
	_ =	sdelay $0x1  }
0x2dd: {  	s25 =	simm.s32 $0xA100  }
0x2de: {  	[tilespmem:s25], [sflag:$0x2] =	stream.indirect_vreg.gather [hbm4b:s1+s3], $0x80, v4, vm0, $0xb8;
	[tilespmem:$0x10100] =	vst v63  }
0x2df: {  	_ = 	snop  }
0x2e0: {  	[tilespmem:s30], [sflag:$0x2] =	stream.indirect_vreg.gather [hbm4b:s1+s3], $0x80, v3, vm0, $0xb8;
	[tilespmem:$0x10100] =	vst v63  }
0x2e1: {  	v3 =	vld [tilespmem:$0xB0];
	_ =	sdelay $0x4  }
0x2e2: {  	v11 =	vshll.u32 v3, $0x1  }
0x2e3: {  	v3 =	vand.u32 $0x7, v3;
	v4 =	vand.u32 $0xFFFFFFF0, v11  }
0x2e4: {  	v3 =	vor.u32 v3, v4  }
0x2e5: {  	v4 =	vperm.xlane v3, v0;
	_ =	sdelay $0x1  }
0x2e6: {  	v3 =	vperm.xlane v3, v2;
	v4 =	vadd.s32 v1, v4;
	_ =	sdelay $0x1  }
0x2e7: {  	v3 =	vadd.s32 v1, v3;
	_ =	sdelay $0x1  }
0x2e8: {  	s26 =	simm.s32 $0xB100  }
0x2e9: {  	[tilespmem:s26], [sflag:$0x2] =	stream.indirect_vreg.gather [hbm4b:s1+s3], $0x80, v4, vm0, $0xb8;
	[tilespmem:$0x10100] =	vst v63  }
0x2ea: {  	_ = 	snop  }
0x2eb: {  	[tilespmem:s0], [sflag:$0x2] =	stream.indirect_vreg.gather [hbm4b:s1+s3], $0x80, v3, vm0, $0xb8;
	[tilespmem:$0x10100] =	vst v63  }
0x2ec: {  	v3 =	vld [tilespmem:$0xC0];
	_ =	sdelay $0x4  }
0x2ed: {  	v12 =	vshll.u32 v3, $0x1  }
0x2ee: {  	v3 =	vand.u32 $0x7, v3;
	v4 =	vand.u32 $0xFFFFFFF0, v12  }
0x2ef: {  	v3 =	vor.u32 v3, v4  }
0x2f0: {  	v4 =	vperm.xlane v3, v0;
	_ =	sdelay $0x1  }
0x2f1: {  	v3 =	vperm.xlane v3, v2;
	v4 =	vadd.s32 v1, v4;
	_ =	sdelay $0x1  }
0x2f2: {  	v3 =	vadd.s32 v1, v3;
	_ =	sdelay $0x1  }
0x2f3: {  	s28 =	simm.s32 $0xC100  }
0x2f4: {  	[tilespmem:s28], [sflag:$0x2] =	stream.indirect_vreg.gather [hbm4b:s1+s3], $0x80, v4, vm0, $0xb8;
	[tilespmem:$0x10100] =	vst v63  }
0x2f5: {  	_ = 	snop  }
0x2f6: {  	[tilespmem:s2], [sflag:$0x2] =	stream.indirect_vreg.gather [hbm4b:s1+s3], $0x80, v3, vm0, $0xb8;
	[tilespmem:$0x10100] =	vst v63  }
0x2f7: {  	v3 =	vld [tilespmem:$0xD0];
	_ =	sdelay $0x4  }
0x2f8: {  	v13 =	vshll.u32 v3, $0x1  }
0x2f9: {  	v3 =	vand.u32 $0x7, v3;
	v4 =	vand.u32 $0xFFFFFFF0, v13  }
0x2fa: {  	v3 =	vor.u32 v3, v4  }
0x2fb: {  	v4 =	vperm.xlane v3, v0;
	_ =	sdelay $0x1  }
0x2fc: {  	v3 =	vperm.xlane v3, v2;
	v4 =	vadd.s32 v1, v4;
	_ =	sdelay $0x1  }
0x2fd: {  	v3 =	vadd.s32 v1, v3;
	_ =	sdelay $0x1  }
0x2fe: {  	s29 =	simm.s32 $0xD100  }
0x2ff: {  	[tilespmem:s29], [sflag:$0x2] =	stream.indirect_vreg.gather [hbm4b:s1+s3], $0x80, v4, vm0, $0xb8;
	[tilespmem:$0x10100] =	vst v63  }
0x300: {  	_ = 	snop  }
0x301: {  	[tilespmem:s4], [sflag:$0x2] =	stream.indirect_vreg.gather [hbm4b:s1+s3], $0x80, v3, vm0, $0xb8;
	[tilespmem:$0x10100] =	vst v63  }
0x302: {  	v3 =	vld [tilespmem:$0xE0];
	_ =	sdelay $0x4  }
0x303: {  	v14 =	vshll.u32 v3, $0x1  }
0x304: {  	v3 =	vand.u32 $0x7, v3;
	v4 =	vand.u32 $0xFFFFFFF0, v14  }
0x305: {  	v3 =	vor.u32 v3, v4  }
0x306: {  	v4 =	vperm.xlane v3, v0;
	_ =	sdelay $0x1  }
0x307: {  	v3 =	vperm.xlane v3, v2;
	v4 =	vadd.s32 v1, v4;
	_ =	sdelay $0x1  }
0x308: {  	v3 =	vadd.s32 v1, v3;
	_ =	sdelay $0x1  }
0x309: {  	s30 =	simm.s32 $0xE100  }
0x30a: {  	[tilespmem:s30], [sflag:$0x2] =	stream.indirect_vreg.gather [hbm4b:s1+s3], $0x80, v4, vm0, $0xb8;
	[tilespmem:$0x10100] =	vst v63  }
0x30b: {  	s31 =	simm.s32 $0xE900  }
0x30c: {  	[tilespmem:s31], [sflag:$0x2] =	stream.indirect_vreg.gather [hbm4b:s1+s3], $0x80, v3, vm0, $0xb8;
	[tilespmem:$0x10100] =	vst v63  }
0x30d: {  	v3 =	vld [tilespmem:$0xF0];
	_ =	sdelay $0x4  }
0x30e: {  	v15 =	vshll.u32 v3, $0x1  }
0x30f: {  	v3 =	vand.u32 $0x7, v3;
	v4 =	vand.u32 $0xFFFFFFF0, v15  }
0x310: {  	v3 =	vor.u32 v3, v4  }
0x311: {  	v4 =	vperm.xlane v3, v0;
	_ =	sdelay $0x1  }
0x312: {  	v3 =	vperm.xlane v3, v2;
	v4 =	vadd.s32 v1, v4;
	_ =	sdelay $0x1  }
0x313: {  	v3 =	vadd.s32 v1, v3;
	_ =	sdelay $0x1  }
0x314: {  	s31 =	simm.s32 $0xF100  }
0x315: {  	[tilespmem:s31], [sflag:$0x2] =	stream.indirect_vreg.gather [hbm4b:s1+s3], $0x80, v4, vm0, $0xb8;
	[tilespmem:$0x10100] =	vst v63  }
0x316: {  	_ = 	snop  }
0x317: {  	[tilespmem:s7], [sflag:$0x2] =	stream.indirect_vreg.gather [hbm4b:s1+s3], $0x80, v3, vm0, $0xb8;
	[tilespmem:$0x10100] =	vst v63  }
0x318: {  	_ =	swait.ge [sflag:s11], $0x8000  }
0x319: {  	s23 =	sld [smem:$0x7E9];
	_ =	sdelay $0x2  }
0x31a: {  	s13 =	rddreg [dreg:$0x1c];
	[sflag:s11] =	ssyncset.done $0x0;
	p1 =	seq.s32 s23, $0x1  }
0x31b: {  	[sflag:s11] =	ssyncadd.s32 $0xFFFF8000;
	s14 =	simm.s32 @p1 $0x0;
	s15 =	simm.s32 @p1 $0x100  }
0x31c: {  	[hbm4b:s13+s14] =	stream.linear.scatter @p1 [tilespmem:s15], [sflag:$0x3], $0x8000, $0x38;
	[tilespmem:$0x10100] =	vst v63  }
0x31d: {  	s13 =	simm.s32 @p1 $0x3  }
0x31e: {  	_ =	swait.ge @p1 [sflag:s13], $0x8000  }
0x31f: {  	s24 =	sld [smem:$0x7EB];
	_ =	sdelay $0x1  }
0x320: {  	[sflag:s13] =	ssyncset.done @p1 $0x0  }
0x321: {  	[sflag:s13] =	ssyncadd.s32 @p1 $0xFFFF8000;
	p1 =	seq.s32 s24, $0x1  }
0x322: {  	s14 =	rddreg [dreg:$0x1b];
	s13 =	simm.s32 @!p1 $0x0;
	s15 =	simm.s32 @!p1 $0x100  }
0x323: {  	[hbm4b:s14+s13] =	stream.linear.scatter @!p1 [tilespmem:s15], [sflag:$0x3], $0x8000, $0x38;
	[tilespmem:$0x10100] =	vst v63  }
0x324: {  	s13 =	simm.s32 @!p1 $0x3  }
0x325: {  	_ =	swait.ge @!p1 [sflag:s13], $0x8000  }
0x326: {  	s4 =	simm.s32 @!p4 $0x100;
	s14 =	simm.s32 @!p4 $0x0;
	[sflag:s13] =	ssyncset.done @!p1 $0x0  }
0x327: {  	s16 =	rddreg [dreg:$0x1d];
	[sflag:s13] =	ssyncadd.s32 @!p1 $0xFFFF8000;
	s13 =	simm.s32 @!p4 $0x3  }
0x328: {  	[hbm4b:s16+s14] =	stream.linear.scatter @!p4 [tilespmem:s4], [sflag:$0x3], $0x8000, $0x38;
	[tilespmem:$0x10100] =	vst v63  }
0x329: {  	_ =	swait.ge @!p4 [sflag:s13], $0x8000  }
0x32a: {  	s0 =	sld [smem:$0x7DE]  }
0x32b: {  	[sflag:s13] =	ssyncset.done @!p4 $0x0  }
0x32c: {  	[sflag:s13] =	ssyncadd.s32 @!p4 $0xFFFF8000  }
0x32d: {  	[tilespmem:s3], [sflag:$0x3] =	stream.linear.gather [hbm4b:s0+s3], $0x80, $0x38;
	[tilespmem:$0x10100] =	vst v63  }
0x32e: {  	_ =	swait.ge [sflag:s5], $0x80  }
0x32f: {  	[sflag:s5] =	ssyncset.done $0x0  }
0x330: {  	[sflag:s5] =	ssyncadd.s32 $0xFFFFFF80  }
0x331: {  	v3 =	vld [tilespmem:$0x0];
	_ =	sdelay $0x4  }
0x332: {  	v16 =	vshll.u32 v3, $0x1  }
0x333: {  	v3 =	vand.u32 $0x7, v3;
	v4 =	vand.u32 $0xFFFFFFF0, v16  }
0x334: {  	v3 =	vor.u32 v3, v4  }
0x335: {  	v4 =	vperm.xlane v3, v0;
	_ =	sdelay $0x1  }
0x336: {  	v3 =	vperm.xlane v3, v2;
	v4 =	vadd.s32 v1, v4;
	_ =	sdelay $0x1  }
0x337: {  	v3 =	vadd.s32 v1, v3;
	_ =	sdelay $0x1  }
0x338: {  	s23 =	simm.s32 $0x100  }
0x339: {  	[tilespmem:s23], [sflag:$0x1] =	stream.indirect_vreg.gather [hbm4b:s1+s3], $0x80, v4, vm0, $0xb8;
	[tilespmem:$0x10100] =	vst v63  }
0x33a: {  	s24 =	simm.s32 $0x900  }
0x33b: {  	[tilespmem:s24], [sflag:$0x1] =	stream.indirect_vreg.gather [hbm4b:s1+s3], $0x80, v3, vm0, $0xb8;
	[tilespmem:$0x10100] =	vst v63  }
0x33c: {  	v3 =	vld [tilespmem:$0x10];
	_ =	sdelay $0x4  }
0x33d: {  	v17 =	vshll.u32 v3, $0x1  }
0x33e: {  	v3 =	vand.u32 $0x7, v3;
	v4 =	vand.u32 $0xFFFFFFF0, v17  }
0x33f: {  	v3 =	vor.u32 v3, v4  }
0x340: {  	v4 =	vperm.xlane v3, v0;
	_ =	sdelay $0x1  }
0x341: {  	v3 =	vperm.xlane v3, v2;
	v4 =	vadd.s32 v1, v4;
	_ =	sdelay $0x1  }
0x342: {  	v3 =	vadd.s32 v1, v3;
	_ =	sdelay $0x1  }
0x343: {  	s2 =	simm.s32 $0x1100  }
0x344: {  	[tilespmem:s2], [sflag:$0x1] =	stream.indirect_vreg.gather [hbm4b:s1+s3], $0x80, v4, vm0, $0xb8;
	[tilespmem:$0x10100] =	vst v63  }
0x345: {  	s0 =	simm.s32 $0x1900  }
0x346: {  	[tilespmem:s0], [sflag:$0x1] =	stream.indirect_vreg.gather [hbm4b:s1+s3], $0x80, v3, vm0, $0xb8;
	[tilespmem:$0x10100] =	vst v63  }
0x347: {  	v3 =	vld [tilespmem:$0x20];
	_ =	sdelay $0x4  }
0x348: {  	v18 =	vshll.u32 v3, $0x1  }
0x349: {  	v3 =	vand.u32 $0x7, v3;
	v4 =	vand.u32 $0xFFFFFFF0, v18  }
0x34a: {  	v3 =	vor.u32 v3, v4  }
0x34b: {  	v4 =	vperm.xlane v3, v0;
	_ =	sdelay $0x1  }
0x34c: {  	v3 =	vperm.xlane v3, v2;
	v4 =	vadd.s32 v1, v4;
	_ =	sdelay $0x1  }
0x34d: {  	v3 =	vadd.s32 v1, v3;
	_ =	sdelay $0x2  }
0x34e: {  	[tilespmem:s20], [sflag:$0x1] =	stream.indirect_vreg.gather [hbm4b:s1+s3], $0x80, v4, vm0, $0xb8;
	[tilespmem:$0x10100] =	vst v63  }
0x34f: {  	s7 =	simm.s32 $0x2900  }
0x350: {  	[tilespmem:s7], [sflag:$0x1] =	stream.indirect_vreg.gather [hbm4b:s1+s3], $0x80, v3, vm0, $0xb8;
	[tilespmem:$0x10100] =	vst v63  }
0x351: {  	v3 =	vld [tilespmem:$0x30];
	_ =	sdelay $0x4  }
0x352: {  	v19 =	vshll.u32 v3, $0x1  }
0x353: {  	v3 =	vand.u32 $0x7, v3;
	v4 =	vand.u32 $0xFFFFFFF0, v19  }
0x354: {  	v3 =	vor.u32 v3, v4  }
0x355: {  	v4 =	vperm.xlane v3, v0;
	_ =	sdelay $0x1  }
0x356: {  	v3 =	vperm.xlane v3, v2;
	v4 =	vadd.s32 v1, v4;
	_ =	sdelay $0x1  }
0x357: {  	v3 =	vadd.s32 v1, v3;
	_ =	sdelay $0x2  }
0x358: {  	[tilespmem:s9], [sflag:$0x1] =	stream.indirect_vreg.gather [hbm4b:s1+s3], $0x80, v4, vm0, $0xb8;
	[tilespmem:$0x10100] =	vst v63  }
0x359: {  	s9 =	simm.s32 $0x3900  }
0x35a: {  	[tilespmem:s9], [sflag:$0x1] =	stream.indirect_vreg.gather [hbm4b:s1+s3], $0x80, v3, vm0, $0xb8;
	[tilespmem:$0x10100] =	vst v63  }
0x35b: {  	v3 =	vld [tilespmem:$0x40];
	_ =	sdelay $0x4  }
0x35c: {  	v20 =	vshll.u32 v3, $0x1  }
0x35d: {  	v3 =	vand.u32 $0x7, v3;
	v4 =	vand.u32 $0xFFFFFFF0, v20  }
0x35e: {  	v3 =	vor.u32 v3, v4  }
0x35f: {  	v4 =	vperm.xlane v3, v0;
	_ =	sdelay $0x1  }
0x360: {  	v3 =	vperm.xlane v3, v2;
	v4 =	vadd.s32 v1, v4;
	_ =	sdelay $0x1  }
0x361: {  	v3 =	vadd.s32 v1, v3;
	_ =	sdelay $0x2  }
0x362: {  	[tilespmem:s10], [sflag:$0x1] =	stream.indirect_vreg.gather [hbm4b:s1+s3], $0x80, v4, vm0, $0xb8;
	[tilespmem:$0x10100] =	vst v63  }
0x363: {  	s10 =	simm.s32 $0x4900  }
0x364: {  	[tilespmem:s10], [sflag:$0x1] =	stream.indirect_vreg.gather [hbm4b:s1+s3], $0x80, v3, vm0, $0xb8;
	[tilespmem:$0x10100] =	vst v63  }
0x365: {  	v3 =	vld [tilespmem:$0x50];
	_ =	sdelay $0x4  }
0x366: {  	v21 =	vshll.u32 v3, $0x1  }
0x367: {  	v3 =	vand.u32 $0x7, v3;
	v4 =	vand.u32 $0xFFFFFFF0, v21  }
0x368: {  	v3 =	vor.u32 v3, v4  }
0x369: {  	v4 =	vperm.xlane v3, v0;
	_ =	sdelay $0x1  }
0x36a: {  	v3 =	vperm.xlane v3, v2;
	v4 =	vadd.s32 v1, v4;
	_ =	sdelay $0x1  }
0x36b: {  	v3 =	vadd.s32 v1, v3;
	_ =	sdelay $0x2  }
0x36c: {  	[tilespmem:s22], [sflag:$0x1] =	stream.indirect_vreg.gather [hbm4b:s1+s3], $0x80, v4, vm0, $0xb8;
	[tilespmem:$0x10100] =	vst v63  }
0x36d: {  	s4 =	simm.s32 $0x5900  }
0x36e: {  	[tilespmem:s4], [sflag:$0x1] =	stream.indirect_vreg.gather [hbm4b:s1+s3], $0x80, v3, vm0, $0xb8;
	[tilespmem:$0x10100] =	vst v63  }
0x36f: {  	v3 =	vld [tilespmem:$0x60];
	_ =	sdelay $0x4  }
0x370: {  	v22 =	vshll.u32 v3, $0x1  }
0x371: {  	v3 =	vand.u32 $0x7, v3;
	v4 =	vand.u32 $0xFFFFFFF0, v22  }
0x372: {  	v3 =	vor.u32 v3, v4  }
0x373: {  	v4 =	vperm.xlane v3, v0;
	_ =	sdelay $0x1  }
0x374: {  	v3 =	vperm.xlane v3, v2;
	v4 =	vadd.s32 v1, v4;
	_ =	sdelay $0x1  }
0x375: {  	v3 =	vadd.s32 v1, v3;
	_ =	sdelay $0x1  }
0x376: {  	s20 =	simm.s32 $0x6100  }
0x377: {  	[tilespmem:s20], [sflag:$0x1] =	stream.indirect_vreg.gather [hbm4b:s1+s3], $0x80, v4, vm0, $0xb8;
	[tilespmem:$0x10100] =	vst v63  }
0x378: {  	_ = 	snop  }
0x379: {  	[tilespmem:s8], [sflag:$0x1] =	stream.indirect_vreg.gather [hbm4b:s1+s3], $0x80, v3, vm0, $0xb8;
	[tilespmem:$0x10100] =	vst v63  }
0x37a: {  	v3 =	vld [tilespmem:$0x70];
	_ =	sdelay $0x4  }
0x37b: {  	v23 =	vshll.u32 v3, $0x1  }
0x37c: {  	v3 =	vand.u32 $0x7, v3;
	v4 =	vand.u32 $0xFFFFFFF0, v23  }
0x37d: {  	v3 =	vor.u32 v3, v4  }
0x37e: {  	v4 =	vperm.xlane v3, v0;
	_ =	sdelay $0x1  }
0x37f: {  	v3 =	vperm.xlane v3, v2;
	v4 =	vadd.s32 v1, v4;
	_ =	sdelay $0x1  }
0x380: {  	v3 =	vadd.s32 v1, v3;
	_ =	sdelay $0x1  }
0x381: {  	s22 =	simm.s32 $0x7100  }
0x382: {  	[tilespmem:s22], [sflag:$0x1] =	stream.indirect_vreg.gather [hbm4b:s1+s3], $0x80, v4, vm0, $0xb8;
	[tilespmem:$0x10100] =	vst v63  }
0x383: {  	_ = 	snop  }
0x384: {  	[tilespmem:s21], [sflag:$0x1] =	stream.indirect_vreg.gather [hbm4b:s1+s3], $0x80, v3, vm0, $0xb8;
	[tilespmem:$0x10100] =	vst v63  }
0x385: {  	_ =	swait.ge [sflag:s12], $0x8000  }
0x386: {  	s15 =	sld [smem:$0x7EC];
	_ =	sdelay $0x2  }
0x387: {  	s16 =	rddreg [dreg:$0x1f];
	[sflag:s12] =	ssyncset.done $0x0;
	p1 =	seq.s32 s15, $0x1  }
0x388: {  	[sflag:s12] =	ssyncadd.s32 $0xFFFF8000;
	s17 =	simm.s32 @p1 $0x0;
	s18 =	simm.s32 @p1 $0x8100  }
0x389: {  	[hbm4b:s16+s17] =	stream.linear.scatter @p1 [tilespmem:s18], [sflag:$0x3], $0x8000, $0x38;
	[tilespmem:$0x10100] =	vst v63  }
0x38a: {  	s16 =	simm.s32 @p1 $0x3  }
0x38b: {  	_ =	swait.ge @p1 [sflag:s16], $0x8000  }
0x38c: {  	[sflag:s16] =	ssyncset.done @p1 $0x0  }
0x38d: {  	[sflag:s16] =	ssyncadd.s32 @p1 $0xFFFF8000;
	s16 =	sld [smem:$0x7EE];
	_ =	sdelay $0x2  }
0x38e: {  	p1 =	seq.s32 s16, $0x1  }
0x38f: {  	s17 =	rddreg [dreg:$0x1e];
	s16 =	simm.s32 @!p1 $0x0;
	s18 =	simm.s32 @!p1 $0x8100  }
0x390: {  	[hbm4b:s17+s16] =	stream.linear.scatter @!p1 [tilespmem:s18], [sflag:$0x3], $0x8000, $0x38;
	[tilespmem:$0x10100] =	vst v63  }
0x391: {  	s16 =	simm.s32 @!p1 $0x3  }
0x392: {  	_ =	swait.ge @!p1 [sflag:s16], $0x8000  }
0x393: {  	s17 =	sld [smem:$0x7C6]  }
0x394: {  	[sflag:s16] =	ssyncset.done @!p1 $0x0  }
0x395: {  	s21 =	simm.s32 @!p4 $0x8100;
	[sflag:s16] =	ssyncadd.s32 @!p1 $0xFFFF8000  }
0x396: {  	[hbm4b:s17+s14] =	stream.linear.scatter @!p4 [tilespmem:s21], [sflag:$0x3], $0x8000, $0x38;
	[tilespmem:$0x10100] =	vst v63  }
0x397: {  	_ =	swait.ge @!p4 [sflag:s13], $0x8000  }
0x398: {  	s18 =	sld [smem:$0x7DF]  }
0x399: {  	[sflag:s13] =	ssyncset.done @!p4 $0x0  }
0x39a: {  	s4 =	simm.s32 $0x80;
	[sflag:s13] =	ssyncadd.s32 @!p4 $0xFFFF8000  }
0x39b: {  	[tilespmem:s4], [sflag:$0x3] =	stream.linear.gather [hbm4b:s18+s3], $0x80, $0x38;
	[tilespmem:$0x10100] =	vst v63  }
0x39c: {  	_ =	swait.ge [sflag:s5], $0x80  }
0x39d: {  	[sflag:s5] =	ssyncset.done $0x0  }
0x39e: {  	[sflag:s5] =	ssyncadd.s32 $0xFFFFFF80  }
0x39f: {  	v3 =	vld [tilespmem:$0x80];
	_ =	sdelay $0x4  }
0x3a0: {  	v24 =	vshll.u32 v3, $0x1  }
0x3a1: {  	v3 =	vand.u32 $0x7, v3;
	v4 =	vand.u32 $0xFFFFFFF0, v24  }
0x3a2: {  	v3 =	vor.u32 v3, v4  }
0x3a3: {  	v4 =	vperm.xlane v3, v0;
	_ =	sdelay $0x1  }
0x3a4: {  	v3 =	vperm.xlane v3, v2;
	v4 =	vadd.s32 v1, v4;
	_ =	sdelay $0x1  }
0x3a5: {  	v3 =	vadd.s32 v1, v3;
	_ =	sdelay $0x1  }
0x3a6: {  	s16 =	simm.s32 $0x8100  }
0x3a7: {  	[tilespmem:s16], [sflag:$0x2] =	stream.indirect_vreg.gather [hbm4b:s1+s3], $0x80, v4, vm0, $0xb8;
	[tilespmem:$0x10100] =	vst v63  }
0x3a8: {  	_ = 	snop  }
0x3a9: {  	[tilespmem:s6], [sflag:$0x2] =	stream.indirect_vreg.gather [hbm4b:s1+s3], $0x80, v3, vm0, $0xb8;
	[tilespmem:$0x10100] =	vst v63  }
0x3aa: {  	v3 =	vld [tilespmem:$0x90];
	_ =	sdelay $0x4  }
0x3ab: {  	v25 =	vshll.u32 v3, $0x1  }
0x3ac: {  	v3 =	vand.u32 $0x7, v3;
	v4 =	vand.u32 $0xFFFFFFF0, v25  }
0x3ad: {  	v3 =	vor.u32 v3, v4  }
0x3ae: {  	v4 =	vperm.xlane v3, v0;
	_ =	sdelay $0x1  }
0x3af: {  	v3 =	vperm.xlane v3, v2;
	v4 =	vadd.s32 v1, v4;
	_ =	sdelay $0x1  }
0x3b0: {  	v3 =	vadd.s32 v1, v3;
	_ =	sdelay $0x1  }
0x3b1: {  	s2 =	simm.s32 $0x9100  }
0x3b2: {  	[tilespmem:s2], [sflag:$0x2] =	stream.indirect_vreg.gather [hbm4b:s1+s3], $0x80, v4, vm0, $0xb8;
	[tilespmem:$0x10100] =	vst v63  }
0x3b3: {  	_ = 	snop  }
0x3b4: {  	[tilespmem:s19], [sflag:$0x2] =	stream.indirect_vreg.gather [hbm4b:s1+s3], $0x80, v3, vm0, $0xb8;
	[tilespmem:$0x10100] =	vst v63  }
0x3b5: {  	v3 =	vld [tilespmem:$0xA0];
	_ =	sdelay $0x4  }
0x3b6: {  	v26 =	vshll.u32 v3, $0x1  }
0x3b7: {  	v3 =	vand.u32 $0x7, v3;
	v4 =	vand.u32 $0xFFFFFFF0, v26  }
0x3b8: {  	v3 =	vor.u32 v3, v4  }
0x3b9: {  	v4 =	vperm.xlane v3, v0;
	_ =	sdelay $0x1  }
0x3ba: {  	v3 =	vperm.xlane v3, v2;
	v4 =	vadd.s32 v1, v4;
	_ =	sdelay $0x1  }
0x3bb: {  	v3 =	vadd.s32 v1, v3;
	_ =	sdelay $0x2  }
0x3bc: {  	[tilespmem:s25], [sflag:$0x2] =	stream.indirect_vreg.gather [hbm4b:s1+s3], $0x80, v4, vm0, $0xb8;
	[tilespmem:$0x10100] =	vst v63  }
0x3bd: {  	s25 =	simm.s32 $0xA900  }
0x3be: {  	[tilespmem:s25], [sflag:$0x2] =	stream.indirect_vreg.gather [hbm4b:s1+s3], $0x80, v3, vm0, $0xb8;
	[tilespmem:$0x10100] =	vst v63  }
0x3bf: {  	v3 =	vld [tilespmem:$0xB0];
	_ =	sdelay $0x4  }
0x3c0: {  	v27 =	vshll.u32 v3, $0x1  }
0x3c1: {  	v3 =	vand.u32 $0x7, v3;
	v4 =	vand.u32 $0xFFFFFFF0, v27  }
0x3c2: {  	v3 =	vor.u32 v3, v4  }
0x3c3: {  	v4 =	vperm.xlane v3, v0;
	_ =	sdelay $0x1  }
0x3c4: {  	v3 =	vperm.xlane v3, v2;
	v4 =	vadd.s32 v1, v4;
	_ =	sdelay $0x1  }
0x3c5: {  	v3 =	vadd.s32 v1, v3;
	_ =	sdelay $0x2  }
0x3c6: {  	[tilespmem:s26], [sflag:$0x2] =	stream.indirect_vreg.gather [hbm4b:s1+s3], $0x80, v4, vm0, $0xb8;
	[tilespmem:$0x10100] =	vst v63  }
0x3c7: {  	s26 =	simm.s32 $0xB900  }
0x3c8: {  	[tilespmem:s26], [sflag:$0x2] =	stream.indirect_vreg.gather [hbm4b:s1+s3], $0x80, v3, vm0, $0xb8;
	[tilespmem:$0x10100] =	vst v63  }
0x3c9: {  	v3 =	vld [tilespmem:$0xC0];
	_ =	sdelay $0x4  }
0x3ca: {  	v28 =	vshll.u32 v3, $0x1  }
0x3cb: {  	v3 =	vand.u32 $0x7, v3;
	v4 =	vand.u32 $0xFFFFFFF0, v28  }
0x3cc: {  	v3 =	vor.u32 v3, v4  }
0x3cd: {  	v4 =	vperm.xlane v3, v0;
	_ =	sdelay $0x1  }
0x3ce: {  	v3 =	vperm.xlane v3, v2;
	v4 =	vadd.s32 v1, v4;
	_ =	sdelay $0x1  }
0x3cf: {  	v3 =	vadd.s32 v1, v3;
	_ =	sdelay $0x2  }
0x3d0: {  	[tilespmem:s28], [sflag:$0x2] =	stream.indirect_vreg.gather [hbm4b:s1+s3], $0x80, v4, vm0, $0xb8;
	[tilespmem:$0x10100] =	vst v63  }
0x3d1: {  	s28 =	simm.s32 $0xC900  }
0x3d2: {  	[tilespmem:s28], [sflag:$0x2] =	stream.indirect_vreg.gather [hbm4b:s1+s3], $0x80, v3, vm0, $0xb8;
	[tilespmem:$0x10100] =	vst v63  }
0x3d3: {  	v3 =	vld [tilespmem:$0xD0];
	_ =	sdelay $0x4  }
0x3d4: {  	v29 =	vshll.u32 v3, $0x1  }
0x3d5: {  	v3 =	vand.u32 $0x7, v3;
	v4 =	vand.u32 $0xFFFFFFF0, v29  }
0x3d6: {  	v3 =	vor.u32 v3, v4  }
0x3d7: {  	v4 =	vperm.xlane v3, v0;
	_ =	sdelay $0x1  }
0x3d8: {  	v3 =	vperm.xlane v3, v2;
	v4 =	vadd.s32 v1, v4;
	_ =	sdelay $0x1  }
0x3d9: {  	v3 =	vadd.s32 v1, v3;
	_ =	sdelay $0x2  }
0x3da: {  	[tilespmem:s29], [sflag:$0x2] =	stream.indirect_vreg.gather [hbm4b:s1+s3], $0x80, v4, vm0, $0xb8;
	[tilespmem:$0x10100] =	vst v63  }
0x3db: {  	s29 =	simm.s32 $0xD900  }
0x3dc: {  	[tilespmem:s29], [sflag:$0x2] =	stream.indirect_vreg.gather [hbm4b:s1+s3], $0x80, v3, vm0, $0xb8;
	[tilespmem:$0x10100] =	vst v63  }
0x3dd: {  	v3 =	vld [tilespmem:$0xE0];
	_ =	sdelay $0x4  }
0x3de: {  	v30 =	vshll.u32 v3, $0x1  }
0x3df: {  	v3 =	vand.u32 $0x7, v3;
	v4 =	vand.u32 $0xFFFFFFF0, v30  }
0x3e0: {  	v3 =	vor.u32 v3, v4  }
0x3e1: {  	v4 =	vperm.xlane v3, v0;
	_ =	sdelay $0x1  }
0x3e2: {  	v3 =	vperm.xlane v3, v2;
	v4 =	vadd.s32 v1, v4;
	_ =	sdelay $0x1  }
0x3e3: {  	v3 =	vadd.s32 v1, v3;
	_ =	sdelay $0x2  }
0x3e4: {  	[tilespmem:s30], [sflag:$0x2] =	stream.indirect_vreg.gather [hbm4b:s1+s3], $0x80, v4, vm0, $0xb8;
	[tilespmem:$0x10100] =	vst v63  }
0x3e5: {  	s30 =	simm.s32 $0xE900  }
0x3e6: {  	[tilespmem:s30], [sflag:$0x2] =	stream.indirect_vreg.gather [hbm4b:s1+s3], $0x80, v3, vm0, $0xb8;
	[tilespmem:$0x10100] =	vst v63  }
0x3e7: {  	v3 =	vld [tilespmem:$0xF0];
	_ =	sdelay $0x4  }
0x3e8: {  	v31 =	vshll.u32 v3, $0x1  }
0x3e9: {  	v3 =	vand.u32 $0x7, v3;
	v4 =	vand.u32 $0xFFFFFFF0, v31  }
0x3ea: {  	v3 =	vor.u32 v3, v4  }
0x3eb: {  	v4 =	vperm.xlane v3, v0;
	_ =	sdelay $0x1  }
0x3ec: {  	v3 =	vperm.xlane v3, v2;
	v4 =	vadd.s32 v1, v4;
	_ =	sdelay $0x1  }
0x3ed: {  	v3 =	vadd.s32 v1, v3;
	_ =	sdelay $0x2  }
0x3ee: {  	[tilespmem:s31], [sflag:$0x2] =	stream.indirect_vreg.gather [hbm4b:s1+s3], $0x80, v4, vm0, $0xb8;
	[tilespmem:$0x10100] =	vst v63  }
0x3ef: {  	s31 =	simm.s32 $0xF900  }
0x3f0: {  	[tilespmem:s31], [sflag:$0x2] =	stream.indirect_vreg.gather [hbm4b:s1+s3], $0x80, v3, vm0, $0xb8;
	[tilespmem:$0x10100] =	vst v63  }
0x3f1: {  	_ =	swait.ge [sflag:s11], $0x8000  }
0x3f2: {  	s19 =	sld [smem:$0x7EF];
	_ =	sdelay $0x1  }
0x3f3: {  	s17 =	sld [smem:$0x7C8]  }
0x3f4: {  	[sflag:s11] =	ssyncset.done $0x0;
	p1 =	seq.s32 s19, $0x1  }
0x3f5: {  	[sflag:s11] =	ssyncadd.s32 $0xFFFF8000;
	s18 =	simm.s32 @p1 $0x0;
	s19 =	simm.s32 @p1 $0x100  }
0x3f6: {  	[hbm4b:s17+s18] =	stream.linear.scatter @p1 [tilespmem:s19], [sflag:$0x3], $0x8000, $0x38;
	[tilespmem:$0x10100] =	vst v63  }
0x3f7: {  	s17 =	simm.s32 @p1 $0x3  }
0x3f8: {  	_ =	swait.ge @p1 [sflag:s17], $0x8000  }
0x3f9: {  	s8 =	sld [smem:$0x7F1];
	_ =	sdelay $0x1  }
0x3fa: {  	s18 =	sld [smem:$0x7C7];
	[sflag:s17] =	ssyncset.done @p1 $0x0  }
0x3fb: {  	[sflag:s17] =	ssyncadd.s32 @p1 $0xFFFF8000;
	p1 =	seq.s32 s8, $0x1  }
0x3fc: {  	s17 =	simm.s32 @!p1 $0x0;
	s19 =	simm.s32 @!p1 $0x100  }
0x3fd: {  	[hbm4b:s18+s17] =	stream.linear.scatter @!p1 [tilespmem:s19], [sflag:$0x3], $0x8000, $0x38;
	[tilespmem:$0x10100] =	vst v63  }
0x3fe: {  	s17 =	simm.s32 @!p1 $0x3  }
0x3ff: {  	_ =	swait.ge @!p1 [sflag:s17], $0x8000  }
0x400: {  	s18 =	sld [smem:$0x7C9]  }
0x401: {  	[sflag:s17] =	ssyncset.done @!p1 $0x0  }
0x402: {  	s6 =	simm.s32 @!p4 $0x100;
	[sflag:s17] =	ssyncadd.s32 @!p1 $0xFFFF8000  }
0x403: {  	[hbm4b:s18+s14] =	stream.linear.scatter @!p4 [tilespmem:s6], [sflag:$0x3], $0x8000, $0x38;
	[tilespmem:$0x10100] =	vst v63  }
0x404: {  	_ =	swait.ge @!p4 [sflag:s13], $0x8000  }
0x405: {  	s15 =	sld [smem:$0x7E0]  }
0x406: {  	[sflag:s13] =	ssyncset.done @!p4 $0x0  }
0x407: {  	[sflag:s13] =	ssyncadd.s32 @!p4 $0xFFFF8000  }
0x408: {  	[tilespmem:s3], [sflag:$0x3] =	stream.linear.gather [hbm4b:s15+s3], $0x80, $0x38;
	[tilespmem:$0x10100] =	vst v63  }
0x409: {  	_ =	swait.ge [sflag:s5], $0x80  }
0x40a: {  	[sflag:s5] =	ssyncset.done $0x0  }
0x40b: {  	[sflag:s5] =	ssyncadd.s32 $0xFFFFFF80  }
0x40c: {  	v3 =	vld [tilespmem:$0x0];
	_ =	sdelay $0x4  }
0x40d: {  	v32 =	vshll.u32 v3, $0x1  }
0x40e: {  	v3 =	vand.u32 $0x7, v3;
	v4 =	vand.u32 $0xFFFFFFF0, v32  }
0x40f: {  	v3 =	vor.u32 v3, v4  }
0x410: {  	v4 =	vperm.xlane v3, v0;
	_ =	sdelay $0x1  }
0x411: {  	v3 =	vperm.xlane v3, v2;
	v4 =	vadd.s32 v1, v4;
	_ =	sdelay $0x1  }
0x412: {  	v3 =	vadd.s32 v1, v3;
	_ =	sdelay $0x2  }
0x413: {  	[tilespmem:s23], [sflag:$0x1] =	stream.indirect_vreg.gather [hbm4b:s1+s3], $0x80, v4, vm0, $0xb8;
	[tilespmem:$0x10100] =	vst v63  }
0x414: {  	_ = 	snop  }
0x415: {  	[tilespmem:s24], [sflag:$0x1] =	stream.indirect_vreg.gather [hbm4b:s1+s3], $0x80, v3, vm0, $0xb8;
	[tilespmem:$0x10100] =	vst v63  }
0x416: {  	v3 =	vld [tilespmem:$0x10];
	_ =	sdelay $0x4  }
0x417: {  	v33 =	vshll.u32 v3, $0x1  }
0x418: {  	v3 =	vand.u32 $0x7, v3;
	v4 =	vand.u32 $0xFFFFFFF0, v33  }
0x419: {  	v3 =	vor.u32 v3, v4  }
0x41a: {  	v4 =	vperm.xlane v3, v0;
	_ =	sdelay $0x1  }
0x41b: {  	v3 =	vperm.xlane v3, v2;
	v4 =	vadd.s32 v1, v4;
	_ =	sdelay $0x1  }
0x41c: {  	v3 =	vadd.s32 v1, v3;
	_ =	sdelay $0x1  }
0x41d: {  	s15 =	simm.s32 $0x1100  }
0x41e: {  	[tilespmem:s15], [sflag:$0x1] =	stream.indirect_vreg.gather [hbm4b:s1+s3], $0x80, v4, vm0, $0xb8;
	[tilespmem:$0x10100] =	vst v63  }
0x41f: {  	_ = 	snop  }
0x420: {  	[tilespmem:s0], [sflag:$0x1] =	stream.indirect_vreg.gather [hbm4b:s1+s3], $0x80, v3, vm0, $0xb8;
	[tilespmem:$0x10100] =	vst v63  }
0x421: {  	v3 =	vld [tilespmem:$0x20];
	_ =	sdelay $0x4  }
0x422: {  	v34 =	vshll.u32 v3, $0x1  }
0x423: {  	v3 =	vand.u32 $0x7, v3;
	v4 =	vand.u32 $0xFFFFFFF0, v34  }
0x424: {  	v3 =	vor.u32 v3, v4  }
0x425: {  	v4 =	vperm.xlane v3, v0;
	_ =	sdelay $0x1  }
0x426: {  	v3 =	vperm.xlane v3, v2;
	v4 =	vadd.s32 v1, v4;
	_ =	sdelay $0x1  }
0x427: {  	v3 =	vadd.s32 v1, v3;
	_ =	sdelay $0x1  }
0x428: {  	s8 =	simm.s32 $0x2100  }
0x429: {  	[tilespmem:s8], [sflag:$0x1] =	stream.indirect_vreg.gather [hbm4b:s1+s3], $0x80, v4, vm0, $0xb8;
	[tilespmem:$0x10100] =	vst v63  }
0x42a: {  	_ = 	snop  }
0x42b: {  	[tilespmem:s7], [sflag:$0x1] =	stream.indirect_vreg.gather [hbm4b:s1+s3], $0x80, v3, vm0, $0xb8;
	[tilespmem:$0x10100] =	vst v63  }
0x42c: {  	v3 =	vld [tilespmem:$0x30];
	_ =	sdelay $0x4  }
0x42d: {  	v35 =	vshll.u32 v3, $0x1  }
0x42e: {  	v3 =	vand.u32 $0x7, v3;
	v4 =	vand.u32 $0xFFFFFFF0, v35  }
0x42f: {  	v3 =	vor.u32 v3, v4  }
0x430: {  	v4 =	vperm.xlane v3, v0;
	_ =	sdelay $0x1  }
0x431: {  	v3 =	vperm.xlane v3, v2;
	v4 =	vadd.s32 v1, v4;
	_ =	sdelay $0x1  }
0x432: {  	v3 =	vadd.s32 v1, v3;
	_ =	sdelay $0x1  }
0x433: {  	s7 =	simm.s32 $0x3100  }
0x434: {  	[tilespmem:s7], [sflag:$0x1] =	stream.indirect_vreg.gather [hbm4b:s1+s3], $0x80, v4, vm0, $0xb8;
	[tilespmem:$0x10100] =	vst v63  }
0x435: {  	_ = 	snop  }
0x436: {  	[tilespmem:s9], [sflag:$0x1] =	stream.indirect_vreg.gather [hbm4b:s1+s3], $0x80, v3, vm0, $0xb8;
	[tilespmem:$0x10100] =	vst v63  }
0x437: {  	v3 =	vld [tilespmem:$0x40];
	_ =	sdelay $0x4  }
0x438: {  	v36 =	vshll.u32 v3, $0x1  }
0x439: {  	v3 =	vand.u32 $0x7, v3;
	v4 =	vand.u32 $0xFFFFFFF0, v36  }
0x43a: {  	v3 =	vor.u32 v3, v4  }
0x43b: {  	v4 =	vperm.xlane v3, v0;
	_ =	sdelay $0x1  }
0x43c: {  	v3 =	vperm.xlane v3, v2;
	v4 =	vadd.s32 v1, v4;
	_ =	sdelay $0x1  }
0x43d: {  	v3 =	vadd.s32 v1, v3;
	_ =	sdelay $0x1  }
0x43e: {  	s9 =	simm.s32 $0x4100  }
0x43f: {  	[tilespmem:s9], [sflag:$0x1] =	stream.indirect_vreg.gather [hbm4b:s1+s3], $0x80, v4, vm0, $0xb8;
	[tilespmem:$0x10100] =	vst v63  }
0x440: {  	_ = 	snop  }
0x441: {  	[tilespmem:s10], [sflag:$0x1] =	stream.indirect_vreg.gather [hbm4b:s1+s3], $0x80, v3, vm0, $0xb8;
	[tilespmem:$0x10100] =	vst v63  }
0x442: {  	v3 =	vld [tilespmem:$0x50];
	_ =	sdelay $0x4  }
0x443: {  	v37 =	vshll.u32 v3, $0x1  }
0x444: {  	v3 =	vand.u32 $0x7, v3;
	v4 =	vand.u32 $0xFFFFFFF0, v37  }
0x445: {  	v3 =	vor.u32 v3, v4  }
0x446: {  	v4 =	vperm.xlane v3, v0;
	_ =	sdelay $0x1  }
0x447: {  	v3 =	vperm.xlane v3, v2;
	v4 =	vadd.s32 v1, v4;
	_ =	sdelay $0x1  }
0x448: {  	v3 =	vadd.s32 v1, v3;
	_ =	sdelay $0x1  }
0x449: {  	s10 =	simm.s32 $0x5100  }
0x44a: {  	[tilespmem:s10], [sflag:$0x1] =	stream.indirect_vreg.gather [hbm4b:s1+s3], $0x80, v4, vm0, $0xb8;
	[tilespmem:$0x10100] =	vst v63  }
0x44b: {  	s18 =	simm.s32 $0x5900  }
0x44c: {  	[tilespmem:s18], [sflag:$0x1] =	stream.indirect_vreg.gather [hbm4b:s1+s3], $0x80, v3, vm0, $0xb8;
	[tilespmem:$0x10100] =	vst v63  }
0x44d: {  	v3 =	vld [tilespmem:$0x60];
	_ =	sdelay $0x4  }
0x44e: {  	v38 =	vshll.u32 v3, $0x1  }
0x44f: {  	v3 =	vand.u32 $0x7, v3;
	v4 =	vand.u32 $0xFFFFFFF0, v38  }
0x450: {  	v3 =	vor.u32 v3, v4  }
0x451: {  	v4 =	vperm.xlane v3, v0;
	_ =	sdelay $0x1  }
0x452: {  	v3 =	vperm.xlane v3, v2;
	v4 =	vadd.s32 v1, v4;
	_ =	sdelay $0x1  }
0x453: {  	v3 =	vadd.s32 v1, v3;
	_ =	sdelay $0x2  }
0x454: {  	[tilespmem:s20], [sflag:$0x1] =	stream.indirect_vreg.gather [hbm4b:s1+s3], $0x80, v4, vm0, $0xb8;
	[tilespmem:$0x10100] =	vst v63  }
0x455: {  	s0 =	simm.s32 $0x6900  }
0x456: {  	[tilespmem:s0], [sflag:$0x1] =	stream.indirect_vreg.gather [hbm4b:s1+s3], $0x80, v3, vm0, $0xb8;
	[tilespmem:$0x10100] =	vst v63  }
0x457: {  	v3 =	vld [tilespmem:$0x70];
	_ =	sdelay $0x4  }
0x458: {  	v39 =	vshll.u32 v3, $0x1  }
0x459: {  	v3 =	vand.u32 $0x7, v3;
	v4 =	vand.u32 $0xFFFFFFF0, v39  }
0x45a: {  	v3 =	vor.u32 v3, v4  }
0x45b: {  	v4 =	vperm.xlane v3, v0;
	_ =	sdelay $0x1  }
0x45c: {  	v3 =	vperm.xlane v3, v2;
	v4 =	vadd.s32 v1, v4;
	_ =	sdelay $0x1  }
0x45d: {  	v3 =	vadd.s32 v1, v3;
	_ =	sdelay $0x2  }
0x45e: {  	[tilespmem:s22], [sflag:$0x1] =	stream.indirect_vreg.gather [hbm4b:s1+s3], $0x80, v4, vm0, $0xb8;
	[tilespmem:$0x10100] =	vst v63  }
0x45f: {  	s19 =	simm.s32 $0x7900  }
0x460: {  	[tilespmem:s19], [sflag:$0x1] =	stream.indirect_vreg.gather [hbm4b:s1+s3], $0x80, v3, vm0, $0xb8;
	[tilespmem:$0x10100] =	vst v63  }
0x461: {  	_ =	swait.ge [sflag:s12], $0x8000  }
0x462: {  	s24 =	sld [smem:$0x7E7];
	_ =	sdelay $0x1  }
0x463: {  	s17 =	sld [smem:$0x7CB]  }
0x464: {  	[sflag:s12] =	ssyncset.done $0x0;
	p1 =	seq.s32 s24, $0x1  }
0x465: {  	[sflag:s12] =	ssyncadd.s32 $0xFFFF8000;
	s18 =	simm.s32 @p1 $0x0;
	s19 =	simm.s32 @p1 $0x8100  }
0x466: {  	[hbm4b:s17+s18] =	stream.linear.scatter @p1 [tilespmem:s19], [sflag:$0x3], $0x8000, $0x38;
	[tilespmem:$0x10100] =	vst v63  }
0x467: {  	s17 =	simm.s32 @p1 $0x3  }
0x468: {  	_ =	swait.ge @p1 [sflag:s17], $0x8000  }
0x469: {  	s19 =	sld [smem:$0x7F3];
	_ =	sdelay $0x1  }
0x46a: {  	s18 =	sld [smem:$0x7CA];
	[sflag:s17] =	ssyncset.done @p1 $0x0  }
0x46b: {  	[sflag:s17] =	ssyncadd.s32 @p1 $0xFFFF8000;
	p1 =	seq.s32 s19, $0x1  }
0x46c: {  	s17 =	simm.s32 @!p1 $0x0;
	s19 =	simm.s32 @!p1 $0x8100  }
0x46d: {  	[hbm4b:s18+s17] =	stream.linear.scatter @!p1 [tilespmem:s19], [sflag:$0x3], $0x8000, $0x38;
	[tilespmem:$0x10100] =	vst v63  }
0x46e: {  	s17 =	simm.s32 @!p1 $0x3  }
0x46f: {  	_ =	swait.ge @!p1 [sflag:s17], $0x8000  }
0x470: {  	s18 =	sld [smem:$0x7CC]  }
0x471: {  	[sflag:s17] =	ssyncset.done @!p1 $0x0  }
0x472: {  	[sflag:s17] =	ssyncadd.s32 @!p1 $0xFFFF8000  }
0x473: {  	[hbm4b:s18+s14] =	stream.linear.scatter @!p4 [tilespmem:s21], [sflag:$0x3], $0x8000, $0x38;
	[tilespmem:$0x10100] =	vst v63  }
0x474: {  	_ =	swait.ge @!p4 [sflag:s13], $0x8000  }
0x475: {  	s24 =	sld [smem:$0x7E1]  }
0x476: {  	[sflag:s13] =	ssyncset.done @!p4 $0x0  }
0x477: {  	[sflag:s13] =	ssyncadd.s32 @!p4 $0xFFFF8000  }
0x478: {  	[tilespmem:s4], [sflag:$0x3] =	stream.linear.gather [hbm4b:s24+s3], $0x80, $0x38;
	[tilespmem:$0x10100] =	vst v63  }
0x479: {  	_ =	swait.ge [sflag:s5], $0x80  }
0x47a: {  	[sflag:s5] =	ssyncset.done $0x0  }
0x47b: {  	[sflag:s5] =	ssyncadd.s32 $0xFFFFFF80  }
0x47c: {  	v3 =	vld [tilespmem:$0x80];
	_ =	sdelay $0x4  }
0x47d: {  	v40 =	vshll.u32 v3, $0x1  }
0x47e: {  	v3 =	vand.u32 $0x7, v3;
	v4 =	vand.u32 $0xFFFFFFF0, v40  }
0x47f: {  	v3 =	vor.u32 v3, v4  }
0x480: {  	v4 =	vperm.xlane v3, v0;
	_ =	sdelay $0x1  }
0x481: {  	v3 =	vperm.xlane v3, v2;
	v4 =	vadd.s32 v1, v4;
	_ =	sdelay $0x1  }
0x482: {  	v3 =	vadd.s32 v1, v3;
	_ =	sdelay $0x2  }
0x483: {  	[tilespmem:s16], [sflag:$0x2] =	stream.indirect_vreg.gather [hbm4b:s1+s3], $0x80, v4, vm0, $0xb8;
	[tilespmem:$0x10100] =	vst v63  }
0x484: {  	s17 =	simm.s32 $0x8900  }
0x485: {  	[tilespmem:s17], [sflag:$0x2] =	stream.indirect_vreg.gather [hbm4b:s1+s3], $0x80, v3, vm0, $0xb8;
	[tilespmem:$0x10100] =	vst v63  }
0x486: {  	v3 =	vld [tilespmem:$0x90];
	_ =	sdelay $0x4  }
0x487: {  	v41 =	vshll.u32 v3, $0x1  }
0x488: {  	v3 =	vand.u32 $0x7, v3;
	v4 =	vand.u32 $0xFFFFFFF0, v41  }
0x489: {  	v3 =	vor.u32 v3, v4  }
0x48a: {  	v4 =	vperm.xlane v3, v0;
	_ =	sdelay $0x1  }
0x48b: {  	v3 =	vperm.xlane v3, v2;
	v4 =	vadd.s32 v1, v4;
	_ =	sdelay $0x1  }
0x48c: {  	v3 =	vadd.s32 v1, v3;
	_ =	sdelay $0x2  }
0x48d: {  	[tilespmem:s2], [sflag:$0x2] =	stream.indirect_vreg.gather [hbm4b:s1+s3], $0x80, v4, vm0, $0xb8;
	[tilespmem:$0x10100] =	vst v63  }
0x48e: {  	s18 =	simm.s32 $0x9900  }
0x48f: {  	[tilespmem:s18], [sflag:$0x2] =	stream.indirect_vreg.gather [hbm4b:s1+s3], $0x80, v3, vm0, $0xb8;
	[tilespmem:$0x10100] =	vst v63  }
0x490: {  	v3 =	vld [tilespmem:$0xA0];
	_ =	sdelay $0x4  }
0x491: {  	v42 =	vshll.u32 v3, $0x1  }
0x492: {  	v3 =	vand.u32 $0x7, v3;
	v4 =	vand.u32 $0xFFFFFFF0, v42  }
0x493: {  	v3 =	vor.u32 v3, v4  }
0x494: {  	v4 =	vperm.xlane v3, v0;
	_ =	sdelay $0x1  }
0x495: {  	v3 =	vperm.xlane v3, v2;
	v4 =	vadd.s32 v1, v4;
	_ =	sdelay $0x1  }
0x496: {  	v3 =	vadd.s32 v1, v3;
	_ =	sdelay $0x1  }
0x497: {  	s19 =	simm.s32 $0xA100  }
0x498: {  	[tilespmem:s19], [sflag:$0x2] =	stream.indirect_vreg.gather [hbm4b:s1+s3], $0x80, v4, vm0, $0xb8;
	[tilespmem:$0x10100] =	vst v63  }
0x499: {  	_ = 	snop  }
0x49a: {  	[tilespmem:s25], [sflag:$0x2] =	stream.indirect_vreg.gather [hbm4b:s1+s3], $0x80, v3, vm0, $0xb8;
	[tilespmem:$0x10100] =	vst v63  }
0x49b: {  	v3 =	vld [tilespmem:$0xB0];
	_ =	sdelay $0x4  }
0x49c: {  	v43 =	vshll.u32 v3, $0x1  }
0x49d: {  	v3 =	vand.u32 $0x7, v3;
	v4 =	vand.u32 $0xFFFFFFF0, v43  }
0x49e: {  	v3 =	vor.u32 v3, v4  }
0x49f: {  	v4 =	vperm.xlane v3, v0;
	_ =	sdelay $0x1  }
0x4a0: {  	v3 =	vperm.xlane v3, v2;
	v4 =	vadd.s32 v1, v4;
	_ =	sdelay $0x1  }
0x4a1: {  	v3 =	vadd.s32 v1, v3;
	_ =	sdelay $0x1  }
0x4a2: {  	s25 =	simm.s32 $0xB100  }
0x4a3: {  	[tilespmem:s25], [sflag:$0x2] =	stream.indirect_vreg.gather [hbm4b:s1+s3], $0x80, v4, vm0, $0xb8;
	[tilespmem:$0x10100] =	vst v63  }
0x4a4: {  	_ = 	snop  }
0x4a5: {  	[tilespmem:s26], [sflag:$0x2] =	stream.indirect_vreg.gather [hbm4b:s1+s3], $0x80, v3, vm0, $0xb8;
	[tilespmem:$0x10100] =	vst v63  }
0x4a6: {  	v3 =	vld [tilespmem:$0xC0];
	_ =	sdelay $0x4  }
0x4a7: {  	v44 =	vshll.u32 v3, $0x1  }
0x4a8: {  	v3 =	vand.u32 $0x7, v3;
	v4 =	vand.u32 $0xFFFFFFF0, v44  }
0x4a9: {  	v3 =	vor.u32 v3, v4  }
0x4aa: {  	v4 =	vperm.xlane v3, v0;
	_ =	sdelay $0x1  }
0x4ab: {  	v3 =	vperm.xlane v3, v2;
	v4 =	vadd.s32 v1, v4;
	_ =	sdelay $0x1  }
0x4ac: {  	v3 =	vadd.s32 v1, v3;
	_ =	sdelay $0x1  }
0x4ad: {  	s26 =	simm.s32 $0xC100  }
0x4ae: {  	[tilespmem:s26], [sflag:$0x2] =	stream.indirect_vreg.gather [hbm4b:s1+s3], $0x80, v4, vm0, $0xb8;
	[tilespmem:$0x10100] =	vst v63  }
0x4af: {  	_ = 	snop  }
0x4b0: {  	[tilespmem:s28], [sflag:$0x2] =	stream.indirect_vreg.gather [hbm4b:s1+s3], $0x80, v3, vm0, $0xb8;
	[tilespmem:$0x10100] =	vst v63  }
0x4b1: {  	v3 =	vld [tilespmem:$0xD0];
	_ =	sdelay $0x4  }
0x4b2: {  	v45 =	vshll.u32 v3, $0x1  }
0x4b3: {  	v3 =	vand.u32 $0x7, v3;
	v4 =	vand.u32 $0xFFFFFFF0, v45  }
0x4b4: {  	v3 =	vor.u32 v3, v4  }
0x4b5: {  	v4 =	vperm.xlane v3, v0;
	_ =	sdelay $0x1  }
0x4b6: {  	v3 =	vperm.xlane v3, v2;
	v4 =	vadd.s32 v1, v4;
	_ =	sdelay $0x1  }
0x4b7: {  	v3 =	vadd.s32 v1, v3;
	_ =	sdelay $0x1  }
0x4b8: {  	s28 =	simm.s32 $0xD100  }
0x4b9: {  	[tilespmem:s28], [sflag:$0x2] =	stream.indirect_vreg.gather [hbm4b:s1+s3], $0x80, v4, vm0, $0xb8;
	[tilespmem:$0x10100] =	vst v63  }
0x4ba: {  	_ = 	snop  }
0x4bb: {  	[tilespmem:s29], [sflag:$0x2] =	stream.indirect_vreg.gather [hbm4b:s1+s3], $0x80, v3, vm0, $0xb8;
	[tilespmem:$0x10100] =	vst v63  }
0x4bc: {  	v3 =	vld [tilespmem:$0xE0];
	_ =	sdelay $0x4  }
0x4bd: {  	v46 =	vshll.u32 v3, $0x1  }
0x4be: {  	v3 =	vand.u32 $0x7, v3;
	v4 =	vand.u32 $0xFFFFFFF0, v46  }
0x4bf: {  	v3 =	vor.u32 v3, v4  }
0x4c0: {  	v4 =	vperm.xlane v3, v0;
	_ =	sdelay $0x1  }
0x4c1: {  	v3 =	vperm.xlane v3, v2;
	v4 =	vadd.s32 v1, v4;
	_ =	sdelay $0x1  }
0x4c2: {  	v3 =	vadd.s32 v1, v3;
	_ =	sdelay $0x1  }
0x4c3: {  	s17 =	simm.s32 $0xE100  }
0x4c4: {  	[tilespmem:s17], [sflag:$0x2] =	stream.indirect_vreg.gather [hbm4b:s1+s3], $0x80, v4, vm0, $0xb8;
	[tilespmem:$0x10100] =	vst v63  }
0x4c5: {  	_ = 	snop  }
0x4c6: {  	[tilespmem:s30], [sflag:$0x2] =	stream.indirect_vreg.gather [hbm4b:s1+s3], $0x80, v3, vm0, $0xb8;
	[tilespmem:$0x10100] =	vst v63  }
0x4c7: {  	v3 =	vld [tilespmem:$0xF0];
	_ =	sdelay $0x4  }
0x4c8: {  	v47 =	vshll.u32 v3, $0x1  }
0x4c9: {  	v3 =	vand.u32 $0x7, v3;
	v4 =	vand.u32 $0xFFFFFFF0, v47  }
0x4ca: {  	v3 =	vor.u32 v3, v4  }
0x4cb: {  	v4 =	vperm.xlane v3, v0;
	_ =	sdelay $0x1  }
0x4cc: {  	v3 =	vperm.xlane v3, v2;
	v4 =	vadd.s32 v1, v4;
	_ =	sdelay $0x1  }
0x4cd: {  	v3 =	vadd.s32 v1, v3;
	_ =	sdelay $0x1  }
0x4ce: {  	s18 =	simm.s32 $0xF100  }
0x4cf: {  	[tilespmem:s18], [sflag:$0x2] =	stream.indirect_vreg.gather [hbm4b:s1+s3], $0x80, v4, vm0, $0xb8;
	[tilespmem:$0x10100] =	vst v63  }
0x4d0: {  	_ = 	snop  }
0x4d1: {  	[tilespmem:s31], [sflag:$0x2] =	stream.indirect_vreg.gather [hbm4b:s1+s3], $0x80, v3, vm0, $0xb8;
	[tilespmem:$0x10100] =	vst v63  }
0x4d2: {  	_ =	swait.ge [sflag:s11], $0x8000  }
0x4d3: {  	s19 =	sld [smem:$0x7F4];
	_ =	sdelay $0x1  }
0x4d4: {  	s17 =	sld [smem:$0x7CE]  }
0x4d5: {  	[sflag:s11] =	ssyncset.done $0x0;
	p1 =	seq.s32 s19, $0x1  }
0x4d6: {  	[sflag:s11] =	ssyncadd.s32 $0xFFFF8000;
	s18 =	simm.s32 @p1 $0x0;
	s19 =	simm.s32 @p1 $0x100  }
0x4d7: {  	[hbm4b:s17+s18] =	stream.linear.scatter @p1 [tilespmem:s19], [sflag:$0x3], $0x8000, $0x38;
	[tilespmem:$0x10100] =	vst v63  }
0x4d8: {  	s17 =	simm.s32 @p1 $0x3  }
0x4d9: {  	_ =	swait.ge @p1 [sflag:s17], $0x8000  }
0x4da: {  	s31 =	sld [smem:$0x7F6];
	_ =	sdelay $0x1  }
0x4db: {  	s18 =	sld [smem:$0x7CD];
	[sflag:s17] =	ssyncset.done @p1 $0x0  }
0x4dc: {  	[sflag:s17] =	ssyncadd.s32 @p1 $0xFFFF8000;
	p1 =	seq.s32 s31, $0x1  }
0x4dd: {  	s17 =	simm.s32 @!p1 $0x0;
	s19 =	simm.s32 @!p1 $0x100  }
0x4de: {  	[hbm4b:s18+s17] =	stream.linear.scatter @!p1 [tilespmem:s19], [sflag:$0x3], $0x8000, $0x38;
	[tilespmem:$0x10100] =	vst v63  }
0x4df: {  	s17 =	simm.s32 @!p1 $0x3  }
0x4e0: {  	_ =	swait.ge @!p1 [sflag:s17], $0x8000  }
0x4e1: {  	s18 =	sld [smem:$0x7CF]  }
0x4e2: {  	[sflag:s17] =	ssyncset.done @!p1 $0x0  }
0x4e3: {  	[sflag:s17] =	ssyncadd.s32 @!p1 $0xFFFF8000  }
0x4e4: {  	[hbm4b:s18+s14] =	stream.linear.scatter @!p4 [tilespmem:s6], [sflag:$0x3], $0x8000, $0x38;
	[tilespmem:$0x10100] =	vst v63  }
0x4e5: {  	_ =	swait.ge @!p4 [sflag:s13], $0x8000  }
0x4e6: {  	s4 =	sld [smem:$0x7E2]  }
0x4e7: {  	[sflag:s13] =	ssyncset.done @!p4 $0x0  }
0x4e8: {  	[sflag:s13] =	ssyncadd.s32 @!p4 $0xFFFF8000  }
0x4e9: {  	[tilespmem:s3], [sflag:$0x3] =	stream.linear.gather [hbm4b:s4+s3], $0x80, $0x38;
	[tilespmem:$0x10100] =	vst v63  }
0x4ea: {  	_ =	swait.ge [sflag:s5], $0x80  }
0x4eb: {  	[sflag:s5] =	ssyncset.done $0x0  }
0x4ec: {  	[sflag:s5] =	ssyncadd.s32 $0xFFFFFF80  }
0x4ed: {  	v3 =	vld [tilespmem:$0x0];
	_ =	sdelay $0x4  }
0x4ee: {  	v48 =	vshll.u32 v3, $0x1  }
0x4ef: {  	v3 =	vand.u32 $0x7, v3;
	v4 =	vand.u32 $0xFFFFFFF0, v48  }
0x4f0: {  	v3 =	vor.u32 v3, v4  }
0x4f1: {  	v4 =	vperm.xlane v3, v0;
	_ =	sdelay $0x1  }
0x4f2: {  	v3 =	vperm.xlane v3, v2;
	v4 =	vadd.s32 v1, v4;
	_ =	sdelay $0x1  }
0x4f3: {  	v3 =	vadd.s32 v1, v3;
	_ =	sdelay $0x1  }
0x4f4: {  	s23 =	simm.s32 $0x100  }
0x4f5: {  	[tilespmem:s23], [sflag:$0x1] =	stream.indirect_vreg.gather [hbm4b:s1+s3], $0x80, v4, vm0, $0xb8;
	[tilespmem:$0x10100] =	vst v63  }
0x4f6: {  	s18 =	simm.s32 $0x900  }
0x4f7: {  	[tilespmem:s18], [sflag:$0x1] =	stream.indirect_vreg.gather [hbm4b:s1+s3], $0x80, v3, vm0, $0xb8;
	[tilespmem:$0x10100] =	vst v63  }
0x4f8: {  	v3 =	vld [tilespmem:$0x10];
	_ =	sdelay $0x4  }
0x4f9: {  	v49 =	vshll.u32 v3, $0x1  }
0x4fa: {  	v3 =	vand.u32 $0x7, v3;
	v4 =	vand.u32 $0xFFFFFFF0, v49  }
0x4fb: {  	v3 =	vor.u32 v3, v4  }
0x4fc: {  	v4 =	vperm.xlane v3, v0;
	_ =	sdelay $0x1  }
0x4fd: {  	v3 =	vperm.xlane v3, v2;
	v4 =	vadd.s32 v1, v4;
	_ =	sdelay $0x1  }
0x4fe: {  	v3 =	vadd.s32 v1, v3;
	_ =	sdelay $0x2  }
0x4ff: {  	[tilespmem:s15], [sflag:$0x1] =	stream.indirect_vreg.gather [hbm4b:s1+s3], $0x80, v4, vm0, $0xb8;
	[tilespmem:$0x10100] =	vst v63  }
0x500: {  	s19 =	simm.s32 $0x1900  }
0x501: {  	[tilespmem:s19], [sflag:$0x1] =	stream.indirect_vreg.gather [hbm4b:s1+s3], $0x80, v3, vm0, $0xb8;
	[tilespmem:$0x10100] =	vst v63  }
0x502: {  	v3 =	vld [tilespmem:$0x20];
	_ =	sdelay $0x4  }
0x503: {  	v50 =	vshll.u32 v3, $0x1  }
0x504: {  	v3 =	vand.u32 $0x7, v3;
	v4 =	vand.u32 $0xFFFFFFF0, v50  }
0x505: {  	v3 =	vor.u32 v3, v4  }
0x506: {  	v4 =	vperm.xlane v3, v0;
	_ =	sdelay $0x1  }
0x507: {  	v3 =	vperm.xlane v3, v2;
	v4 =	vadd.s32 v1, v4;
	_ =	sdelay $0x1  }
0x508: {  	v3 =	vadd.s32 v1, v3;
	_ =	sdelay $0x2  }
0x509: {  	[tilespmem:s8], [sflag:$0x1] =	stream.indirect_vreg.gather [hbm4b:s1+s3], $0x80, v4, vm0, $0xb8;
	[tilespmem:$0x10100] =	vst v63  }
0x50a: {  	s23 =	simm.s32 $0x2900  }
0x50b: {  	[tilespmem:s23], [sflag:$0x1] =	stream.indirect_vreg.gather [hbm4b:s1+s3], $0x80, v3, vm0, $0xb8;
	[tilespmem:$0x10100] =	vst v63  }
0x50c: {  	v3 =	vld [tilespmem:$0x30];
	_ =	sdelay $0x4  }
0x50d: {  	v51 =	vshll.u32 v3, $0x1  }
0x50e: {  	v3 =	vand.u32 $0x7, v3;
	v4 =	vand.u32 $0xFFFFFFF0, v51  }
0x50f: {  	v3 =	vor.u32 v3, v4  }
0x510: {  	v4 =	vperm.xlane v3, v0;
	_ =	sdelay $0x1  }
0x511: {  	v3 =	vperm.xlane v3, v2;
	v4 =	vadd.s32 v1, v4;
	_ =	sdelay $0x1  }
0x512: {  	v3 =	vadd.s32 v1, v3;
	_ =	sdelay $0x2  }
0x513: {  	[tilespmem:s7], [sflag:$0x1] =	stream.indirect_vreg.gather [hbm4b:s1+s3], $0x80, v4, vm0, $0xb8;
	[tilespmem:$0x10100] =	vst v63  }
0x514: {  	s31 =	simm.s32 $0x3900  }
0x515: {  	[tilespmem:s31], [sflag:$0x1] =	stream.indirect_vreg.gather [hbm4b:s1+s3], $0x80, v3, vm0, $0xb8;
	[tilespmem:$0x10100] =	vst v63  }
0x516: {  	v3 =	vld [tilespmem:$0x40];
	_ =	sdelay $0x4  }
0x517: {  	v52 =	vshll.u32 v3, $0x1  }
0x518: {  	v3 =	vand.u32 $0x7, v3;
	v4 =	vand.u32 $0xFFFFFFF0, v52  }
0x519: {  	v3 =	vor.u32 v3, v4  }
0x51a: {  	v4 =	vperm.xlane v3, v0;
	_ =	sdelay $0x1  }
0x51b: {  	v3 =	vperm.xlane v3, v2;
	v4 =	vadd.s32 v1, v4;
	_ =	sdelay $0x1  }
0x51c: {  	v3 =	vadd.s32 v1, v3;
	_ =	sdelay $0x2  }
0x51d: {  	[tilespmem:s9], [sflag:$0x1] =	stream.indirect_vreg.gather [hbm4b:s1+s3], $0x80, v4, vm0, $0xb8;
	[tilespmem:$0x10100] =	vst v63  }
0x51e: {  	s8 =	simm.s32 $0x4900  }
0x51f: {  	[tilespmem:s8], [sflag:$0x1] =	stream.indirect_vreg.gather [hbm4b:s1+s3], $0x80, v3, vm0, $0xb8;
	[tilespmem:$0x10100] =	vst v63  }
0x520: {  	v3 =	vld [tilespmem:$0x50];
	_ =	sdelay $0x4  }
0x521: {  	v53 =	vshll.u32 v3, $0x1  }
0x522: {  	v3 =	vand.u32 $0x7, v3;
	v4 =	vand.u32 $0xFFFFFFF0, v53  }
0x523: {  	v3 =	vor.u32 v3, v4  }
0x524: {  	v4 =	vperm.xlane v3, v0;
	_ =	sdelay $0x1  }
0x525: {  	v3 =	vperm.xlane v3, v2;
	v4 =	vadd.s32 v1, v4;
	_ =	sdelay $0x1  }
0x526: {  	v3 =	vadd.s32 v1, v3;
	_ =	sdelay $0x2  }
0x527: {  	[tilespmem:s10], [sflag:$0x1] =	stream.indirect_vreg.gather [hbm4b:s1+s3], $0x80, v4, vm0, $0xb8;
	[tilespmem:$0x10100] =	vst v63  }
0x528: {  	s9 =	simm.s32 $0x5900  }
0x529: {  	[tilespmem:s9], [sflag:$0x1] =	stream.indirect_vreg.gather [hbm4b:s1+s3], $0x80, v3, vm0, $0xb8;
	[tilespmem:$0x10100] =	vst v63  }
0x52a: {  	v3 =	vld [tilespmem:$0x60];
	_ =	sdelay $0x4  }
0x52b: {  	v54 =	vshll.u32 v3, $0x1  }
0x52c: {  	v3 =	vand.u32 $0x7, v3;
	v4 =	vand.u32 $0xFFFFFFF0, v54  }
0x52d: {  	v3 =	vor.u32 v3, v4  }
0x52e: {  	v4 =	vperm.xlane v3, v0;
	_ =	sdelay $0x1  }
0x52f: {  	v3 =	vperm.xlane v3, v2;
	v4 =	vadd.s32 v1, v4;
	_ =	sdelay $0x1  }
0x530: {  	v3 =	vadd.s32 v1, v3;
	_ =	sdelay $0x1  }
0x531: {  	s20 =	simm.s32 $0x6100  }
0x532: {  	[tilespmem:s20], [sflag:$0x1] =	stream.indirect_vreg.gather [hbm4b:s1+s3], $0x80, v4, vm0, $0xb8;
	[tilespmem:$0x10100] =	vst v63  }
0x533: {  	_ = 	snop  }
0x534: {  	[tilespmem:s0], [sflag:$0x1] =	stream.indirect_vreg.gather [hbm4b:s1+s3], $0x80, v3, vm0, $0xb8;
	[tilespmem:$0x10100] =	vst v63  }
0x535: {  	v3 =	vld [tilespmem:$0x70];
	_ =	sdelay $0x4  }
0x536: {  	v55 =	vshll.u32 v3, $0x1  }
0x537: {  	v3 =	vand.u32 $0x7, v3;
	v4 =	vand.u32 $0xFFFFFFF0, v55  }
0x538: {  	v3 =	vor.u32 v3, v4  }
0x539: {  	v4 =	vperm.xlane v3, v0;
	_ =	sdelay $0x1  }
0x53a: {  	v3 =	vperm.xlane v3, v2;
	v4 =	vadd.s32 v1, v4;
	_ =	sdelay $0x1  }
0x53b: {  	v3 =	vadd.s32 v1, v3;
	_ =	sdelay $0x1  }
0x53c: {  	s22 =	simm.s32 $0x7100  }
0x53d: {  	[tilespmem:s22], [sflag:$0x1] =	stream.indirect_vreg.gather [hbm4b:s1+s3], $0x80, v4, vm0, $0xb8;
	[tilespmem:$0x10100] =	vst v63  }
0x53e: {  	s10 =	simm.s32 $0x7900  }
0x53f: {  	[tilespmem:s10], [sflag:$0x1] =	stream.indirect_vreg.gather [hbm4b:s1+s3], $0x80, v3, vm0, $0xb8;
	[tilespmem:$0x10100] =	vst v63  }
0x540: {  	s4 =	sld [smem:$0x7C5];
	_ =	swait.ge [sflag:s12], $0x8000  }
0x541: {  	s15 =	sld [smem:$0x7F7];
	_ =	sdelay $0x1  }
0x542: {  	s17 =	sld [smem:$0x7D1]  }
0x543: {  	[sflag:s12] =	ssyncset.done $0x0;
	p1 =	seq.s32 s15, $0x1  }
0x544: {  	[sflag:s12] =	ssyncadd.s32 $0xFFFF8000;
	s18 =	simm.s32 @p1 $0x0;
	s19 =	simm.s32 @p1 $0x8100  }
0x545: {  	[hbm4b:s17+s18] =	stream.linear.scatter @p1 [tilespmem:s19], [sflag:$0x3], $0x8000, $0x38;
	[tilespmem:$0x10100] =	vst v63  }
0x546: {  	s17 =	simm.s32 @p1 $0x3  }
0x547: {  	_ =	swait.ge @p1 [sflag:s17], $0x8000  }
0x548: {  	[sflag:s17] =	ssyncset.done @p1 $0x0  }
0x549: {  	[sflag:s17] =	ssyncadd.s32 @p1 $0xFFFF8000;
	s17 =	sld [smem:$0x7F9];
	_ =	sdelay $0x1  }
0x54a: {  	s18 =	sld [smem:$0x7D0]  }
0x54b: {  	p1 =	seq.s32 s17, $0x1  }
0x54c: {  	s17 =	simm.s32 @!p1 $0x0;
	s19 =	simm.s32 @!p1 $0x8100  }
0x54d: {  	[hbm4b:s18+s17] =	stream.linear.scatter @!p1 [tilespmem:s19], [sflag:$0x3], $0x8000, $0x38;
	[tilespmem:$0x10100] =	vst v63  }
0x54e: {  	s17 =	simm.s32 @!p1 $0x3  }
0x54f: {  	_ =	swait.ge @!p1 [sflag:s17], $0x8000  }
0x550: {  	s18 =	sld [smem:$0x7D2]  }
0x551: {  	[sflag:s17] =	ssyncset.done @!p1 $0x0  }
0x552: {  	[sflag:s17] =	ssyncadd.s32 @!p1 $0xFFFF8000  }
0x553: {  	[hbm4b:s18+s14] =	stream.linear.scatter @!p4 [tilespmem:s21], [sflag:$0x3], $0x8000, $0x38;
	[tilespmem:$0x10100] =	vst v63  }
0x554: {  	_ =	swait.ge @!p4 [sflag:s13], $0x8000  }
0x555: {  	s18 =	sld [smem:$0x7E3]  }
0x556: {  	[sflag:s13] =	ssyncset.done @!p4 $0x0  }
0x557: {  	s24 =	simm.s32 $0x80;
	[sflag:s13] =	ssyncadd.s32 @!p4 $0xFFFF8000  }
0x558: {  	[tilespmem:s24], [sflag:$0x3] =	stream.linear.gather [hbm4b:s18+s3], $0x80, $0x38;
	[tilespmem:$0x10100] =	vst v63  }
0x559: {  	_ =	swait.ge [sflag:s5], $0x80  }
0x55a: {  	[sflag:s5] =	ssyncset.done $0x0  }
0x55b: {  	[sflag:s5] =	ssyncadd.s32 $0xFFFFFF80  }
0x55c: {  	v3 =	vld [tilespmem:$0x80];
	_ =	sdelay $0x4  }
0x55d: {  	v56 =	vshll.u32 v3, $0x1  }
0x55e: {  	v3 =	vand.u32 $0x7, v3;
	v4 =	vand.u32 $0xFFFFFFF0, v56  }
0x55f: {  	v3 =	vor.u32 v3, v4  }
0x560: {  	v4 =	vperm.xlane v3, v0;
	_ =	sdelay $0x1  }
0x561: {  	v3 =	vperm.xlane v3, v2;
	v4 =	vadd.s32 v1, v4;
	_ =	sdelay $0x1  }
0x562: {  	v3 =	vadd.s32 v1, v3;
	_ =	sdelay $0x1  }
0x563: {  	s16 =	simm.s32 $0x8100  }
0x564: {  	[tilespmem:s16], [sflag:$0x2] =	stream.indirect_vreg.gather [hbm4b:s1+s3], $0x80, v4, vm0, $0xb8;
	[tilespmem:$0x10100] =	vst v63  }
0x565: {  	s19 =	simm.s32 $0x8900  }
0x566: {  	[tilespmem:s19], [sflag:$0x2] =	stream.indirect_vreg.gather [hbm4b:s1+s3], $0x80, v3, vm0, $0xb8;
	[tilespmem:$0x10100] =	vst v63  }
0x567: {  	v3 =	vld [tilespmem:$0x90];
	_ =	sdelay $0x4  }
0x568: {  	v57 =	vshll.u32 v3, $0x1  }
0x569: {  	v3 =	vand.u32 $0x7, v3;
	v4 =	vand.u32 $0xFFFFFFF0, v57  }
0x56a: {  	v3 =	vor.u32 v3, v4  }
0x56b: {  	v4 =	vperm.xlane v3, v0;
	_ =	sdelay $0x1  }
0x56c: {  	v3 =	vperm.xlane v3, v2;
	v4 =	vadd.s32 v1, v4;
	_ =	sdelay $0x1  }
0x56d: {  	v3 =	vadd.s32 v1, v3;
	_ =	sdelay $0x1  }
0x56e: {  	s2 =	simm.s32 $0x9100  }
0x56f: {  	[tilespmem:s2], [sflag:$0x2] =	stream.indirect_vreg.gather [hbm4b:s1+s3], $0x80, v4, vm0, $0xb8;
	[tilespmem:$0x10100] =	vst v63  }
0x570: {  	s20 =	simm.s32 $0x9900  }
0x571: {  	[tilespmem:s20], [sflag:$0x2] =	stream.indirect_vreg.gather [hbm4b:s1+s3], $0x80, v3, vm0, $0xb8;
	[tilespmem:$0x10100] =	vst v63  }
0x572: {  	v3 =	vld [tilespmem:$0xA0];
	_ =	sdelay $0x4  }
0x573: {  	v58 =	vshll.u32 v3, $0x1  }
0x574: {  	v3 =	vand.u32 $0x7, v3;
	v4 =	vand.u32 $0xFFFFFFF0, v58  }
0x575: {  	v3 =	vor.u32 v3, v4  }
0x576: {  	v4 =	vperm.xlane v3, v0;
	_ =	sdelay $0x1  }
0x577: {  	v3 =	vperm.xlane v3, v2;
	v4 =	vadd.s32 v1, v4;
	_ =	sdelay $0x1  }
0x578: {  	v3 =	vadd.s32 v1, v3;
	_ =	sdelay $0x1  }
0x579: {  	s22 =	simm.s32 $0xA100  }
0x57a: {  	[tilespmem:s22], [sflag:$0x2] =	stream.indirect_vreg.gather [hbm4b:s1+s3], $0x80, v4, vm0, $0xb8;
	[tilespmem:$0x10100] =	vst v63  }
0x57b: {  	s23 =	simm.s32 $0xA900  }
0x57c: {  	[tilespmem:s23], [sflag:$0x2] =	stream.indirect_vreg.gather [hbm4b:s1+s3], $0x80, v3, vm0, $0xb8;
	[tilespmem:$0x10100] =	vst v63  }
0x57d: {  	v3 =	vld [tilespmem:$0xB0];
	_ =	sdelay $0x4  }
0x57e: {  	v59 =	vshll.u32 v3, $0x1  }
0x57f: {  	v3 =	vand.u32 $0x7, v3;
	v4 =	vand.u32 $0xFFFFFFF0, v59  }
0x580: {  	v3 =	vor.u32 v3, v4  }
0x581: {  	v4 =	vperm.xlane v3, v0;
	_ =	sdelay $0x1  }
0x582: {  	v3 =	vperm.xlane v3, v2;
	v4 =	vadd.s32 v1, v4;
	_ =	sdelay $0x1  }
0x583: {  	v3 =	vadd.s32 v1, v3;
	_ =	sdelay $0x1  }
0x584: {  	s24 =	simm.s32 $0xB100  }
0x585: {  	[tilespmem:s24], [sflag:$0x2] =	stream.indirect_vreg.gather [hbm4b:s1+s3], $0x80, v4, vm0, $0xb8;
	[tilespmem:$0x10100] =	vst v63  }
0x586: {  	s25 =	simm.s32 $0xB900  }
0x587: {  	[tilespmem:s25], [sflag:$0x2] =	stream.indirect_vreg.gather [hbm4b:s1+s3], $0x80, v3, vm0, $0xb8;
	[tilespmem:$0x10100] =	vst v63  }
0x588: {  	v3 =	vld [tilespmem:$0xC0];
	_ =	sdelay $0x4  }
0x589: {  	v60 =	vshll.u32 v3, $0x1  }
0x58a: {  	v3 =	vand.u32 $0x7, v3;
	v4 =	vand.u32 $0xFFFFFFF0, v60  }
0x58b: {  	v3 =	vor.u32 v3, v4  }
0x58c: {  	v4 =	vperm.xlane v3, v0;
	_ =	sdelay $0x1  }
0x58d: {  	v3 =	vperm.xlane v3, v2;
	v4 =	vadd.s32 v1, v4;
	_ =	sdelay $0x1  }
0x58e: {  	v3 =	vadd.s32 v1, v3;
	_ =	sdelay $0x1  }
0x58f: {  	s25 =	simm.s32 $0xC100  }
0x590: {  	[tilespmem:s25], [sflag:$0x2] =	stream.indirect_vreg.gather [hbm4b:s1+s3], $0x80, v4, vm0, $0xb8;
	[tilespmem:$0x10100] =	vst v63  }
0x591: {  	s26 =	simm.s32 $0xC900  }
0x592: {  	[tilespmem:s26], [sflag:$0x2] =	stream.indirect_vreg.gather [hbm4b:s1+s3], $0x80, v3, vm0, $0xb8;
	[tilespmem:$0x10100] =	vst v63  }
0x593: {  	v3 =	vld [tilespmem:$0xD0];
	_ =	sdelay $0x4  }
0x594: {  	v61 =	vshll.u32 v3, $0x1  }
0x595: {  	v3 =	vand.u32 $0x7, v3;
	v4 =	vand.u32 $0xFFFFFFF0, v61  }
0x596: {  	v3 =	vor.u32 v3, v4  }
0x597: {  	v4 =	vperm.xlane v3, v0;
	_ =	sdelay $0x1  }
0x598: {  	v3 =	vperm.xlane v3, v2;
	v4 =	vadd.s32 v1, v4;
	_ =	sdelay $0x1  }
0x599: {  	v3 =	vadd.s32 v1, v3;
	_ =	sdelay $0x1  }
0x59a: {  	s26 =	simm.s32 $0xD100  }
0x59b: {  	[tilespmem:s26], [sflag:$0x2] =	stream.indirect_vreg.gather [hbm4b:s1+s3], $0x80, v4, vm0, $0xb8;
	[tilespmem:$0x10100] =	vst v63  }
0x59c: {  	s28 =	simm.s32 $0xD900  }
0x59d: {  	[tilespmem:s28], [sflag:$0x2] =	stream.indirect_vreg.gather [hbm4b:s1+s3], $0x80, v3, vm0, $0xb8;
	[tilespmem:$0x10100] =	vst v63  }
0x59e: {  	v3 =	vld [tilespmem:$0xE0];
	_ =	sdelay $0x4  }
0x59f: {  	v62 =	vshll.u32 v3, $0x1  }
0x5a0: {  	v3 =	vand.u32 $0x7, v3;
	v4 =	vand.u32 $0xFFFFFFF0, v62  }
0x5a1: {  	v3 =	vor.u32 v3, v4  }
0x5a2: {  	v4 =	vperm.xlane v3, v0;
	_ =	sdelay $0x1  }
0x5a3: {  	v3 =	vperm.xlane v3, v2;
	v4 =	vadd.s32 v1, v4;
	_ =	sdelay $0x1  }
0x5a4: {  	v3 =	vadd.s32 v1, v3;
	_ =	sdelay $0x1  }
0x5a5: {  	s28 =	simm.s32 $0xE100  }
0x5a6: {  	[tilespmem:s28], [sflag:$0x2] =	stream.indirect_vreg.gather [hbm4b:s1+s3], $0x80, v4, vm0, $0xb8;
	[tilespmem:$0x10100] =	vst v63  }
0x5a7: {  	s29 =	simm.s32 $0xE900  }
0x5a8: {  	[tilespmem:s29], [sflag:$0x2] =	stream.indirect_vreg.gather [hbm4b:s1+s3], $0x80, v3, vm0, $0xb8;
	[tilespmem:$0x10100] =	vst v63  }
0x5a9: {  	v3 =	vld [tilespmem:$0xF0];
	_ =	sdelay $0x4  }
0x5aa: {  	v63 =	vshll.u32 v3, $0x1  }
0x5ab: {  	v3 =	vand.u32 $0x7, v3;
	v4 =	vand.u32 $0xFFFFFFF0, v63  }
0x5ac: {  	v3 =	vor.u32 v3, v4  }
0x5ad: {  	v4 =	vperm.xlane v3, v0;
	_ =	sdelay $0x1  }
0x5ae: {  	v3 =	vperm.xlane v3, v2;
	v4 =	vadd.s32 v1, v4;
	_ =	sdelay $0x1  }
0x5af: {  	v3 =	vadd.s32 v1, v3;
	_ =	sdelay $0x1  }
0x5b0: {  	s29 =	simm.s32 $0xF100  }
0x5b1: {  	[tilespmem:s29], [sflag:$0x2] =	stream.indirect_vreg.gather [hbm4b:s1+s3], $0x80, v4, vm0, $0xb8;
	[tilespmem:$0x10100] =	vst v63  }
0x5b2: {  	s30 =	simm.s32 $0xF900  }
0x5b3: {  	[tilespmem:s30], [sflag:$0x2] =	stream.indirect_vreg.gather [hbm4b:s1+s3], $0x80, v3, vm0, $0xb8;
	[tilespmem:$0x10100] =	vst v63  }
0x5b4: {  	_ =	swait.ge [sflag:s11], $0x8000  }
0x5b5: {  	s30 =	sld [smem:$0x7FA];
	_ =	sdelay $0x1  }
0x5b6: {  	s17 =	sld [smem:$0x7D4]  }
0x5b7: {  	[sflag:s11] =	ssyncset.done $0x0;
	p1 =	seq.s32 s30, $0x1  }
0x5b8: {  	[sflag:s11] =	ssyncadd.s32 $0xFFFF8000;
	s18 =	simm.s32 @p1 $0x0;
	s19 =	simm.s32 @p1 $0x100  }
0x5b9: {  	[hbm4b:s17+s18] =	stream.linear.scatter @p1 [tilespmem:s19], [sflag:$0x3], $0x8000, $0x38;
	[tilespmem:$0x10100] =	vst v63  }
0x5ba: {  	s17 =	simm.s32 @p1 $0x3  }
0x5bb: {  	_ =	swait.ge @p1 [sflag:s17], $0x8000  }
0x5bc: {  	s18 =	sld [smem:$0x7D3]  }
0x5bd: {  	[sflag:s17] =	ssyncset.done @p1 $0x0  }
0x5be: {  	s19 =	simm.s32 @!p2 $0x100;
	[sflag:s17] =	ssyncadd.s32 @p1 $0xFFFF8000;
	s17 =	simm.s32 @!p2 $0x0  }
0x5bf: {  	[hbm4b:s18+s17] =	stream.linear.scatter @!p2 [tilespmem:s19], [sflag:$0x3], $0x8000, $0x38;
	[tilespmem:$0x10100] =	vst v63  }
0x5c0: {  	s17 =	simm.s32 @!p2 $0x3  }
0x5c1: {  	_ =	swait.ge @!p2 [sflag:s17], $0x8000  }
0x5c2: {  	s18 =	sld [smem:$0x7D5]  }
0x5c3: {  	[sflag:s17] =	ssyncset.done @!p2 $0x0  }
0x5c4: {  	s6 =	simm.s32 @!p4 $0x100;
	[sflag:s17] =	ssyncadd.s32 @!p2 $0xFFFF8000  }
0x5c5: {  	[hbm4b:s18+s14] =	stream.linear.scatter @!p4 [tilespmem:s6], [sflag:$0x3], $0x8000, $0x38;
	[tilespmem:$0x10100] =	vst v63  }
0x5c6: {  	_ =	swait.ge @!p4 [sflag:s13], $0x8000  }
0x5c7: {  	[sflag:s13] =	ssyncset.done @!p4 $0x0  }
0x5c8: {  	[sflag:s13] =	ssyncadd.s32 @!p4 $0xFFFF8000  }
0x5c9: {  	_ =	swait.ge [sflag:s12], $0x8000  }
0x5ca: {  	s31 =	sld [smem:$0x7FC];
	_ =	sdelay $0x1  }
0x5cb: {  	s15 =	sld [smem:$0x7D7]  }
0x5cc: {  	[sflag:s12] =	ssyncset.done $0x0;
	p1 =	seq.s32 s31, $0x1  }
0x5cd: {  	[sflag:s12] =	ssyncadd.s32 $0xFFFF8000;
	s17 =	simm.s32 @p1 $0x0;
	s18 =	simm.s32 @p1 $0x8100  }
0x5ce: {  	[hbm4b:s15+s17] =	stream.linear.scatter @p1 [tilespmem:s18], [sflag:$0x3], $0x8000, $0x38;
	[tilespmem:$0x10100] =	vst v63  }
0x5cf: {  	s15 =	simm.s32 @p1 $0x3  }
0x5d0: {  	_ =	swait.ge @p1 [sflag:s15], $0x8000  }
0x5d1: {  	s17 =	sld [smem:$0x7D6]  }
0x5d2: {  	[sflag:s15] =	ssyncset.done @p1 $0x0  }
0x5d3: {  	s18 =	simm.s32 @!p3 $0x8100;
	[sflag:s15] =	ssyncadd.s32 @p1 $0xFFFF8000;
	s15 =	simm.s32 @!p3 $0x0  }
0x5d4: {  	[hbm4b:s17+s15] =	stream.linear.scatter @!p3 [tilespmem:s18], [sflag:$0x3], $0x8000, $0x38;
	[tilespmem:$0x10100] =	vst v63  }
0x5d5: {  	s15 =	simm.s32 @!p3 $0x3  }
0x5d6: {  	_ =	swait.ge @!p3 [sflag:s15], $0x8000  }
0x5d7: {  	s4 =	sadd.s32 $0xFFFFFFFF, s4;
	s17 =	sld [smem:$0x7D8]  }
0x5d8: {  	p1 =	sne.s32 s4, $0x0;
	[sflag:s15] =	ssyncset.done @!p3 $0x0  }
.Ltmp0:
0x5d9: {  	[sflag:s15] =	ssyncadd.s32 @!p3 $0xFFFF8000;
	(pc) =	sbr.rel @p1 .LBB2_1-.Ltmp0, $4  }
0x5da: {  	[hbm4b:s17+s14] =	stream.linear.scatter @!p4 [tilespmem:s21], [sflag:$0x3], $0x8000, $0x38;
	[tilespmem:$0x10100] =	vst v63  }
0x5db: {  	_ =	swait.ge @!p4 [sflag:s13], $0x8000  }
0x5dc: {  	[sflag:s13] =	ssyncset.done @!p4 $0x0  }
0x5dd: {  	[sflag:s13] =	ssyncadd.s32 @!p4 $0xFFFF8000  }
0x5de: {  	_ =	sfence.sel $0x180000  }
0x5df: {  	[bflag:$0x0] =	sbarrier.arrive $0xFFFF  }
0x5e0: {  	_ =	strace $0x90000047  }
0x5e1: {  	s0 =	stileid.u32;
	[bflag:$0x2] =	sbarrier.arrive $0xFFFF  }
0x5e2: {  	p0 =	sne.s32 s0, $0x0;
	s0 =	rddreg [dreg:$0x5]  }
0x5e3: {  	s0 =	sadd.s32 @!p0 $0x100000, s0  }
0x5e4: {  	[sflag:s0] =	ssyncadd.tile.s32 @!p0 $0x1;
	_ =	shalt  }
.Lfunc_end2:
_tile_overlayer_lowered:
.L_overlay_start_2:
0x5e5: {  	(tag) =	ssettag $0x2  }
0x5e6: {  	s0 =	rddreg [dreg:$0x0];
	s2 =	stileid.u32  }
0x5e7: {  	s1 =	rddreg [dreg:$0x1];
	p0 =	sne.s32 s2, $0x0  }
0x5e8: {  	s3 =	rddreg [dreg:$0x2];
	[bflag:$0x3] =	sbarrier.arrive $0xFFFF;
	s2 =	simm.s32 @!p0 $0x1C03  }
0x5e9: {  	[timem:s3], [sflag:s2] =	dma.local @!p0 [hbm:s0], s1  }
0x5ea: {  	s0 =	simm.s32 @!p0 $0x3  }
0x5eb: {  	_ =	swait.ge @!p0 [sflag:s0], s1  }
0x5ec: {  	s1 =	ssub.s32 @!p0 $0x0, s1;
	[sflag:s0] =	ssyncset.done @!p0 $0x0  }
0x5ed: {  	[sflag:s0] =	ssyncadd.s32 @!p0 s1  }
0x5ee: {  	[bflag:$0x3] =	sbarrier.arrive $0xFFFF  }
0x5ef: {  	_ =	shalt  }

</sc_bundles>
